<compile_context>
chip_gen: v7x
topology: tpu7x:2x2x1
jax: 0.10.2.dev20260603
libtpu: 0.0.44.dev20260713+nightly
codegen_flags: <defaults>
</compile_context>

<pallas_src>
import dataclasses
import functools

import jax
import jax.numpy as jnp
from jax import lax
from jax.experimental import pallas as pl
from jax.experimental.pallas import tpu as pltpu
from jax.experimental.pallas import tpu_sc as plsc

NNODE = 10000
NP = 10496
NPT = 656
NEDGE = 320000
EP = 327680
EBT = 40
HD = 64
HH = 32
NCLS = 40
KSTEPS = 4
ALPHA = 0.1
UCH = 164

_mesh = plsc.VectorSubcoreMesh(core_axis_name="c", subcore_axis_name="s")

_sc_params = pltpu.CompilerParams()
if "needs_layout_passes" in pltpu.CompilerParams.__dataclass_fields__:
    _sc_params = dataclasses.replace(_sc_params, needs_layout_passes=False)
_sc_params = dataclasses.replace(_sc_params, use_tc_tiling_on_sc=False)


def _rsqrt16(d):
    one = jnp.full((16,), 1, jnp.int32)
    yi = jnp.full((16,), 0x5F3759DF, jnp.int32) - lax.shift_right_logical(
        plsc.bitcast(d, jnp.int32), one)
    y = plsc.bitcast(yi, jnp.float32)
    for _ in range(3):
        y = y * (1.5 - 0.5 * d * y * y)
    return y



def _linin_body(x_ref, w_ref, b_ref, o_ref):
    o_ref[...] = jnp.broadcast_to(b_ref[...], (NP, HD))
    o_ref[0:NNODE] = jnp.dot(x_ref[...], w_ref[...],
                             preferred_element_type=jnp.float32) + b_ref[...]


_linin = pl.pallas_call(
    _linin_body,
    out_shape=jax.ShapeDtypeStruct((NP, HD), jnp.float32),
)


def _fin_body(g_ref, inv_ref, w_ref, b_ref, o_ref):
    h = jnp.concatenate([g_ref[0], g_ref[1]], axis=1) * inv_ref[:, 0:1]
    o_ref[...] = jnp.dot(jnp.maximum(h, 0.0), w_ref[...],
                         preferred_element_type=jnp.float32) + b_ref[...]


_fin = pl.pallas_call(
    _fin_body,
    out_shape=jax.ShapeDtypeStruct((NP, NCLS), jnp.float32),
)



@functools.partial(
    pl.kernel,
    out_type=[
        jax.ShapeDtypeStruct((2, NP, HH), jnp.float32),
        jax.ShapeDtypeStruct((NP, 16), jnp.float32),
        jax.ShapeDtypeStruct((NP, 16), jnp.float32),
    ],
    mesh=_mesh,
    scratch_types=[
        pltpu.VMEM_SHARED((NP, 16), jnp.float32),
        pltpu.VMEM((40, 512), jnp.int32),
        pltpu.VMEM((512, 16), jnp.float32),
        pltpu.VMEM((328, 16), jnp.float32),
        pltpu.VMEM((328, HD), jnp.float32),
        pltpu.VMEM((328, HH), jnp.float32),
        pltpu.VMEM((328, HH), jnp.float32),
        pltpu.VMEM((328, 16), jnp.float32),
        pltpu.VMEM((328, 16), jnp.float32),
        pltpu.SemaphoreType.DMA,
    ],
    compiler_params=_sc_params,
)
def _prep_sc(col_hbm, h0_hbm, g0_hbm, a_hbm, inv_hbm,
             deg_sh, col_v, ones_v, deg_v, h_v, gl_v, gr_v, a_v, inv_v, semh):
    s = lax.axis_index("s")
    c = lax.axis_index("c")
    wid = s * 2 + c

    one = jnp.full((16,), 1.0, jnp.float32)
    zero = jnp.zeros((16,), jnp.float32)

    @pl.loop(0, 512)
    def _(r):
        ones_v[r] = one

    @pl.loop(0, 328)
    def _(r):
        deg_v[r] = zero

    pltpu.sync_copy(deg_v, deg_sh.at[pl.ds(s * 656, 328)])
    pltpu.sync_copy(deg_v, deg_sh.at[pl.ds(s * 656 + 328, 328)])
    plsc.subcore_barrier()

    pltpu.sync_copy(col_hbm.at[pl.ds(s * 40, 40)], col_v)

    @pl.loop(0, 5)
    def _(q):
        for i in range(8):
            pltpu.async_copy(ones_v, deg_sh.at[col_v.at[8 * q + i]], semh,
                             add=True)
        for i in range(8):
            pltpu.make_async_copy(ones_v, deg_sh.at[col_v.at[0]], semh).wait()

    plsc.subcore_barrier()

    nb = wid * 328
    pltpu.sync_copy(deg_sh.at[pl.ds(nb, 328)], deg_v)
    pltpu.sync_copy(h0_hbm.at[pl.ds(nb, 328)], h_v)

    @pl.loop(0, 328)
    def _(r):
        d = deg_v[r] + 1.0
        y = _rsqrt16(d)
        a_v[r] = 0.9 * (y * y)
        inv_v[r] = d * y
        for f in range(2):
            gl_v[r, pl.ds(f * 16, 16)] = h_v[r, pl.ds(f * 16, 16)] * y
            gr_v[r, pl.ds(f * 16, 16)] = h_v[r, pl.ds(32 + f * 16, 16)] * y

    pltpu.sync_copy(a_v, a_hbm.at[pl.ds(nb, 328)])
    pltpu.sync_copy(inv_v, inv_hbm.at[pl.ds(nb, 328)])
    pltpu.sync_copy(gl_v, g0_hbm.at[0, pl.ds(nb, 328)])
    pltpu.sync_copy(gr_v, g0_hbm.at[1, pl.ds(nb, 328)])


@functools.partial(
    pl.kernel,
    out_type=jax.ShapeDtypeStruct((2, NP, HH), jnp.float32),
    mesh=_mesh,
    scratch_types=[
        pltpu.VMEM_SHARED((NP, HH), jnp.float32),
        pltpu.VMEM((EBT // 2, 512), jnp.int32),
        pltpu.VMEM((EBT // 2, 512), jnp.int32),
        pltpu.VMEM((512, HH), jnp.float32),
        pltpu.VMEM((512, HH), jnp.float32),
        pltpu.VMEM((512, HH), jnp.float32),
        pltpu.VMEM((512, HH), jnp.float32),
        pltpu.VMEM((UCH, HH), jnp.float32),
        pltpu.VMEM((UCH, HH), jnp.float32),
        pltpu.VMEM((UCH, HH), jnp.float32),
        pltpu.VMEM((UCH, 16), jnp.float32),
        pltpu.SemaphoreType.DMA,
        pltpu.SemaphoreType.DMA,
        pltpu.SemaphoreType.DMA,
        pltpu.SemaphoreType.DMA,
        pltpu.SemaphoreType.DMA,
        pltpu.SemaphoreType.DMA,
        pltpu.SemaphoreType.DMA,
        pltpu.SemaphoreType.DMA,
    ],
    compiler_params=_sc_params,
)
def _appnp_sc(g0_hbm, a_hbm, row_hbm, col_hbm, g_hbm,
              s_sh, row_v, col_v, bufa, bufb, bufc, bufd, sv, gv, g0v, av,
              sga, sgb, sgc, sgd, ssa, ssb, ssc, ssd):
    s = lax.axis_index("s")
    c = lax.axis_index("c")
    nb = s * NPT

    zero = jnp.zeros((16,), jnp.float32)

    @pl.loop(0, UCH)
    def _(r):
        for f in range(2):
            sv[r, pl.ds(f * 16, 16)] = zero

    for u in range(4):
        pltpu.sync_copy(g0_hbm.at[c, pl.ds(nb + u * UCH, UCH)], gv)
        pltpu.sync_copy(gv, g_hbm.at[c, pl.ds(nb + u * UCH, UCH)])
        pltpu.sync_copy(sv, s_sh.at[pl.ds(nb + u * UCH, UCH)])
    plsc.subcore_barrier()

    ghalf = g_hbm.at[c]

    @pl.loop(0, KSTEPS)
    def _(t):
        for h in range(2):
            hb = s * EBT + h * (EBT // 2)
            pltpu.sync_copy(row_hbm.at[pl.ds(hb, EBT // 2)], row_v)
            pltpu.sync_copy(col_hbm.at[pl.ds(hb, EBT // 2)], col_v)
            pltpu.async_copy(ghalf.at[row_v.at[0]], bufa, sga)
            pltpu.async_copy(ghalf.at[row_v.at[1]], bufb, sgb)

            @pl.loop(0, 5)
            def _(j):
                b = 4 * j

                @pl.when(j > 0)
                def _():
                    pltpu.make_async_copy(bufc, s_sh.at[col_v.at[0]], ssc).wait()
                    pltpu.make_async_copy(bufd, s_sh.at[col_v.at[0]], ssd).wait()

                pltpu.async_copy(ghalf.at[row_v.at[b + 2]], bufc, sgc)
                pltpu.async_copy(ghalf.at[row_v.at[b + 3]], bufd, sgd)
                pltpu.make_async_copy(ghalf.at[row_v.at[0]], bufa, sga).wait()
                sa = pltpu.async_copy(bufa, s_sh.at[col_v.at[b]], ssa, add=True)
                pltpu.make_async_copy(ghalf.at[row_v.at[0]], bufb, sgb).wait()
                sb = pltpu.async_copy(bufb, s_sh.at[col_v.at[b + 1]], ssb,
                                      add=True)

                @pl.when(j < 4)
                def _():
                    sa.wait()
                    sb.wait()
                    pltpu.async_copy(ghalf.at[row_v.at[b + 4]], bufa, sga)
                    pltpu.async_copy(ghalf.at[row_v.at[b + 5]], bufb, sgb)

                pltpu.make_async_copy(ghalf.at[row_v.at[0]], bufc, sgc).wait()
                pltpu.async_copy(bufc, s_sh.at[col_v.at[b + 2]], ssc, add=True)
                pltpu.make_async_copy(ghalf.at[row_v.at[0]], bufd, sgd).wait()
                pltpu.async_copy(bufd, s_sh.at[col_v.at[b + 3]], ssd, add=True)

            pltpu.make_async_copy(bufa, s_sh.at[col_v.at[0]], ssa).wait()
            pltpu.make_async_copy(bufb, s_sh.at[col_v.at[0]], ssb).wait()
            pltpu.make_async_copy(bufc, s_sh.at[col_v.at[0]], ssc).wait()
            pltpu.make_async_copy(bufd, s_sh.at[col_v.at[0]], ssd).wait()

        plsc.subcore_barrier()

        for u in range(4):
            rb = nb + u * UCH
            pltpu.sync_copy(s_sh.at[pl.ds(rb, UCH)], sv)
            pltpu.sync_copy(g_hbm.at[c, pl.ds(rb, UCH)], gv)
            pltpu.sync_copy(g0_hbm.at[c, pl.ds(rb, UCH)], g0v)
            pltpu.sync_copy(a_hbm.at[pl.ds(rb, UCH)], av)

            @pl.loop(0, UCH)
            def _(r):
                a = av[r]
                for f in range(2):
                    fsl = pl.ds(f * 16, 16)
                    gv[r, fsl] = (a * (sv[r, fsl] + gv[r, fsl])
                                  + ALPHA * g0v[r, fsl])
                    sv[r, fsl] = zero

            pltpu.sync_copy(gv, g_hbm.at[c, pl.ds(rb, UCH)])
            pltpu.sync_copy(sv, s_sh.at[pl.ds(rb, UCH)])

        plsc.subcore_barrier()



def kernel(x, edge_index, W_in, b_in, W_out, b_out):
    npad = EP - NEDGE
    padi = jnp.arange(npad, dtype=jnp.int32)
    row = jnp.concatenate([edge_index[0], padi % NNODE]).reshape(EP // 512, 512)
    col = jnp.concatenate(
        [edge_index[1], NNODE + padi % (NP - NNODE)]).reshape(EP // 512, 512)

    h0 = _linin(x, W_in, b_in.reshape(1, HD))
    g0h, a16, inv16 = _prep_sc(col, h0)
    g4h = _appnp_sc(g0h, a16, row, col)
    out = _fin(g4h, inv16, W_out, b_out.reshape(1, NCLS))
    return out[:NNODE]

# --- scband reference (transcript-rebuilt; emitter-appended) ---
"""Pipeline reference for scband-appnp-64433099375271 (READ-ONLY COPY).

The authoritative reference and input builder live on the scoring server;
editing this copy changes nothing except your own understanding.
"""

import jax, jax.numpy as jnp
import numpy as np

N = 10000
E = 320000
NFEAT = 128
HDIM = 64
NCLASS = 40
K = 4
ALPHA = 0.1


def setup_inputs(seed: int = 0) -> dict:
    key = jax.random.key(seed)
    k1, k2, k3, k4, k5, k6 = jax.random.split(key, 6)
    x = jax.random.normal(k1, (N, NFEAT), dtype=jnp.float32)
    edge_index = jax.random.randint(k2, (2, E), 0, N, dtype=jnp.int32)
    # lnin: Linear(NFEAT, HDIM)
    W_in = jax.random.normal(k3, (NFEAT, HDIM), dtype=jnp.float32) / np.sqrt(NFEAT)
    b_in = jax.random.normal(k4, (HDIM,), dtype=jnp.float32) * 0.01
    # lnout: Linear(HDIM, NCLASS)
    W_out = jax.random.normal(k5, (HDIM, NCLASS), dtype=jnp.float32) / np.sqrt(HDIM)
    b_out = jax.random.normal(k6, (NCLASS,), dtype=jnp.float32) * 0.01
    return {"x": x, "edge_index": edge_index, "W_in": W_in, "b_in": b_in, "W_out": W_out, "b_out": b_out}


def _gcn_norm(edge_index, num_nodes):
    # PyG gcn_norm with add_self_loops=True, edge_weight=1
    row, col = edge_index[0], edge_index[1]
    loop = jnp.arange(num_nodes, dtype=row.dtype)
    row = jnp.concatenate([row, loop])
    col = jnp.concatenate([col, loop])
    ones = jnp.ones(row.shape[0], dtype=jnp.float32)
    deg = jax.ops.segment_sum(ones, col, num_segments=num_nodes)
    deg_inv_sqrt = jnp.where(deg > 0, deg ** -0.5, 0.0)
    norm = deg_inv_sqrt[row] * deg_inv_sqrt[col]
    return row, col, norm


def _appnp(h, row, col, norm, num_nodes, k_steps, alpha):
    h0 = h
    for _ in range(k_steps):
        msg = h[row] * norm[:, None]          # gather + scale (message)
        agg = jax.ops.segment_sum(msg, col, num_segments=num_nodes)  # scatter-add
        h = (1.0 - alpha) * agg + alpha * h0
    return h


def reference(x, edge_index, W_in, b_in, W_out, b_out):
    h = x @ W_in + b_in                       # lnin
    row, col, norm = _gcn_norm(edge_index, N)
    h = _appnp(h, row, col, norm, N, K, ALPHA)  # appnp(K=4, alpha=0.1)
    h = jax.nn.relu(h)
    out = h @ W_out + b_out                   # lnout
    return out

if __name__ == "__main__":
    import jax
    _d = setup_inputs()
    print(jax.jit(kernel)(*tuple(_d.values())))

</pallas_src>

<mosaic_0001>
#map = affine_map<(d0, d1) -> (0, 0, 0)>
#map1 = affine_map<(d0, d1) -> (0, 0)>
module attributes {stable_mosaic.version = 14 : i64} {
  func.func @_appnp_sc(%arg0: i32, %arg1: i32, %arg2: memref<2x10496x32xf32, #tpu.memory_space<hbm>>, %arg3: memref<10496x16xf32, #tpu.memory_space<hbm>>, %arg4: memref<640x512xi32, #tpu.memory_space<hbm>>, %arg5: memref<640x512xi32, #tpu.memory_space<hbm>>, %arg6: memref<2x10496x32xf32, #tpu.memory_space<hbm>>, %arg7: memref<10496x32xf32, #tpu.memory_space<vmem_shared>>, %arg8: memref<20x512xi32, #tpu.memory_space<vmem>>, %arg9: memref<20x512xi32, #tpu.memory_space<vmem>>, %arg10: memref<512x32xf32, #tpu.memory_space<vmem>>, %arg11: memref<512x32xf32, #tpu.memory_space<vmem>>, %arg12: memref<512x32xf32, #tpu.memory_space<vmem>>, %arg13: memref<512x32xf32, #tpu.memory_space<vmem>>, %arg14: memref<164x32xf32, #tpu.memory_space<vmem>>, %arg15: memref<164x32xf32, #tpu.memory_space<vmem>>, %arg16: memref<164x32xf32, #tpu.memory_space<vmem>>, %arg17: memref<164x16xf32, #tpu.memory_space<vmem>>, %arg18: memref<!tpu.dma_semaphore, #tpu.memory_space<semaphore_mem>>, %arg19: memref<!tpu.dma_semaphore, #tpu.memory_space<semaphore_mem>>, %arg20: memref<!tpu.dma_semaphore, #tpu.memory_space<semaphore_mem>>, %arg21: memref<!tpu.dma_semaphore, #tpu.memory_space<semaphore_mem>>, %arg22: memref<!tpu.dma_semaphore, #tpu.memory_space<semaphore_mem>>, %arg23: memref<!tpu.dma_semaphore, #tpu.memory_space<semaphore_mem>>, %arg24: memref<!tpu.dma_semaphore, #tpu.memory_space<semaphore_mem>>, %arg25: memref<!tpu.dma_semaphore, #tpu.memory_space<semaphore_mem>>) attributes {dimension_semantics = [#tpu.dimension_semantics<core_parallel>, #tpu.dimension_semantics<subcore_parallel>], iteration_bounds = array<i64: 2, 16>, scalar_prefetch = 0 : i64, scratch_operands = 19 : i64, tpu.core_type = #tpu.core_type<sc_vector_subcore>, window_params = [{transform_indices = #map}, {transform_indices = #map1}, {transform_indices = #map1}, {transform_indices = #map1}, {transform_indices = #map}]} {
    %mul3A = arith.constant 656 : i32
    %mul3A_0 = arith.muli %arg1, %mul3A : i32
    %broadcast_in_dim3A = arith.constant 0.000000e+00 : f32
    %broadcast_in_dim3A_1 = vector.broadcast %broadcast_in_dim3A : f32 to vector<16xf32>
    %scan3A = arith.constant 0 : i32
    %scan3A_2 = arith.constant 164 : i32
    %scan3A_3 = arith.addi %scan3A, %scan3A_2 : i32
    %scan3A_4 = arith.constant 1 : i32
    scf.for %scan3A_34 = %scan3A to %scan3A_3 step %scan3A_4  : i32 {
      %mul3A_35 = arith.constant 1 : i32
      %mul3A_36 = arith.muli %scan3A_34, %mul3A_35 : i32
      %add3A_37 = arith.constant 0 : i32
      %add3A_38 = arith.addi %add3A_37, %mul3A_36 : i32
      %swap3A = arith.index_cast %add3A_38 : i32 to index
      %swap3A_39 = arith.constant 0 : index
      %swap3A_40 = tpu.vector_load %arg14[%swap3A, %swap3A_39] {strides = array<i32>} : memref<164x32xf32, #tpu.memory_space<vmem>>, vector<16xf32>,
      tpu.vector_store %arg14[%swap3A, %swap3A_39], %broadcast_in_dim3A_1 {strides = array<i32>} : memref<164x32xf32, #tpu.memory_space<vmem>>, vector<16xf32>,
      %swap3A_41 = arith.index_cast %add3A_38 : i32 to index
      %swap3A_42 = arith.constant 16 : index
      %swap3A_43 = tpu.vector_load %arg14[%swap3A_41, %swap3A_42] {strides = array<i32>} : memref<164x32xf32, #tpu.memory_space<vmem>>, vector<16xf32>,
      tpu.vector_store %arg14[%swap3A_41, %swap3A_42], %broadcast_in_dim3A_1 {strides = array<i32>} : memref<164x32xf32, #tpu.memory_space<vmem>>, vector<16xf32>,
    }
    %scan3A_5 = arith.constant 164 : i32
    %add3A = arith.constant 0 : i32
    %add3A_6 = arith.addi %mul3A_0, %add3A : i32
    "tpu.region"() ({
      %run_scoped3A = tpu.sem_alloc : memref<!tpu.dma_semaphore, #tpu.memory_space<semaphore_mem>>
      %dma_start3A = arith.constant 0 : i32
      %dma_start3A_34 = tpu.memref_slice %arg2[%arg0, %add3A_6, %dma_start3A] : memref<2x10496x32xf32, #tpu.memory_space<hbm>> -> memref<1x164x32xf32, #tpu.memory_space<hbm>>
      %dma_start3A_35 = tpu.memref_squeeze %dma_start3A_34 : memref<1x164x32xf32, #tpu.memory_space<hbm>> -> memref<164x32xf32, #tpu.memory_space<hbm>>
      %dma_start3A_36 = arith.constant 0 : i32
      %dma_start3A_37 = tpu.memref_slice %arg2[%arg0, %add3A_6, %dma_start3A_36] : memref<2x10496x32xf32, #tpu.memory_space<hbm>> -> memref<1x164x32xf32, #tpu.memory_space<hbm>>
      %dma_start3A_38 = tpu.memref_squeeze %dma_start3A_37 : memref<1x164x32xf32, #tpu.memory_space<hbm>> -> memref<164x32xf32, #tpu.memory_space<hbm>>
      tpu.enqueue_dma source(%dma_start3A_38 : memref<164x32xf32, #tpu.memory_space<hbm>>) target(%arg15 : memref<164x32xf32, #tpu.memory_space<vmem>>) target_semaphore(%run_scoped3A : memref<!tpu.dma_semaphore, #tpu.memory_space<semaphore_mem>>)
      %dma_wait3A = arith.constant 0 : i32
      %dma_wait3A_39 = tpu.memref_slice %arg2[%arg0, %add3A_6, %dma_wait3A] : memref<2x10496x32xf32, #tpu.memory_space<hbm>> -> memref<1x164x32xf32, #tpu.memory_space<hbm>>
      %dma_wait3A_40 = tpu.memref_squeeze %dma_wait3A_39 : memref<1x164x32xf32, #tpu.memory_space<hbm>> -> memref<164x32xf32, #tpu.memory_space<hbm>>
      %dma_wait3A_41 = arith.constant 0 : i32
      %dma_wait3A_42 = tpu.memref_slice %arg2[%arg0, %add3A_6, %dma_wait3A_41] : memref<2x10496x32xf32, #tpu.memory_space<hbm>> -> memref<1x164x32xf32, #tpu.memory_space<hbm>>
      %dma_wait3A_43 = tpu.memref_squeeze %dma_wait3A_42 : memref<1x164x32xf32, #tpu.memory_space<hbm>> -> memref<164x32xf32, #tpu.memory_space<hbm>>
      tpu.wait_dma2 semaphore(%run_scoped3A : memref<!tpu.dma_semaphore, #tpu.memory_space<semaphore_mem>>) src(%dma_wait3A_43 : memref<164x32xf32, #tpu.memory_space<hbm>>) dst(%arg15 : memref<164x32xf32, #tpu.memory_space<vmem>>)
      tpu.yield
    }) : () -> ()
    %add3A_7 = arith.constant 0 : i32
    %add3A_8 = arith.addi %mul3A_0, %add3A_7 : i32
    "tpu.region"() ({
      %run_scoped3A = tpu.sem_alloc : memref<!tpu.dma_semaphore, #tpu.memory_space<semaphore_mem>>
      %dma_start3A = arith.constant 0 : i32
      %dma_start3A_34 = tpu.memref_slice %arg6[%arg0, %add3A_8, %dma_start3A] : memref<2x10496x32xf32, #tpu.memory_space<hbm>> -> memref<1x164x32xf32, #tpu.memory_space<hbm>>
      %dma_start3A_35 = tpu.memref_squeeze %dma_start3A_34 : memref<1x164x32xf32, #tpu.memory_space<hbm>> -> memref<164x32xf32, #tpu.memory_space<hbm>>
      %dma_start3A_36 = arith.constant 0 : i32
      %dma_start3A_37 = tpu.memref_slice %arg6[%arg0, %add3A_8, %dma_start3A_36] : memref<2x10496x32xf32, #tpu.memory_space<hbm>> -> memref<1x164x32xf32, #tpu.memory_space<hbm>>
      %dma_start3A_38 = tpu.memref_squeeze %dma_start3A_37 : memref<1x164x32xf32, #tpu.memory_space<hbm>> -> memref<164x32xf32, #tpu.memory_space<hbm>>
      tpu.enqueue_dma source(%arg15 : memref<164x32xf32, #tpu.memory_space<vmem>>) target(%dma_start3A_38 : memref<164x32xf32, #tpu.memory_space<hbm>>) target_semaphore(%run_scoped3A : memref<!tpu.dma_semaphore, #tpu.memory_space<semaphore_mem>>)
      %dma_wait3A = arith.constant 0 : i32
      %dma_wait3A_39 = tpu.memref_slice %arg6[%arg0, %add3A_8, %dma_wait3A] : memref<2x10496x32xf32, #tpu.memory_space<hbm>> -> memref<1x164x32xf32, #tpu.memory_space<hbm>>
      %dma_wait3A_40 = tpu.memref_squeeze %dma_wait3A_39 : memref<1x164x32xf32, #tpu.memory_space<hbm>> -> memref<164x32xf32, #tpu.memory_space<hbm>>
      %dma_wait3A_41 = arith.constant 0 : i32
      %dma_wait3A_42 = tpu.memref_slice %arg6[%arg0, %add3A_8, %dma_wait3A_41] : memref<2x10496x32xf32, #tpu.memory_space<hbm>> -> memref<1x164x32xf32, #tpu.memory_space<hbm>>
      %dma_wait3A_43 = tpu.memref_squeeze %dma_wait3A_42 : memref<1x164x32xf32, #tpu.memory_space<hbm>> -> memref<164x32xf32, #tpu.memory_space<hbm>>
      tpu.wait_dma2 semaphore(%run_scoped3A : memref<!tpu.dma_semaphore, #tpu.memory_space<semaphore_mem>>) src(%arg15 : memref<164x32xf32, #tpu.memory_space<vmem>>) dst(%dma_wait3A_43 : memref<164x32xf32, #tpu.memory_space<hbm>>)
      tpu.yield
    }) : () -> ()
    %add3A_9 = arith.constant 0 : i32
    %add3A_10 = arith.addi %mul3A_0, %add3A_9 : i32
    "tpu.region"() ({
      %run_scoped3A = tpu.sem_alloc : memref<!tpu.dma_semaphore, #tpu.memory_space<semaphore_mem>>
      %dma_start3A = arith.constant 0 : i32
      %dma_start3A_34 = tpu.memref_slice %arg7[%add3A_10, %dma_start3A] : memref<10496x32xf32, #tpu.memory_space<vmem_shared>> -> memref<164x32xf32, #tpu.memory_space<vmem_shared>>
      %dma_start3A_35 = arith.constant 0 : i32
      %dma_start3A_36 = tpu.memref_slice %arg7[%add3A_10, %dma_start3A_35] : memref<10496x32xf32, #tpu.memory_space<vmem_shared>> -> memref<164x32xf32, #tpu.memory_space<vmem_shared>>
      tpu.enqueue_dma source(%arg14 : memref<164x32xf32, #tpu.memory_space<vmem>>) target(%dma_start3A_36 : memref<164x32xf32, #tpu.memory_space<vmem_shared>>) target_semaphore(%run_scoped3A : memref<!tpu.dma_semaphore, #tpu.memory_space<semaphore_mem>>)
      %dma_wait3A = arith.constant 0 : i32
      %dma_wait3A_37 = tpu.memref_slice %arg7[%add3A_10, %dma_wait3A] : memref<10496x32xf32, #tpu.memory_space<vmem_shared>> -> memref<164x32xf32, #tpu.memory_space<vmem_shared>>
      %dma_wait3A_38 = arith.constant 0 : i32
      %dma_wait3A_39 = tpu.memref_slice %arg7[%add3A_10, %dma_wait3A_38] : memref<10496x32xf32, #tpu.memory_space<vmem_shared>> -> memref<164x32xf32, #tpu.memory_space<vmem_shared>>
      tpu.wait_dma2 semaphore(%run_scoped3A : memref<!tpu.dma_semaphore, #tpu.memory_space<semaphore_mem>>) src(%arg14 : memref<164x32xf32, #tpu.memory_space<vmem>>) dst(%dma_wait3A_39 : memref<164x32xf32, #tpu.memory_space<vmem_shared>>)
      tpu.yield
    }) : () -> ()
    %add3A_11 = arith.constant 164 : i32
    %add3A_12 = arith.addi %mul3A_0, %add3A_11 : i32
    "tpu.region"() ({
      %run_scoped3A = tpu.sem_alloc : memref<!tpu.dma_semaphore, #tpu.memory_space<semaphore_mem>>
      %dma_start3A = arith.constant 0 : i32
      %dma_start3A_34 = tpu.memref_slice %arg2[%arg0, %add3A_12, %dma_start3A] : memref<2x10496x32xf32, #tpu.memory_space<hbm>> -> memref<1x164x32xf32, #tpu.memory_space<hbm>>
      %dma_start3A_35 = tpu.memref_squeeze %dma_start3A_34 : memref<1x164x32xf32, #tpu.memory_space<hbm>> -> memref<164x32xf32, #tpu.memory_space<hbm>>
      %dma_start3A_36 = arith.constant 0 : i32
      %dma_start3A_37 = tpu.memref_slice %arg2[%arg0, %add3A_12, %dma_start3A_36] : memref<2x10496x32xf32, #tpu.memory_space<hbm>> -> memref<1x164x32xf32, #tpu.memory_space<hbm>>
      %dma_start3A_38 = tpu.memref_squeeze %dma_start3A_37 : memref<1x164x32xf32, #tpu.memory_space<hbm>> -> memref<164x32xf32, #tpu.memory_space<hbm>>
      tpu.enqueue_dma source(%dma_start3A_38 : memref<164x32xf32, #tpu.memory_space<hbm>>) target(%arg15 : memref<164x32xf32, #tpu.memory_space<vmem>>) target_semaphore(%run_scoped3A : memref<!tpu.dma_semaphore, #tpu.memory_space<semaphore_mem>>)
      %dma_wait3A = arith.constant 0 : i32
      %dma_wait3A_39 = tpu.memref_slice %arg2[%arg0, %add3A_12, %dma_wait3A] : memref<2x10496x32xf32, #tpu.memory_space<hbm>> -> memref<1x164x32xf32, #tpu.memory_space<hbm>>
      %dma_wait3A_40 = tpu.memref_squeeze %dma_wait3A_39 : memref<1x164x32xf32, #tpu.memory_space<hbm>> -> memref<164x32xf32, #tpu.memory_space<hbm>>
      %dma_wait3A_41 = arith.constant 0 : i32
      %dma_wait3A_42 = tpu.memref_slice %arg2[%arg0, %add3A_12, %dma_wait3A_41] : memref<2x10496x32xf32, #tpu.memory_space<hbm>> -> memref<1x164x32xf32, #tpu.memory_space<hbm>>
      %dma_wait3A_43 = tpu.memref_squeeze %dma_wait3A_42 : memref<1x164x32xf32, #tpu.memory_space<hbm>> -> memref<164x32xf32, #tpu.memory_space<hbm>>
      tpu.wait_dma2 semaphore(%run_scoped3A : memref<!tpu.dma_semaphore, #tpu.memory_space<semaphore_mem>>) src(%dma_wait3A_43 : memref<164x32xf32, #tpu.memory_space<hbm>>) dst(%arg15 : memref<164x32xf32, #tpu.memory_space<vmem>>)
      tpu.yield
    }) : () -> ()
    %add3A_13 = arith.constant 164 : i32
    %add3A_14 = arith.addi %mul3A_0, %add3A_13 : i32
    "tpu.region"() ({
      %run_scoped3A = tpu.sem_alloc : memref<!tpu.dma_semaphore, #tpu.memory_space<semaphore_mem>>
      %dma_start3A = arith.constant 0 : i32
      %dma_start3A_34 = tpu.memref_slice %arg6[%arg0, %add3A_14, %dma_start3A] : memref<2x10496x32xf32, #tpu.memory_space<hbm>> -> memref<1x164x32xf32, #tpu.memory_space<hbm>>
      %dma_start3A_35 = tpu.memref_squeeze %dma_start3A_34 : memref<1x164x32xf32, #tpu.memory_space<hbm>> -> memref<164x32xf32, #tpu.memory_space<hbm>>
      %dma_start3A_36 = arith.constant 0 : i32
      %dma_start3A_37 = tpu.memref_slice %arg6[%arg0, %add3A_14, %dma_start3A_36] : memref<2x10496x32xf32, #tpu.memory_space<hbm>> -> memref<1x164x32xf32, #tpu.memory_space<hbm>>
      %dma_start3A_38 = tpu.memref_squeeze %dma_start3A_37 : memref<1x164x32xf32, #tpu.memory_space<hbm>> -> memref<164x32xf32, #tpu.memory_space<hbm>>
      tpu.enqueue_dma source(%arg15 : memref<164x32xf32, #tpu.memory_space<vmem>>) target(%dma_start3A_38 : memref<164x32xf32, #tpu.memory_space<hbm>>) target_semaphore(%run_scoped3A : memref<!tpu.dma_semaphore, #tpu.memory_space<semaphore_mem>>)
      %dma_wait3A = arith.constant 0 : i32
      %dma_wait3A_39 = tpu.memref_slice %arg6[%arg0, %add3A_14, %dma_wait3A] : memref<2x10496x32xf32, #tpu.memory_space<hbm>> -> memref<1x164x32xf32, #tpu.memory_space<hbm>>
      %dma_wait3A_40 = tpu.memref_squeeze %dma_wait3A_39 : memref<1x164x32xf32, #tpu.memory_space<hbm>> -> memref<164x32xf32, #tpu.memory_space<hbm>>
      %dma_wait3A_41 = arith.constant 0 : i32
      %dma_wait3A_42 = tpu.memref_slice %arg6[%arg0, %add3A_14, %dma_wait3A_41] : memref<2x10496x32xf32, #tpu.memory_space<hbm>> -> memref<1x164x32xf32, #tpu.memory_space<hbm>>
      %dma_wait3A_43 = tpu.memref_squeeze %dma_wait3A_42 : memref<1x164x32xf32, #tpu.memory_space<hbm>> -> memref<164x32xf32, #tpu.memory_space<hbm>>
      tpu.wait_dma2 semaphore(%run_scoped3A : memref<!tpu.dma_semaphore, #tpu.memory_space<semaphore_mem>>) src(%arg15 : memref<164x32xf32, #tpu.memory_space<vmem>>) dst(%dma_wait3A_43 : memref<164x32xf32, #tpu.memory_space<hbm>>)
      tpu.yield
    }) : () -> ()
    %add3A_15 = arith.constant 164 : i32
    %add3A_16 = arith.addi %mul3A_0, %add3A_15 : i32
    "tpu.region"() ({
      %run_scoped3A = tpu.sem_alloc : memref<!tpu.dma_semaphore, #tpu.memory_space<semaphore_mem>>
      %dma_start3A = arith.constant 0 : i32
      %dma_start3A_34 = tpu.memref_slice %arg7[%add3A_16, %dma_start3A] : memref<10496x32xf32, #tpu.memory_space<vmem_shared>> -> memref<164x32xf32, #tpu.memory_space<vmem_shared>>
      %dma_start3A_35 = arith.constant 0 : i32
      %dma_start3A_36 = tpu.memref_slice %arg7[%add3A_16, %dma_start3A_35] : memref<10496x32xf32, #tpu.memory_space<vmem_shared>> -> memref<164x32xf32, #tpu.memory_space<vmem_shared>>
      tpu.enqueue_dma source(%arg14 : memref<164x32xf32, #tpu.memory_space<vmem>>) target(%dma_start3A_36 : memref<164x32xf32, #tpu.memory_space<vmem_shared>>) target_semaphore(%run_scoped3A : memref<!tpu.dma_semaphore, #tpu.memory_space<semaphore_mem>>)
      %dma_wait3A = arith.constant 0 : i32
      %dma_wait3A_37 = tpu.memref_slice %arg7[%add3A_16, %dma_wait3A] : memref<10496x32xf32, #tpu.memory_space<vmem_shared>> -> memref<164x32xf32, #tpu.memory_space<vmem_shared>>
      %dma_wait3A_38 = arith.constant 0 : i32
      %dma_wait3A_39 = tpu.memref_slice %arg7[%add3A_16, %dma_wait3A_38] : memref<10496x32xf32, #tpu.memory_space<vmem_shared>> -> memref<164x32xf32, #tpu.memory_space<vmem_shared>>
      tpu.wait_dma2 semaphore(%run_scoped3A : memref<!tpu.dma_semaphore, #tpu.memory_space<semaphore_mem>>) src(%arg14 : memref<164x32xf32, #tpu.memory_space<vmem>>) dst(%dma_wait3A_39 : memref<164x32xf32, #tpu.memory_space<vmem_shared>>)
      tpu.yield
    }) : () -> ()
    %add3A_17 = arith.constant 328 : i32
    %add3A_18 = arith.addi %mul3A_0, %add3A_17 : i32
    "tpu.region"() ({
      %run_scoped3A = tpu.sem_alloc : memref<!tpu.dma_semaphore, #tpu.memory_space<semaphore_mem>>
      %dma_start3A = arith.constant 0 : i32
      %dma_start3A_34 = tpu.memref_slice %arg2[%arg0, %add3A_18, %dma_start3A] : memref<2x10496x32xf32, #tpu.memory_space<hbm>> -> memref<1x164x32xf32, #tpu.memory_space<hbm>>
      %dma_start3A_35 = tpu.memref_squeeze %dma_start3A_34 : memref<1x164x32xf32, #tpu.memory_space<hbm>> -> memref<164x32xf32, #tpu.memory_space<hbm>>
      %dma_start3A_36 = arith.constant 0 : i32
      %dma_start3A_37 = tpu.memref_slice %arg2[%arg0, %add3A_18, %dma_start3A_36] : memref<2x10496x32xf32, #tpu.memory_space<hbm>> -> memref<1x164x32xf32, #tpu.memory_space<hbm>>
      %dma_start3A_38 = tpu.memref_squeeze %dma_start3A_37 : memref<1x164x32xf32, #tpu.memory_space<hbm>> -> memref<164x32xf32, #tpu.memory_space<hbm>>
      tpu.enqueue_dma source(%dma_start3A_38 : memref<164x32xf32, #tpu.memory_space<hbm>>) target(%arg15 : memref<164x32xf32, #tpu.memory_space<vmem>>) target_semaphore(%run_scoped3A : memref<!tpu.dma_semaphore, #tpu.memory_space<semaphore_mem>>)
      %dma_wait3A = arith.constant 0 : i32
      %dma_wait3A_39 = tpu.memref_slice %arg2[%arg0, %add3A_18, %dma_wait3A] : memref<2x10496x32xf32, #tpu.memory_space<hbm>> -> memref<1x164x32xf32, #tpu.memory_space<hbm>>
      %dma_wait3A_40 = tpu.memref_squeeze %dma_wait3A_39 : memref<1x164x32xf32, #tpu.memory_space<hbm>> -> memref<164x32xf32, #tpu.memory_space<hbm>>
      %dma_wait3A_41 = arith.constant 0 : i32
      %dma_wait3A_42 = tpu.memref_slice %arg2[%arg0, %add3A_18, %dma_wait3A_41] : memref<2x10496x32xf32, #tpu.memory_space<hbm>> -> memref<1x164x32xf32, #tpu.memory_space<hbm>>
      %dma_wait3A_43 = tpu.memref_squeeze %dma_wait3A_42 : memref<1x164x32xf32, #tpu.memory_space<hbm>> -> memref<164x32xf32, #tpu.memory_space<hbm>>
      tpu.wait_dma2 semaphore(%run_scoped3A : memref<!tpu.dma_semaphore, #tpu.memory_space<semaphore_mem>>) src(%dma_wait3A_43 : memref<164x32xf32, #tpu.memory_space<hbm>>) dst(%arg15 : memref<164x32xf32, #tpu.memory_space<vmem>>)
      tpu.yield
    }) : () -> ()
    %add3A_19 = arith.constant 328 : i32
    %add3A_20 = arith.addi %mul3A_0, %add3A_19 : i32
    "tpu.region"() ({
      %run_scoped3A = tpu.sem_alloc : memref<!tpu.dma_semaphore, #tpu.memory_space<semaphore_mem>>
      %dma_start3A = arith.constant 0 : i32
      %dma_start3A_34 = tpu.memref_slice %arg6[%arg0, %add3A_20, %dma_start3A] : memref<2x10496x32xf32, #tpu.memory_space<hbm>> -> memref<1x164x32xf32, #tpu.memory_space<hbm>>
      %dma_start3A_35 = tpu.memref_squeeze %dma_start3A_34 : memref<1x164x32xf32, #tpu.memory_space<hbm>> -> memref<164x32xf32, #tpu.memory_space<hbm>>
      %dma_start3A_36 = arith.constant 0 : i32
      %dma_start3A_37 = tpu.memref_slice %arg6[%arg0, %add3A_20, %dma_start3A_36] : memref<2x10496x32xf32, #tpu.memory_space<hbm>> -> memref<1x164x32xf32, #tpu.memory_space<hbm>>
      %dma_start3A_38 = tpu.memref_squeeze %dma_start3A_37 : memref<1x164x32xf32, #tpu.memory_space<hbm>> -> memref<164x32xf32, #tpu.memory_space<hbm>>
      tpu.enqueue_dma source(%arg15 : memref<164x32xf32, #tpu.memory_space<vmem>>) target(%dma_start3A_38 : memref<164x32xf32, #tpu.memory_space<hbm>>) target_semaphore(%run_scoped3A : memref<!tpu.dma_semaphore, #tpu.memory_space<semaphore_mem>>)
      %dma_wait3A = arith.constant 0 : i32
      %dma_wait3A_39 = tpu.memref_slice %arg6[%arg0, %add3A_20, %dma_wait3A] : memref<2x10496x32xf32, #tpu.memory_space<hbm>> -> memref<1x164x32xf32, #tpu.memory_space<hbm>>
      %dma_wait3A_40 = tpu.memref_squeeze %dma_wait3A_39 : memref<1x164x32xf32, #tpu.memory_space<hbm>> -> memref<164x32xf32, #tpu.memory_space<hbm>>
      %dma_wait3A_41 = arith.constant 0 : i32
      %dma_wait3A_42 = tpu.memref_slice %arg6[%arg0, %add3A_20, %dma_wait3A_41] : memref<2x10496x32xf32, #tpu.memory_space<hbm>> -> memref<1x164x32xf32, #tpu.memory_space<hbm>>
      %dma_wait3A_43 = tpu.memref_squeeze %dma_wait3A_42 : memref<1x164x32xf32, #tpu.memory_space<hbm>> -> memref<164x32xf32, #tpu.memory_space<hbm>>
      tpu.wait_dma2 semaphore(%run_scoped3A : memref<!tpu.dma_semaphore, #tpu.memory_space<semaphore_mem>>) src(%arg15 : memref<164x32xf32, #tpu.memory_space<vmem>>) dst(%dma_wait3A_43 : memref<164x32xf32, #tpu.memory_space<hbm>>)
      tpu.yield
    }) : () -> ()
    %add3A_21 = arith.constant 328 : i32
    %add3A_22 = arith.addi %mul3A_0, %add3A_21 : i32
    "tpu.region"() ({
      %run_scoped3A = tpu.sem_alloc : memref<!tpu.dma_semaphore, #tpu.memory_space<semaphore_mem>>
      %dma_start3A = arith.constant 0 : i32
      %dma_start3A_34 = tpu.memref_slice %arg7[%add3A_22, %dma_start3A] : memref<10496x32xf32, #tpu.memory_space<vmem_shared>> -> memref<164x32xf32, #tpu.memory_space<vmem_shared>>
      %dma_start3A_35 = arith.constant 0 : i32
      %dma_start3A_36 = tpu.memref_slice %arg7[%add3A_22, %dma_start3A_35] : memref<10496x32xf32, #tpu.memory_space<vmem_shared>> -> memref<164x32xf32, #tpu.memory_space<vmem_shared>>
      tpu.enqueue_dma source(%arg14 : memref<164x32xf32, #tpu.memory_space<vmem>>) target(%dma_start3A_36 : memref<164x32xf32, #tpu.memory_space<vmem_shared>>) target_semaphore(%run_scoped3A : memref<!tpu.dma_semaphore, #tpu.memory_space<semaphore_mem>>)
      %dma_wait3A = arith.constant 0 : i32
      %dma_wait3A_37 = tpu.memref_slice %arg7[%add3A_22, %dma_wait3A] : memref<10496x32xf32, #tpu.memory_space<vmem_shared>> -> memref<164x32xf32, #tpu.memory_space<vmem_shared>>
      %dma_wait3A_38 = arith.constant 0 : i32
      %dma_wait3A_39 = tpu.memref_slice %arg7[%add3A_22, %dma_wait3A_38] : memref<10496x32xf32, #tpu.memory_space<vmem_shared>> -> memref<164x32xf32, #tpu.memory_space<vmem_shared>>
      tpu.wait_dma2 semaphore(%run_scoped3A : memref<!tpu.dma_semaphore, #tpu.memory_space<semaphore_mem>>) src(%arg14 : memref<164x32xf32, #tpu.memory_space<vmem>>) dst(%dma_wait3A_39 : memref<164x32xf32, #tpu.memory_space<vmem_shared>>)
      tpu.yield
    }) : () -> ()
    %add3A_23 = arith.constant 492 : i32
    %add3A_24 = arith.addi %mul3A_0, %add3A_23 : i32
    "tpu.region"() ({
      %run_scoped3A = tpu.sem_alloc : memref<!tpu.dma_semaphore, #tpu.memory_space<semaphore_mem>>
      %dma_start3A = arith.constant 0 : i32
      %dma_start3A_34 = tpu.memref_slice %arg2[%arg0, %add3A_24, %dma_start3A] : memref<2x10496x32xf32, #tpu.memory_space<hbm>> -> memref<1x164x32xf32, #tpu.memory_space<hbm>>
      %dma_start3A_35 = tpu.memref_squeeze %dma_start3A_34 : memref<1x164x32xf32, #tpu.memory_space<hbm>> -> memref<164x32xf32, #tpu.memory_space<hbm>>
      %dma_start3A_36 = arith.constant 0 : i32
      %dma_start3A_37 = tpu.memref_slice %arg2[%arg0, %add3A_24, %dma_start3A_36] : memref<2x10496x32xf32, #tpu.memory_space<hbm>> -> memref<1x164x32xf32, #tpu.memory_space<hbm>>
      %dma_start3A_38 = tpu.memref_squeeze %dma_start3A_37 : memref<1x164x32xf32, #tpu.memory_space<hbm>> -> memref<164x32xf32, #tpu.memory_space<hbm>>
      tpu.enqueue_dma source(%dma_start3A_38 : memref<164x32xf32, #tpu.memory_space<hbm>>) target(%arg15 : memref<164x32xf32, #tpu.memory_space<vmem>>) target_semaphore(%run_scoped3A : memref<!tpu.dma_semaphore, #tpu.memory_space<semaphore_mem>>)
      %dma_wait3A = arith.constant 0 : i32
      %dma_wait3A_39 = tpu.memref_slice %arg2[%arg0, %add3A_24, %dma_wait3A] : memref<2x10496x32xf32, #tpu.memory_space<hbm>> -> memref<1x164x32xf32, #tpu.memory_space<hbm>>
      %dma_wait3A_40 = tpu.memref_squeeze %dma_wait3A_39 : memref<1x164x32xf32, #tpu.memory_space<hbm>> -> memref<164x32xf32, #tpu.memory_space<hbm>>
      %dma_wait3A_41 = arith.constant 0 : i32
      %dma_wait3A_42 = tpu.memref_slice %arg2[%arg0, %add3A_24, %dma_wait3A_41] : memref<2x10496x32xf32, #tpu.memory_space<hbm>> -> memref<1x164x32xf32, #tpu.memory_space<hbm>>
      %dma_wait3A_43 = tpu.memref_squeeze %dma_wait3A_42 : memref<1x164x32xf32, #tpu.memory_space<hbm>> -> memref<164x32xf32, #tpu.memory_space<hbm>>
      tpu.wait_dma2 semaphore(%run_scoped3A : memref<!tpu.dma_semaphore, #tpu.memory_space<semaphore_mem>>) src(%dma_wait3A_43 : memref<164x32xf32, #tpu.memory_space<hbm>>) dst(%arg15 : memref<164x32xf32, #tpu.memory_space<vmem>>)
      tpu.yield
    }) : () -> ()
    %add3A_25 = arith.constant 492 : i32
    %add3A_26 = arith.addi %mul3A_0, %add3A_25 : i32
    "tpu.region"() ({
      %run_scoped3A = tpu.sem_alloc : memref<!tpu.dma_semaphore, #tpu.memory_space<semaphore_mem>>
      %dma_start3A = arith.constant 0 : i32
      %dma_start3A_34 = tpu.memref_slice %arg6[%arg0, %add3A_26, %dma_start3A] : memref<2x10496x32xf32, #tpu.memory_space<hbm>> -> memref<1x164x32xf32, #tpu.memory_space<hbm>>
      %dma_start3A_35 = tpu.memref_squeeze %dma_start3A_34 : memref<1x164x32xf32, #tpu.memory_space<hbm>> -> memref<164x32xf32, #tpu.memory_space<hbm>>
      %dma_start3A_36 = arith.constant 0 : i32
      %dma_start3A_37 = tpu.memref_slice %arg6[%arg0, %add3A_26, %dma_start3A_36] : memref<2x10496x32xf32, #tpu.memory_space<hbm>> -> memref<1x164x32xf32, #tpu.memory_space<hbm>>
      %dma_start3A_38 = tpu.memref_squeeze %dma_start3A_37 : memref<1x164x32xf32, #tpu.memory_space<hbm>> -> memref<164x32xf32, #tpu.memory_space<hbm>>
      tpu.enqueue_dma source(%arg15 : memref<164x32xf32, #tpu.memory_space<vmem>>) target(%dma_start3A_38 : memref<164x32xf32, #tpu.memory_space<hbm>>) target_semaphore(%run_scoped3A : memref<!tpu.dma_semaphore, #tpu.memory_space<semaphore_mem>>)
      %dma_wait3A = arith.constant 0 : i32
      %dma_wait3A_39 = tpu.memref_slice %arg6[%arg0, %add3A_26, %dma_wait3A] : memref<2x10496x32xf32, #tpu.memory_space<hbm>> -> memref<1x164x32xf32, #tpu.memory_space<hbm>>
      %dma_wait3A_40 = tpu.memref_squeeze %dma_wait3A_39 : memref<1x164x32xf32, #tpu.memory_space<hbm>> -> memref<164x32xf32, #tpu.memory_space<hbm>>
      %dma_wait3A_41 = arith.constant 0 : i32
      %dma_wait3A_42 = tpu.memref_slice %arg6[%arg0, %add3A_26, %dma_wait3A_41] : memref<2x10496x32xf32, #tpu.memory_space<hbm>> -> memref<1x164x32xf32, #tpu.memory_space<hbm>>
      %dma_wait3A_43 = tpu.memref_squeeze %dma_wait3A_42 : memref<1x164x32xf32, #tpu.memory_space<hbm>> -> memref<164x32xf32, #tpu.memory_space<hbm>>
      tpu.wait_dma2 semaphore(%run_scoped3A : memref<!tpu.dma_semaphore, #tpu.memory_space<semaphore_mem>>) src(%arg15 : memref<164x32xf32, #tpu.memory_space<vmem>>) dst(%dma_wait3A_43 : memref<164x32xf32, #tpu.memory_space<hbm>>)
      tpu.yield
    }) : () -> ()
    %add3A_27 = arith.constant 492 : i32
    %add3A_28 = arith.addi %mul3A_0, %add3A_27 : i32
    "tpu.region"() ({
      %run_scoped3A = tpu.sem_alloc : memref<!tpu.dma_semaphore, #tpu.memory_space<semaphore_mem>>
      %dma_start3A = arith.constant 0 : i32
      %dma_start3A_34 = tpu.memref_slice %arg7[%add3A_28, %dma_start3A] : memref<10496x32xf32, #tpu.memory_space<vmem_shared>> -> memref<164x32xf32, #tpu.memory_space<vmem_shared>>
      %dma_start3A_35 = arith.constant 0 : i32
      %dma_start3A_36 = tpu.memref_slice %arg7[%add3A_28, %dma_start3A_35] : memref<10496x32xf32, #tpu.memory_space<vmem_shared>> -> memref<164x32xf32, #tpu.memory_space<vmem_shared>>
      tpu.enqueue_dma source(%arg14 : memref<164x32xf32, #tpu.memory_space<vmem>>) target(%dma_start3A_36 : memref<164x32xf32, #tpu.memory_space<vmem_shared>>) target_semaphore(%run_scoped3A : memref<!tpu.dma_semaphore, #tpu.memory_space<semaphore_mem>>)
      %dma_wait3A = arith.constant 0 : i32
      %dma_wait3A_37 = tpu.memref_slice %arg7[%add3A_28, %dma_wait3A] : memref<10496x32xf32, #tpu.memory_space<vmem_shared>> -> memref<164x32xf32, #tpu.memory_space<vmem_shared>>
      %dma_wait3A_38 = arith.constant 0 : i32
      %dma_wait3A_39 = tpu.memref_slice %arg7[%add3A_28, %dma_wait3A_38] : memref<10496x32xf32, #tpu.memory_space<vmem_shared>> -> memref<164x32xf32, #tpu.memory_space<vmem_shared>>
      tpu.wait_dma2 semaphore(%run_scoped3A : memref<!tpu.dma_semaphore, #tpu.memory_space<semaphore_mem>>) src(%arg14 : memref<164x32xf32, #tpu.memory_space<vmem>>) dst(%dma_wait3A_39 : memref<164x32xf32, #tpu.memory_space<vmem_shared>>)
      tpu.yield
    }) : () -> ()
    %barrier3A = arith.constant 0 : index
    tpu.barrier barrier_id(%barrier3A)
    %scan3A_29 = arith.constant 0 : i32
    %scan3A_30 = arith.constant 4 : i32
    %scan3A_31 = arith.addi %scan3A_29, %scan3A_30 : i32
    %scan3A_32 = arith.constant 1 : i32
    scf.for %scan3A_34 = %scan3A_29 to %scan3A_31 step %scan3A_32  : i32 {
      %mul3A_35 = arith.constant 1 : i32
      %mul3A_36 = arith.muli %scan3A_34, %mul3A_35 : i32
      %add3A_37 = arith.constant 0 : i32
      %add3A_38 = arith.addi %add3A_37, %mul3A_36 : i32
      %mul3A_39 = arith.constant 40 : i32
      %mul3A_40 = arith.muli %arg1, %mul3A_39 : i32
      %add3A_41 = arith.constant 0 : i32
      %add3A_42 = arith.addi %mul3A_40, %add3A_41 : i32
      "tpu.region"() ({
        %run_scoped3A = tpu.sem_alloc : memref<!tpu.dma_semaphore, #tpu.memory_space<semaphore_mem>>
        %dma_start3A_185 = arith.constant 0 : i32
        %dma_start3A_186 = tpu.memref_slice %arg4[%add3A_42, %dma_start3A_185] : memref<640x512xi32, #tpu.memory_space<hbm>> -> memref<20x512xi32, #tpu.memory_space<hbm>>
        %dma_start3A_187 = arith.constant 0 : i32
        %dma_start3A_188 = tpu.memref_slice %arg4[%add3A_42, %dma_start3A_187] : memref<640x512xi32, #tpu.memory_space<hbm>> -> memref<20x512xi32, #tpu.memory_space<hbm>>
        tpu.enqueue_dma source(%dma_start3A_188 : memref<20x512xi32, #tpu.memory_space<hbm>>) target(%arg8 : memref<20x512xi32, #tpu.memory_space<vmem>>) target_semaphore(%run_scoped3A : memref<!tpu.dma_semaphore, #tpu.memory_space<semaphore_mem>>)
        %dma_wait3A_189 = arith.constant 0 : i32
        %dma_wait3A_190 = tpu.memref_slice %arg4[%add3A_42, %dma_wait3A_189] : memref<640x512xi32, #tpu.memory_space<hbm>> -> memref<20x512xi32, #tpu.memory_space<hbm>>
        %dma_wait3A_191 = arith.constant 0 : i32
        %dma_wait3A_192 = tpu.memref_slice %arg4[%add3A_42, %dma_wait3A_191] : memref<640x512xi32, #tpu.memory_space<hbm>> -> memref<20x512xi32, #tpu.memory_space<hbm>>
        tpu.wait_dma2 semaphore(%run_scoped3A : memref<!tpu.dma_semaphore, #tpu.memory_space<semaphore_mem>>) src(%dma_wait3A_192 : memref<20x512xi32, #tpu.memory_space<hbm>>) dst(%arg8 : memref<20x512xi32, #tpu.memory_space<vmem>>)
        tpu.yield
      }) : () -> ()
      "tpu.region"() ({
        %run_scoped3A = tpu.sem_alloc : memref<!tpu.dma_semaphore, #tpu.memory_space<semaphore_mem>>
        %dma_start3A_185 = arith.constant 0 : i32
        %dma_start3A_186 = tpu.memref_slice %arg5[%add3A_42, %dma_start3A_185] : memref<640x512xi32, #tpu.memory_space<hbm>> -> memref<20x512xi32, #tpu.memory_space<hbm>>
        %dma_start3A_187 = arith.constant 0 : i32
        %dma_start3A_188 = tpu.memref_slice %arg5[%add3A_42, %dma_start3A_187] : memref<640x512xi32, #tpu.memory_space<hbm>> -> memref<20x512xi32, #tpu.memory_space<hbm>>
        tpu.enqueue_dma source(%dma_start3A_188 : memref<20x512xi32, #tpu.memory_space<hbm>>) target(%arg9 : memref<20x512xi32, #tpu.memory_space<vmem>>) target_semaphore(%run_scoped3A : memref<!tpu.dma_semaphore, #tpu.memory_space<semaphore_mem>>)
        %dma_wait3A_189 = arith.constant 0 : i32
        %dma_wait3A_190 = tpu.memref_slice %arg5[%add3A_42, %dma_wait3A_189] : memref<640x512xi32, #tpu.memory_space<hbm>> -> memref<20x512xi32, #tpu.memory_space<hbm>>
        %dma_wait3A_191 = arith.constant 0 : i32
        %dma_wait3A_192 = tpu.memref_slice %arg5[%add3A_42, %dma_wait3A_191] : memref<640x512xi32, #tpu.memory_space<hbm>> -> memref<20x512xi32, #tpu.memory_space<hbm>>
        tpu.wait_dma2 semaphore(%run_scoped3A : memref<!tpu.dma_semaphore, #tpu.memory_space<semaphore_mem>>) src(%dma_wait3A_192 : memref<20x512xi32, #tpu.memory_space<hbm>>) dst(%arg9 : memref<20x512xi32, #tpu.memory_space<vmem>>)
        tpu.yield
      }) : () -> ()
      %dma_start3A = arith.constant 0 : i32
      %dma_start3A_43 = arith.constant 0 : i32
      %dma_start3A_44 = tpu.memref_slice %arg8[%dma_start3A, %dma_start3A_43] : memref<20x512xi32, #tpu.memory_space<vmem>> -> memref<1x512xi32, #tpu.memory_space<vmem>>
      %dma_start3A_45 = tpu.memref_squeeze %dma_start3A_44 : memref<1x512xi32, #tpu.memory_space<vmem>> -> memref<512xi32, #tpu.memory_space<vmem>>
      %dma_start3A_46 = arith.constant 0 : i32
      %dma_start3A_47 = arith.constant 0 : i32
      %dma_start3A_48 = tpu.memref_slice %arg6[%arg0, %dma_start3A_46, %dma_start3A_47] : memref<2x10496x32xf32, #tpu.memory_space<hbm>> -> memref<1x10496x32xf32, #tpu.memory_space<hbm>>
      %dma_start3A_49 = tpu.memref_squeeze %dma_start3A_48 : memref<1x10496x32xf32, #tpu.memory_space<hbm>> -> memref<10496x32xf32, #tpu.memory_space<hbm>>
      %dma_start3A_50 = arith.constant 0 : i32
      %dma_start3A_51 = arith.constant 0 : i32
      %dma_start3A_52 = tpu.memref_slice %dma_start3A_49[%dma_start3A_50, %dma_start3A_51] : memref<10496x32xf32, #tpu.memory_space<hbm>> -> memref<10496x32xf32, #tpu.memory_space<hbm>>
      tpu.enqueue_indirect_dma source(%dma_start3A_52 : memref<10496x32xf32, #tpu.memory_space<hbm>>) target(%arg10 : memref<512x32xf32, #tpu.memory_space<vmem>>) offsets(%dma_start3A_45 : memref<512xi32, #tpu.memory_space<vmem>>) semaphore(%arg18 : memref<!tpu.dma_semaphore, #tpu.memory_space<semaphore_mem>>)
      %dma_start3A_53 = arith.constant 1 : i32
      %dma_start3A_54 = arith.constant 0 : i32
      %dma_start3A_55 = tpu.memref_slice %arg8[%dma_start3A_53, %dma_start3A_54] : memref<20x512xi32, #tpu.memory_space<vmem>> -> memref<1x512xi32, #tpu.memory_space<vmem>>
      %dma_start3A_56 = tpu.memref_squeeze %dma_start3A_55 : memref<1x512xi32, #tpu.memory_space<vmem>> -> memref<512xi32, #tpu.memory_space<vmem>>
      %dma_start3A_57 = arith.constant 0 : i32
      %dma_start3A_58 = arith.constant 0 : i32
      %dma_start3A_59 = tpu.memref_slice %arg6[%arg0, %dma_start3A_57, %dma_start3A_58] : memref<2x10496x32xf32, #tpu.memory_space<hbm>> -> memref<1x10496x32xf32, #tpu.memory_space<hbm>>
      %dma_start3A_60 = tpu.memref_squeeze %dma_start3A_59 : memref<1x10496x32xf32, #tpu.memory_space<hbm>> -> memref<10496x32xf32, #tpu.memory_space<hbm>>
      %dma_start3A_61 = arith.constant 0 : i32
      %dma_start3A_62 = arith.constant 0 : i32
      %dma_start3A_63 = tpu.memref_slice %dma_start3A_60[%dma_start3A_61, %dma_start3A_62] : memref<10496x32xf32, #tpu.memory_space<hbm>> -> memref<10496x32xf32, #tpu.memory_space<hbm>>
      tpu.enqueue_indirect_dma source(%dma_start3A_63 : memref<10496x32xf32, #tpu.memory_space<hbm>>) target(%arg11 : memref<512x32xf32, #tpu.memory_space<vmem>>) offsets(%dma_start3A_56 : memref<512xi32, #tpu.memory_space<vmem>>) semaphore(%arg19 : memref<!tpu.dma_semaphore, #tpu.memory_space<semaphore_mem>>)
      %scan3A_64 = arith.constant 0 : i32
      %scan3A_65 = arith.constant 5 : i32
      %scan3A_66 = arith.addi %scan3A_64, %scan3A_65 : i32
      %scan3A_67 = arith.constant 1 : i32
      scf.for %scan3A_185 = %scan3A_64 to %scan3A_66 step %scan3A_67  : i32 {
        %mul3A_186 = arith.constant 1 : i32
        %mul3A_187 = arith.muli %scan3A_185, %mul3A_186 : i32
        %add3A_188 = arith.constant 0 : i32
        %add3A_189 = arith.addi %add3A_188, %mul3A_187 : i32
        %mul3A_190 = arith.constant 4 : i32
        %mul3A_191 = arith.muli %mul3A_190, %add3A_189 : i32
        %gt3A = arith.constant 0 : i32
        %gt3A_192 = arith.cmpi sgt, %add3A_189, %gt3A : i32
        %convert_element_type3A = arith.extui %gt3A_192 : i1 to i32
        %cond3A = arith.constant 0 : i32
        %cond3A_193 = arith.cmpi ne, %convert_element_type3A, %cond3A : i32
        scf.if %cond3A_193 {
          %dma_wait3A_296 = arith.constant 0 : i32
          %dma_wait3A_297 = arith.constant 0 : i32
          %dma_wait3A_298 = tpu.memref_slice %arg9[%dma_wait3A_296, %dma_wait3A_297] : memref<20x512xi32, #tpu.memory_space<vmem>> -> memref<1x512xi32, #tpu.memory_space<vmem>>
          %dma_wait3A_299 = tpu.memref_squeeze %dma_wait3A_298 : memref<1x512xi32, #tpu.memory_space<vmem>> -> memref<512xi32, #tpu.memory_space<vmem>>
          %dma_wait3A_300 = arith.constant 0 : i32
          %dma_wait3A_301 = arith.constant 0 : i32
          %dma_wait3A_302 = tpu.memref_slice %arg7[%dma_wait3A_300, %dma_wait3A_301] : memref<10496x32xf32, #tpu.memory_space<vmem_shared>> -> memref<10496x32xf32, #tpu.memory_space<vmem_shared>>
          tpu.wait_indirect_dma semaphore(%arg24 : memref<!tpu.dma_semaphore, #tpu.memory_space<semaphore_mem>>) src(%arg12 : memref<512x32xf32, #tpu.memory_space<vmem>>) dst(%dma_wait3A_302 : memref<10496x32xf32, #tpu.memory_space<vmem_shared>>)
          %dma_wait3A_303 = arith.constant 0 : i32
          %dma_wait3A_304 = arith.constant 0 : i32
          %dma_wait3A_305 = tpu.memref_slice %arg9[%dma_wait3A_303, %dma_wait3A_304] : memref<20x512xi32, #tpu.memory_space<vmem>> -> memref<1x512xi32, #tpu.memory_space<vmem>>
          %dma_wait3A_306 = tpu.memref_squeeze %dma_wait3A_305 : memref<1x512xi32, #tpu.memory_space<vmem>> -> memref<512xi32, #tpu.memory_space<vmem>>
          %dma_wait3A_307 = arith.constant 0 : i32
          %dma_wait3A_308 = arith.constant 0 : i32
          %dma_wait3A_309 = tpu.memref_slice %arg7[%dma_wait3A_307, %dma_wait3A_308] : memref<10496x32xf32, #tpu.memory_space<vmem_shared>> -> memref<10496x32xf32, #tpu.memory_space<vmem_shared>>
          tpu.wait_indirect_dma semaphore(%arg25 : memref<!tpu.dma_semaphore, #tpu.memory_space<semaphore_mem>>) src(%arg13 : memref<512x32xf32, #tpu.memory_space<vmem>>) dst(%dma_wait3A_309 : memref<10496x32xf32, #tpu.memory_space<vmem_shared>>)
        } else {
        }
        %add3A_194 = arith.constant 2 : i32
        %add3A_195 = arith.addi %mul3A_191, %add3A_194 : i32
        %dma_start3A_196 = arith.constant 0 : i32
        %dma_start3A_197 = tpu.memref_slice %arg8[%add3A_195, %dma_start3A_196] : memref<20x512xi32, #tpu.memory_space<vmem>> -> memref<1x512xi32, #tpu.memory_space<vmem>>
        %dma_start3A_198 = tpu.memref_squeeze %dma_start3A_197 : memref<1x512xi32, #tpu.memory_space<vmem>> -> memref<512xi32, #tpu.memory_space<vmem>>
        %dma_start3A_199 = arith.constant 0 : i32
        %dma_start3A_200 = arith.constant 0 : i32
        %dma_start3A_201 = tpu.memref_slice %arg6[%arg0, %dma_start3A_199, %dma_start3A_200] : memref<2x10496x32xf32, #tpu.memory_space<hbm>> -> memref<1x10496x32xf32, #tpu.memory_space<hbm>>
        %dma_start3A_202 = tpu.memref_squeeze %dma_start3A_201 : memref<1x10496x32xf32, #tpu.memory_space<hbm>> -> memref<10496x32xf32, #tpu.memory_space<hbm>>
        %dma_start3A_203 = arith.constant 0 : i32
        %dma_start3A_204 = arith.constant 0 : i32
        %dma_start3A_205 = tpu.memref_slice %dma_start3A_202[%dma_start3A_203, %dma_start3A_204] : memref<10496x32xf32, #tpu.memory_space<hbm>> -> memref<10496x32xf32, #tpu.memory_space<hbm>>
        tpu.enqueue_indirect_dma source(%dma_start3A_205 : memref<10496x32xf32, #tpu.memory_space<hbm>>) target(%arg12 : memref<512x32xf32, #tpu.memory_space<vmem>>) offsets(%dma_start3A_198 : memref<512xi32, #tpu.memory_space<vmem>>) semaphore(%arg20 : memref<!tpu.dma_semaphore, #tpu.memory_space<semaphore_mem>>)
        %add3A_206 = arith.constant 3 : i32
        %add3A_207 = arith.addi %mul3A_191, %add3A_206 : i32
        %dma_start3A_208 = arith.constant 0 : i32
        %dma_start3A_209 = tpu.memref_slice %arg8[%add3A_207, %dma_start3A_208] : memref<20x512xi32, #tpu.memory_space<vmem>> -> memref<1x512xi32, #tpu.memory_space<vmem>>
        %dma_start3A_210 = tpu.memref_squeeze %dma_start3A_209 : memref<1x512xi32, #tpu.memory_space<vmem>> -> memref<512xi32, #tpu.memory_space<vmem>>
        %dma_start3A_211 = arith.constant 0 : i32
        %dma_start3A_212 = arith.constant 0 : i32
        %dma_start3A_213 = tpu.memref_slice %arg6[%arg0, %dma_start3A_211, %dma_start3A_212] : memref<2x10496x32xf32, #tpu.memory_space<hbm>> -> memref<1x10496x32xf32, #tpu.memory_space<hbm>>
        %dma_start3A_214 = tpu.memref_squeeze %dma_start3A_213 : memref<1x10496x32xf32, #tpu.memory_space<hbm>> -> memref<10496x32xf32, #tpu.memory_space<hbm>>
        %dma_start3A_215 = arith.constant 0 : i32
        %dma_start3A_216 = arith.constant 0 : i32
        %dma_start3A_217 = tpu.memref_slice %dma_start3A_214[%dma_start3A_215, %dma_start3A_216] : memref<10496x32xf32, #tpu.memory_space<hbm>> -> memref<10496x32xf32, #tpu.memory_space<hbm>>
        tpu.enqueue_indirect_dma source(%dma_start3A_217 : memref<10496x32xf32, #tpu.memory_space<hbm>>) target(%arg13 : memref<512x32xf32, #tpu.memory_space<vmem>>) offsets(%dma_start3A_210 : memref<512xi32, #tpu.memory_space<vmem>>) semaphore(%arg21 : memref<!tpu.dma_semaphore, #tpu.memory_space<semaphore_mem>>)
        %dma_wait3A_218 = arith.constant 0 : i32
        %dma_wait3A_219 = arith.constant 0 : i32
        %dma_wait3A_220 = tpu.memref_slice %arg8[%dma_wait3A_218, %dma_wait3A_219] : memref<20x512xi32, #tpu.memory_space<vmem>> -> memref<1x512xi32, #tpu.memory_space<vmem>>
        %dma_wait3A_221 = tpu.memref_squeeze %dma_wait3A_220 : memref<1x512xi32, #tpu.memory_space<vmem>> -> memref<512xi32, #tpu.memory_space<vmem>>
        %dma_wait3A_222 = arith.constant 0 : i32
        %dma_wait3A_223 = arith.constant 0 : i32
        %dma_wait3A_224 = tpu.memref_slice %arg6[%arg0, %dma_wait3A_222, %dma_wait3A_223] : memref<2x10496x32xf32, #tpu.memory_space<hbm>> -> memref<1x10496x32xf32, #tpu.memory_space<hbm>>
        %dma_wait3A_225 = tpu.memref_squeeze %dma_wait3A_224 : memref<1x10496x32xf32, #tpu.memory_space<hbm>> -> memref<10496x32xf32, #tpu.memory_space<hbm>>
        %dma_wait3A_226 = arith.constant 0 : i32
        %dma_wait3A_227 = arith.constant 0 : i32
        %dma_wait3A_228 = tpu.memref_slice %dma_wait3A_225[%dma_wait3A_226, %dma_wait3A_227] : memref<10496x32xf32, #tpu.memory_space<hbm>> -> memref<10496x32xf32, #tpu.memory_space<hbm>>
        tpu.wait_indirect_dma semaphore(%arg18 : memref<!tpu.dma_semaphore, #tpu.memory_space<semaphore_mem>>) src(%dma_wait3A_228 : memref<10496x32xf32, #tpu.memory_space<hbm>>) dst(%arg10 : memref<512x32xf32, #tpu.memory_space<vmem>>)
        %dma_start3A_229 = arith.constant 0 : i32
        %dma_start3A_230 = tpu.memref_slice %arg9[%mul3A_191, %dma_start3A_229] : memref<20x512xi32, #tpu.memory_space<vmem>> -> memref<1x512xi32, #tpu.memory_space<vmem>>
        %dma_start3A_231 = tpu.memref_squeeze %dma_start3A_230 : memref<1x512xi32, #tpu.memory_space<vmem>> -> memref<512xi32, #tpu.memory_space<vmem>>
        %dma_start3A_232 = arith.constant 0 : i32
        %dma_start3A_233 = arith.constant 0 : i32
        %dma_start3A_234 = tpu.memref_slice %arg7[%dma_start3A_232, %dma_start3A_233] : memref<10496x32xf32, #tpu.memory_space<vmem_shared>> -> memref<10496x32xf32, #tpu.memory_space<vmem_shared>>
        tpu.enqueue_indirect_dma source(%arg10 : memref<512x32xf32, #tpu.memory_space<vmem>>) target(%dma_start3A_234 : memref<10496x32xf32, #tpu.memory_space<vmem_shared>>) offsets(%dma_start3A_231 : memref<512xi32, #tpu.memory_space<vmem>>) semaphore(%arg22 : memref<!tpu.dma_semaphore, #tpu.memory_space<semaphore_mem>>) {add = true}
        %dma_wait3A_235 = arith.constant 0 : i32
        %dma_wait3A_236 = arith.constant 0 : i32
        %dma_wait3A_237 = tpu.memref_slice %arg8[%dma_wait3A_235, %dma_wait3A_236] : memref<20x512xi32, #tpu.memory_space<vmem>> -> memref<1x512xi32, #tpu.memory_space<vmem>>
        %dma_wait3A_238 = tpu.memref_squeeze %dma_wait3A_237 : memref<1x512xi32, #tpu.memory_space<vmem>> -> memref<512xi32, #tpu.memory_space<vmem>>
        %dma_wait3A_239 = arith.constant 0 : i32
        %dma_wait3A_240 = arith.constant 0 : i32
        %dma_wait3A_241 = tpu.memref_slice %arg6[%arg0, %dma_wait3A_239, %dma_wait3A_240] : memref<2x10496x32xf32, #tpu.memory_space<hbm>> -> memref<1x10496x32xf32, #tpu.memory_space<hbm>>
        %dma_wait3A_242 = tpu.memref_squeeze %dma_wait3A_241 : memref<1x10496x32xf32, #tpu.memory_space<hbm>> -> memref<10496x32xf32, #tpu.memory_space<hbm>>
        %dma_wait3A_243 = arith.constant 0 : i32
        %dma_wait3A_244 = arith.constant 0 : i32
        %dma_wait3A_245 = tpu.memref_slice %dma_wait3A_242[%dma_wait3A_243, %dma_wait3A_244] : memref<10496x32xf32, #tpu.memory_space<hbm>> -> memref<10496x32xf32, #tpu.memory_space<hbm>>
        tpu.wait_indirect_dma semaphore(%arg19 : memref<!tpu.dma_semaphore, #tpu.memory_space<semaphore_mem>>) src(%dma_wait3A_245 : memref<10496x32xf32, #tpu.memory_space<hbm>>) dst(%arg11 : memref<512x32xf32, #tpu.memory_space<vmem>>)
        %add3A_246 = arith.constant 1 : i32
        %add3A_247 = arith.addi %mul3A_191, %add3A_246 : i32
        %dma_start3A_248 = arith.constant 0 : i32
        %dma_start3A_249 = tpu.memref_slice %arg9[%add3A_247, %dma_start3A_248] : memref<20x512xi32, #tpu.memory_space<vmem>> -> memref<1x512xi32, #tpu.memory_space<vmem>>
        %dma_start3A_250 = tpu.memref_squeeze %dma_start3A_249 : memref<1x512xi32, #tpu.memory_space<vmem>> -> memref<512xi32, #tpu.memory_space<vmem>>
        %dma_start3A_251 = arith.constant 0 : i32
        %dma_start3A_252 = arith.constant 0 : i32
        %dma_start3A_253 = tpu.memref_slice %arg7[%dma_start3A_251, %dma_start3A_252] : memref<10496x32xf32, #tpu.memory_space<vmem_shared>> -> memref<10496x32xf32, #tpu.memory_space<vmem_shared>>
        tpu.enqueue_indirect_dma source(%arg11 : memref<512x32xf32, #tpu.memory_space<vmem>>) target(%dma_start3A_253 : memref<10496x32xf32, #tpu.memory_space<vmem_shared>>) offsets(%dma_start3A_250 : memref<512xi32, #tpu.memory_space<vmem>>) semaphore(%arg23 : memref<!tpu.dma_semaphore, #tpu.memory_space<semaphore_mem>>) {add = true}
        %lt3A = arith.constant 4 : i32
        %lt3A_254 = arith.cmpi slt, %add3A_189, %lt3A : i32
        %convert_element_type3A_255 = arith.extui %lt3A_254 : i1 to i32
        %cond3A_256 = arith.constant 0 : i32
        %cond3A_257 = arith.cmpi ne, %convert_element_type3A_255, %cond3A_256 : i32
        scf.if %cond3A_257 {
          %dma_wait3A_296 = arith.constant 0 : i32
          %dma_wait3A_297 = tpu.memref_slice %arg9[%mul3A_191, %dma_wait3A_296] : memref<20x512xi32, #tpu.memory_space<vmem>> -> memref<1x512xi32, #tpu.memory_space<vmem>>
          %dma_wait3A_298 = tpu.memref_squeeze %dma_wait3A_297 : memref<1x512xi32, #tpu.memory_space<vmem>> -> memref<512xi32, #tpu.memory_space<vmem>>
          %dma_wait3A_299 = arith.constant 0 : i32
          %dma_wait3A_300 = arith.constant 0 : i32
          %dma_wait3A_301 = tpu.memref_slice %arg7[%dma_wait3A_299, %dma_wait3A_300] : memref<10496x32xf32, #tpu.memory_space<vmem_shared>> -> memref<10496x32xf32, #tpu.memory_space<vmem_shared>>
          tpu.wait_indirect_dma semaphore(%arg22 : memref<!tpu.dma_semaphore, #tpu.memory_space<semaphore_mem>>) src(%arg10 : memref<512x32xf32, #tpu.memory_space<vmem>>) dst(%dma_wait3A_301 : memref<10496x32xf32, #tpu.memory_space<vmem_shared>>)
          %dma_wait3A_302 = arith.constant 0 : i32
          %dma_wait3A_303 = tpu.memref_slice %arg9[%add3A_247, %dma_wait3A_302] : memref<20x512xi32, #tpu.memory_space<vmem>> -> memref<1x512xi32, #tpu.memory_space<vmem>>
          %dma_wait3A_304 = tpu.memref_squeeze %dma_wait3A_303 : memref<1x512xi32, #tpu.memory_space<vmem>> -> memref<512xi32, #tpu.memory_space<vmem>>
          %dma_wait3A_305 = arith.constant 0 : i32
          %dma_wait3A_306 = arith.constant 0 : i32
          %dma_wait3A_307 = tpu.memref_slice %arg7[%dma_wait3A_305, %dma_wait3A_306] : memref<10496x32xf32, #tpu.memory_space<vmem_shared>> -> memref<10496x32xf32, #tpu.memory_space<vmem_shared>>
          tpu.wait_indirect_dma semaphore(%arg23 : memref<!tpu.dma_semaphore, #tpu.memory_space<semaphore_mem>>) src(%arg11 : memref<512x32xf32, #tpu.memory_space<vmem>>) dst(%dma_wait3A_307 : memref<10496x32xf32, #tpu.memory_space<vmem_shared>>)
          %add3A_308 = arith.constant 4 : i32
          %add3A_309 = arith.addi %mul3A_191, %add3A_308 : i32
          %dma_start3A_310 = arith.constant 0 : i32
          %dma_start3A_311 = tpu.memref_slice %arg8[%add3A_309, %dma_start3A_310] : memref<20x512xi32, #tpu.memory_space<vmem>> -> memref<1x512xi32, #tpu.memory_space<vmem>>
          %dma_start3A_312 = tpu.memref_squeeze %dma_start3A_311 : memref<1x512xi32, #tpu.memory_space<vmem>> -> memref<512xi32, #tpu.memory_space<vmem>>
          %dma_start3A_313 = arith.constant 0 : i32
          %dma_start3A_314 = arith.constant 0 : i32
          %dma_start3A_315 = tpu.memref_slice %arg6[%arg0, %dma_start3A_313, %dma_start3A_314] : memref<2x10496x32xf32, #tpu.memory_space<hbm>> -> memref<1x10496x32xf32, #tpu.memory_space<hbm>>
          %dma_start3A_316 = tpu.memref_squeeze %dma_start3A_315 : memref<1x10496x32xf32, #tpu.memory_space<hbm>> -> memref<10496x32xf32, #tpu.memory_space<hbm>>
          %dma_start3A_317 = arith.constant 0 : i32
          %dma_start3A_318 = arith.constant 0 : i32
          %dma_start3A_319 = tpu.memref_slice %dma_start3A_316[%dma_start3A_317, %dma_start3A_318] : memref<10496x32xf32, #tpu.memory_space<hbm>> -> memref<10496x32xf32, #tpu.memory_space<hbm>>
          tpu.enqueue_indirect_dma source(%dma_start3A_319 : memref<10496x32xf32, #tpu.memory_space<hbm>>) target(%arg10 : memref<512x32xf32, #tpu.memory_space<vmem>>) offsets(%dma_start3A_312 : memref<512xi32, #tpu.memory_space<vmem>>) semaphore(%arg18 : memref<!tpu.dma_semaphore, #tpu.memory_space<semaphore_mem>>)
          %add3A_320 = arith.constant 5 : i32
          %add3A_321 = arith.addi %mul3A_191, %add3A_320 : i32
          %dma_start3A_322 = arith.constant 0 : i32
          %dma_start3A_323 = tpu.memref_slice %arg8[%add3A_321, %dma_start3A_322] : memref<20x512xi32, #tpu.memory_space<vmem>> -> memref<1x512xi32, #tpu.memory_space<vmem>>
          %dma_start3A_324 = tpu.memref_squeeze %dma_start3A_323 : memref<1x512xi32, #tpu.memory_space<vmem>> -> memref<512xi32, #tpu.memory_space<vmem>>
          %dma_start3A_325 = arith.constant 0 : i32
          %dma_start3A_326 = arith.constant 0 : i32
          %dma_start3A_327 = tpu.memref_slice %arg6[%arg0, %dma_start3A_325, %dma_start3A_326] : memref<2x10496x32xf32, #tpu.memory_space<hbm>> -> memref<1x10496x32xf32, #tpu.memory_space<hbm>>
          %dma_start3A_328 = tpu.memref_squeeze %dma_start3A_327 : memref<1x10496x32xf32, #tpu.memory_space<hbm>> -> memref<10496x32xf32, #tpu.memory_space<hbm>>
          %dma_start3A_329 = arith.constant 0 : i32
          %dma_start3A_330 = arith.constant 0 : i32
          %dma_start3A_331 = tpu.memref_slice %dma_start3A_328[%dma_start3A_329, %dma_start3A_330] : memref<10496x32xf32, #tpu.memory_space<hbm>> -> memref<10496x32xf32, #tpu.memory_space<hbm>>
          tpu.enqueue_indirect_dma source(%dma_start3A_331 : memref<10496x32xf32, #tpu.memory_space<hbm>>) target(%arg11 : memref<512x32xf32, #tpu.memory_space<vmem>>) offsets(%dma_start3A_324 : memref<512xi32, #tpu.memory_space<vmem>>) semaphore(%arg19 : memref<!tpu.dma_semaphore, #tpu.memory_space<semaphore_mem>>)
        } else {
        }
        %dma_wait3A_258 = arith.constant 0 : i32
        %dma_wait3A_259 = arith.constant 0 : i32
        %dma_wait3A_260 = tpu.memref_slice %arg8[%dma_wait3A_258, %dma_wait3A_259] : memref<20x512xi32, #tpu.memory_space<vmem>> -> memref<1x512xi32, #tpu.memory_space<vmem>>
        %dma_wait3A_261 = tpu.memref_squeeze %dma_wait3A_260 : memref<1x512xi32, #tpu.memory_space<vmem>> -> memref<512xi32, #tpu.memory_space<vmem>>
        %dma_wait3A_262 = arith.constant 0 : i32
        %dma_wait3A_263 = arith.constant 0 : i32
        %dma_wait3A_264 = tpu.memref_slice %arg6[%arg0, %dma_wait3A_262, %dma_wait3A_263] : memref<2x10496x32xf32, #tpu.memory_space<hbm>> -> memref<1x10496x32xf32, #tpu.memory_space<hbm>>
        %dma_wait3A_265 = tpu.memref_squeeze %dma_wait3A_264 : memref<1x10496x32xf32, #tpu.memory_space<hbm>> -> memref<10496x32xf32, #tpu.memory_space<hbm>>
        %dma_wait3A_266 = arith.constant 0 : i32
        %dma_wait3A_267 = arith.constant 0 : i32
        %dma_wait3A_268 = tpu.memref_slice %dma_wait3A_265[%dma_wait3A_266, %dma_wait3A_267] : memref<10496x32xf32, #tpu.memory_space<hbm>> -> memref<10496x32xf32, #tpu.memory_space<hbm>>
        tpu.wait_indirect_dma semaphore(%arg20 : memref<!tpu.dma_semaphore, #tpu.memory_space<semaphore_mem>>) src(%dma_wait3A_268 : memref<10496x32xf32, #tpu.memory_space<hbm>>) dst(%arg12 : memref<512x32xf32, #tpu.memory_space<vmem>>)
        %add3A_269 = arith.constant 2 : i32
        %add3A_270 = arith.addi %mul3A_191, %add3A_269 : i32
        %dma_start3A_271 = arith.constant 0 : i32
        %dma_start3A_272 = tpu.memref_slice %arg9[%add3A_270, %dma_start3A_271] : memref<20x512xi32, #tpu.memory_space<vmem>> -> memref<1x512xi32, #tpu.memory_space<vmem>>
        %dma_start3A_273 = tpu.memref_squeeze %dma_start3A_272 : memref<1x512xi32, #tpu.memory_space<vmem>> -> memref<512xi32, #tpu.memory_space<vmem>>
        %dma_start3A_274 = arith.constant 0 : i32
        %dma_start3A_275 = arith.constant 0 : i32
        %dma_start3A_276 = tpu.memref_slice %arg7[%dma_start3A_274, %dma_start3A_275] : memref<10496x32xf32, #tpu.memory_space<vmem_shared>> -> memref<10496x32xf32, #tpu.memory_space<vmem_shared>>
        tpu.enqueue_indirect_dma source(%arg12 : memref<512x32xf32, #tpu.memory_space<vmem>>) target(%dma_start3A_276 : memref<10496x32xf32, #tpu.memory_space<vmem_shared>>) offsets(%dma_start3A_273 : memref<512xi32, #tpu.memory_space<vmem>>) semaphore(%arg24 : memref<!tpu.dma_semaphore, #tpu.memory_space<semaphore_mem>>) {add = true}
        %dma_wait3A_277 = arith.constant 0 : i32
        %dma_wait3A_278 = arith.constant 0 : i32
        %dma_wait3A_279 = tpu.memref_slice %arg8[%dma_wait3A_277, %dma_wait3A_278] : memref<20x512xi32, #tpu.memory_space<vmem>> -> memref<1x512xi32, #tpu.memory_space<vmem>>
        %dma_wait3A_280 = tpu.memref_squeeze %dma_wait3A_279 : memref<1x512xi32, #tpu.memory_space<vmem>> -> memref<512xi32, #tpu.memory_space<vmem>>
        %dma_wait3A_281 = arith.constant 0 : i32
        %dma_wait3A_282 = arith.constant 0 : i32
        %dma_wait3A_283 = tpu.memref_slice %arg6[%arg0, %dma_wait3A_281, %dma_wait3A_282] : memref<2x10496x32xf32, #tpu.memory_space<hbm>> -> memref<1x10496x32xf32, #tpu.memory_space<hbm>>
        %dma_wait3A_284 = tpu.memref_squeeze %dma_wait3A_283 : memref<1x10496x32xf32, #tpu.memory_space<hbm>> -> memref<10496x32xf32, #tpu.memory_space<hbm>>
        %dma_wait3A_285 = arith.constant 0 : i32
        %dma_wait3A_286 = arith.constant 0 : i32
        %dma_wait3A_287 = tpu.memref_slice %dma_wait3A_284[%dma_wait3A_285, %dma_wait3A_286] : memref<10496x32xf32, #tpu.memory_space<hbm>> -> memref<10496x32xf32, #tpu.memory_space<hbm>>
        tpu.wait_indirect_dma semaphore(%arg21 : memref<!tpu.dma_semaphore, #tpu.memory_space<semaphore_mem>>) src(%dma_wait3A_287 : memref<10496x32xf32, #tpu.memory_space<hbm>>) dst(%arg13 : memref<512x32xf32, #tpu.memory_space<vmem>>)
        %add3A_288 = arith.constant 3 : i32
        %add3A_289 = arith.addi %mul3A_191, %add3A_288 : i32
        %dma_start3A_290 = arith.constant 0 : i32
        %dma_start3A_291 = tpu.memref_slice %arg9[%add3A_289, %dma_start3A_290] : memref<20x512xi32, #tpu.memory_space<vmem>> -> memref<1x512xi32, #tpu.memory_space<vmem>>
        %dma_start3A_292 = tpu.memref_squeeze %dma_start3A_291 : memref<1x512xi32, #tpu.memory_space<vmem>> -> memref<512xi32, #tpu.memory_space<vmem>>
        %dma_start3A_293 = arith.constant 0 : i32
        %dma_start3A_294 = arith.constant 0 : i32
        %dma_start3A_295 = tpu.memref_slice %arg7[%dma_start3A_293, %dma_start3A_294] : memref<10496x32xf32, #tpu.memory_space<vmem_shared>> -> memref<10496x32xf32, #tpu.memory_space<vmem_shared>>
        tpu.enqueue_indirect_dma source(%arg13 : memref<512x32xf32, #tpu.memory_space<vmem>>) target(%dma_start3A_295 : memref<10496x32xf32, #tpu.memory_space<vmem_shared>>) offsets(%dma_start3A_292 : memref<512xi32, #tpu.memory_space<vmem>>) semaphore(%arg25 : memref<!tpu.dma_semaphore, #tpu.memory_space<semaphore_mem>>) {add = true}
      }
      %scan3A_68 = arith.constant 5 : i32
      %dma_wait3A = arith.constant 0 : i32
      %dma_wait3A_69 = arith.constant 0 : i32
      %dma_wait3A_70 = tpu.memref_slice %arg9[%dma_wait3A, %dma_wait3A_69] : memref<20x512xi32, #tpu.memory_space<vmem>> -> memref<1x512xi32, #tpu.memory_space<vmem>>
      %dma_wait3A_71 = tpu.memref_squeeze %dma_wait3A_70 : memref<1x512xi32, #tpu.memory_space<vmem>> -> memref<512xi32, #tpu.memory_space<vmem>>
      %dma_wait3A_72 = arith.constant 0 : i32
      %dma_wait3A_73 = arith.constant 0 : i32
      %dma_wait3A_74 = tpu.memref_slice %arg7[%dma_wait3A_72, %dma_wait3A_73] : memref<10496x32xf32, #tpu.memory_space<vmem_shared>> -> memref<10496x32xf32, #tpu.memory_space<vmem_shared>>
      tpu.wait_indirect_dma semaphore(%arg22 : memref<!tpu.dma_semaphore, #tpu.memory_space<semaphore_mem>>) src(%arg10 : memref<512x32xf32, #tpu.memory_space<vmem>>) dst(%dma_wait3A_74 : memref<10496x32xf32, #tpu.memory_space<vmem_shared>>)
      %dma_wait3A_75 = arith.constant 0 : i32
      %dma_wait3A_76 = arith.constant 0 : i32
      %dma_wait3A_77 = tpu.memref_slice %arg9[%dma_wait3A_75, %dma_wait3A_76] : memref<20x512xi32, #tpu.memory_space<vmem>> -> memref<1x512xi32, #tpu.memory_space<vmem>>
      %dma_wait3A_78 = tpu.memref_squeeze %dma_wait3A_77 : memref<1x512xi32, #tpu.memory_space<vmem>> -> memref<512xi32, #tpu.memory_space<vmem>>
      %dma_wait3A_79 = arith.constant 0 : i32
      %dma_wait3A_80 = arith.constant 0 : i32
      %dma_wait3A_81 = tpu.memref_slice %arg7[%dma_wait3A_79, %dma_wait3A_80] : memref<10496x32xf32, #tpu.memory_space<vmem_shared>> -> memref<10496x32xf32, #tpu.memory_space<vmem_shared>>
      tpu.wait_indirect_dma semaphore(%arg23 : memref<!tpu.dma_semaphore, #tpu.memory_space<semaphore_mem>>) src(%arg11 : memref<512x32xf32, #tpu.memory_space<vmem>>) dst(%dma_wait3A_81 : memref<10496x32xf32, #tpu.memory_space<vmem_shared>>)
      %dma_wait3A_82 = arith.constant 0 : i32
      %dma_wait3A_83 = arith.constant 0 : i32
      %dma_wait3A_84 = tpu.memref_slice %arg9[%dma_wait3A_82, %dma_wait3A_83] : memref<20x512xi32, #tpu.memory_space<vmem>> -> memref<1x512xi32, #tpu.memory_space<vmem>>
      %dma_wait3A_85 = tpu.memref_squeeze %dma_wait3A_84 : memref<1x512xi32, #tpu.memory_space<vmem>> -> memref<512xi32, #tpu.memory_space<vmem>>
      %dma_wait3A_86 = arith.constant 0 : i32
      %dma_wait3A_87 = arith.constant 0 : i32
      %dma_wait3A_88 = tpu.memref_slice %arg7[%dma_wait3A_86, %dma_wait3A_87] : memref<10496x32xf32, #tpu.memory_space<vmem_shared>> -> memref<10496x32xf32, #tpu.memory_space<vmem_shared>>
      tpu.wait_indirect_dma semaphore(%arg24 : memref<!tpu.dma_semaphore, #tpu.memory_space<semaphore_mem>>) src(%arg12 : memref<512x32xf32, #tpu.memory_space<vmem>>) dst(%dma_wait3A_88 : memref<10496x32xf32, #tpu.memory_space<vmem_shared>>)
      %dma_wait3A_89 = arith.constant 0 : i32
      %dma_wait3A_90 = arith.constant 0 : i32
      %dma_wait3A_91 = tpu.memref_slice %arg9[%dma_wait3A_89, %dma_wait3A_90] : memref<20x512xi32, #tpu.memory_space<vmem>> -> memref<1x512xi32, #tpu.memory_space<vmem>>
      %dma_wait3A_92 = tpu.memref_squeeze %dma_wait3A_91 : memref<1x512xi32, #tpu.memory_space<vmem>> -> memref<512xi32, #tpu.memory_space<vmem>>
      %dma_wait3A_93 = arith.constant 0 : i32
      %dma_wait3A_94 = arith.constant 0 : i32
      %dma_wait3A_95 = tpu.memref_slice %arg7[%dma_wait3A_93, %dma_wait3A_94] : memref<10496x32xf32, #tpu.memory_space<vmem_shared>> -> memref<10496x32xf32, #tpu.memory_space<vmem_shared>>
      tpu.wait_indirect_dma semaphore(%arg25 : memref<!tpu.dma_semaphore, #tpu.memory_space<semaphore_mem>>) src(%arg13 : memref<512x32xf32, #tpu.memory_space<vmem>>) dst(%dma_wait3A_95 : memref<10496x32xf32, #tpu.memory_space<vmem_shared>>)
      %mul3A_96 = arith.constant 40 : i32
      %mul3A_97 = arith.muli %arg1, %mul3A_96 : i32
      %add3A_98 = arith.constant 20 : i32
      %add3A_99 = arith.addi %mul3A_97, %add3A_98 : i32
      "tpu.region"() ({
        %run_scoped3A = tpu.sem_alloc : memref<!tpu.dma_semaphore, #tpu.memory_space<semaphore_mem>>
        %dma_start3A_185 = arith.constant 0 : i32
        %dma_start3A_186 = tpu.memref_slice %arg4[%add3A_99, %dma_start3A_185] : memref<640x512xi32, #tpu.memory_space<hbm>> -> memref<20x512xi32, #tpu.memory_space<hbm>>
        %dma_start3A_187 = arith.constant 0 : i32
        %dma_start3A_188 = tpu.memref_slice %arg4[%add3A_99, %dma_start3A_187] : memref<640x512xi32, #tpu.memory_space<hbm>> -> memref<20x512xi32, #tpu.memory_space<hbm>>
        tpu.enqueue_dma source(%dma_start3A_188 : memref<20x512xi32, #tpu.memory_space<hbm>>) target(%arg8 : memref<20x512xi32, #tpu.memory_space<vmem>>) target_semaphore(%run_scoped3A : memref<!tpu.dma_semaphore, #tpu.memory_space<semaphore_mem>>)
        %dma_wait3A_189 = arith.constant 0 : i32
        %dma_wait3A_190 = tpu.memref_slice %arg4[%add3A_99, %dma_wait3A_189] : memref<640x512xi32, #tpu.memory_space<hbm>> -> memref<20x512xi32, #tpu.memory_space<hbm>>
        %dma_wait3A_191 = arith.constant 0 : i32
        %dma_wait3A_192 = tpu.memref_slice %arg4[%add3A_99, %dma_wait3A_191] : memref<640x512xi32, #tpu.memory_space<hbm>> -> memref<20x512xi32, #tpu.memory_space<hbm>>
        tpu.wait_dma2 semaphore(%run_scoped3A : memref<!tpu.dma_semaphore, #tpu.memory_space<semaphore_mem>>) src(%dma_wait3A_192 : memref<20x512xi32, #tpu.memory_space<hbm>>) dst(%arg8 : memref<20x512xi32, #tpu.memory_space<vmem>>)
        tpu.yield
      }) : () -> ()
      "tpu.region"() ({
        %run_scoped3A = tpu.sem_alloc : memref<!tpu.dma_semaphore, #tpu.memory_space<semaphore_mem>>
        %dma_start3A_185 = arith.constant 0 : i32
        %dma_start3A_186 = tpu.memref_slice %arg5[%add3A_99, %dma_start3A_185] : memref<640x512xi32, #tpu.memory_space<hbm>> -> memref<20x512xi32, #tpu.memory_space<hbm>>
        %dma_start3A_187 = arith.constant 0 : i32
        %dma_start3A_188 = tpu.memref_slice %arg5[%add3A_99, %dma_start3A_187] : memref<640x512xi32, #tpu.memory_space<hbm>> -> memref<20x512xi32, #tpu.memory_space<hbm>>
        tpu.enqueue_dma source(%dma_start3A_188 : memref<20x512xi32, #tpu.memory_space<hbm>>) target(%arg9 : memref<20x512xi32, #tpu.memory_space<vmem>>) target_semaphore(%run_scoped3A : memref<!tpu.dma_semaphore, #tpu.memory_space<semaphore_mem>>)
        %dma_wait3A_189 = arith.constant 0 : i32
        %dma_wait3A_190 = tpu.memref_slice %arg5[%add3A_99, %dma_wait3A_189] : memref<640x512xi32, #tpu.memory_space<hbm>> -> memref<20x512xi32, #tpu.memory_space<hbm>>
        %dma_wait3A_191 = arith.constant 0 : i32
        %dma_wait3A_192 = tpu.memref_slice %arg5[%add3A_99, %dma_wait3A_191] : memref<640x512xi32, #tpu.memory_space<hbm>> -> memref<20x512xi32, #tpu.memory_space<hbm>>
        tpu.wait_dma2 semaphore(%run_scoped3A : memref<!tpu.dma_semaphore, #tpu.memory_space<semaphore_mem>>) src(%dma_wait3A_192 : memref<20x512xi32, #tpu.memory_space<hbm>>) dst(%arg9 : memref<20x512xi32, #tpu.memory_space<vmem>>)
        tpu.yield
      }) : () -> ()
      %dma_start3A_100 = arith.constant 0 : i32
      %dma_start3A_101 = arith.constant 0 : i32
      %dma_start3A_102 = tpu.memref_slice %arg8[%dma_start3A_100, %dma_start3A_101] : memref<20x512xi32, #tpu.memory_space<vmem>> -> memref<1x512xi32, #tpu.memory_space<vmem>>
      %dma_start3A_103 = tpu.memref_squeeze %dma_start3A_102 : memref<1x512xi32, #tpu.memory_space<vmem>> -> memref<512xi32, #tpu.memory_space<vmem>>
      %dma_start3A_104 = arith.constant 0 : i32
      %dma_start3A_105 = arith.constant 0 : i32
      %dma_start3A_106 = tpu.memref_slice %arg6[%arg0, %dma_start3A_104, %dma_start3A_105] : memref<2x10496x32xf32, #tpu.memory_space<hbm>> -> memref<1x10496x32xf32, #tpu.memory_space<hbm>>
      %dma_start3A_107 = tpu.memref_squeeze %dma_start3A_106 : memref<1x10496x32xf32, #tpu.memory_space<hbm>> -> memref<10496x32xf32, #tpu.memory_space<hbm>>
      %dma_start3A_108 = arith.constant 0 : i32
      %dma_start3A_109 = arith.constant 0 : i32
      %dma_start3A_110 = tpu.memref_slice %dma_start3A_107[%dma_start3A_108, %dma_start3A_109] : memref<10496x32xf32, #tpu.memory_space<hbm>> -> memref<10496x32xf32, #tpu.memory_space<hbm>>
      tpu.enqueue_indirect_dma source(%dma_start3A_110 : memref<10496x32xf32, #tpu.memory_space<hbm>>) target(%arg10 : memref<512x32xf32, #tpu.memory_space<vmem>>) offsets(%dma_start3A_103 : memref<512xi32, #tpu.memory_space<vmem>>) semaphore(%arg18 : memref<!tpu.dma_semaphore, #tpu.memory_space<semaphore_mem>>)
      %dma_start3A_111 = arith.constant 1 : i32
      %dma_start3A_112 = arith.constant 0 : i32
      %dma_start3A_113 = tpu.memref_slice %arg8[%dma_start3A_111, %dma_start3A_112] : memref<20x512xi32, #tpu.memory_space<vmem>> -> memref<1x512xi32, #tpu.memory_space<vmem>>
      %dma_start3A_114 = tpu.memref_squeeze %dma_start3A_113 : memref<1x512xi32, #tpu.memory_space<vmem>> -> memref<512xi32, #tpu.memory_space<vmem>>
      %dma_start3A_115 = arith.constant 0 : i32
      %dma_start3A_116 = arith.constant 0 : i32
      %dma_start3A_117 = tpu.memref_slice %arg6[%arg0, %dma_start3A_115, %dma_start3A_116] : memref<2x10496x32xf32, #tpu.memory_space<hbm>> -> memref<1x10496x32xf32, #tpu.memory_space<hbm>>
      %dma_start3A_118 = tpu.memref_squeeze %dma_start3A_117 : memref<1x10496x32xf32, #tpu.memory_space<hbm>> -> memref<10496x32xf32, #tpu.memory_space<hbm>>
      %dma_start3A_119 = arith.constant 0 : i32
      %dma_start3A_120 = arith.constant 0 : i32
      %dma_start3A_121 = tpu.memref_slice %dma_start3A_118[%dma_start3A_119, %dma_start3A_120] : memref<10496x32xf32, #tpu.memory_space<hbm>> -> memref<10496x32xf32, #tpu.memory_space<hbm>>
      tpu.enqueue_indirect_dma source(%dma_start3A_121 : memref<10496x32xf32, #tpu.memory_space<hbm>>) target(%arg11 : memref<512x32xf32, #tpu.memory_space<vmem>>) offsets(%dma_start3A_114 : memref<512xi32, #tpu.memory_space<vmem>>) semaphore(%arg19 : memref<!tpu.dma_semaphore, #tpu.memory_space<semaphore_mem>>)
      %scan3A_122 = arith.constant 0 : i32
      %scan3A_123 = arith.constant 5 : i32
      %scan3A_124 = arith.addi %scan3A_122, %scan3A_123 : i32
      %scan3A_125 = arith.constant 1 : i32
      scf.for %scan3A_185 = %scan3A_122 to %scan3A_124 step %scan3A_125  : i32 {
        %mul3A_186 = arith.constant 1 : i32
        %mul3A_187 = arith.muli %scan3A_185, %mul3A_186 : i32
        %add3A_188 = arith.constant 0 : i32
        %add3A_189 = arith.addi %add3A_188, %mul3A_187 : i32
        %mul3A_190 = arith.constant 4 : i32
        %mul3A_191 = arith.muli %mul3A_190, %add3A_189 : i32
        %gt3A = arith.constant 0 : i32
        %gt3A_192 = arith.cmpi sgt, %add3A_189, %gt3A : i32
        %convert_element_type3A = arith.extui %gt3A_192 : i1 to i32
        %cond3A = arith.constant 0 : i32
        %cond3A_193 = arith.cmpi ne, %convert_element_type3A, %cond3A : i32
        scf.if %cond3A_193 {
          %dma_wait3A_296 = arith.constant 0 : i32
          %dma_wait3A_297 = arith.constant 0 : i32
          %dma_wait3A_298 = tpu.memref_slice %arg9[%dma_wait3A_296, %dma_wait3A_297] : memref<20x512xi32, #tpu.memory_space<vmem>> -> memref<1x512xi32, #tpu.memory_space<vmem>>
          %dma_wait3A_299 = tpu.memref_squeeze %dma_wait3A_298 : memref<1x512xi32, #tpu.memory_space<vmem>> -> memref<512xi32, #tpu.memory_space<vmem>>
          %dma_wait3A_300 = arith.constant 0 : i32
          %dma_wait3A_301 = arith.constant 0 : i32
          %dma_wait3A_302 = tpu.memref_slice %arg7[%dma_wait3A_300, %dma_wait3A_301] : memref<10496x32xf32, #tpu.memory_space<vmem_shared>> -> memref<10496x32xf32, #tpu.memory_space<vmem_shared>>
          tpu.wait_indirect_dma semaphore(%arg24 : memref<!tpu.dma_semaphore, #tpu.memory_space<semaphore_mem>>) src(%arg12 : memref<512x32xf32, #tpu.memory_space<vmem>>) dst(%dma_wait3A_302 : memref<10496x32xf32, #tpu.memory_space<vmem_shared>>)
          %dma_wait3A_303 = arith.constant 0 : i32
          %dma_wait3A_304 = arith.constant 0 : i32
          %dma_wait3A_305 = tpu.memref_slice %arg9[%dma_wait3A_303, %dma_wait3A_304] : memref<20x512xi32, #tpu.memory_space<vmem>> -> memref<1x512xi32, #tpu.memory_space<vmem>>
          %dma_wait3A_306 = tpu.memref_squeeze %dma_wait3A_305 : memref<1x512xi32, #tpu.memory_space<vmem>> -> memref<512xi32, #tpu.memory_space<vmem>>
          %dma_wait3A_307 = arith.constant 0 : i32
          %dma_wait3A_308 = arith.constant 0 : i32
          %dma_wait3A_309 = tpu.memref_slice %arg7[%dma_wait3A_307, %dma_wait3A_308] : memref<10496x32xf32, #tpu.memory_space<vmem_shared>> -> memref<10496x32xf32, #tpu.memory_space<vmem_shared>>
          tpu.wait_indirect_dma semaphore(%arg25 : memref<!tpu.dma_semaphore, #tpu.memory_space<semaphore_mem>>) src(%arg13 : memref<512x32xf32, #tpu.memory_space<vmem>>) dst(%dma_wait3A_309 : memref<10496x32xf32, #tpu.memory_space<vmem_shared>>)
        } else {
        }
        %add3A_194 = arith.constant 2 : i32
        %add3A_195 = arith.addi %mul3A_191, %add3A_194 : i32
        %dma_start3A_196 = arith.constant 0 : i32
        %dma_start3A_197 = tpu.memref_slice %arg8[%add3A_195, %dma_start3A_196] : memref<20x512xi32, #tpu.memory_space<vmem>> -> memref<1x512xi32, #tpu.memory_space<vmem>>
        %dma_start3A_198 = tpu.memref_squeeze %dma_start3A_197 : memref<1x512xi32, #tpu.memory_space<vmem>> -> memref<512xi32, #tpu.memory_space<vmem>>
        %dma_start3A_199 = arith.constant 0 : i32
        %dma_start3A_200 = arith.constant 0 : i32
        %dma_start3A_201 = tpu.memref_slice %arg6[%arg0, %dma_start3A_199, %dma_start3A_200] : memref<2x10496x32xf32, #tpu.memory_space<hbm>> -> memref<1x10496x32xf32, #tpu.memory_space<hbm>>
        %dma_start3A_202 = tpu.memref_squeeze %dma_start3A_201 : memref<1x10496x32xf32, #tpu.memory_space<hbm>> -> memref<10496x32xf32, #tpu.memory_space<hbm>>
        %dma_start3A_203 = arith.constant 0 : i32
        %dma_start3A_204 = arith.constant 0 : i32
        %dma_start3A_205 = tpu.memref_slice %dma_start3A_202[%dma_start3A_203, %dma_start3A_204] : memref<10496x32xf32, #tpu.memory_space<hbm>> -> memref<10496x32xf32, #tpu.memory_space<hbm>>
        tpu.enqueue_indirect_dma source(%dma_start3A_205 : memref<10496x32xf32, #tpu.memory_space<hbm>>) target(%arg12 : memref<512x32xf32, #tpu.memory_space<vmem>>) offsets(%dma_start3A_198 : memref<512xi32, #tpu.memory_space<vmem>>) semaphore(%arg20 : memref<!tpu.dma_semaphore, #tpu.memory_space<semaphore_mem>>)
        %add3A_206 = arith.constant 3 : i32
        %add3A_207 = arith.addi %mul3A_191, %add3A_206 : i32
        %dma_start3A_208 = arith.constant 0 : i32
        %dma_start3A_209 = tpu.memref_slice %arg8[%add3A_207, %dma_start3A_208] : memref<20x512xi32, #tpu.memory_space<vmem>> -> memref<1x512xi32, #tpu.memory_space<vmem>>
        %dma_start3A_210 = tpu.memref_squeeze %dma_start3A_209 : memref<1x512xi32, #tpu.memory_space<vmem>> -> memref<512xi32, #tpu.memory_space<vmem>>
        %dma_start3A_211 = arith.constant 0 : i32
        %dma_start3A_212 = arith.constant 0 : i32
        %dma_start3A_213 = tpu.memref_slice %arg6[%arg0, %dma_start3A_211, %dma_start3A_212] : memref<2x10496x32xf32, #tpu.memory_space<hbm>> -> memref<1x10496x32xf32, #tpu.memory_space<hbm>>
        %dma_start3A_214 = tpu.memref_squeeze %dma_start3A_213 : memref<1x10496x32xf32, #tpu.memory_space<hbm>> -> memref<10496x32xf32, #tpu.memory_space<hbm>>
        %dma_start3A_215 = arith.constant 0 : i32
        %dma_start3A_216 = arith.constant 0 : i32
        %dma_start3A_217 = tpu.memref_slice %dma_start3A_214[%dma_start3A_215, %dma_start3A_216] : memref<10496x32xf32, #tpu.memory_space<hbm>> -> memref<10496x32xf32, #tpu.memory_space<hbm>>
        tpu.enqueue_indirect_dma source(%dma_start3A_217 : memref<10496x32xf32, #tpu.memory_space<hbm>>) target(%arg13 : memref<512x32xf32, #tpu.memory_space<vmem>>) offsets(%dma_start3A_210 : memref<512xi32, #tpu.memory_space<vmem>>) semaphore(%arg21 : memref<!tpu.dma_semaphore, #tpu.memory_space<semaphore_mem>>)
        %dma_wait3A_218 = arith.constant 0 : i32
        %dma_wait3A_219 = arith.constant 0 : i32
        %dma_wait3A_220 = tpu.memref_slice %arg8[%dma_wait3A_218, %dma_wait3A_219] : memref<20x512xi32, #tpu.memory_space<vmem>> -> memref<1x512xi32, #tpu.memory_space<vmem>>
        %dma_wait3A_221 = tpu.memref_squeeze %dma_wait3A_220 : memref<1x512xi32, #tpu.memory_space<vmem>> -> memref<512xi32, #tpu.memory_space<vmem>>
        %dma_wait3A_222 = arith.constant 0 : i32
        %dma_wait3A_223 = arith.constant 0 : i32
        %dma_wait3A_224 = tpu.memref_slice %arg6[%arg0, %dma_wait3A_222, %dma_wait3A_223] : memref<2x10496x32xf32, #tpu.memory_space<hbm>> -> memref<1x10496x32xf32, #tpu.memory_space<hbm>>
        %dma_wait3A_225 = tpu.memref_squeeze %dma_wait3A_224 : memref<1x10496x32xf32, #tpu.memory_space<hbm>> -> memref<10496x32xf32, #tpu.memory_space<hbm>>
        %dma_wait3A_226 = arith.constant 0 : i32
        %dma_wait3A_227 = arith.constant 0 : i32
        %dma_wait3A_228 = tpu.memref_slice %dma_wait3A_225[%dma_wait3A_226, %dma_wait3A_227] : memref<10496x32xf32, #tpu.memory_space<hbm>> -> memref<10496x32xf32, #tpu.memory_space<hbm>>
        tpu.wait_indirect_dma semaphore(%arg18 : memref<!tpu.dma_semaphore, #tpu.memory_space<semaphore_mem>>) src(%dma_wait3A_228 : memref<10496x32xf32, #tpu.memory_space<hbm>>) dst(%arg10 : memref<512x32xf32, #tpu.memory_space<vmem>>)
        %dma_start3A_229 = arith.constant 0 : i32
        %dma_start3A_230 = tpu.memref_slice %arg9[%mul3A_191, %dma_start3A_229] : memref<20x512xi32, #tpu.memory_space<vmem>> -> memref<1x512xi32, #tpu.memory_space<vmem>>
        %dma_start3A_231 = tpu.memref_squeeze %dma_start3A_230 : memref<1x512xi32, #tpu.memory_space<vmem>> -> memref<512xi32, #tpu.memory_space<vmem>>
        %dma_start3A_232 = arith.constant 0 : i32
        %dma_start3A_233 = arith.constant 0 : i32
        %dma_start3A_234 = tpu.memref_slice %arg7[%dma_start3A_232, %dma_start3A_233] : memref<10496x32xf32, #tpu.memory_space<vmem_shared>> -> memref<10496x32xf32, #tpu.memory_space<vmem_shared>>
        tpu.enqueue_indirect_dma source(%arg10 : memref<512x32xf32, #tpu.memory_space<vmem>>) target(%dma_start3A_234 : memref<10496x32xf32, #tpu.memory_space<vmem_shared>>) offsets(%dma_start3A_231 : memref<512xi32, #tpu.memory_space<vmem>>) semaphore(%arg22 : memref<!tpu.dma_semaphore, #tpu.memory_space<semaphore_mem>>) {add = true}
        %dma_wait3A_235 = arith.constant 0 : i32
        %dma_wait3A_236 = arith.constant 0 : i32
        %dma_wait3A_237 = tpu.memref_slice %arg8[%dma_wait3A_235, %dma_wait3A_236] : memref<20x512xi32, #tpu.memory_space<vmem>> -> memref<1x512xi32, #tpu.memory_space<vmem>>
        %dma_wait3A_238 = tpu.memref_squeeze %dma_wait3A_237 : memref<1x512xi32, #tpu.memory_space<vmem>> -> memref<512xi32, #tpu.memory_space<vmem>>
        %dma_wait3A_239 = arith.constant 0 : i32
        %dma_wait3A_240 = arith.constant 0 : i32
        %dma_wait3A_241 = tpu.memref_slice %arg6[%arg0, %dma_wait3A_239, %dma_wait3A_240] : memref<2x10496x32xf32, #tpu.memory_space<hbm>> -> memref<1x10496x32xf32, #tpu.memory_space<hbm>>
        %dma_wait3A_242 = tpu.memref_squeeze %dma_wait3A_241 : memref<1x10496x32xf32, #tpu.memory_space<hbm>> -> memref<10496x32xf32, #tpu.memory_space<hbm>>
        %dma_wait3A_243 = arith.constant 0 : i32
        %dma_wait3A_244 = arith.constant 0 : i32
        %dma_wait3A_245 = tpu.memref_slice %dma_wait3A_242[%dma_wait3A_243, %dma_wait3A_244] : memref<10496x32xf32, #tpu.memory_space<hbm>> -> memref<10496x32xf32, #tpu.memory_space<hbm>>
        tpu.wait_indirect_dma semaphore(%arg19 : memref<!tpu.dma_semaphore, #tpu.memory_space<semaphore_mem>>) src(%dma_wait3A_245 : memref<10496x32xf32, #tpu.memory_space<hbm>>) dst(%arg11 : memref<512x32xf32, #tpu.memory_space<vmem>>)
        %add3A_246 = arith.constant 1 : i32
        %add3A_247 = arith.addi %mul3A_191, %add3A_246 : i32
        %dma_start3A_248 = arith.constant 0 : i32
        %dma_start3A_249 = tpu.memref_slice %arg9[%add3A_247, %dma_start3A_248] : memref<20x512xi32, #tpu.memory_space<vmem>> -> memref<1x512xi32, #tpu.memory_space<vmem>>
        %dma_start3A_250 = tpu.memref_squeeze %dma_start3A_249 : memref<1x512xi32, #tpu.memory_space<vmem>> -> memref<512xi32, #tpu.memory_space<vmem>>
        %dma_start3A_251 = arith.constant 0 : i32
        %dma_start3A_252 = arith.constant 0 : i32
        %dma_start3A_253 = tpu.memref_slice %arg7[%dma_start3A_251, %dma_start3A_252] : memref<10496x32xf32, #tpu.memory_space<vmem_shared>> -> memref<10496x32xf32, #tpu.memory_space<vmem_shared>>
        tpu.enqueue_indirect_dma source(%arg11 : memref<512x32xf32, #tpu.memory_space<vmem>>) target(%dma_start3A_253 : memref<10496x32xf32, #tpu.memory_space<vmem_shared>>) offsets(%dma_start3A_250 : memref<512xi32, #tpu.memory_space<vmem>>) semaphore(%arg23 : memref<!tpu.dma_semaphore, #tpu.memory_space<semaphore_mem>>) {add = true}
        %lt3A = arith.constant 4 : i32
        %lt3A_254 = arith.cmpi slt, %add3A_189, %lt3A : i32
        %convert_element_type3A_255 = arith.extui %lt3A_254 : i1 to i32
        %cond3A_256 = arith.constant 0 : i32
        %cond3A_257 = arith.cmpi ne, %convert_element_type3A_255, %cond3A_256 : i32
        scf.if %cond3A_257 {
          %dma_wait3A_296 = arith.constant 0 : i32
          %dma_wait3A_297 = tpu.memref_slice %arg9[%mul3A_191, %dma_wait3A_296] : memref<20x512xi32, #tpu.memory_space<vmem>> -> memref<1x512xi32, #tpu.memory_space<vmem>>
          %dma_wait3A_298 = tpu.memref_squeeze %dma_wait3A_297 : memref<1x512xi32, #tpu.memory_space<vmem>> -> memref<512xi32, #tpu.memory_space<vmem>>
          %dma_wait3A_299 = arith.constant 0 : i32
          %dma_wait3A_300 = arith.constant 0 : i32
          %dma_wait3A_301 = tpu.memref_slice %arg7[%dma_wait3A_299, %dma_wait3A_300] : memref<10496x32xf32, #tpu.memory_space<vmem_shared>> -> memref<10496x32xf32, #tpu.memory_space<vmem_shared>>
          tpu.wait_indirect_dma semaphore(%arg22 : memref<!tpu.dma_semaphore, #tpu.memory_space<semaphore_mem>>) src(%arg10 : memref<512x32xf32, #tpu.memory_space<vmem>>) dst(%dma_wait3A_301 : memref<10496x32xf32, #tpu.memory_space<vmem_shared>>)
          %dma_wait3A_302 = arith.constant 0 : i32
          %dma_wait3A_303 = tpu.memref_slice %arg9[%add3A_247, %dma_wait3A_302] : memref<20x512xi32, #tpu.memory_space<vmem>> -> memref<1x512xi32, #tpu.memory_space<vmem>>
          %dma_wait3A_304 = tpu.memref_squeeze %dma_wait3A_303 : memref<1x512xi32, #tpu.memory_space<vmem>> -> memref<512xi32, #tpu.memory_space<vmem>>
          %dma_wait3A_305 = arith.constant 0 : i32
          %dma_wait3A_306 = arith.constant 0 : i32
          %dma_wait3A_307 = tpu.memref_slice %arg7[%dma_wait3A_305, %dma_wait3A_306] : memref<10496x32xf32, #tpu.memory_space<vmem_shared>> -> memref<10496x32xf32, #tpu.memory_space<vmem_shared>>
          tpu.wait_indirect_dma semaphore(%arg23 : memref<!tpu.dma_semaphore, #tpu.memory_space<semaphore_mem>>) src(%arg11 : memref<512x32xf32, #tpu.memory_space<vmem>>) dst(%dma_wait3A_307 : memref<10496x32xf32, #tpu.memory_space<vmem_shared>>)
          %add3A_308 = arith.constant 4 : i32
          %add3A_309 = arith.addi %mul3A_191, %add3A_308 : i32
          %dma_start3A_310 = arith.constant 0 : i32
          %dma_start3A_311 = tpu.memref_slice %arg8[%add3A_309, %dma_start3A_310] : memref<20x512xi32, #tpu.memory_space<vmem>> -> memref<1x512xi32, #tpu.memory_space<vmem>>
          %dma_start3A_312 = tpu.memref_squeeze %dma_start3A_311 : memref<1x512xi32, #tpu.memory_space<vmem>> -> memref<512xi32, #tpu.memory_space<vmem>>
          %dma_start3A_313 = arith.constant 0 : i32
          %dma_start3A_314 = arith.constant 0 : i32
          %dma_start3A_315 = tpu.memref_slice %arg6[%arg0, %dma_start3A_313, %dma_start3A_314] : memref<2x10496x32xf32, #tpu.memory_space<hbm>> -> memref<1x10496x32xf32, #tpu.memory_space<hbm>>
          %dma_start3A_316 = tpu.memref_squeeze %dma_start3A_315 : memref<1x10496x32xf32, #tpu.memory_space<hbm>> -> memref<10496x32xf32, #tpu.memory_space<hbm>>
          %dma_start3A_317 = arith.constant 0 : i32
          %dma_start3A_318 = arith.constant 0 : i32
          %dma_start3A_319 = tpu.memref_slice %dma_start3A_316[%dma_start3A_317, %dma_start3A_318] : memref<10496x32xf32, #tpu.memory_space<hbm>> -> memref<10496x32xf32, #tpu.memory_space<hbm>>
          tpu.enqueue_indirect_dma source(%dma_start3A_319 : memref<10496x32xf32, #tpu.memory_space<hbm>>) target(%arg10 : memref<512x32xf32, #tpu.memory_space<vmem>>) offsets(%dma_start3A_312 : memref<512xi32, #tpu.memory_space<vmem>>) semaphore(%arg18 : memref<!tpu.dma_semaphore, #tpu.memory_space<semaphore_mem>>)
          %add3A_320 = arith.constant 5 : i32
          %add3A_321 = arith.addi %mul3A_191, %add3A_320 : i32
          %dma_start3A_322 = arith.constant 0 : i32
          %dma_start3A_323 = tpu.memref_slice %arg8[%add3A_321, %dma_start3A_322] : memref<20x512xi32, #tpu.memory_space<vmem>> -> memref<1x512xi32, #tpu.memory_space<vmem>>
          %dma_start3A_324 = tpu.memref_squeeze %dma_start3A_323 : memref<1x512xi32, #tpu.memory_space<vmem>> -> memref<512xi32, #tpu.memory_space<vmem>>
          %dma_start3A_325 = arith.constant 0 : i32
          %dma_start3A_326 = arith.constant 0 : i32
          %dma_start3A_327 = tpu.memref_slice %arg6[%arg0, %dma_start3A_325, %dma_start3A_326] : memref<2x10496x32xf32, #tpu.memory_space<hbm>> -> memref<1x10496x32xf32, #tpu.memory_space<hbm>>
          %dma_start3A_328 = tpu.memref_squeeze %dma_start3A_327 : memref<1x10496x32xf32, #tpu.memory_space<hbm>> -> memref<10496x32xf32, #tpu.memory_space<hbm>>
          %dma_start3A_329 = arith.constant 0 : i32
          %dma_start3A_330 = arith.constant 0 : i32
          %dma_start3A_331 = tpu.memref_slice %dma_start3A_328[%dma_start3A_329, %dma_start3A_330] : memref<10496x32xf32, #tpu.memory_space<hbm>> -> memref<10496x32xf32, #tpu.memory_space<hbm>>
          tpu.enqueue_indirect_dma source(%dma_start3A_331 : memref<10496x32xf32, #tpu.memory_space<hbm>>) target(%arg11 : memref<512x32xf32, #tpu.memory_space<vmem>>) offsets(%dma_start3A_324 : memref<512xi32, #tpu.memory_space<vmem>>) semaphore(%arg19 : memref<!tpu.dma_semaphore, #tpu.memory_space<semaphore_mem>>)
        } else {
        }
        %dma_wait3A_258 = arith.constant 0 : i32
        %dma_wait3A_259 = arith.constant 0 : i32
        %dma_wait3A_260 = tpu.memref_slice %arg8[%dma_wait3A_258, %dma_wait3A_259] : memref<20x512xi32, #tpu.memory_space<vmem>> -> memref<1x512xi32, #tpu.memory_space<vmem>>
        %dma_wait3A_261 = tpu.memref_squeeze %dma_wait3A_260 : memref<1x512xi32, #tpu.memory_space<vmem>> -> memref<512xi32, #tpu.memory_space<vmem>>
        %dma_wait3A_262 = arith.constant 0 : i32
        %dma_wait3A_263 = arith.constant 0 : i32
        %dma_wait3A_264 = tpu.memref_slice %arg6[%arg0, %dma_wait3A_262, %dma_wait3A_263] : memref<2x10496x32xf32, #tpu.memory_space<hbm>> -> memref<1x10496x32xf32, #tpu.memory_space<hbm>>
        %dma_wait3A_265 = tpu.memref_squeeze %dma_wait3A_264 : memref<1x10496x32xf32, #tpu.memory_space<hbm>> -> memref<10496x32xf32, #tpu.memory_space<hbm>>
        %dma_wait3A_266 = arith.constant 0 : i32
        %dma_wait3A_267 = arith.constant 0 : i32
        %dma_wait3A_268 = tpu.memref_slice %dma_wait3A_265[%dma_wait3A_266, %dma_wait3A_267] : memref<10496x32xf32, #tpu.memory_space<hbm>> -> memref<10496x32xf32, #tpu.memory_space<hbm>>
        tpu.wait_indirect_dma semaphore(%arg20 : memref<!tpu.dma_semaphore, #tpu.memory_space<semaphore_mem>>) src(%dma_wait3A_268 : memref<10496x32xf32, #tpu.memory_space<hbm>>) dst(%arg12 : memref<512x32xf32, #tpu.memory_space<vmem>>)
        %add3A_269 = arith.constant 2 : i32
        %add3A_270 = arith.addi %mul3A_191, %add3A_269 : i32
        %dma_start3A_271 = arith.constant 0 : i32
        %dma_start3A_272 = tpu.memref_slice %arg9[%add3A_270, %dma_start3A_271] : memref<20x512xi32, #tpu.memory_space<vmem>> -> memref<1x512xi32, #tpu.memory_space<vmem>>
        %dma_start3A_273 = tpu.memref_squeeze %dma_start3A_272 : memref<1x512xi32, #tpu.memory_space<vmem>> -> memref<512xi32, #tpu.memory_space<vmem>>
        %dma_start3A_274 = arith.constant 0 : i32
        %dma_start3A_275 = arith.constant 0 : i32
        %dma_start3A_276 = tpu.memref_slice %arg7[%dma_start3A_274, %dma_start3A_275] : memref<10496x32xf32, #tpu.memory_space<vmem_shared>> -> memref<10496x32xf32, #tpu.memory_space<vmem_shared>>
        tpu.enqueue_indirect_dma source(%arg12 : memref<512x32xf32, #tpu.memory_space<vmem>>) target(%dma_start3A_276 : memref<10496x32xf32, #tpu.memory_space<vmem_shared>>) offsets(%dma_start3A_273 : memref<512xi32, #tpu.memory_space<vmem>>) semaphore(%arg24 : memref<!tpu.dma_semaphore, #tpu.memory_space<semaphore_mem>>) {add = true}
        %dma_wait3A_277 = arith.constant 0 : i32
        %dma_wait3A_278 = arith.constant 0 : i32
        %dma_wait3A_279 = tpu.memref_slice %arg8[%dma_wait3A_277, %dma_wait3A_278] : memref<20x512xi32, #tpu.memory_space<vmem>> -> memref<1x512xi32, #tpu.memory_space<vmem>>
        %dma_wait3A_280 = tpu.memref_squeeze %dma_wait3A_279 : memref<1x512xi32, #tpu.memory_space<vmem>> -> memref<512xi32, #tpu.memory_space<vmem>>
        %dma_wait3A_281 = arith.constant 0 : i32
        %dma_wait3A_282 = arith.constant 0 : i32
        %dma_wait3A_283 = tpu.memref_slice %arg6[%arg0, %dma_wait3A_281, %dma_wait3A_282] : memref<2x10496x32xf32, #tpu.memory_space<hbm>> -> memref<1x10496x32xf32, #tpu.memory_space<hbm>>
        %dma_wait3A_284 = tpu.memref_squeeze %dma_wait3A_283 : memref<1x10496x32xf32, #tpu.memory_space<hbm>> -> memref<10496x32xf32, #tpu.memory_space<hbm>>
        %dma_wait3A_285 = arith.constant 0 : i32
        %dma_wait3A_286 = arith.constant 0 : i32
        %dma_wait3A_287 = tpu.memref_slice %dma_wait3A_284[%dma_wait3A_285, %dma_wait3A_286] : memref<10496x32xf32, #tpu.memory_space<hbm>> -> memref<10496x32xf32, #tpu.memory_space<hbm>>
        tpu.wait_indirect_dma semaphore(%arg21 : memref<!tpu.dma_semaphore, #tpu.memory_space<semaphore_mem>>) src(%dma_wait3A_287 : memref<10496x32xf32, #tpu.memory_space<hbm>>) dst(%arg13 : memref<512x32xf32, #tpu.memory_space<vmem>>)
        %add3A_288 = arith.constant 3 : i32
        %add3A_289 = arith.addi %mul3A_191, %add3A_288 : i32
        %dma_start3A_290 = arith.constant 0 : i32
        %dma_start3A_291 = tpu.memref_slice %arg9[%add3A_289, %dma_start3A_290] : memref<20x512xi32, #tpu.memory_space<vmem>> -> memref<1x512xi32, #tpu.memory_space<vmem>>
        %dma_start3A_292 = tpu.memref_squeeze %dma_start3A_291 : memref<1x512xi32, #tpu.memory_space<vmem>> -> memref<512xi32, #tpu.memory_space<vmem>>
        %dma_start3A_293 = arith.constant 0 : i32
        %dma_start3A_294 = arith.constant 0 : i32
        %dma_start3A_295 = tpu.memref_slice %arg7[%dma_start3A_293, %dma_start3A_294] : memref<10496x32xf32, #tpu.memory_space<vmem_shared>> -> memref<10496x32xf32, #tpu.memory_space<vmem_shared>>
        tpu.enqueue_indirect_dma source(%arg13 : memref<512x32xf32, #tpu.memory_space<vmem>>) target(%dma_start3A_295 : memref<10496x32xf32, #tpu.memory_space<vmem_shared>>) offsets(%dma_start3A_292 : memref<512xi32, #tpu.memory_space<vmem>>) semaphore(%arg25 : memref<!tpu.dma_semaphore, #tpu.memory_space<semaphore_mem>>) {add = true}
      }
      %scan3A_126 = arith.constant 5 : i32
      %dma_wait3A_127 = arith.constant 0 : i32
      %dma_wait3A_128 = arith.constant 0 : i32
      %dma_wait3A_129 = tpu.memref_slice %arg9[%dma_wait3A_127, %dma_wait3A_128] : memref<20x512xi32, #tpu.memory_space<vmem>> -> memref<1x512xi32, #tpu.memory_space<vmem>>
      %dma_wait3A_130 = tpu.memref_squeeze %dma_wait3A_129 : memref<1x512xi32, #tpu.memory_space<vmem>> -> memref<512xi32, #tpu.memory_space<vmem>>
      %dma_wait3A_131 = arith.constant 0 : i32
      %dma_wait3A_132 = arith.constant 0 : i32
      %dma_wait3A_133 = tpu.memref_slice %arg7[%dma_wait3A_131, %dma_wait3A_132] : memref<10496x32xf32, #tpu.memory_space<vmem_shared>> -> memref<10496x32xf32, #tpu.memory_space<vmem_shared>>
      tpu.wait_indirect_dma semaphore(%arg22 : memref<!tpu.dma_semaphore, #tpu.memory_space<semaphore_mem>>) src(%arg10 : memref<512x32xf32, #tpu.memory_space<vmem>>) dst(%dma_wait3A_133 : memref<10496x32xf32, #tpu.memory_space<vmem_shared>>)
      %dma_wait3A_134 = arith.constant 0 : i32
      %dma_wait3A_135 = arith.constant 0 : i32
      %dma_wait3A_136 = tpu.memref_slice %arg9[%dma_wait3A_134, %dma_wait3A_135] : memref<20x512xi32, #tpu.memory_space<vmem>> -> memref<1x512xi32, #tpu.memory_space<vmem>>
      %dma_wait3A_137 = tpu.memref_squeeze %dma_wait3A_136 : memref<1x512xi32, #tpu.memory_space<vmem>> -> memref<512xi32, #tpu.memory_space<vmem>>
      %dma_wait3A_138 = arith.constant 0 : i32
      %dma_wait3A_139 = arith.constant 0 : i32
      %dma_wait3A_140 = tpu.memref_slice %arg7[%dma_wait3A_138, %dma_wait3A_139] : memref<10496x32xf32, #tpu.memory_space<vmem_shared>> -> memref<10496x32xf32, #tpu.memory_space<vmem_shared>>
      tpu.wait_indirect_dma semaphore(%arg23 : memref<!tpu.dma_semaphore, #tpu.memory_space<semaphore_mem>>) src(%arg11 : memref<512x32xf32, #tpu.memory_space<vmem>>) dst(%dma_wait3A_140 : memref<10496x32xf32, #tpu.memory_space<vmem_shared>>)
      %dma_wait3A_141 = arith.constant 0 : i32
      %dma_wait3A_142 = arith.constant 0 : i32
      %dma_wait3A_143 = tpu.memref_slice %arg9[%dma_wait3A_141, %dma_wait3A_142] : memref<20x512xi32, #tpu.memory_space<vmem>> -> memref<1x512xi32, #tpu.memory_space<vmem>>
      %dma_wait3A_144 = tpu.memref_squeeze %dma_wait3A_143 : memref<1x512xi32, #tpu.memory_space<vmem>> -> memref<512xi32, #tpu.memory_space<vmem>>
      %dma_wait3A_145 = arith.constant 0 : i32
      %dma_wait3A_146 = arith.constant 0 : i32
      %dma_wait3A_147 = tpu.memref_slice %arg7[%dma_wait3A_145, %dma_wait3A_146] : memref<10496x32xf32, #tpu.memory_space<vmem_shared>> -> memref<10496x32xf32, #tpu.memory_space<vmem_shared>>
      tpu.wait_indirect_dma semaphore(%arg24 : memref<!tpu.dma_semaphore, #tpu.memory_space<semaphore_mem>>) src(%arg12 : memref<512x32xf32, #tpu.memory_space<vmem>>) dst(%dma_wait3A_147 : memref<10496x32xf32, #tpu.memory_space<vmem_shared>>)
      %dma_wait3A_148 = arith.constant 0 : i32
      %dma_wait3A_149 = arith.constant 0 : i32
      %dma_wait3A_150 = tpu.memref_slice %arg9[%dma_wait3A_148, %dma_wait3A_149] : memref<20x512xi32, #tpu.memory_space<vmem>> -> memref<1x512xi32, #tpu.memory_space<vmem>>
      %dma_wait3A_151 = tpu.memref_squeeze %dma_wait3A_150 : memref<1x512xi32, #tpu.memory_space<vmem>> -> memref<512xi32, #tpu.memory_space<vmem>>
      %dma_wait3A_152 = arith.constant 0 : i32
      %dma_wait3A_153 = arith.constant 0 : i32
      %dma_wait3A_154 = tpu.memref_slice %arg7[%dma_wait3A_152, %dma_wait3A_153] : memref<10496x32xf32, #tpu.memory_space<vmem_shared>> -> memref<10496x32xf32, #tpu.memory_space<vmem_shared>>
      tpu.wait_indirect_dma semaphore(%arg25 : memref<!tpu.dma_semaphore, #tpu.memory_space<semaphore_mem>>) src(%arg13 : memref<512x32xf32, #tpu.memory_space<vmem>>) dst(%dma_wait3A_154 : memref<10496x32xf32, #tpu.memory_space<vmem_shared>>)
      %barrier3A_155 = arith.constant 0 : index
      tpu.barrier barrier_id(%barrier3A_155)
      %add3A_156 = arith.constant 0 : i32
      %add3A_157 = arith.addi %mul3A_0, %add3A_156 : i32
      "tpu.region"() ({
        %run_scoped3A = tpu.sem_alloc : memref<!tpu.dma_semaphore, #tpu.memory_space<semaphore_mem>>
        %dma_start3A_185 = arith.constant 0 : i32
        %dma_start3A_186 = tpu.memref_slice %arg7[%add3A_157, %dma_start3A_185] : memref<10496x32xf32, #tpu.memory_space<vmem_shared>> -> memref<164x32xf32, #tpu.memory_space<vmem_shared>>
        %dma_start3A_187 = arith.constant 0 : i32
        %dma_start3A_188 = tpu.memref_slice %arg7[%add3A_157, %dma_start3A_187] : memref<10496x32xf32, #tpu.memory_space<vmem_shared>> -> memref<164x32xf32, #tpu.memory_space<vmem_shared>>
        tpu.enqueue_dma source(%dma_start3A_188 : memref<164x32xf32, #tpu.memory_space<vmem_shared>>) target(%arg14 : memref<164x32xf32, #tpu.memory_space<vmem>>) target_semaphore(%run_scoped3A : memref<!tpu.dma_semaphore, #tpu.memory_space<semaphore_mem>>)
        %dma_wait3A_189 = arith.constant 0 : i32
        %dma_wait3A_190 = tpu.memref_slice %arg7[%add3A_157, %dma_wait3A_189] : memref<10496x32xf32, #tpu.memory_space<vmem_shared>> -> memref<164x32xf32, #tpu.memory_space<vmem_shared>>
        %dma_wait3A_191 = arith.constant 0 : i32
        %dma_wait3A_192 = tpu.memref_slice %arg7[%add3A_157, %dma_wait3A_191] : memref<10496x32xf32, #tpu.memory_space<vmem_shared>> -> memref<164x32xf32, #tpu.memory_space<vmem_shared>>
        tpu.wait_dma2 semaphore(%run_scoped3A : memref<!tpu.dma_semaphore, #tpu.memory_space<semaphore_mem>>) src(%dma_wait3A_192 : memref<164x32xf32, #tpu.memory_space<vmem_shared>>) dst(%arg14 : memref<164x32xf32, #tpu.memory_space<vmem>>)
        tpu.yield
      }) : () -> ()
      "tpu.region"() ({
        %run_scoped3A = tpu.sem_alloc : memref<!tpu.dma_semaphore, #tpu.memory_space<semaphore_mem>>
        %dma_start3A_185 = arith.constant 0 : i32
        %dma_start3A_186 = tpu.memref_slice %arg6[%arg0, %add3A_157, %dma_start3A_185] : memref<2x10496x32xf32, #tpu.memory_space<hbm>> -> memref<1x164x32xf32, #tpu.memory_space<hbm>>
        %dma_start3A_187 = tpu.memref_squeeze %dma_start3A_186 : memref<1x164x32xf32, #tpu.memory_space<hbm>> -> memref<164x32xf32, #tpu.memory_space<hbm>>
        %dma_start3A_188 = arith.constant 0 : i32
        %dma_start3A_189 = tpu.memref_slice %arg6[%arg0, %add3A_157, %dma_start3A_188] : memref<2x10496x32xf32, #tpu.memory_space<hbm>> -> memref<1x164x32xf32, #tpu.memory_space<hbm>>
        %dma_start3A_190 = tpu.memref_squeeze %dma_start3A_189 : memref<1x164x32xf32, #tpu.memory_space<hbm>> -> memref<164x32xf32, #tpu.memory_space<hbm>>
        tpu.enqueue_dma source(%dma_start3A_190 : memref<164x32xf32, #tpu.memory_space<hbm>>) target(%arg15 : memref<164x32xf32, #tpu.memory_space<vmem>>) target_semaphore(%run_scoped3A : memref<!tpu.dma_semaphore, #tpu.memory_space<semaphore_mem>>)
        %dma_wait3A_191 = arith.constant 0 : i32
        %dma_wait3A_192 = tpu.memref_slice %arg6[%arg0, %add3A_157, %dma_wait3A_191] : memref<2x10496x32xf32, #tpu.memory_space<hbm>> -> memref<1x164x32xf32, #tpu.memory_space<hbm>>
        %dma_wait3A_193 = tpu.memref_squeeze %dma_wait3A_192 : memref<1x164x32xf32, #tpu.memory_space<hbm>> -> memref<164x32xf32, #tpu.memory_space<hbm>>
        %dma_wait3A_194 = arith.constant 0 : i32
        %dma_wait3A_195 = tpu.memref_slice %arg6[%arg0, %add3A_157, %dma_wait3A_194] : memref<2x10496x32xf32, #tpu.memory_space<hbm>> -> memref<1x164x32xf32, #tpu.memory_space<hbm>>
        %dma_wait3A_196 = tpu.memref_squeeze %dma_wait3A_195 : memref<1x164x32xf32, #tpu.memory_space<hbm>> -> memref<164x32xf32, #tpu.memory_space<hbm>>
        tpu.wait_dma2 semaphore(%run_scoped3A : memref<!tpu.dma_semaphore, #tpu.memory_space<semaphore_mem>>) src(%dma_wait3A_196 : memref<164x32xf32, #tpu.memory_space<hbm>>) dst(%arg15 : memref<164x32xf32, #tpu.memory_space<vmem>>)
        tpu.yield
      }) : () -> ()
      "tpu.region"() ({
        %run_scoped3A = tpu.sem_alloc : memref<!tpu.dma_semaphore, #tpu.memory_space<semaphore_mem>>
        %dma_start3A_185 = arith.constant 0 : i32
        %dma_start3A_186 = tpu.memref_slice %arg2[%arg0, %add3A_157, %dma_start3A_185] : memref<2x10496x32xf32, #tpu.memory_space<hbm>> -> memref<1x164x32xf32, #tpu.memory_space<hbm>>
        %dma_start3A_187 = tpu.memref_squeeze %dma_start3A_186 : memref<1x164x32xf32, #tpu.memory_space<hbm>> -> memref<164x32xf32, #tpu.memory_space<hbm>>
        %dma_start3A_188 = arith.constant 0 : i32
        %dma_start3A_189 = tpu.memref_slice %arg2[%arg0, %add3A_157, %dma_start3A_188] : memref<2x10496x32xf32, #tpu.memory_space<hbm>> -> memref<1x164x32xf32, #tpu.memory_space<hbm>>
        %dma_start3A_190 = tpu.memref_squeeze %dma_start3A_189 : memref<1x164x32xf32, #tpu.memory_space<hbm>> -> memref<164x32xf32, #tpu.memory_space<hbm>>
        tpu.enqueue_dma source(%dma_start3A_190 : memref<164x32xf32, #tpu.memory_space<hbm>>) target(%arg16 : memref<164x32xf32, #tpu.memory_space<vmem>>) target_semaphore(%run_scoped3A : memref<!tpu.dma_semaphore, #tpu.memory_space<semaphore_mem>>)
        %dma_wait3A_191 = arith.constant 0 : i32
        %dma_wait3A_192 = tpu.memref_slice %arg2[%arg0, %add3A_157, %dma_wait3A_191] : memref<2x10496x32xf32, #tpu.memory_space<hbm>> -> memref<1x164x32xf32, #tpu.memory_space<hbm>>
        %dma_wait3A_193 = tpu.memref_squeeze %dma_wait3A_192 : memref<1x164x32xf32, #tpu.memory_space<hbm>> -> memref<164x32xf32, #tpu.memory_space<hbm>>
        %dma_wait3A_194 = arith.constant 0 : i32
        %dma_wait3A_195 = tpu.memref_slice %arg2[%arg0, %add3A_157, %dma_wait3A_194] : memref<2x10496x32xf32, #tpu.memory_space<hbm>> -> memref<1x164x32xf32, #tpu.memory_space<hbm>>
        %dma_wait3A_196 = tpu.memref_squeeze %dma_wait3A_195 : memref<1x164x32xf32, #tpu.memory_space<hbm>> -> memref<164x32xf32, #tpu.memory_space<hbm>>
        tpu.wait_dma2 semaphore(%run_scoped3A : memref<!tpu.dma_semaphore, #tpu.memory_space<semaphore_mem>>) src(%dma_wait3A_196 : memref<164x32xf32, #tpu.memory_space<hbm>>) dst(%arg16 : memref<164x32xf32, #tpu.memory_space<vmem>>)
        tpu.yield
      }) : () -> ()
      "tpu.region"() ({
        %run_scoped3A = tpu.sem_alloc : memref<!tpu.dma_semaphore, #tpu.memory_space<semaphore_mem>>
        %dma_start3A_185 = arith.constant 0 : i32
        %dma_start3A_186 = tpu.memref_slice %arg3[%add3A_157, %dma_start3A_185] : memref<10496x16xf32, #tpu.memory_space<hbm>> -> memref<164x16xf32, #tpu.memory_space<hbm>>
        %dma_start3A_187 = arith.constant 0 : i32
        %dma_start3A_188 = tpu.memref_slice %arg3[%add3A_157, %dma_start3A_187] : memref<10496x16xf32, #tpu.memory_space<hbm>> -> memref<164x16xf32, #tpu.memory_space<hbm>>
        tpu.enqueue_dma source(%dma_start3A_188 : memref<164x16xf32, #tpu.memory_space<hbm>>) target(%arg17 : memref<164x16xf32, #tpu.memory_space<vmem>>) target_semaphore(%run_scoped3A : memref<!tpu.dma_semaphore, #tpu.memory_space<semaphore_mem>>)
        %dma_wait3A_189 = arith.constant 0 : i32
        %dma_wait3A_190 = tpu.memref_slice %arg3[%add3A_157, %dma_wait3A_189] : memref<10496x16xf32, #tpu.memory_space<hbm>> -> memref<164x16xf32, #tpu.memory_space<hbm>>
        %dma_wait3A_191 = arith.constant 0 : i32
        %dma_wait3A_192 = tpu.memref_slice %arg3[%add3A_157, %dma_wait3A_191] : memref<10496x16xf32, #tpu.memory_space<hbm>> -> memref<164x16xf32, #tpu.memory_space<hbm>>
        tpu.wait_dma2 semaphore(%run_scoped3A : memref<!tpu.dma_semaphore, #tpu.memory_space<semaphore_mem>>) src(%dma_wait3A_192 : memref<164x16xf32, #tpu.memory_space<hbm>>) dst(%arg17 : memref<164x16xf32, #tpu.memory_space<vmem>>)
        tpu.yield
      }) : () -> ()
      %scan3A_158 = arith.constant 0 : i32
      %scan3A_159 = arith.constant 164 : i32
      %scan3A_160 = arith.addi %scan3A_158, %scan3A_159 : i32
      %scan3A_161 = arith.constant 1 : i32
      scf.for %scan3A_185 = %scan3A_158 to %scan3A_160 step %scan3A_161  : i32 {
        %mul3A_186 = arith.constant 1 : i32
        %mul3A_187 = arith.muli %scan3A_185, %mul3A_186 : i32
        %add3A_188 = arith.constant 0 : i32
        %add3A_189 = arith.addi %add3A_188, %mul3A_187 : i32
        %get3A = arith.index_cast %add3A_189 : i32 to index
        %get3A_190 = arith.constant 0 : index
        %get3A_191 = tpu.vector_load %arg17[%get3A, %get3A_190] {strides = array<i32>} : memref<164x16xf32, #tpu.memory_space<vmem>>, vector<16xf32>,
        %get3A_192 = arith.index_cast %add3A_189 : i32 to index
        %get3A_193 = arith.constant 0 : index
        %get3A_194 = tpu.vector_load %arg14[%get3A_192, %get3A_193] {strides = array<i32>} : memref<164x32xf32, #tpu.memory_space<vmem>>, vector<16xf32>,
        %get3A_195 = arith.index_cast %add3A_189 : i32 to index
        %get3A_196 = arith.constant 0 : index
        %get3A_197 = tpu.vector_load %arg15[%get3A_195, %get3A_196] {strides = array<i32>} : memref<164x32xf32, #tpu.memory_space<vmem>>, vector<16xf32>,
        %add3A_198 = arith.addf %get3A_194, %get3A_197 : vector<16xf32>
        %mul3A_199 = arith.mulf %get3A_191, %add3A_198 : vector<16xf32>
        %get3A_200 = arith.index_cast %add3A_189 : i32 to index
        %get3A_201 = arith.constant 0 : index
        %get3A_202 = tpu.vector_load %arg16[%get3A_200, %get3A_201] {strides = array<i32>} : memref<164x32xf32, #tpu.memory_space<vmem>>, vector<16xf32>,
        %mul3A_203 = arith.constant 1.000000e-01 : f32
        %mul3A_204 = vector.broadcast %mul3A_203 : f32 to vector<16xf32>
        %mul3A_205 = arith.mulf %mul3A_204, %get3A_202 : vector<16xf32>
        %add3A_206 = arith.addf %mul3A_199, %mul3A_205 : vector<16xf32>
        %swap3A = arith.index_cast %add3A_189 : i32 to index
        %swap3A_207 = arith.constant 0 : index
        %swap3A_208 = tpu.vector_load %arg15[%swap3A, %swap3A_207] {strides = array<i32>} : memref<164x32xf32, #tpu.memory_space<vmem>>, vector<16xf32>,
        tpu.vector_store %arg15[%swap3A, %swap3A_207], %add3A_206 {strides = array<i32>} : memref<164x32xf32, #tpu.memory_space<vmem>>, vector<16xf32>,
        %swap3A_209 = arith.index_cast %add3A_189 : i32 to index
        %swap3A_210 = arith.constant 0 : index
        %swap3A_211 = tpu.vector_load %arg14[%swap3A_209, %swap3A_210] {strides = array<i32>} : memref<164x32xf32, #tpu.memory_space<vmem>>, vector<16xf32>,
        tpu.vector_store %arg14[%swap3A_209, %swap3A_210], %broadcast_in_dim3A_1 {strides = array<i32>} : memref<164x32xf32, #tpu.memory_space<vmem>>, vector<16xf32>,
        %get3A_212 = arith.index_cast %add3A_189 : i32 to index
        %get3A_213 = arith.constant 16 : index
        %get3A_214 = tpu.vector_load %arg14[%get3A_212, %get3A_213] {strides = array<i32>} : memref<164x32xf32, #tpu.memory_space<vmem>>, vector<16xf32>,
        %get3A_215 = arith.index_cast %add3A_189 : i32 to index
        %get3A_216 = arith.constant 16 : index
        %get3A_217 = tpu.vector_load %arg15[%get3A_215, %get3A_216] {strides = array<i32>} : memref<164x32xf32, #tpu.memory_space<vmem>>, vector<16xf32>,
        %add3A_218 = arith.addf %get3A_214, %get3A_217 : vector<16xf32>
        %mul3A_219 = arith.mulf %get3A_191, %add3A_218 : vector<16xf32>
        %get3A_220 = arith.index_cast %add3A_189 : i32 to index
        %get3A_221 = arith.constant 16 : index
        %get3A_222 = tpu.vector_load %arg16[%get3A_220, %get3A_221] {strides = array<i32>} : memref<164x32xf32, #tpu.memory_space<vmem>>, vector<16xf32>,
        %mul3A_223 = arith.constant 1.000000e-01 : f32
        %mul3A_224 = vector.broadcast %mul3A_223 : f32 to vector<16xf32>
        %mul3A_225 = arith.mulf %mul3A_224, %get3A_222 : vector<16xf32>
        %add3A_226 = arith.addf %mul3A_219, %mul3A_225 : vector<16xf32>
        %swap3A_227 = arith.index_cast %add3A_189 : i32 to index
        %swap3A_228 = arith.constant 16 : index
        %swap3A_229 = tpu.vector_load %arg15[%swap3A_227, %swap3A_228] {strides = array<i32>} : memref<164x32xf32, #tpu.memory_space<vmem>>, vector<16xf32>,
        tpu.vector_store %arg15[%swap3A_227, %swap3A_228], %add3A_226 {strides = array<i32>} : memref<164x32xf32, #tpu.memory_space<vmem>>, vector<16xf32>,
        %swap3A_230 = arith.index_cast %add3A_189 : i32 to index
        %swap3A_231 = arith.constant 16 : index
        %swap3A_232 = tpu.vector_load %arg14[%swap3A_230, %swap3A_231] {strides = array<i32>} : memref<164x32xf32, #tpu.memory_space<vmem>>, vector<16xf32>,
        tpu.vector_store %arg14[%swap3A_230, %swap3A_231], %broadcast_in_dim3A_1 {strides = array<i32>} : memref<164x32xf32, #tpu.memory_space<vmem>>, vector<16xf32>,
      }
      %scan3A_162 = arith.constant 164 : i32
      "tpu.region"() ({
        %run_scoped3A = tpu.sem_alloc : memref<!tpu.dma_semaphore, #tpu.memory_space<semaphore_mem>>
        %dma_start3A_185 = arith.constant 0 : i32
        %dma_start3A_186 = tpu.memref_slice %arg6[%arg0, %add3A_157, %dma_start3A_185] : memref<2x10496x32xf32, #tpu.memory_space<hbm>> -> memref<1x164x32xf32, #tpu.memory_space<hbm>>
        %dma_start3A_187 = tpu.memref_squeeze %dma_start3A_186 : memref<1x164x32xf32, #tpu.memory_space<hbm>> -> memref<164x32xf32, #tpu.memory_space<hbm>>
        %dma_start3A_188 = arith.constant 0 : i32
        %dma_start3A_189 = tpu.memref_slice %arg6[%arg0, %add3A_157, %dma_start3A_188] : memref<2x10496x32xf32, #tpu.memory_space<hbm>> -> memref<1x164x32xf32, #tpu.memory_space<hbm>>
        %dma_start3A_190 = tpu.memref_squeeze %dma_start3A_189 : memref<1x164x32xf32, #tpu.memory_space<hbm>> -> memref<164x32xf32, #tpu.memory_space<hbm>>
        tpu.enqueue_dma source(%arg15 : memref<164x32xf32, #tpu.memory_space<vmem>>) target(%dma_start3A_190 : memref<164x32xf32, #tpu.memory_space<hbm>>) target_semaphore(%run_scoped3A : memref<!tpu.dma_semaphore, #tpu.memory_space<semaphore_mem>>)
        %dma_wait3A_191 = arith.constant 0 : i32
        %dma_wait3A_192 = tpu.memref_slice %arg6[%arg0, %add3A_157, %dma_wait3A_191] : memref<2x10496x32xf32, #tpu.memory_space<hbm>> -> memref<1x164x32xf32, #tpu.memory_space<hbm>>
        %dma_wait3A_193 = tpu.memref_squeeze %dma_wait3A_192 : memref<1x164x32xf32, #tpu.memory_space<hbm>> -> memref<164x32xf32, #tpu.memory_space<hbm>>
        %dma_wait3A_194 = arith.constant 0 : i32
        %dma_wait3A_195 = tpu.memref_slice %arg6[%arg0, %add3A_157, %dma_wait3A_194] : memref<2x10496x32xf32, #tpu.memory_space<hbm>> -> memref<1x164x32xf32, #tpu.memory_space<hbm>>
        %dma_wait3A_196 = tpu.memref_squeeze %dma_wait3A_195 : memref<1x164x32xf32, #tpu.memory_space<hbm>> -> memref<164x32xf32, #tpu.memory_space<hbm>>
        tpu.wait_dma2 semaphore(%run_scoped3A : memref<!tpu.dma_semaphore, #tpu.memory_space<semaphore_mem>>) src(%arg15 : memref<164x32xf32, #tpu.memory_space<vmem>>) dst(%dma_wait3A_196 : memref<164x32xf32, #tpu.memory_space<hbm>>)
        tpu.yield
      }) : () -> ()
      "tpu.region"() ({
        %run_scoped3A = tpu.sem_alloc : memref<!tpu.dma_semaphore, #tpu.memory_space<semaphore_mem>>
        %dma_start3A_185 = arith.constant 0 : i32
        %dma_start3A_186 = tpu.memref_slice %arg7[%add3A_157, %dma_start3A_185] : memref<10496x32xf32, #tpu.memory_space<vmem_shared>> -> memref<164x32xf32, #tpu.memory_space<vmem_shared>>
        %dma_start3A_187 = arith.constant 0 : i32
        %dma_start3A_188 = tpu.memref_slice %arg7[%add3A_157, %dma_start3A_187] : memref<10496x32xf32, #tpu.memory_space<vmem_shared>> -> memref<164x32xf32, #tpu.memory_space<vmem_shared>>
        tpu.enqueue_dma source(%arg14 : memref<164x32xf32, #tpu.memory_space<vmem>>) target(%dma_start3A_188 : memref<164x32xf32, #tpu.memory_space<vmem_shared>>) target_semaphore(%run_scoped3A : memref<!tpu.dma_semaphore, #tpu.memory_space<semaphore_mem>>)
        %dma_wait3A_189 = arith.constant 0 : i32
        %dma_wait3A_190 = tpu.memref_slice %arg7[%add3A_157, %dma_wait3A_189] : memref<10496x32xf32, #tpu.memory_space<vmem_shared>> -> memref<164x32xf32, #tpu.memory_space<vmem_shared>>
        %dma_wait3A_191 = arith.constant 0 : i32
        %dma_wait3A_192 = tpu.memref_slice %arg7[%add3A_157, %dma_wait3A_191] : memref<10496x32xf32, #tpu.memory_space<vmem_shared>> -> memref<164x32xf32, #tpu.memory_space<vmem_shared>>
        tpu.wait_dma2 semaphore(%run_scoped3A : memref<!tpu.dma_semaphore, #tpu.memory_space<semaphore_mem>>) src(%arg14 : memref<164x32xf32, #tpu.memory_space<vmem>>) dst(%dma_wait3A_192 : memref<164x32xf32, #tpu.memory_space<vmem_shared>>)
        tpu.yield
      }) : () -> ()
      %add3A_163 = arith.constant 164 : i32
      %add3A_164 = arith.addi %mul3A_0, %add3A_163 : i32
      "tpu.region"() ({
        %run_scoped3A = tpu.sem_alloc : memref<!tpu.dma_semaphore, #tpu.memory_space<semaphore_mem>>
        %dma_start3A_185 = arith.constant 0 : i32
        %dma_start3A_186 = tpu.memref_slice %arg7[%add3A_164, %dma_start3A_185] : memref<10496x32xf32, #tpu.memory_space<vmem_shared>> -> memref<164x32xf32, #tpu.memory_space<vmem_shared>>
        %dma_start3A_187 = arith.constant 0 : i32
        %dma_start3A_188 = tpu.memref_slice %arg7[%add3A_164, %dma_start3A_187] : memref<10496x32xf32, #tpu.memory_space<vmem_shared>> -> memref<164x32xf32, #tpu.memory_space<vmem_shared>>
        tpu.enqueue_dma source(%dma_start3A_188 : memref<164x32xf32, #tpu.memory_space<vmem_shared>>) target(%arg14 : memref<164x32xf32, #tpu.memory_space<vmem>>) target_semaphore(%run_scoped3A : memref<!tpu.dma_semaphore, #tpu.memory_space<semaphore_mem>>)
        %dma_wait3A_189 = arith.constant 0 : i32
        %dma_wait3A_190 = tpu.memref_slice %arg7[%add3A_164, %dma_wait3A_189] : memref<10496x32xf32, #tpu.memory_space<vmem_shared>> -> memref<164x32xf32, #tpu.memory_space<vmem_shared>>
        %dma_wait3A_191 = arith.constant 0 : i32
        %dma_wait3A_192 = tpu.memref_slice %arg7[%add3A_164, %dma_wait3A_191] : memref<10496x32xf32, #tpu.memory_space<vmem_shared>> -> memref<164x32xf32, #tpu.memory_space<vmem_shared>>
        tpu.wait_dma2 semaphore(%run_scoped3A : memref<!tpu.dma_semaphore, #tpu.memory_space<semaphore_mem>>) src(%dma_wait3A_192 : memref<164x32xf32, #tpu.memory_space<vmem_shared>>) dst(%arg14 : memref<164x32xf32, #tpu.memory_space<vmem>>)
        tpu.yield
      }) : () -> ()
      "tpu.region"() ({
        %run_scoped3A = tpu.sem_alloc : memref<!tpu.dma_semaphore, #tpu.memory_space<semaphore_mem>>
        %dma_start3A_185 = arith.constant 0 : i32
        %dma_start3A_186 = tpu.memref_slice %arg6[%arg0, %add3A_164, %dma_start3A_185] : memref<2x10496x32xf32, #tpu.memory_space<hbm>> -> memref<1x164x32xf32, #tpu.memory_space<hbm>>
        %dma_start3A_187 = tpu.memref_squeeze %dma_start3A_186 : memref<1x164x32xf32, #tpu.memory_space<hbm>> -> memref<164x32xf32, #tpu.memory_space<hbm>>
        %dma_start3A_188 = arith.constant 0 : i32
        %dma_start3A_189 = tpu.memref_slice %arg6[%arg0, %add3A_164, %dma_start3A_188] : memref<2x10496x32xf32, #tpu.memory_space<hbm>> -> memref<1x164x32xf32, #tpu.memory_space<hbm>>
        %dma_start3A_190 = tpu.memref_squeeze %dma_start3A_189 : memref<1x164x32xf32, #tpu.memory_space<hbm>> -> memref<164x32xf32, #tpu.memory_space<hbm>>
        tpu.enqueue_dma source(%dma_start3A_190 : memref<164x32xf32, #tpu.memory_space<hbm>>) target(%arg15 : memref<164x32xf32, #tpu.memory_space<vmem>>) target_semaphore(%run_scoped3A : memref<!tpu.dma_semaphore, #tpu.memory_space<semaphore_mem>>)
        %dma_wait3A_191 = arith.constant 0 : i32
        %dma_wait3A_192 = tpu.memref_slice %arg6[%arg0, %add3A_164, %dma_wait3A_191] : memref<2x10496x32xf32, #tpu.memory_space<hbm>> -> memref<1x164x32xf32, #tpu.memory_space<hbm>>
        %dma_wait3A_193 = tpu.memref_squeeze %dma_wait3A_192 : memref<1x164x32xf32, #tpu.memory_space<hbm>> -> memref<164x32xf32, #tpu.memory_space<hbm>>
        %dma_wait3A_194 = arith.constant 0 : i32
        %dma_wait3A_195 = tpu.memref_slice %arg6[%arg0, %add3A_164, %dma_wait3A_194] : memref<2x10496x32xf32, #tpu.memory_space<hbm>> -> memref<1x164x32xf32, #tpu.memory_space<hbm>>
        %dma_wait3A_196 = tpu.memref_squeeze %dma_wait3A_195 : memref<1x164x32xf32, #tpu.memory_space<hbm>> -> memref<164x32xf32, #tpu.memory_space<hbm>>
        tpu.wait_dma2 semaphore(%run_scoped3A : memref<!tpu.dma_semaphore, #tpu.memory_space<semaphore_mem>>) src(%dma_wait3A_196 : memref<164x32xf32, #tpu.memory_space<hbm>>) dst(%arg15 : memref<164x32xf32, #tpu.memory_space<vmem>>)
        tpu.yield
      }) : () -> ()
      "tpu.region"() ({
        %run_scoped3A = tpu.sem_alloc : memref<!tpu.dma_semaphore, #tpu.memory_space<semaphore_mem>>
        %dma_start3A_185 = arith.constant 0 : i32
        %dma_start3A_186 = tpu.memref_slice %arg2[%arg0, %add3A_164, %dma_start3A_185] : memref<2x10496x32xf32, #tpu.memory_space<hbm>> -> memref<1x164x32xf32, #tpu.memory_space<hbm>>
        %dma_start3A_187 = tpu.memref_squeeze %dma_start3A_186 : memref<1x164x32xf32, #tpu.memory_space<hbm>> -> memref<164x32xf32, #tpu.memory_space<hbm>>
        %dma_start3A_188 = arith.constant 0 : i32
        %dma_start3A_189 = tpu.memref_slice %arg2[%arg0, %add3A_164, %dma_start3A_188] : memref<2x10496x32xf32, #tpu.memory_space<hbm>> -> memref<1x164x32xf32, #tpu.memory_space<hbm>>
        %dma_start3A_190 = tpu.memref_squeeze %dma_start3A_189 : memref<1x164x32xf32, #tpu.memory_space<hbm>> -> memref<164x32xf32, #tpu.memory_space<hbm>>
        tpu.enqueue_dma source(%dma_start3A_190 : memref<164x32xf32, #tpu.memory_space<hbm>>) target(%arg16 : memref<164x32xf32, #tpu.memory_space<vmem>>) target_semaphore(%run_scoped3A : memref<!tpu.dma_semaphore, #tpu.memory_space<semaphore_mem>>)
        %dma_wait3A_191 = arith.constant 0 : i32
        %dma_wait3A_192 = tpu.memref_slice %arg2[%arg0, %add3A_164, %dma_wait3A_191] : memref<2x10496x32xf32, #tpu.memory_space<hbm>> -> memref<1x164x32xf32, #tpu.memory_space<hbm>>
        %dma_wait3A_193 = tpu.memref_squeeze %dma_wait3A_192 : memref<1x164x32xf32, #tpu.memory_space<hbm>> -> memref<164x32xf32, #tpu.memory_space<hbm>>
        %dma_wait3A_194 = arith.constant 0 : i32
        %dma_wait3A_195 = tpu.memref_slice %arg2[%arg0, %add3A_164, %dma_wait3A_194] : memref<2x10496x32xf32, #tpu.memory_space<hbm>> -> memref<1x164x32xf32, #tpu.memory_space<hbm>>
        %dma_wait3A_196 = tpu.memref_squeeze %dma_wait3A_195 : memref<1x164x32xf32, #tpu.memory_space<hbm>> -> memref<164x32xf32, #tpu.memory_space<hbm>>
        tpu.wait_dma2 semaphore(%run_scoped3A : memref<!tpu.dma_semaphore, #tpu.memory_space<semaphore_mem>>) src(%dma_wait3A_196 : memref<164x32xf32, #tpu.memory_space<hbm>>) dst(%arg16 : memref<164x32xf32, #tpu.memory_space<vmem>>)
        tpu.yield
      }) : () -> ()
      "tpu.region"() ({
        %run_scoped3A = tpu.sem_alloc : memref<!tpu.dma_semaphore, #tpu.memory_space<semaphore_mem>>
        %dma_start3A_185 = arith.constant 0 : i32
        %dma_start3A_186 = tpu.memref_slice %arg3[%add3A_164, %dma_start3A_185] : memref<10496x16xf32, #tpu.memory_space<hbm>> -> memref<164x16xf32, #tpu.memory_space<hbm>>
        %dma_start3A_187 = arith.constant 0 : i32
        %dma_start3A_188 = tpu.memref_slice %arg3[%add3A_164, %dma_start3A_187] : memref<10496x16xf32, #tpu.memory_space<hbm>> -> memref<164x16xf32, #tpu.memory_space<hbm>>
        tpu.enqueue_dma source(%dma_start3A_188 : memref<164x16xf32, #tpu.memory_space<hbm>>) target(%arg17 : memref<164x16xf32, #tpu.memory_space<vmem>>) target_semaphore(%run_scoped3A : memref<!tpu.dma_semaphore, #tpu.memory_space<semaphore_mem>>)
        %dma_wait3A_189 = arith.constant 0 : i32
        %dma_wait3A_190 = tpu.memref_slice %arg3[%add3A_164, %dma_wait3A_189] : memref<10496x16xf32, #tpu.memory_space<hbm>> -> memref<164x16xf32, #tpu.memory_space<hbm>>
        %dma_wait3A_191 = arith.constant 0 : i32
        %dma_wait3A_192 = tpu.memref_slice %arg3[%add3A_164, %dma_wait3A_191] : memref<10496x16xf32, #tpu.memory_space<hbm>> -> memref<164x16xf32, #tpu.memory_space<hbm>>
        tpu.wait_dma2 semaphore(%run_scoped3A : memref<!tpu.dma_semaphore, #tpu.memory_space<semaphore_mem>>) src(%dma_wait3A_192 : memref<164x16xf32, #tpu.memory_space<hbm>>) dst(%arg17 : memref<164x16xf32, #tpu.memory_space<vmem>>)
        tpu.yield
      }) : () -> ()
      %scan3A_165 = arith.constant 0 : i32
      %scan3A_166 = arith.constant 164 : i32
      %scan3A_167 = arith.addi %scan3A_165, %scan3A_166 : i32
      %scan3A_168 = arith.constant 1 : i32
      scf.for %scan3A_185 = %scan3A_165 to %scan3A_167 step %scan3A_168  : i32 {
        %mul3A_186 = arith.constant 1 : i32
        %mul3A_187 = arith.muli %scan3A_185, %mul3A_186 : i32
        %add3A_188 = arith.constant 0 : i32
        %add3A_189 = arith.addi %add3A_188, %mul3A_187 : i32
        %get3A = arith.index_cast %add3A_189 : i32 to index
        %get3A_190 = arith.constant 0 : index
        %get3A_191 = tpu.vector_load %arg17[%get3A, %get3A_190] {strides = array<i32>} : memref<164x16xf32, #tpu.memory_space<vmem>>, vector<16xf32>,
        %get3A_192 = arith.index_cast %add3A_189 : i32 to index
        %get3A_193 = arith.constant 0 : index
        %get3A_194 = tpu.vector_load %arg14[%get3A_192, %get3A_193] {strides = array<i32>} : memref<164x32xf32, #tpu.memory_space<vmem>>, vector<16xf32>,
        %get3A_195 = arith.index_cast %add3A_189 : i32 to index
        %get3A_196 = arith.constant 0 : index
        %get3A_197 = tpu.vector_load %arg15[%get3A_195, %get3A_196] {strides = array<i32>} : memref<164x32xf32, #tpu.memory_space<vmem>>, vector<16xf32>,
        %add3A_198 = arith.addf %get3A_194, %get3A_197 : vector<16xf32>
        %mul3A_199 = arith.mulf %get3A_191, %add3A_198 : vector<16xf32>
        %get3A_200 = arith.index_cast %add3A_189 : i32 to index
        %get3A_201 = arith.constant 0 : index
        %get3A_202 = tpu.vector_load %arg16[%get3A_200, %get3A_201] {strides = array<i32>} : memref<164x32xf32, #tpu.memory_space<vmem>>, vector<16xf32>,
        %mul3A_203 = arith.constant 1.000000e-01 : f32
        %mul3A_204 = vector.broadcast %mul3A_203 : f32 to vector<16xf32>
        %mul3A_205 = arith.mulf %mul3A_204, %get3A_202 : vector<16xf32>
        %add3A_206 = arith.addf %mul3A_199, %mul3A_205 : vector<16xf32>
        %swap3A = arith.index_cast %add3A_189 : i32 to index
        %swap3A_207 = arith.constant 0 : index
        %swap3A_208 = tpu.vector_load %arg15[%swap3A, %swap3A_207] {strides = array<i32>} : memref<164x32xf32, #tpu.memory_space<vmem>>, vector<16xf32>,
        tpu.vector_store %arg15[%swap3A, %swap3A_207], %add3A_206 {strides = array<i32>} : memref<164x32xf32, #tpu.memory_space<vmem>>, vector<16xf32>,
        %swap3A_209 = arith.index_cast %add3A_189 : i32 to index
        %swap3A_210 = arith.constant 0 : index
        %swap3A_211 = tpu.vector_load %arg14[%swap3A_209, %swap3A_210] {strides = array<i32>} : memref<164x32xf32, #tpu.memory_space<vmem>>, vector<16xf32>,
        tpu.vector_store %arg14[%swap3A_209, %swap3A_210], %broadcast_in_dim3A_1 {strides = array<i32>} : memref<164x32xf32, #tpu.memory_space<vmem>>, vector<16xf32>,
        %get3A_212 = arith.index_cast %add3A_189 : i32 to index
        %get3A_213 = arith.constant 16 : index
        %get3A_214 = tpu.vector_load %arg14[%get3A_212, %get3A_213] {strides = array<i32>} : memref<164x32xf32, #tpu.memory_space<vmem>>, vector<16xf32>,
        %get3A_215 = arith.index_cast %add3A_189 : i32 to index
        %get3A_216 = arith.constant 16 : index
        %get3A_217 = tpu.vector_load %arg15[%get3A_215, %get3A_216] {strides = array<i32>} : memref<164x32xf32, #tpu.memory_space<vmem>>, vector<16xf32>,
        %add3A_218 = arith.addf %get3A_214, %get3A_217 : vector<16xf32>
        %mul3A_219 = arith.mulf %get3A_191, %add3A_218 : vector<16xf32>
        %get3A_220 = arith.index_cast %add3A_189 : i32 to index
        %get3A_221 = arith.constant 16 : index
        %get3A_222 = tpu.vector_load %arg16[%get3A_220, %get3A_221] {strides = array<i32>} : memref<164x32xf32, #tpu.memory_space<vmem>>, vector<16xf32>,
        %mul3A_223 = arith.constant 1.000000e-01 : f32
        %mul3A_224 = vector.broadcast %mul3A_223 : f32 to vector<16xf32>
        %mul3A_225 = arith.mulf %mul3A_224, %get3A_222 : vector<16xf32>
        %add3A_226 = arith.addf %mul3A_219, %mul3A_225 : vector<16xf32>
        %swap3A_227 = arith.index_cast %add3A_189 : i32 to index
        %swap3A_228 = arith.constant 16 : index
        %swap3A_229 = tpu.vector_load %arg15[%swap3A_227, %swap3A_228] {strides = array<i32>} : memref<164x32xf32, #tpu.memory_space<vmem>>, vector<16xf32>,
        tpu.vector_store %arg15[%swap3A_227, %swap3A_228], %add3A_226 {strides = array<i32>} : memref<164x32xf32, #tpu.memory_space<vmem>>, vector<16xf32>,
        %swap3A_230 = arith.index_cast %add3A_189 : i32 to index
        %swap3A_231 = arith.constant 16 : index
        %swap3A_232 = tpu.vector_load %arg14[%swap3A_230, %swap3A_231] {strides = array<i32>} : memref<164x32xf32, #tpu.memory_space<vmem>>, vector<16xf32>,
        tpu.vector_store %arg14[%swap3A_230, %swap3A_231], %broadcast_in_dim3A_1 {strides = array<i32>} : memref<164x32xf32, #tpu.memory_space<vmem>>, vector<16xf32>,
      }
      %scan3A_169 = arith.constant 164 : i32
      "tpu.region"() ({
        %run_scoped3A = tpu.sem_alloc : memref<!tpu.dma_semaphore, #tpu.memory_space<semaphore_mem>>
        %dma_start3A_185 = arith.constant 0 : i32
        %dma_start3A_186 = tpu.memref_slice %arg6[%arg0, %add3A_164, %dma_start3A_185] : memref<2x10496x32xf32, #tpu.memory_space<hbm>> -> memref<1x164x32xf32, #tpu.memory_space<hbm>>
        %dma_start3A_187 = tpu.memref_squeeze %dma_start3A_186 : memref<1x164x32xf32, #tpu.memory_space<hbm>> -> memref<164x32xf32, #tpu.memory_space<hbm>>
        %dma_start3A_188 = arith.constant 0 : i32
        %dma_start3A_189 = tpu.memref_slice %arg6[%arg0, %add3A_164, %dma_start3A_188] : memref<2x10496x32xf32, #tpu.memory_space<hbm>> -> memref<1x164x32xf32, #tpu.memory_space<hbm>>
        %dma_start3A_190 = tpu.memref_squeeze %dma_start3A_189 : memref<1x164x32xf32, #tpu.memory_space<hbm>> -> memref<164x32xf32, #tpu.memory_space<hbm>>
        tpu.enqueue_dma source(%arg15 : memref<164x32xf32, #tpu.memory_space<vmem>>) target(%dma_start3A_190 : memref<164x32xf32, #tpu.memory_space<hbm>>) target_semaphore(%run_scoped3A : memref<!tpu.dma_semaphore, #tpu.memory_space<semaphore_mem>>)
        %dma_wait3A_191 = arith.constant 0 : i32
        %dma_wait3A_192 = tpu.memref_slice %arg6[%arg0, %add3A_164, %dma_wait3A_191] : memref<2x10496x32xf32, #tpu.memory_space<hbm>> -> memref<1x164x32xf32, #tpu.memory_space<hbm>>
        %dma_wait3A_193 = tpu.memref_squeeze %dma_wait3A_192 : memref<1x164x32xf32, #tpu.memory_space<hbm>> -> memref<164x32xf32, #tpu.memory_space<hbm>>
        %dma_wait3A_194 = arith.constant 0 : i32
        %dma_wait3A_195 = tpu.memref_slice %arg6[%arg0, %add3A_164, %dma_wait3A_194] : memref<2x10496x32xf32, #tpu.memory_space<hbm>> -> memref<1x164x32xf32, #tpu.memory_space<hbm>>
        %dma_wait3A_196 = tpu.memref_squeeze %dma_wait3A_195 : memref<1x164x32xf32, #tpu.memory_space<hbm>> -> memref<164x32xf32, #tpu.memory_space<hbm>>
        tpu.wait_dma2 semaphore(%run_scoped3A : memref<!tpu.dma_semaphore, #tpu.memory_space<semaphore_mem>>) src(%arg15 : memref<164x32xf32, #tpu.memory_space<vmem>>) dst(%dma_wait3A_196 : memref<164x32xf32, #tpu.memory_space<hbm>>)
        tpu.yield
      }) : () -> ()
      "tpu.region"() ({
        %run_scoped3A = tpu.sem_alloc : memref<!tpu.dma_semaphore, #tpu.memory_space<semaphore_mem>>
        %dma_start3A_185 = arith.constant 0 : i32
        %dma_start3A_186 = tpu.memref_slice %arg7[%add3A_164, %dma_start3A_185] : memref<10496x32xf32, #tpu.memory_space<vmem_shared>> -> memref<164x32xf32, #tpu.memory_space<vmem_shared>>
        %dma_start3A_187 = arith.constant 0 : i32
        %dma_start3A_188 = tpu.memref_slice %arg7[%add3A_164, %dma_start3A_187] : memref<10496x32xf32, #tpu.memory_space<vmem_shared>> -> memref<164x32xf32, #tpu.memory_space<vmem_shared>>
        tpu.enqueue_dma source(%arg14 : memref<164x32xf32, #tpu.memory_space<vmem>>) target(%dma_start3A_188 : memref<164x32xf32, #tpu.memory_space<vmem_shared>>) target_semaphore(%run_scoped3A : memref<!tpu.dma_semaphore, #tpu.memory_space<semaphore_mem>>)
        %dma_wait3A_189 = arith.constant 0 : i32
        %dma_wait3A_190 = tpu.memref_slice %arg7[%add3A_164, %dma_wait3A_189] : memref<10496x32xf32, #tpu.memory_space<vmem_shared>> -> memref<164x32xf32, #tpu.memory_space<vmem_shared>>
        %dma_wait3A_191 = arith.constant 0 : i32
        %dma_wait3A_192 = tpu.memref_slice %arg7[%add3A_164, %dma_wait3A_191] : memref<10496x32xf32, #tpu.memory_space<vmem_shared>> -> memref<164x32xf32, #tpu.memory_space<vmem_shared>>
        tpu.wait_dma2 semaphore(%run_scoped3A : memref<!tpu.dma_semaphore, #tpu.memory_space<semaphore_mem>>) src(%arg14 : memref<164x32xf32, #tpu.memory_space<vmem>>) dst(%dma_wait3A_192 : memref<164x32xf32, #tpu.memory_space<vmem_shared>>)
        tpu.yield
      }) : () -> ()
      %add3A_170 = arith.constant 328 : i32
      %add3A_171 = arith.addi %mul3A_0, %add3A_170 : i32
      "tpu.region"() ({
        %run_scoped3A = tpu.sem_alloc : memref<!tpu.dma_semaphore, #tpu.memory_space<semaphore_mem>>
        %dma_start3A_185 = arith.constant 0 : i32
        %dma_start3A_186 = tpu.memref_slice %arg7[%add3A_171, %dma_start3A_185] : memref<10496x32xf32, #tpu.memory_space<vmem_shared>> -> memref<164x32xf32, #tpu.memory_space<vmem_shared>>
        %dma_start3A_187 = arith.constant 0 : i32
        %dma_start3A_188 = tpu.memref_slice %arg7[%add3A_171, %dma_start3A_187] : memref<10496x32xf32, #tpu.memory_space<vmem_shared>> -> memref<164x32xf32, #tpu.memory_space<vmem_shared>>
        tpu.enqueue_dma source(%dma_start3A_188 : memref<164x32xf32, #tpu.memory_space<vmem_shared>>) target(%arg14 : memref<164x32xf32, #tpu.memory_space<vmem>>) target_semaphore(%run_scoped3A : memref<!tpu.dma_semaphore, #tpu.memory_space<semaphore_mem>>)
        %dma_wait3A_189 = arith.constant 0 : i32
        %dma_wait3A_190 = tpu.memref_slice %arg7[%add3A_171, %dma_wait3A_189] : memref<10496x32xf32, #tpu.memory_space<vmem_shared>> -> memref<164x32xf32, #tpu.memory_space<vmem_shared>>
        %dma_wait3A_191 = arith.constant 0 : i32
        %dma_wait3A_192 = tpu.memref_slice %arg7[%add3A_171, %dma_wait3A_191] : memref<10496x32xf32, #tpu.memory_space<vmem_shared>> -> memref<164x32xf32, #tpu.memory_space<vmem_shared>>
        tpu.wait_dma2 semaphore(%run_scoped3A : memref<!tpu.dma_semaphore, #tpu.memory_space<semaphore_mem>>) src(%dma_wait3A_192 : memref<164x32xf32, #tpu.memory_space<vmem_shared>>) dst(%arg14 : memref<164x32xf32, #tpu.memory_space<vmem>>)
        tpu.yield
      }) : () -> ()
      "tpu.region"() ({
        %run_scoped3A = tpu.sem_alloc : memref<!tpu.dma_semaphore, #tpu.memory_space<semaphore_mem>>
        %dma_start3A_185 = arith.constant 0 : i32
        %dma_start3A_186 = tpu.memref_slice %arg6[%arg0, %add3A_171, %dma_start3A_185] : memref<2x10496x32xf32, #tpu.memory_space<hbm>> -> memref<1x164x32xf32, #tpu.memory_space<hbm>>
        %dma_start3A_187 = tpu.memref_squeeze %dma_start3A_186 : memref<1x164x32xf32, #tpu.memory_space<hbm>> -> memref<164x32xf32, #tpu.memory_space<hbm>>
        %dma_start3A_188 = arith.constant 0 : i32
        %dma_start3A_189 = tpu.memref_slice %arg6[%arg0, %add3A_171, %dma_start3A_188] : memref<2x10496x32xf32, #tpu.memory_space<hbm>> -> memref<1x164x32xf32, #tpu.memory_space<hbm>>
        %dma_start3A_190 = tpu.memref_squeeze %dma_start3A_189 : memref<1x164x32xf32, #tpu.memory_space<hbm>> -> memref<164x32xf32, #tpu.memory_space<hbm>>
        tpu.enqueue_dma source(%dma_start3A_190 : memref<164x32xf32, #tpu.memory_space<hbm>>) target(%arg15 : memref<164x32xf32, #tpu.memory_space<vmem>>) target_semaphore(%run_scoped3A : memref<!tpu.dma_semaphore, #tpu.memory_space<semaphore_mem>>)
        %dma_wait3A_191 = arith.constant 0 : i32
        %dma_wait3A_192 = tpu.memref_slice %arg6[%arg0, %add3A_171, %dma_wait3A_191] : memref<2x10496x32xf32, #tpu.memory_space<hbm>> -> memref<1x164x32xf32, #tpu.memory_space<hbm>>
        %dma_wait3A_193 = tpu.memref_squeeze %dma_wait3A_192 : memref<1x164x32xf32, #tpu.memory_space<hbm>> -> memref<164x32xf32, #tpu.memory_space<hbm>>
        %dma_wait3A_194 = arith.constant 0 : i32
        %dma_wait3A_195 = tpu.memref_slice %arg6[%arg0, %add3A_171, %dma_wait3A_194] : memref<2x10496x32xf32, #tpu.memory_space<hbm>> -> memref<1x164x32xf32, #tpu.memory_space<hbm>>
        %dma_wait3A_196 = tpu.memref_squeeze %dma_wait3A_195 : memref<1x164x32xf32, #tpu.memory_space<hbm>> -> memref<164x32xf32, #tpu.memory_space<hbm>>
        tpu.wait_dma2 semaphore(%run_scoped3A : memref<!tpu.dma_semaphore, #tpu.memory_space<semaphore_mem>>) src(%dma_wait3A_196 : memref<164x32xf32, #tpu.memory_space<hbm>>) dst(%arg15 : memref<164x32xf32, #tpu.memory_space<vmem>>)
        tpu.yield
      }) : () -> ()
      "tpu.region"() ({
        %run_scoped3A = tpu.sem_alloc : memref<!tpu.dma_semaphore, #tpu.memory_space<semaphore_mem>>
        %dma_start3A_185 = arith.constant 0 : i32
        %dma_start3A_186 = tpu.memref_slice %arg2[%arg0, %add3A_171, %dma_start3A_185] : memref<2x10496x32xf32, #tpu.memory_space<hbm>> -> memref<1x164x32xf32, #tpu.memory_space<hbm>>
        %dma_start3A_187 = tpu.memref_squeeze %dma_start3A_186 : memref<1x164x32xf32, #tpu.memory_space<hbm>> -> memref<164x32xf32, #tpu.memory_space<hbm>>
        %dma_start3A_188 = arith.constant 0 : i32
        %dma_start3A_189 = tpu.memref_slice %arg2[%arg0, %add3A_171, %dma_start3A_188] : memref<2x10496x32xf32, #tpu.memory_space<hbm>> -> memref<1x164x32xf32, #tpu.memory_space<hbm>>
        %dma_start3A_190 = tpu.memref_squeeze %dma_start3A_189 : memref<1x164x32xf32, #tpu.memory_space<hbm>> -> memref<164x32xf32, #tpu.memory_space<hbm>>
        tpu.enqueue_dma source(%dma_start3A_190 : memref<164x32xf32, #tpu.memory_space<hbm>>) target(%arg16 : memref<164x32xf32, #tpu.memory_space<vmem>>) target_semaphore(%run_scoped3A : memref<!tpu.dma_semaphore, #tpu.memory_space<semaphore_mem>>)
        %dma_wait3A_191 = arith.constant 0 : i32
        %dma_wait3A_192 = tpu.memref_slice %arg2[%arg0, %add3A_171, %dma_wait3A_191] : memref<2x10496x32xf32, #tpu.memory_space<hbm>> -> memref<1x164x32xf32, #tpu.memory_space<hbm>>
        %dma_wait3A_193 = tpu.memref_squeeze %dma_wait3A_192 : memref<1x164x32xf32, #tpu.memory_space<hbm>> -> memref<164x32xf32, #tpu.memory_space<hbm>>
        %dma_wait3A_194 = arith.constant 0 : i32
        %dma_wait3A_195 = tpu.memref_slice %arg2[%arg0, %add3A_171, %dma_wait3A_194] : memref<2x10496x32xf32, #tpu.memory_space<hbm>> -> memref<1x164x32xf32, #tpu.memory_space<hbm>>
        %dma_wait3A_196 = tpu.memref_squeeze %dma_wait3A_195 : memref<1x164x32xf32, #tpu.memory_space<hbm>> -> memref<164x32xf32, #tpu.memory_space<hbm>>
        tpu.wait_dma2 semaphore(%run_scoped3A : memref<!tpu.dma_semaphore, #tpu.memory_space<semaphore_mem>>) src(%dma_wait3A_196 : memref<164x32xf32, #tpu.memory_space<hbm>>) dst(%arg16 : memref<164x32xf32, #tpu.memory_space<vmem>>)
        tpu.yield
      }) : () -> ()
      "tpu.region"() ({
        %run_scoped3A = tpu.sem_alloc : memref<!tpu.dma_semaphore, #tpu.memory_space<semaphore_mem>>
        %dma_start3A_185 = arith.constant 0 : i32
        %dma_start3A_186 = tpu.memref_slice %arg3[%add3A_171, %dma_start3A_185] : memref<10496x16xf32, #tpu.memory_space<hbm>> -> memref<164x16xf32, #tpu.memory_space<hbm>>
        %dma_start3A_187 = arith.constant 0 : i32
        %dma_start3A_188 = tpu.memref_slice %arg3[%add3A_171, %dma_start3A_187] : memref<10496x16xf32, #tpu.memory_space<hbm>> -> memref<164x16xf32, #tpu.memory_space<hbm>>
        tpu.enqueue_dma source(%dma_start3A_188 : memref<164x16xf32, #tpu.memory_space<hbm>>) target(%arg17 : memref<164x16xf32, #tpu.memory_space<vmem>>) target_semaphore(%run_scoped3A : memref<!tpu.dma_semaphore, #tpu.memory_space<semaphore_mem>>)
        %dma_wait3A_189 = arith.constant 0 : i32
        %dma_wait3A_190 = tpu.memref_slice %arg3[%add3A_171, %dma_wait3A_189] : memref<10496x16xf32, #tpu.memory_space<hbm>> -> memref<164x16xf32, #tpu.memory_space<hbm>>
        %dma_wait3A_191 = arith.constant 0 : i32
        %dma_wait3A_192 = tpu.memref_slice %arg3[%add3A_171, %dma_wait3A_191] : memref<10496x16xf32, #tpu.memory_space<hbm>> -> memref<164x16xf32, #tpu.memory_space<hbm>>
        tpu.wait_dma2 semaphore(%run_scoped3A : memref<!tpu.dma_semaphore, #tpu.memory_space<semaphore_mem>>) src(%dma_wait3A_192 : memref<164x16xf32, #tpu.memory_space<hbm>>) dst(%arg17 : memref<164x16xf32, #tpu.memory_space<vmem>>)
        tpu.yield
      }) : () -> ()
      %scan3A_172 = arith.constant 0 : i32
      %scan3A_173 = arith.constant 164 : i32
      %scan3A_174 = arith.addi %scan3A_172, %scan3A_173 : i32
      %scan3A_175 = arith.constant 1 : i32
      scf.for %scan3A_185 = %scan3A_172 to %scan3A_174 step %scan3A_175  : i32 {
        %mul3A_186 = arith.constant 1 : i32
        %mul3A_187 = arith.muli %scan3A_185, %mul3A_186 : i32
        %add3A_188 = arith.constant 0 : i32
        %add3A_189 = arith.addi %add3A_188, %mul3A_187 : i32
        %get3A = arith.index_cast %add3A_189 : i32 to index
        %get3A_190 = arith.constant 0 : index
        %get3A_191 = tpu.vector_load %arg17[%get3A, %get3A_190] {strides = array<i32>} : memref<164x16xf32, #tpu.memory_space<vmem>>, vector<16xf32>,
        %get3A_192 = arith.index_cast %add3A_189 : i32 to index
        %get3A_193 = arith.constant 0 : index
        %get3A_194 = tpu.vector_load %arg14[%get3A_192, %get3A_193] {strides = array<i32>} : memref<164x32xf32, #tpu.memory_space<vmem>>, vector<16xf32>,
        %get3A_195 = arith.index_cast %add3A_189 : i32 to index
        %get3A_196 = arith.constant 0 : index
        %get3A_197 = tpu.vector_load %arg15[%get3A_195, %get3A_196] {strides = array<i32>} : memref<164x32xf32, #tpu.memory_space<vmem>>, vector<16xf32>,
        %add3A_198 = arith.addf %get3A_194, %get3A_197 : vector<16xf32>
        %mul3A_199 = arith.mulf %get3A_191, %add3A_198 : vector<16xf32>
        %get3A_200 = arith.index_cast %add3A_189 : i32 to index
        %get3A_201 = arith.constant 0 : index
        %get3A_202 = tpu.vector_load %arg16[%get3A_200, %get3A_201] {strides = array<i32>} : memref<164x32xf32, #tpu.memory_space<vmem>>, vector<16xf32>,
        %mul3A_203 = arith.constant 1.000000e-01 : f32
        %mul3A_204 = vector.broadcast %mul3A_203 : f32 to vector<16xf32>
        %mul3A_205 = arith.mulf %mul3A_204, %get3A_202 : vector<16xf32>
        %add3A_206 = arith.addf %mul3A_199, %mul3A_205 : vector<16xf32>
        %swap3A = arith.index_cast %add3A_189 : i32 to index
        %swap3A_207 = arith.constant 0 : index
        %swap3A_208 = tpu.vector_load %arg15[%swap3A, %swap3A_207] {strides = array<i32>} : memref<164x32xf32, #tpu.memory_space<vmem>>, vector<16xf32>,
        tpu.vector_store %arg15[%swap3A, %swap3A_207], %add3A_206 {strides = array<i32>} : memref<164x32xf32, #tpu.memory_space<vmem>>, vector<16xf32>,
        %swap3A_209 = arith.index_cast %add3A_189 : i32 to index
        %swap3A_210 = arith.constant 0 : index
        %swap3A_211 = tpu.vector_load %arg14[%swap3A_209, %swap3A_210] {strides = array<i32>} : memref<164x32xf32, #tpu.memory_space<vmem>>, vector<16xf32>,
        tpu.vector_store %arg14[%swap3A_209, %swap3A_210], %broadcast_in_dim3A_1 {strides = array<i32>} : memref<164x32xf32, #tpu.memory_space<vmem>>, vector<16xf32>,
        %get3A_212 = arith.index_cast %add3A_189 : i32 to index
        %get3A_213 = arith.constant 16 : index
        %get3A_214 = tpu.vector_load %arg14[%get3A_212, %get3A_213] {strides = array<i32>} : memref<164x32xf32, #tpu.memory_space<vmem>>, vector<16xf32>,
        %get3A_215 = arith.index_cast %add3A_189 : i32 to index
        %get3A_216 = arith.constant 16 : index
        %get3A_217 = tpu.vector_load %arg15[%get3A_215, %get3A_216] {strides = array<i32>} : memref<164x32xf32, #tpu.memory_space<vmem>>, vector<16xf32>,
        %add3A_218 = arith.addf %get3A_214, %get3A_217 : vector<16xf32>
        %mul3A_219 = arith.mulf %get3A_191, %add3A_218 : vector<16xf32>
        %get3A_220 = arith.index_cast %add3A_189 : i32 to index
        %get3A_221 = arith.constant 16 : index
        %get3A_222 = tpu.vector_load %arg16[%get3A_220, %get3A_221] {strides = array<i32>} : memref<164x32xf32, #tpu.memory_space<vmem>>, vector<16xf32>,
        %mul3A_223 = arith.constant 1.000000e-01 : f32
        %mul3A_224 = vector.broadcast %mul3A_223 : f32 to vector<16xf32>
        %mul3A_225 = arith.mulf %mul3A_224, %get3A_222 : vector<16xf32>
        %add3A_226 = arith.addf %mul3A_219, %mul3A_225 : vector<16xf32>
        %swap3A_227 = arith.index_cast %add3A_189 : i32 to index
        %swap3A_228 = arith.constant 16 : index
        %swap3A_229 = tpu.vector_load %arg15[%swap3A_227, %swap3A_228] {strides = array<i32>} : memref<164x32xf32, #tpu.memory_space<vmem>>, vector<16xf32>,
        tpu.vector_store %arg15[%swap3A_227, %swap3A_228], %add3A_226 {strides = array<i32>} : memref<164x32xf32, #tpu.memory_space<vmem>>, vector<16xf32>,
        %swap3A_230 = arith.index_cast %add3A_189 : i32 to index
        %swap3A_231 = arith.constant 16 : index
        %swap3A_232 = tpu.vector_load %arg14[%swap3A_230, %swap3A_231] {strides = array<i32>} : memref<164x32xf32, #tpu.memory_space<vmem>>, vector<16xf32>,
        tpu.vector_store %arg14[%swap3A_230, %swap3A_231], %broadcast_in_dim3A_1 {strides = array<i32>} : memref<164x32xf32, #tpu.memory_space<vmem>>, vector<16xf32>,
      }
      %scan3A_176 = arith.constant 164 : i32
      "tpu.region"() ({
        %run_scoped3A = tpu.sem_alloc : memref<!tpu.dma_semaphore, #tpu.memory_space<semaphore_mem>>
        %dma_start3A_185 = arith.constant 0 : i32
        %dma_start3A_186 = tpu.memref_slice %arg6[%arg0, %add3A_171, %dma_start3A_185] : memref<2x10496x32xf32, #tpu.memory_space<hbm>> -> memref<1x164x32xf32, #tpu.memory_space<hbm>>
        %dma_start3A_187 = tpu.memref_squeeze %dma_start3A_186 : memref<1x164x32xf32, #tpu.memory_space<hbm>> -> memref<164x32xf32, #tpu.memory_space<hbm>>
        %dma_start3A_188 = arith.constant 0 : i32
        %dma_start3A_189 = tpu.memref_slice %arg6[%arg0, %add3A_171, %dma_start3A_188] : memref<2x10496x32xf32, #tpu.memory_space<hbm>> -> memref<1x164x32xf32, #tpu.memory_space<hbm>>
        %dma_start3A_190 = tpu.memref_squeeze %dma_start3A_189 : memref<1x164x32xf32, #tpu.memory_space<hbm>> -> memref<164x32xf32, #tpu.memory_space<hbm>>
        tpu.enqueue_dma source(%arg15 : memref<164x32xf32, #tpu.memory_space<vmem>>) target(%dma_start3A_190 : memref<164x32xf32, #tpu.memory_space<hbm>>) target_semaphore(%run_scoped3A : memref<!tpu.dma_semaphore, #tpu.memory_space<semaphore_mem>>)
        %dma_wait3A_191 = arith.constant 0 : i32
        %dma_wait3A_192 = tpu.memref_slice %arg6[%arg0, %add3A_171, %dma_wait3A_191] : memref<2x10496x32xf32, #tpu.memory_space<hbm>> -> memref<1x164x32xf32, #tpu.memory_space<hbm>>
        %dma_wait3A_193 = tpu.memref_squeeze %dma_wait3A_192 : memref<1x164x32xf32, #tpu.memory_space<hbm>> -> memref<164x32xf32, #tpu.memory_space<hbm>>
        %dma_wait3A_194 = arith.constant 0 : i32
        %dma_wait3A_195 = tpu.memref_slice %arg6[%arg0, %add3A_171, %dma_wait3A_194] : memref<2x10496x32xf32, #tpu.memory_space<hbm>> -> memref<1x164x32xf32, #tpu.memory_space<hbm>>
        %dma_wait3A_196 = tpu.memref_squeeze %dma_wait3A_195 : memref<1x164x32xf32, #tpu.memory_space<hbm>> -> memref<164x32xf32, #tpu.memory_space<hbm>>
        tpu.wait_dma2 semaphore(%run_scoped3A : memref<!tpu.dma_semaphore, #tpu.memory_space<semaphore_mem>>) src(%arg15 : memref<164x32xf32, #tpu.memory_space<vmem>>) dst(%dma_wait3A_196 : memref<164x32xf32, #tpu.memory_space<hbm>>)
        tpu.yield
      }) : () -> ()
      "tpu.region"() ({
        %run_scoped3A = tpu.sem_alloc : memref<!tpu.dma_semaphore, #tpu.memory_space<semaphore_mem>>
        %dma_start3A_185 = arith.constant 0 : i32
        %dma_start3A_186 = tpu.memref_slice %arg7[%add3A_171, %dma_start3A_185] : memref<10496x32xf32, #tpu.memory_space<vmem_shared>> -> memref<164x32xf32, #tpu.memory_space<vmem_shared>>
        %dma_start3A_187 = arith.constant 0 : i32
        %dma_start3A_188 = tpu.memref_slice %arg7[%add3A_171, %dma_start3A_187] : memref<10496x32xf32, #tpu.memory_space<vmem_shared>> -> memref<164x32xf32, #tpu.memory_space<vmem_shared>>
        tpu.enqueue_dma source(%arg14 : memref<164x32xf32, #tpu.memory_space<vmem>>) target(%dma_start3A_188 : memref<164x32xf32, #tpu.memory_space<vmem_shared>>) target_semaphore(%run_scoped3A : memref<!tpu.dma_semaphore, #tpu.memory_space<semaphore_mem>>)
        %dma_wait3A_189 = arith.constant 0 : i32
        %dma_wait3A_190 = tpu.memref_slice %arg7[%add3A_171, %dma_wait3A_189] : memref<10496x32xf32, #tpu.memory_space<vmem_shared>> -> memref<164x32xf32, #tpu.memory_space<vmem_shared>>
        %dma_wait3A_191 = arith.constant 0 : i32
        %dma_wait3A_192 = tpu.memref_slice %arg7[%add3A_171, %dma_wait3A_191] : memref<10496x32xf32, #tpu.memory_space<vmem_shared>> -> memref<164x32xf32, #tpu.memory_space<vmem_shared>>
        tpu.wait_dma2 semaphore(%run_scoped3A : memref<!tpu.dma_semaphore, #tpu.memory_space<semaphore_mem>>) src(%arg14 : memref<164x32xf32, #tpu.memory_space<vmem>>) dst(%dma_wait3A_192 : memref<164x32xf32, #tpu.memory_space<vmem_shared>>)
        tpu.yield
      }) : () -> ()
      %add3A_177 = arith.constant 492 : i32
      %add3A_178 = arith.addi %mul3A_0, %add3A_177 : i32
      "tpu.region"() ({
        %run_scoped3A = tpu.sem_alloc : memref<!tpu.dma_semaphore, #tpu.memory_space<semaphore_mem>>
        %dma_start3A_185 = arith.constant 0 : i32
        %dma_start3A_186 = tpu.memref_slice %arg7[%add3A_178, %dma_start3A_185] : memref<10496x32xf32, #tpu.memory_space<vmem_shared>> -> memref<164x32xf32, #tpu.memory_space<vmem_shared>>
        %dma_start3A_187 = arith.constant 0 : i32
        %dma_start3A_188 = tpu.memref_slice %arg7[%add3A_178, %dma_start3A_187] : memref<10496x32xf32, #tpu.memory_space<vmem_shared>> -> memref<164x32xf32, #tpu.memory_space<vmem_shared>>
        tpu.enqueue_dma source(%dma_start3A_188 : memref<164x32xf32, #tpu.memory_space<vmem_shared>>) target(%arg14 : memref<164x32xf32, #tpu.memory_space<vmem>>) target_semaphore(%run_scoped3A : memref<!tpu.dma_semaphore, #tpu.memory_space<semaphore_mem>>)
        %dma_wait3A_189 = arith.constant 0 : i32
        %dma_wait3A_190 = tpu.memref_slice %arg7[%add3A_178, %dma_wait3A_189] : memref<10496x32xf32, #tpu.memory_space<vmem_shared>> -> memref<164x32xf32, #tpu.memory_space<vmem_shared>>
        %dma_wait3A_191 = arith.constant 0 : i32
        %dma_wait3A_192 = tpu.memref_slice %arg7[%add3A_178, %dma_wait3A_191] : memref<10496x32xf32, #tpu.memory_space<vmem_shared>> -> memref<164x32xf32, #tpu.memory_space<vmem_shared>>
        tpu.wait_dma2 semaphore(%run_scoped3A : memref<!tpu.dma_semaphore, #tpu.memory_space<semaphore_mem>>) src(%dma_wait3A_192 : memref<164x32xf32, #tpu.memory_space<vmem_shared>>) dst(%arg14 : memref<164x32xf32, #tpu.memory_space<vmem>>)
        tpu.yield
      }) : () -> ()
      "tpu.region"() ({
        %run_scoped3A = tpu.sem_alloc : memref<!tpu.dma_semaphore, #tpu.memory_space<semaphore_mem>>
        %dma_start3A_185 = arith.constant 0 : i32
        %dma_start3A_186 = tpu.memref_slice %arg6[%arg0, %add3A_178, %dma_start3A_185] : memref<2x10496x32xf32, #tpu.memory_space<hbm>> -> memref<1x164x32xf32, #tpu.memory_space<hbm>>
        %dma_start3A_187 = tpu.memref_squeeze %dma_start3A_186 : memref<1x164x32xf32, #tpu.memory_space<hbm>> -> memref<164x32xf32, #tpu.memory_space<hbm>>
        %dma_start3A_188 = arith.constant 0 : i32
        %dma_start3A_189 = tpu.memref_slice %arg6[%arg0, %add3A_178, %dma_start3A_188] : memref<2x10496x32xf32, #tpu.memory_space<hbm>> -> memref<1x164x32xf32, #tpu.memory_space<hbm>>
        %dma_start3A_190 = tpu.memref_squeeze %dma_start3A_189 : memref<1x164x32xf32, #tpu.memory_space<hbm>> -> memref<164x32xf32, #tpu.memory_space<hbm>>
        tpu.enqueue_dma source(%dma_start3A_190 : memref<164x32xf32, #tpu.memory_space<hbm>>) target(%arg15 : memref<164x32xf32, #tpu.memory_space<vmem>>) target_semaphore(%run_scoped3A : memref<!tpu.dma_semaphore, #tpu.memory_space<semaphore_mem>>)
        %dma_wait3A_191 = arith.constant 0 : i32
        %dma_wait3A_192 = tpu.memref_slice %arg6[%arg0, %add3A_178, %dma_wait3A_191] : memref<2x10496x32xf32, #tpu.memory_space<hbm>> -> memref<1x164x32xf32, #tpu.memory_space<hbm>>
        %dma_wait3A_193 = tpu.memref_squeeze %dma_wait3A_192 : memref<1x164x32xf32, #tpu.memory_space<hbm>> -> memref<164x32xf32, #tpu.memory_space<hbm>>
        %dma_wait3A_194 = arith.constant 0 : i32
        %dma_wait3A_195 = tpu.memref_slice %arg6[%arg0, %add3A_178, %dma_wait3A_194] : memref<2x10496x32xf32, #tpu.memory_space<hbm>> -> memref<1x164x32xf32, #tpu.memory_space<hbm>>
        %dma_wait3A_196 = tpu.memref_squeeze %dma_wait3A_195 : memref<1x164x32xf32, #tpu.memory_space<hbm>> -> memref<164x32xf32, #tpu.memory_space<hbm>>
        tpu.wait_dma2 semaphore(%run_scoped3A : memref<!tpu.dma_semaphore, #tpu.memory_space<semaphore_mem>>) src(%dma_wait3A_196 : memref<164x32xf32, #tpu.memory_space<hbm>>) dst(%arg15 : memref<164x32xf32, #tpu.memory_space<vmem>>)
        tpu.yield
      }) : () -> ()
      "tpu.region"() ({
        %run_scoped3A = tpu.sem_alloc : memref<!tpu.dma_semaphore, #tpu.memory_space<semaphore_mem>>
        %dma_start3A_185 = arith.constant 0 : i32
        %dma_start3A_186 = tpu.memref_slice %arg2[%arg0, %add3A_178, %dma_start3A_185] : memref<2x10496x32xf32, #tpu.memory_space<hbm>> -> memref<1x164x32xf32, #tpu.memory_space<hbm>>
        %dma_start3A_187 = tpu.memref_squeeze %dma_start3A_186 : memref<1x164x32xf32, #tpu.memory_space<hbm>> -> memref<164x32xf32, #tpu.memory_space<hbm>>
        %dma_start3A_188 = arith.constant 0 : i32
        %dma_start3A_189 = tpu.memref_slice %arg2[%arg0, %add3A_178, %dma_start3A_188] : memref<2x10496x32xf32, #tpu.memory_space<hbm>> -> memref<1x164x32xf32, #tpu.memory_space<hbm>>
        %dma_start3A_190 = tpu.memref_squeeze %dma_start3A_189 : memref<1x164x32xf32, #tpu.memory_space<hbm>> -> memref<164x32xf32, #tpu.memory_space<hbm>>
        tpu.enqueue_dma source(%dma_start3A_190 : memref<164x32xf32, #tpu.memory_space<hbm>>) target(%arg16 : memref<164x32xf32, #tpu.memory_space<vmem>>) target_semaphore(%run_scoped3A : memref<!tpu.dma_semaphore, #tpu.memory_space<semaphore_mem>>)
        %dma_wait3A_191 = arith.constant 0 : i32
        %dma_wait3A_192 = tpu.memref_slice %arg2[%arg0, %add3A_178, %dma_wait3A_191] : memref<2x10496x32xf32, #tpu.memory_space<hbm>> -> memref<1x164x32xf32, #tpu.memory_space<hbm>>
        %dma_wait3A_193 = tpu.memref_squeeze %dma_wait3A_192 : memref<1x164x32xf32, #tpu.memory_space<hbm>> -> memref<164x32xf32, #tpu.memory_space<hbm>>
        %dma_wait3A_194 = arith.constant 0 : i32
        %dma_wait3A_195 = tpu.memref_slice %arg2[%arg0, %add3A_178, %dma_wait3A_194] : memref<2x10496x32xf32, #tpu.memory_space<hbm>> -> memref<1x164x32xf32, #tpu.memory_space<hbm>>
        %dma_wait3A_196 = tpu.memref_squeeze %dma_wait3A_195 : memref<1x164x32xf32, #tpu.memory_space<hbm>> -> memref<164x32xf32, #tpu.memory_space<hbm>>
        tpu.wait_dma2 semaphore(%run_scoped3A : memref<!tpu.dma_semaphore, #tpu.memory_space<semaphore_mem>>) src(%dma_wait3A_196 : memref<164x32xf32, #tpu.memory_space<hbm>>) dst(%arg16 : memref<164x32xf32, #tpu.memory_space<vmem>>)
        tpu.yield
      }) : () -> ()
      "tpu.region"() ({
        %run_scoped3A = tpu.sem_alloc : memref<!tpu.dma_semaphore, #tpu.memory_space<semaphore_mem>>
        %dma_start3A_185 = arith.constant 0 : i32
        %dma_start3A_186 = tpu.memref_slice %arg3[%add3A_178, %dma_start3A_185] : memref<10496x16xf32, #tpu.memory_space<hbm>> -> memref<164x16xf32, #tpu.memory_space<hbm>>
        %dma_start3A_187 = arith.constant 0 : i32
        %dma_start3A_188 = tpu.memref_slice %arg3[%add3A_178, %dma_start3A_187] : memref<10496x16xf32, #tpu.memory_space<hbm>> -> memref<164x16xf32, #tpu.memory_space<hbm>>
        tpu.enqueue_dma source(%dma_start3A_188 : memref<164x16xf32, #tpu.memory_space<hbm>>) target(%arg17 : memref<164x16xf32, #tpu.memory_space<vmem>>) target_semaphore(%run_scoped3A : memref<!tpu.dma_semaphore, #tpu.memory_space<semaphore_mem>>)
        %dma_wait3A_189 = arith.constant 0 : i32
        %dma_wait3A_190 = tpu.memref_slice %arg3[%add3A_178, %dma_wait3A_189] : memref<10496x16xf32, #tpu.memory_space<hbm>> -> memref<164x16xf32, #tpu.memory_space<hbm>>
        %dma_wait3A_191 = arith.constant 0 : i32
        %dma_wait3A_192 = tpu.memref_slice %arg3[%add3A_178, %dma_wait3A_191] : memref<10496x16xf32, #tpu.memory_space<hbm>> -> memref<164x16xf32, #tpu.memory_space<hbm>>
        tpu.wait_dma2 semaphore(%run_scoped3A : memref<!tpu.dma_semaphore, #tpu.memory_space<semaphore_mem>>) src(%dma_wait3A_192 : memref<164x16xf32, #tpu.memory_space<hbm>>) dst(%arg17 : memref<164x16xf32, #tpu.memory_space<vmem>>)
        tpu.yield
      }) : () -> ()
      %scan3A_179 = arith.constant 0 : i32
      %scan3A_180 = arith.constant 164 : i32
      %scan3A_181 = arith.addi %scan3A_179, %scan3A_180 : i32
      %scan3A_182 = arith.constant 1 : i32
      scf.for %scan3A_185 = %scan3A_179 to %scan3A_181 step %scan3A_182  : i32 {
        %mul3A_186 = arith.constant 1 : i32
        %mul3A_187 = arith.muli %scan3A_185, %mul3A_186 : i32
        %add3A_188 = arith.constant 0 : i32
        %add3A_189 = arith.addi %add3A_188, %mul3A_187 : i32
        %get3A = arith.index_cast %add3A_189 : i32 to index
        %get3A_190 = arith.constant 0 : index
        %get3A_191 = tpu.vector_load %arg17[%get3A, %get3A_190] {strides = array<i32>} : memref<164x16xf32, #tpu.memory_space<vmem>>, vector<16xf32>,
        %get3A_192 = arith.index_cast %add3A_189 : i32 to index
        %get3A_193 = arith.constant 0 : index
        %get3A_194 = tpu.vector_load %arg14[%get3A_192, %get3A_193] {strides = array<i32>} : memref<164x32xf32, #tpu.memory_space<vmem>>, vector<16xf32>,
        %get3A_195 = arith.index_cast %add3A_189 : i32 to index
        %get3A_196 = arith.constant 0 : index
        %get3A_197 = tpu.vector_load %arg15[%get3A_195, %get3A_196] {strides = array<i32>} : memref<164x32xf32, #tpu.memory_space<vmem>>, vector<16xf32>,
        %add3A_198 = arith.addf %get3A_194, %get3A_197 : vector<16xf32>
        %mul3A_199 = arith.mulf %get3A_191, %add3A_198 : vector<16xf32>
        %get3A_200 = arith.index_cast %add3A_189 : i32 to index
        %get3A_201 = arith.constant 0 : index
        %get3A_202 = tpu.vector_load %arg16[%get3A_200, %get3A_201] {strides = array<i32>} : memref<164x32xf32, #tpu.memory_space<vmem>>, vector<16xf32>,
        %mul3A_203 = arith.constant 1.000000e-01 : f32
        %mul3A_204 = vector.broadcast %mul3A_203 : f32 to vector<16xf32>
        %mul3A_205 = arith.mulf %mul3A_204, %get3A_202 : vector<16xf32>
        %add3A_206 = arith.addf %mul3A_199, %mul3A_205 : vector<16xf32>
        %swap3A = arith.index_cast %add3A_189 : i32 to index
        %swap3A_207 = arith.constant 0 : index
        %swap3A_208 = tpu.vector_load %arg15[%swap3A, %swap3A_207] {strides = array<i32>} : memref<164x32xf32, #tpu.memory_space<vmem>>, vector<16xf32>,
        tpu.vector_store %arg15[%swap3A, %swap3A_207], %add3A_206 {strides = array<i32>} : memref<164x32xf32, #tpu.memory_space<vmem>>, vector<16xf32>,
        %swap3A_209 = arith.index_cast %add3A_189 : i32 to index
        %swap3A_210 = arith.constant 0 : index
        %swap3A_211 = tpu.vector_load %arg14[%swap3A_209, %swap3A_210] {strides = array<i32>} : memref<164x32xf32, #tpu.memory_space<vmem>>, vector<16xf32>,
        tpu.vector_store %arg14[%swap3A_209, %swap3A_210], %broadcast_in_dim3A_1 {strides = array<i32>} : memref<164x32xf32, #tpu.memory_space<vmem>>, vector<16xf32>,
        %get3A_212 = arith.index_cast %add3A_189 : i32 to index
        %get3A_213 = arith.constant 16 : index
        %get3A_214 = tpu.vector_load %arg14[%get3A_212, %get3A_213] {strides = array<i32>} : memref<164x32xf32, #tpu.memory_space<vmem>>, vector<16xf32>,
        %get3A_215 = arith.index_cast %add3A_189 : i32 to index
        %get3A_216 = arith.constant 16 : index
        %get3A_217 = tpu.vector_load %arg15[%get3A_215, %get3A_216] {strides = array<i32>} : memref<164x32xf32, #tpu.memory_space<vmem>>, vector<16xf32>,
        %add3A_218 = arith.addf %get3A_214, %get3A_217 : vector<16xf32>
        %mul3A_219 = arith.mulf %get3A_191, %add3A_218 : vector<16xf32>
        %get3A_220 = arith.index_cast %add3A_189 : i32 to index
        %get3A_221 = arith.constant 16 : index
        %get3A_222 = tpu.vector_load %arg16[%get3A_220, %get3A_221] {strides = array<i32>} : memref<164x32xf32, #tpu.memory_space<vmem>>, vector<16xf32>,
        %mul3A_223 = arith.constant 1.000000e-01 : f32
        %mul3A_224 = vector.broadcast %mul3A_223 : f32 to vector<16xf32>
        %mul3A_225 = arith.mulf %mul3A_224, %get3A_222 : vector<16xf32>
        %add3A_226 = arith.addf %mul3A_219, %mul3A_225 : vector<16xf32>
        %swap3A_227 = arith.index_cast %add3A_189 : i32 to index
        %swap3A_228 = arith.constant 16 : index
        %swap3A_229 = tpu.vector_load %arg15[%swap3A_227, %swap3A_228] {strides = array<i32>} : memref<164x32xf32, #tpu.memory_space<vmem>>, vector<16xf32>,
        tpu.vector_store %arg15[%swap3A_227, %swap3A_228], %add3A_226 {strides = array<i32>} : memref<164x32xf32, #tpu.memory_space<vmem>>, vector<16xf32>,
        %swap3A_230 = arith.index_cast %add3A_189 : i32 to index
        %swap3A_231 = arith.constant 16 : index
        %swap3A_232 = tpu.vector_load %arg14[%swap3A_230, %swap3A_231] {strides = array<i32>} : memref<164x32xf32, #tpu.memory_space<vmem>>, vector<16xf32>,
        tpu.vector_store %arg14[%swap3A_230, %swap3A_231], %broadcast_in_dim3A_1 {strides = array<i32>} : memref<164x32xf32, #tpu.memory_space<vmem>>, vector<16xf32>,
      }
      %scan3A_183 = arith.constant 164 : i32
      "tpu.region"() ({
        %run_scoped3A = tpu.sem_alloc : memref<!tpu.dma_semaphore, #tpu.memory_space<semaphore_mem>>
        %dma_start3A_185 = arith.constant 0 : i32
        %dma_start3A_186 = tpu.memref_slice %arg6[%arg0, %add3A_178, %dma_start3A_185] : memref<2x10496x32xf32, #tpu.memory_space<hbm>> -> memref<1x164x32xf32, #tpu.memory_space<hbm>>
        %dma_start3A_187 = tpu.memref_squeeze %dma_start3A_186 : memref<1x164x32xf32, #tpu.memory_space<hbm>> -> memref<164x32xf32, #tpu.memory_space<hbm>>
        %dma_start3A_188 = arith.constant 0 : i32
        %dma_start3A_189 = tpu.memref_slice %arg6[%arg0, %add3A_178, %dma_start3A_188] : memref<2x10496x32xf32, #tpu.memory_space<hbm>> -> memref<1x164x32xf32, #tpu.memory_space<hbm>>
        %dma_start3A_190 = tpu.memref_squeeze %dma_start3A_189 : memref<1x164x32xf32, #tpu.memory_space<hbm>> -> memref<164x32xf32, #tpu.memory_space<hbm>>
        tpu.enqueue_dma source(%arg15 : memref<164x32xf32, #tpu.memory_space<vmem>>) target(%dma_start3A_190 : memref<164x32xf32, #tpu.memory_space<hbm>>) target_semaphore(%run_scoped3A : memref<!tpu.dma_semaphore, #tpu.memory_space<semaphore_mem>>)
        %dma_wait3A_191 = arith.constant 0 : i32
        %dma_wait3A_192 = tpu.memref_slice %arg6[%arg0, %add3A_178, %dma_wait3A_191] : memref<2x10496x32xf32, #tpu.memory_space<hbm>> -> memref<1x164x32xf32, #tpu.memory_space<hbm>>
        %dma_wait3A_193 = tpu.memref_squeeze %dma_wait3A_192 : memref<1x164x32xf32, #tpu.memory_space<hbm>> -> memref<164x32xf32, #tpu.memory_space<hbm>>
        %dma_wait3A_194 = arith.constant 0 : i32
        %dma_wait3A_195 = tpu.memref_slice %arg6[%arg0, %add3A_178, %dma_wait3A_194] : memref<2x10496x32xf32, #tpu.memory_space<hbm>> -> memref<1x164x32xf32, #tpu.memory_space<hbm>>
        %dma_wait3A_196 = tpu.memref_squeeze %dma_wait3A_195 : memref<1x164x32xf32, #tpu.memory_space<hbm>> -> memref<164x32xf32, #tpu.memory_space<hbm>>
        tpu.wait_dma2 semaphore(%run_scoped3A : memref<!tpu.dma_semaphore, #tpu.memory_space<semaphore_mem>>) src(%arg15 : memref<164x32xf32, #tpu.memory_space<vmem>>) dst(%dma_wait3A_196 : memref<164x32xf32, #tpu.memory_space<hbm>>)
        tpu.yield
      }) : () -> ()
      "tpu.region"() ({
        %run_scoped3A = tpu.sem_alloc : memref<!tpu.dma_semaphore, #tpu.memory_space<semaphore_mem>>
        %dma_start3A_185 = arith.constant 0 : i32
        %dma_start3A_186 = tpu.memref_slice %arg7[%add3A_178, %dma_start3A_185] : memref<10496x32xf32, #tpu.memory_space<vmem_shared>> -> memref<164x32xf32, #tpu.memory_space<vmem_shared>>
        %dma_start3A_187 = arith.constant 0 : i32
        %dma_start3A_188 = tpu.memref_slice %arg7[%add3A_178, %dma_start3A_187] : memref<10496x32xf32, #tpu.memory_space<vmem_shared>> -> memref<164x32xf32, #tpu.memory_space<vmem_shared>>
        tpu.enqueue_dma source(%arg14 : memref<164x32xf32, #tpu.memory_space<vmem>>) target(%dma_start3A_188 : memref<164x32xf32, #tpu.memory_space<vmem_shared>>) target_semaphore(%run_scoped3A : memref<!tpu.dma_semaphore, #tpu.memory_space<semaphore_mem>>)
        %dma_wait3A_189 = arith.constant 0 : i32
        %dma_wait3A_190 = tpu.memref_slice %arg7[%add3A_178, %dma_wait3A_189] : memref<10496x32xf32, #tpu.memory_space<vmem_shared>> -> memref<164x32xf32, #tpu.memory_space<vmem_shared>>
        %dma_wait3A_191 = arith.constant 0 : i32
        %dma_wait3A_192 = tpu.memref_slice %arg7[%add3A_178, %dma_wait3A_191] : memref<10496x32xf32, #tpu.memory_space<vmem_shared>> -> memref<164x32xf32, #tpu.memory_space<vmem_shared>>
        tpu.wait_dma2 semaphore(%run_scoped3A : memref<!tpu.dma_semaphore, #tpu.memory_space<semaphore_mem>>) src(%arg14 : memref<164x32xf32, #tpu.memory_space<vmem>>) dst(%dma_wait3A_192 : memref<164x32xf32, #tpu.memory_space<vmem_shared>>)
        tpu.yield
      }) : () -> ()
      %barrier3A_184 = arith.constant 0 : index
      tpu.barrier barrier_id(%barrier3A_184)
    }
    %scan3A_33 = arith.constant 4 : i32
    return
  }
}

#map = affine_map<(d0, d1) -> (0, 0)>
#map1 = affine_map<(d0, d1) -> (0, 0, 0)>
module attributes {stable_mosaic.version = 14 : i64} {
  func.func @_prep_sc(%arg0: i32, %arg1: i32, %arg2: memref<640x512xi32, #tpu.memory_space<hbm>>, %arg3: memref<10496x64xf32, #tpu.memory_space<hbm>>, %arg4: memref<2x10496x32xf32, #tpu.memory_space<hbm>>, %arg5: memref<10496x16xf32, #tpu.memory_space<hbm>>, %arg6: memref<10496x16xf32, #tpu.memory_space<hbm>>, %arg7: memref<10496x16xf32, #tpu.memory_space<vmem_shared>>, %arg8: memref<40x512xi32, #tpu.memory_space<vmem>>, %arg9: memref<512x16xf32, #tpu.memory_space<vmem>>, %arg10: memref<328x16xf32, #tpu.memory_space<vmem>>, %arg11: memref<328x64xf32, #tpu.memory_space<vmem>>, %arg12: memref<328x32xf32, #tpu.memory_space<vmem>>, %arg13: memref<328x32xf32, #tpu.memory_space<vmem>>, %arg14: memref<328x16xf32, #tpu.memory_space<vmem>>, %arg15: memref<328x16xf32, #tpu.memory_space<vmem>>, %arg16: memref<!tpu.dma_semaphore, #tpu.memory_space<semaphore_mem>>) attributes {dimension_semantics = [#tpu.dimension_semantics<core_parallel>, #tpu.dimension_semantics<subcore_parallel>], iteration_bounds = array<i64: 2, 16>, scalar_prefetch = 0 : i64, scratch_operands = 10 : i64, tpu.core_type = #tpu.core_type<sc_vector_subcore>, window_params = [{transform_indices = #map}, {transform_indices = #map}, {transform_indices = #map1}, {transform_indices = #map}, {transform_indices = #map}]} {
    %mul3A = arith.constant 2 : i32
    %mul3A_0 = arith.muli %arg1, %mul3A : i32
    %add3A = arith.addi %mul3A_0, %arg0 : i32
    %broadcast_in_dim3A = arith.constant 1.000000e+00 : f32
    %broadcast_in_dim3A_1 = vector.broadcast %broadcast_in_dim3A : f32 to vector<16xf32>
    %broadcast_in_dim3A_2 = arith.constant 0.000000e+00 : f32
    %broadcast_in_dim3A_3 = vector.broadcast %broadcast_in_dim3A_2 : f32 to vector<16xf32>
    %scan3A = arith.constant 0 : i32
    %scan3A_4 = arith.constant 512 : i32
    %scan3A_5 = arith.addi %scan3A, %scan3A_4 : i32
    %scan3A_6 = arith.constant 1 : i32
    scf.for %scan3A_35 = %scan3A to %scan3A_5 step %scan3A_6  : i32 {
      %mul3A_36 = arith.constant 1 : i32
      %mul3A_37 = arith.muli %scan3A_35, %mul3A_36 : i32
      %add3A_38 = arith.constant 0 : i32
      %add3A_39 = arith.addi %add3A_38, %mul3A_37 : i32
      %swap3A = arith.index_cast %add3A_39 : i32 to index
      %swap3A_40 = arith.constant 0 : index
      %swap3A_41 = tpu.vector_load %arg9[%swap3A, %swap3A_40] {strides = array<i32>} : memref<512x16xf32, #tpu.memory_space<vmem>>, vector<16xf32>,
      tpu.vector_store %arg9[%swap3A, %swap3A_40], %broadcast_in_dim3A_1 {strides = array<i32>} : memref<512x16xf32, #tpu.memory_space<vmem>>, vector<16xf32>,
    }
    %scan3A_7 = arith.constant 512 : i32
    %scan3A_8 = arith.constant 0 : i32
    %scan3A_9 = arith.constant 328 : i32
    %scan3A_10 = arith.addi %scan3A_8, %scan3A_9 : i32
    %scan3A_11 = arith.constant 1 : i32
    scf.for %scan3A_35 = %scan3A_8 to %scan3A_10 step %scan3A_11  : i32 {
      %mul3A_36 = arith.constant 1 : i32
      %mul3A_37 = arith.muli %scan3A_35, %mul3A_36 : i32
      %add3A_38 = arith.constant 0 : i32
      %add3A_39 = arith.addi %add3A_38, %mul3A_37 : i32
      %swap3A = arith.index_cast %add3A_39 : i32 to index
      %swap3A_40 = arith.constant 0 : index
      %swap3A_41 = tpu.vector_load %arg10[%swap3A, %swap3A_40] {strides = array<i32>} : memref<328x16xf32, #tpu.memory_space<vmem>>, vector<16xf32>,
      tpu.vector_store %arg10[%swap3A, %swap3A_40], %broadcast_in_dim3A_3 {strides = array<i32>} : memref<328x16xf32, #tpu.memory_space<vmem>>, vector<16xf32>,
    }
    %scan3A_12 = arith.constant 328 : i32
    %mul3A_13 = arith.constant 656 : i32
    %mul3A_14 = arith.muli %arg1, %mul3A_13 : i32
    "tpu.region"() ({
      %run_scoped3A_35 = tpu.sem_alloc : memref<!tpu.dma_semaphore, #tpu.memory_space<semaphore_mem>>
      %dma_start3A = arith.constant 0 : i32
      %dma_start3A_36 = tpu.memref_slice %arg7[%mul3A_14, %dma_start3A] : memref<10496x16xf32, #tpu.memory_space<vmem_shared>> -> memref<328x16xf32, #tpu.memory_space<vmem_shared>>
      %dma_start3A_37 = arith.constant 0 : i32
      %dma_start3A_38 = tpu.memref_slice %arg7[%mul3A_14, %dma_start3A_37] : memref<10496x16xf32, #tpu.memory_space<vmem_shared>> -> memref<328x16xf32, #tpu.memory_space<vmem_shared>>
      tpu.enqueue_dma source(%arg10 : memref<328x16xf32, #tpu.memory_space<vmem>>) target(%dma_start3A_38 : memref<328x16xf32, #tpu.memory_space<vmem_shared>>) target_semaphore(%run_scoped3A_35 : memref<!tpu.dma_semaphore, #tpu.memory_space<semaphore_mem>>)
      %dma_wait3A = arith.constant 0 : i32
      %dma_wait3A_39 = tpu.memref_slice %arg7[%mul3A_14, %dma_wait3A] : memref<10496x16xf32, #tpu.memory_space<vmem_shared>> -> memref<328x16xf32, #tpu.memory_space<vmem_shared>>
      %dma_wait3A_40 = arith.constant 0 : i32
      %dma_wait3A_41 = tpu.memref_slice %arg7[%mul3A_14, %dma_wait3A_40] : memref<10496x16xf32, #tpu.memory_space<vmem_shared>> -> memref<328x16xf32, #tpu.memory_space<vmem_shared>>
      tpu.wait_dma2 semaphore(%run_scoped3A_35 : memref<!tpu.dma_semaphore, #tpu.memory_space<semaphore_mem>>) src(%arg10 : memref<328x16xf32, #tpu.memory_space<vmem>>) dst(%dma_wait3A_41 : memref<328x16xf32, #tpu.memory_space<vmem_shared>>)
      tpu.yield
    }) : () -> ()
    %mul3A_15 = arith.constant 656 : i32
    %mul3A_16 = arith.muli %arg1, %mul3A_15 : i32
    %add3A_17 = arith.constant 328 : i32
    %add3A_18 = arith.addi %mul3A_16, %add3A_17 : i32
    "tpu.region"() ({
      %run_scoped3A_35 = tpu.sem_alloc : memref<!tpu.dma_semaphore, #tpu.memory_space<semaphore_mem>>
      %dma_start3A = arith.constant 0 : i32
      %dma_start3A_36 = tpu.memref_slice %arg7[%add3A_18, %dma_start3A] : memref<10496x16xf32, #tpu.memory_space<vmem_shared>> -> memref<328x16xf32, #tpu.memory_space<vmem_shared>>
      %dma_start3A_37 = arith.constant 0 : i32
      %dma_start3A_38 = tpu.memref_slice %arg7[%add3A_18, %dma_start3A_37] : memref<10496x16xf32, #tpu.memory_space<vmem_shared>> -> memref<328x16xf32, #tpu.memory_space<vmem_shared>>
      tpu.enqueue_dma source(%arg10 : memref<328x16xf32, #tpu.memory_space<vmem>>) target(%dma_start3A_38 : memref<328x16xf32, #tpu.memory_space<vmem_shared>>) target_semaphore(%run_scoped3A_35 : memref<!tpu.dma_semaphore, #tpu.memory_space<semaphore_mem>>)
      %dma_wait3A = arith.constant 0 : i32
      %dma_wait3A_39 = tpu.memref_slice %arg7[%add3A_18, %dma_wait3A] : memref<10496x16xf32, #tpu.memory_space<vmem_shared>> -> memref<328x16xf32, #tpu.memory_space<vmem_shared>>
      %dma_wait3A_40 = arith.constant 0 : i32
      %dma_wait3A_41 = tpu.memref_slice %arg7[%add3A_18, %dma_wait3A_40] : memref<10496x16xf32, #tpu.memory_space<vmem_shared>> -> memref<328x16xf32, #tpu.memory_space<vmem_shared>>
      tpu.wait_dma2 semaphore(%run_scoped3A_35 : memref<!tpu.dma_semaphore, #tpu.memory_space<semaphore_mem>>) src(%arg10 : memref<328x16xf32, #tpu.memory_space<vmem>>) dst(%dma_wait3A_41 : memref<328x16xf32, #tpu.memory_space<vmem_shared>>)
      tpu.yield
    }) : () -> ()
    %barrier3A = arith.constant 0 : index
    tpu.barrier barrier_id(%barrier3A)
    %mul3A_19 = arith.constant 40 : i32
    %mul3A_20 = arith.muli %arg1, %mul3A_19 : i32
    "tpu.region"() ({
      %run_scoped3A_35 = tpu.sem_alloc : memref<!tpu.dma_semaphore, #tpu.memory_space<semaphore_mem>>
      %dma_start3A = arith.constant 0 : i32
      %dma_start3A_36 = tpu.memref_slice %arg2[%mul3A_20, %dma_start3A] : memref<640x512xi32, #tpu.memory_space<hbm>> -> memref<40x512xi32, #tpu.memory_space<hbm>>
      %dma_start3A_37 = arith.constant 0 : i32
      %dma_start3A_38 = tpu.memref_slice %arg2[%mul3A_20, %dma_start3A_37] : memref<640x512xi32, #tpu.memory_space<hbm>> -> memref<40x512xi32, #tpu.memory_space<hbm>>
      tpu.enqueue_dma source(%dma_start3A_38 : memref<40x512xi32, #tpu.memory_space<hbm>>) target(%arg8 : memref<40x512xi32, #tpu.memory_space<vmem>>) target_semaphore(%run_scoped3A_35 : memref<!tpu.dma_semaphore, #tpu.memory_space<semaphore_mem>>)
      %dma_wait3A = arith.constant 0 : i32
      %dma_wait3A_39 = tpu.memref_slice %arg2[%mul3A_20, %dma_wait3A] : memref<640x512xi32, #tpu.memory_space<hbm>> -> memref<40x512xi32, #tpu.memory_space<hbm>>
      %dma_wait3A_40 = arith.constant 0 : i32
      %dma_wait3A_41 = tpu.memref_slice %arg2[%mul3A_20, %dma_wait3A_40] : memref<640x512xi32, #tpu.memory_space<hbm>> -> memref<40x512xi32, #tpu.memory_space<hbm>>
      tpu.wait_dma2 semaphore(%run_scoped3A_35 : memref<!tpu.dma_semaphore, #tpu.memory_space<semaphore_mem>>) src(%dma_wait3A_41 : memref<40x512xi32, #tpu.memory_space<hbm>>) dst(%arg8 : memref<40x512xi32, #tpu.memory_space<vmem>>)
      tpu.yield
    }) : () -> ()
    %scan3A_21 = arith.constant 0 : i32
    %scan3A_22 = arith.constant 5 : i32
    %scan3A_23 = arith.addi %scan3A_21, %scan3A_22 : i32
    %scan3A_24 = arith.constant 1 : i32
    scf.for %scan3A_35 = %scan3A_21 to %scan3A_23 step %scan3A_24  : i32 {
      %mul3A_36 = arith.constant 1 : i32
      %mul3A_37 = arith.muli %scan3A_35, %mul3A_36 : i32
      %add3A_38 = arith.constant 0 : i32
      %add3A_39 = arith.addi %add3A_38, %mul3A_37 : i32
      %mul3A_40 = arith.constant 8 : i32
      %mul3A_41 = arith.muli %mul3A_40, %add3A_39 : i32
      %add3A_42 = arith.constant 0 : i32
      %add3A_43 = arith.addi %mul3A_41, %add3A_42 : i32
      %dma_start3A = arith.constant 0 : i32
      %dma_start3A_44 = tpu.memref_slice %arg8[%add3A_43, %dma_start3A] : memref<40x512xi32, #tpu.memory_space<vmem>> -> memref<1x512xi32, #tpu.memory_space<vmem>>
      %dma_start3A_45 = tpu.memref_squeeze %dma_start3A_44 : memref<1x512xi32, #tpu.memory_space<vmem>> -> memref<512xi32, #tpu.memory_space<vmem>>
      %dma_start3A_46 = arith.constant 0 : i32
      %dma_start3A_47 = arith.constant 0 : i32
      %dma_start3A_48 = tpu.memref_slice %arg7[%dma_start3A_46, %dma_start3A_47] : memref<10496x16xf32, #tpu.memory_space<vmem_shared>> -> memref<10496x16xf32, #tpu.memory_space<vmem_shared>>
      tpu.enqueue_indirect_dma source(%arg9 : memref<512x16xf32, #tpu.memory_space<vmem>>) target(%dma_start3A_48 : memref<10496x16xf32, #tpu.memory_space<vmem_shared>>) offsets(%dma_start3A_45 : memref<512xi32, #tpu.memory_space<vmem>>) semaphore(%arg16 : memref<!tpu.dma_semaphore, #tpu.memory_space<semaphore_mem>>) {add = true}
      %mul3A_49 = arith.constant 8 : i32
      %mul3A_50 = arith.muli %mul3A_49, %add3A_39 : i32
      %add3A_51 = arith.constant 1 : i32
      %add3A_52 = arith.addi %mul3A_50, %add3A_51 : i32
      %dma_start3A_53 = arith.constant 0 : i32
      %dma_start3A_54 = tpu.memref_slice %arg8[%add3A_52, %dma_start3A_53] : memref<40x512xi32, #tpu.memory_space<vmem>> -> memref<1x512xi32, #tpu.memory_space<vmem>>
      %dma_start3A_55 = tpu.memref_squeeze %dma_start3A_54 : memref<1x512xi32, #tpu.memory_space<vmem>> -> memref<512xi32, #tpu.memory_space<vmem>>
      %dma_start3A_56 = arith.constant 0 : i32
      %dma_start3A_57 = arith.constant 0 : i32
      %dma_start3A_58 = tpu.memref_slice %arg7[%dma_start3A_56, %dma_start3A_57] : memref<10496x16xf32, #tpu.memory_space<vmem_shared>> -> memref<10496x16xf32, #tpu.memory_space<vmem_shared>>
      tpu.enqueue_indirect_dma source(%arg9 : memref<512x16xf32, #tpu.memory_space<vmem>>) target(%dma_start3A_58 : memref<10496x16xf32, #tpu.memory_space<vmem_shared>>) offsets(%dma_start3A_55 : memref<512xi32, #tpu.memory_space<vmem>>) semaphore(%arg16 : memref<!tpu.dma_semaphore, #tpu.memory_space<semaphore_mem>>) {add = true}
      %mul3A_59 = arith.constant 8 : i32
      %mul3A_60 = arith.muli %mul3A_59, %add3A_39 : i32
      %add3A_61 = arith.constant 2 : i32
      %add3A_62 = arith.addi %mul3A_60, %add3A_61 : i32
      %dma_start3A_63 = arith.constant 0 : i32
      %dma_start3A_64 = tpu.memref_slice %arg8[%add3A_62, %dma_start3A_63] : memref<40x512xi32, #tpu.memory_space<vmem>> -> memref<1x512xi32, #tpu.memory_space<vmem>>
      %dma_start3A_65 = tpu.memref_squeeze %dma_start3A_64 : memref<1x512xi32, #tpu.memory_space<vmem>> -> memref<512xi32, #tpu.memory_space<vmem>>
      %dma_start3A_66 = arith.constant 0 : i32
      %dma_start3A_67 = arith.constant 0 : i32
      %dma_start3A_68 = tpu.memref_slice %arg7[%dma_start3A_66, %dma_start3A_67] : memref<10496x16xf32, #tpu.memory_space<vmem_shared>> -> memref<10496x16xf32, #tpu.memory_space<vmem_shared>>
      tpu.enqueue_indirect_dma source(%arg9 : memref<512x16xf32, #tpu.memory_space<vmem>>) target(%dma_start3A_68 : memref<10496x16xf32, #tpu.memory_space<vmem_shared>>) offsets(%dma_start3A_65 : memref<512xi32, #tpu.memory_space<vmem>>) semaphore(%arg16 : memref<!tpu.dma_semaphore, #tpu.memory_space<semaphore_mem>>) {add = true}
      %mul3A_69 = arith.constant 8 : i32
      %mul3A_70 = arith.muli %mul3A_69, %add3A_39 : i32
      %add3A_71 = arith.constant 3 : i32
      %add3A_72 = arith.addi %mul3A_70, %add3A_71 : i32
      %dma_start3A_73 = arith.constant 0 : i32
      %dma_start3A_74 = tpu.memref_slice %arg8[%add3A_72, %dma_start3A_73] : memref<40x512xi32, #tpu.memory_space<vmem>> -> memref<1x512xi32, #tpu.memory_space<vmem>>
      %dma_start3A_75 = tpu.memref_squeeze %dma_start3A_74 : memref<1x512xi32, #tpu.memory_space<vmem>> -> memref<512xi32, #tpu.memory_space<vmem>>
      %dma_start3A_76 = arith.constant 0 : i32
      %dma_start3A_77 = arith.constant 0 : i32
      %dma_start3A_78 = tpu.memref_slice %arg7[%dma_start3A_76, %dma_start3A_77] : memref<10496x16xf32, #tpu.memory_space<vmem_shared>> -> memref<10496x16xf32, #tpu.memory_space<vmem_shared>>
      tpu.enqueue_indirect_dma source(%arg9 : memref<512x16xf32, #tpu.memory_space<vmem>>) target(%dma_start3A_78 : memref<10496x16xf32, #tpu.memory_space<vmem_shared>>) offsets(%dma_start3A_75 : memref<512xi32, #tpu.memory_space<vmem>>) semaphore(%arg16 : memref<!tpu.dma_semaphore, #tpu.memory_space<semaphore_mem>>) {add = true}
      %mul3A_79 = arith.constant 8 : i32
      %mul3A_80 = arith.muli %mul3A_79, %add3A_39 : i32
      %add3A_81 = arith.constant 4 : i32
      %add3A_82 = arith.addi %mul3A_80, %add3A_81 : i32
      %dma_start3A_83 = arith.constant 0 : i32
      %dma_start3A_84 = tpu.memref_slice %arg8[%add3A_82, %dma_start3A_83] : memref<40x512xi32, #tpu.memory_space<vmem>> -> memref<1x512xi32, #tpu.memory_space<vmem>>
      %dma_start3A_85 = tpu.memref_squeeze %dma_start3A_84 : memref<1x512xi32, #tpu.memory_space<vmem>> -> memref<512xi32, #tpu.memory_space<vmem>>
      %dma_start3A_86 = arith.constant 0 : i32
      %dma_start3A_87 = arith.constant 0 : i32
      %dma_start3A_88 = tpu.memref_slice %arg7[%dma_start3A_86, %dma_start3A_87] : memref<10496x16xf32, #tpu.memory_space<vmem_shared>> -> memref<10496x16xf32, #tpu.memory_space<vmem_shared>>
      tpu.enqueue_indirect_dma source(%arg9 : memref<512x16xf32, #tpu.memory_space<vmem>>) target(%dma_start3A_88 : memref<10496x16xf32, #tpu.memory_space<vmem_shared>>) offsets(%dma_start3A_85 : memref<512xi32, #tpu.memory_space<vmem>>) semaphore(%arg16 : memref<!tpu.dma_semaphore, #tpu.memory_space<semaphore_mem>>) {add = true}
      %mul3A_89 = arith.constant 8 : i32
      %mul3A_90 = arith.muli %mul3A_89, %add3A_39 : i32
      %add3A_91 = arith.constant 5 : i32
      %add3A_92 = arith.addi %mul3A_90, %add3A_91 : i32
      %dma_start3A_93 = arith.constant 0 : i32
      %dma_start3A_94 = tpu.memref_slice %arg8[%add3A_92, %dma_start3A_93] : memref<40x512xi32, #tpu.memory_space<vmem>> -> memref<1x512xi32, #tpu.memory_space<vmem>>
      %dma_start3A_95 = tpu.memref_squeeze %dma_start3A_94 : memref<1x512xi32, #tpu.memory_space<vmem>> -> memref<512xi32, #tpu.memory_space<vmem>>
      %dma_start3A_96 = arith.constant 0 : i32
      %dma_start3A_97 = arith.constant 0 : i32
      %dma_start3A_98 = tpu.memref_slice %arg7[%dma_start3A_96, %dma_start3A_97] : memref<10496x16xf32, #tpu.memory_space<vmem_shared>> -> memref<10496x16xf32, #tpu.memory_space<vmem_shared>>
      tpu.enqueue_indirect_dma source(%arg9 : memref<512x16xf32, #tpu.memory_space<vmem>>) target(%dma_start3A_98 : memref<10496x16xf32, #tpu.memory_space<vmem_shared>>) offsets(%dma_start3A_95 : memref<512xi32, #tpu.memory_space<vmem>>) semaphore(%arg16 : memref<!tpu.dma_semaphore, #tpu.memory_space<semaphore_mem>>) {add = true}
      %mul3A_99 = arith.constant 8 : i32
      %mul3A_100 = arith.muli %mul3A_99, %add3A_39 : i32
      %add3A_101 = arith.constant 6 : i32
      %add3A_102 = arith.addi %mul3A_100, %add3A_101 : i32
      %dma_start3A_103 = arith.constant 0 : i32
      %dma_start3A_104 = tpu.memref_slice %arg8[%add3A_102, %dma_start3A_103] : memref<40x512xi32, #tpu.memory_space<vmem>> -> memref<1x512xi32, #tpu.memory_space<vmem>>
      %dma_start3A_105 = tpu.memref_squeeze %dma_start3A_104 : memref<1x512xi32, #tpu.memory_space<vmem>> -> memref<512xi32, #tpu.memory_space<vmem>>
      %dma_start3A_106 = arith.constant 0 : i32
      %dma_start3A_107 = arith.constant 0 : i32
      %dma_start3A_108 = tpu.memref_slice %arg7[%dma_start3A_106, %dma_start3A_107] : memref<10496x16xf32, #tpu.memory_space<vmem_shared>> -> memref<10496x16xf32, #tpu.memory_space<vmem_shared>>
      tpu.enqueue_indirect_dma source(%arg9 : memref<512x16xf32, #tpu.memory_space<vmem>>) target(%dma_start3A_108 : memref<10496x16xf32, #tpu.memory_space<vmem_shared>>) offsets(%dma_start3A_105 : memref<512xi32, #tpu.memory_space<vmem>>) semaphore(%arg16 : memref<!tpu.dma_semaphore, #tpu.memory_space<semaphore_mem>>) {add = true}
      %mul3A_109 = arith.constant 8 : i32
      %mul3A_110 = arith.muli %mul3A_109, %add3A_39 : i32
      %add3A_111 = arith.constant 7 : i32
      %add3A_112 = arith.addi %mul3A_110, %add3A_111 : i32
      %dma_start3A_113 = arith.constant 0 : i32
      %dma_start3A_114 = tpu.memref_slice %arg8[%add3A_112, %dma_start3A_113] : memref<40x512xi32, #tpu.memory_space<vmem>> -> memref<1x512xi32, #tpu.memory_space<vmem>>
      %dma_start3A_115 = tpu.memref_squeeze %dma_start3A_114 : memref<1x512xi32, #tpu.memory_space<vmem>> -> memref<512xi32, #tpu.memory_space<vmem>>
      %dma_start3A_116 = arith.constant 0 : i32
      %dma_start3A_117 = arith.constant 0 : i32
      %dma_start3A_118 = tpu.memref_slice %arg7[%dma_start3A_116, %dma_start3A_117] : memref<10496x16xf32, #tpu.memory_space<vmem_shared>> -> memref<10496x16xf32, #tpu.memory_space<vmem_shared>>
      tpu.enqueue_indirect_dma source(%arg9 : memref<512x16xf32, #tpu.memory_space<vmem>>) target(%dma_start3A_118 : memref<10496x16xf32, #tpu.memory_space<vmem_shared>>) offsets(%dma_start3A_115 : memref<512xi32, #tpu.memory_space<vmem>>) semaphore(%arg16 : memref<!tpu.dma_semaphore, #tpu.memory_space<semaphore_mem>>) {add = true}
      %dma_wait3A = arith.constant 0 : i32
      %dma_wait3A_119 = arith.constant 0 : i32
      %dma_wait3A_120 = tpu.memref_slice %arg8[%dma_wait3A, %dma_wait3A_119] : memref<40x512xi32, #tpu.memory_space<vmem>> -> memref<1x512xi32, #tpu.memory_space<vmem>>
      %dma_wait3A_121 = tpu.memref_squeeze %dma_wait3A_120 : memref<1x512xi32, #tpu.memory_space<vmem>> -> memref<512xi32, #tpu.memory_space<vmem>>
      %dma_wait3A_122 = arith.constant 0 : i32
      %dma_wait3A_123 = arith.constant 0 : i32
      %dma_wait3A_124 = tpu.memref_slice %arg7[%dma_wait3A_122, %dma_wait3A_123] : memref<10496x16xf32, #tpu.memory_space<vmem_shared>> -> memref<10496x16xf32, #tpu.memory_space<vmem_shared>>
      tpu.wait_indirect_dma semaphore(%arg16 : memref<!tpu.dma_semaphore, #tpu.memory_space<semaphore_mem>>) src(%arg9 : memref<512x16xf32, #tpu.memory_space<vmem>>) dst(%dma_wait3A_124 : memref<10496x16xf32, #tpu.memory_space<vmem_shared>>)
      %dma_wait3A_125 = arith.constant 0 : i32
      %dma_wait3A_126 = arith.constant 0 : i32
      %dma_wait3A_127 = tpu.memref_slice %arg8[%dma_wait3A_125, %dma_wait3A_126] : memref<40x512xi32, #tpu.memory_space<vmem>> -> memref<1x512xi32, #tpu.memory_space<vmem>>
      %dma_wait3A_128 = tpu.memref_squeeze %dma_wait3A_127 : memref<1x512xi32, #tpu.memory_space<vmem>> -> memref<512xi32, #tpu.memory_space<vmem>>
      %dma_wait3A_129 = arith.constant 0 : i32
      %dma_wait3A_130 = arith.constant 0 : i32
      %dma_wait3A_131 = tpu.memref_slice %arg7[%dma_wait3A_129, %dma_wait3A_130] : memref<10496x16xf32, #tpu.memory_space<vmem_shared>> -> memref<10496x16xf32, #tpu.memory_space<vmem_shared>>
      tpu.wait_indirect_dma semaphore(%arg16 : memref<!tpu.dma_semaphore, #tpu.memory_space<semaphore_mem>>) src(%arg9 : memref<512x16xf32, #tpu.memory_space<vmem>>) dst(%dma_wait3A_131 : memref<10496x16xf32, #tpu.memory_space<vmem_shared>>)
      %dma_wait3A_132 = arith.constant 0 : i32
      %dma_wait3A_133 = arith.constant 0 : i32
      %dma_wait3A_134 = tpu.memref_slice %arg8[%dma_wait3A_132, %dma_wait3A_133] : memref<40x512xi32, #tpu.memory_space<vmem>> -> memref<1x512xi32, #tpu.memory_space<vmem>>
      %dma_wait3A_135 = tpu.memref_squeeze %dma_wait3A_134 : memref<1x512xi32, #tpu.memory_space<vmem>> -> memref<512xi32, #tpu.memory_space<vmem>>
      %dma_wait3A_136 = arith.constant 0 : i32
      %dma_wait3A_137 = arith.constant 0 : i32
      %dma_wait3A_138 = tpu.memref_slice %arg7[%dma_wait3A_136, %dma_wait3A_137] : memref<10496x16xf32, #tpu.memory_space<vmem_shared>> -> memref<10496x16xf32, #tpu.memory_space<vmem_shared>>
      tpu.wait_indirect_dma semaphore(%arg16 : memref<!tpu.dma_semaphore, #tpu.memory_space<semaphore_mem>>) src(%arg9 : memref<512x16xf32, #tpu.memory_space<vmem>>) dst(%dma_wait3A_138 : memref<10496x16xf32, #tpu.memory_space<vmem_shared>>)
      %dma_wait3A_139 = arith.constant 0 : i32
      %dma_wait3A_140 = arith.constant 0 : i32
      %dma_wait3A_141 = tpu.memref_slice %arg8[%dma_wait3A_139, %dma_wait3A_140] : memref<40x512xi32, #tpu.memory_space<vmem>> -> memref<1x512xi32, #tpu.memory_space<vmem>>
      %dma_wait3A_142 = tpu.memref_squeeze %dma_wait3A_141 : memref<1x512xi32, #tpu.memory_space<vmem>> -> memref<512xi32, #tpu.memory_space<vmem>>
      %dma_wait3A_143 = arith.constant 0 : i32
      %dma_wait3A_144 = arith.constant 0 : i32
      %dma_wait3A_145 = tpu.memref_slice %arg7[%dma_wait3A_143, %dma_wait3A_144] : memref<10496x16xf32, #tpu.memory_space<vmem_shared>> -> memref<10496x16xf32, #tpu.memory_space<vmem_shared>>
      tpu.wait_indirect_dma semaphore(%arg16 : memref<!tpu.dma_semaphore, #tpu.memory_space<semaphore_mem>>) src(%arg9 : memref<512x16xf32, #tpu.memory_space<vmem>>) dst(%dma_wait3A_145 : memref<10496x16xf32, #tpu.memory_space<vmem_shared>>)
      %dma_wait3A_146 = arith.constant 0 : i32
      %dma_wait3A_147 = arith.constant 0 : i32
      %dma_wait3A_148 = tpu.memref_slice %arg8[%dma_wait3A_146, %dma_wait3A_147] : memref<40x512xi32, #tpu.memory_space<vmem>> -> memref<1x512xi32, #tpu.memory_space<vmem>>
      %dma_wait3A_149 = tpu.memref_squeeze %dma_wait3A_148 : memref<1x512xi32, #tpu.memory_space<vmem>> -> memref<512xi32, #tpu.memory_space<vmem>>
      %dma_wait3A_150 = arith.constant 0 : i32
      %dma_wait3A_151 = arith.constant 0 : i32
      %dma_wait3A_152 = tpu.memref_slice %arg7[%dma_wait3A_150, %dma_wait3A_151] : memref<10496x16xf32, #tpu.memory_space<vmem_shared>> -> memref<10496x16xf32, #tpu.memory_space<vmem_shared>>
      tpu.wait_indirect_dma semaphore(%arg16 : memref<!tpu.dma_semaphore, #tpu.memory_space<semaphore_mem>>) src(%arg9 : memref<512x16xf32, #tpu.memory_space<vmem>>) dst(%dma_wait3A_152 : memref<10496x16xf32, #tpu.memory_space<vmem_shared>>)
      %dma_wait3A_153 = arith.constant 0 : i32
      %dma_wait3A_154 = arith.constant 0 : i32
      %dma_wait3A_155 = tpu.memref_slice %arg8[%dma_wait3A_153, %dma_wait3A_154] : memref<40x512xi32, #tpu.memory_space<vmem>> -> memref<1x512xi32, #tpu.memory_space<vmem>>
      %dma_wait3A_156 = tpu.memref_squeeze %dma_wait3A_155 : memref<1x512xi32, #tpu.memory_space<vmem>> -> memref<512xi32, #tpu.memory_space<vmem>>
      %dma_wait3A_157 = arith.constant 0 : i32
      %dma_wait3A_158 = arith.constant 0 : i32
      %dma_wait3A_159 = tpu.memref_slice %arg7[%dma_wait3A_157, %dma_wait3A_158] : memref<10496x16xf32, #tpu.memory_space<vmem_shared>> -> memref<10496x16xf32, #tpu.memory_space<vmem_shared>>
      tpu.wait_indirect_dma semaphore(%arg16 : memref<!tpu.dma_semaphore, #tpu.memory_space<semaphore_mem>>) src(%arg9 : memref<512x16xf32, #tpu.memory_space<vmem>>) dst(%dma_wait3A_159 : memref<10496x16xf32, #tpu.memory_space<vmem_shared>>)
      %dma_wait3A_160 = arith.constant 0 : i32
      %dma_wait3A_161 = arith.constant 0 : i32
      %dma_wait3A_162 = tpu.memref_slice %arg8[%dma_wait3A_160, %dma_wait3A_161] : memref<40x512xi32, #tpu.memory_space<vmem>> -> memref<1x512xi32, #tpu.memory_space<vmem>>
      %dma_wait3A_163 = tpu.memref_squeeze %dma_wait3A_162 : memref<1x512xi32, #tpu.memory_space<vmem>> -> memref<512xi32, #tpu.memory_space<vmem>>
      %dma_wait3A_164 = arith.constant 0 : i32
      %dma_wait3A_165 = arith.constant 0 : i32
      %dma_wait3A_166 = tpu.memref_slice %arg7[%dma_wait3A_164, %dma_wait3A_165] : memref<10496x16xf32, #tpu.memory_space<vmem_shared>> -> memref<10496x16xf32, #tpu.memory_space<vmem_shared>>
      tpu.wait_indirect_dma semaphore(%arg16 : memref<!tpu.dma_semaphore, #tpu.memory_space<semaphore_mem>>) src(%arg9 : memref<512x16xf32, #tpu.memory_space<vmem>>) dst(%dma_wait3A_166 : memref<10496x16xf32, #tpu.memory_space<vmem_shared>>)
      %dma_wait3A_167 = arith.constant 0 : i32
      %dma_wait3A_168 = arith.constant 0 : i32
      %dma_wait3A_169 = tpu.memref_slice %arg8[%dma_wait3A_167, %dma_wait3A_168] : memref<40x512xi32, #tpu.memory_space<vmem>> -> memref<1x512xi32, #tpu.memory_space<vmem>>
      %dma_wait3A_170 = tpu.memref_squeeze %dma_wait3A_169 : memref<1x512xi32, #tpu.memory_space<vmem>> -> memref<512xi32, #tpu.memory_space<vmem>>
      %dma_wait3A_171 = arith.constant 0 : i32
      %dma_wait3A_172 = arith.constant 0 : i32
      %dma_wait3A_173 = tpu.memref_slice %arg7[%dma_wait3A_171, %dma_wait3A_172] : memref<10496x16xf32, #tpu.memory_space<vmem_shared>> -> memref<10496x16xf32, #tpu.memory_space<vmem_shared>>
      tpu.wait_indirect_dma semaphore(%arg16 : memref<!tpu.dma_semaphore, #tpu.memory_space<semaphore_mem>>) src(%arg9 : memref<512x16xf32, #tpu.memory_space<vmem>>) dst(%dma_wait3A_173 : memref<10496x16xf32, #tpu.memory_space<vmem_shared>>)
    }
    %scan3A_25 = arith.constant 5 : i32
    %barrier3A_26 = arith.constant 0 : index
    tpu.barrier barrier_id(%barrier3A_26)
    %mul3A_27 = arith.constant 328 : i32
    %mul3A_28 = arith.muli %add3A, %mul3A_27 : i32
    "tpu.region"() ({
      %run_scoped3A_35 = tpu.sem_alloc : memref<!tpu.dma_semaphore, #tpu.memory_space<semaphore_mem>>
      %dma_start3A = arith.constant 0 : i32
      %dma_start3A_36 = tpu.memref_slice %arg7[%mul3A_28, %dma_start3A] : memref<10496x16xf32, #tpu.memory_space<vmem_shared>> -> memref<328x16xf32, #tpu.memory_space<vmem_shared>>
      %dma_start3A_37 = arith.constant 0 : i32
      %dma_start3A_38 = tpu.memref_slice %arg7[%mul3A_28, %dma_start3A_37] : memref<10496x16xf32, #tpu.memory_space<vmem_shared>> -> memref<328x16xf32, #tpu.memory_space<vmem_shared>>
      tpu.enqueue_dma source(%dma_start3A_38 : memref<328x16xf32, #tpu.memory_space<vmem_shared>>) target(%arg10 : memref<328x16xf32, #tpu.memory_space<vmem>>) target_semaphore(%run_scoped3A_35 : memref<!tpu.dma_semaphore, #tpu.memory_space<semaphore_mem>>)
      %dma_wait3A = arith.constant 0 : i32
      %dma_wait3A_39 = tpu.memref_slice %arg7[%mul3A_28, %dma_wait3A] : memref<10496x16xf32, #tpu.memory_space<vmem_shared>> -> memref<328x16xf32, #tpu.memory_space<vmem_shared>>
      %dma_wait3A_40 = arith.constant 0 : i32
      %dma_wait3A_41 = tpu.memref_slice %arg7[%mul3A_28, %dma_wait3A_40] : memref<10496x16xf32, #tpu.memory_space<vmem_shared>> -> memref<328x16xf32, #tpu.memory_space<vmem_shared>>
      tpu.wait_dma2 semaphore(%run_scoped3A_35 : memref<!tpu.dma_semaphore, #tpu.memory_space<semaphore_mem>>) src(%dma_wait3A_41 : memref<328x16xf32, #tpu.memory_space<vmem_shared>>) dst(%arg10 : memref<328x16xf32, #tpu.memory_space<vmem>>)
      tpu.yield
    }) : () -> ()
    "tpu.region"() ({
      %run_scoped3A_35 = tpu.sem_alloc : memref<!tpu.dma_semaphore, #tpu.memory_space<semaphore_mem>>
      %dma_start3A = arith.constant 0 : i32
      %dma_start3A_36 = tpu.memref_slice %arg3[%mul3A_28, %dma_start3A] : memref<10496x64xf32, #tpu.memory_space<hbm>> -> memref<328x64xf32, #tpu.memory_space<hbm>>
      %dma_start3A_37 = arith.constant 0 : i32
      %dma_start3A_38 = tpu.memref_slice %arg3[%mul3A_28, %dma_start3A_37] : memref<10496x64xf32, #tpu.memory_space<hbm>> -> memref<328x64xf32, #tpu.memory_space<hbm>>
      tpu.enqueue_dma source(%dma_start3A_38 : memref<328x64xf32, #tpu.memory_space<hbm>>) target(%arg11 : memref<328x64xf32, #tpu.memory_space<vmem>>) target_semaphore(%run_scoped3A_35 : memref<!tpu.dma_semaphore, #tpu.memory_space<semaphore_mem>>)
      %dma_wait3A = arith.constant 0 : i32
      %dma_wait3A_39 = tpu.memref_slice %arg3[%mul3A_28, %dma_wait3A] : memref<10496x64xf32, #tpu.memory_space<hbm>> -> memref<328x64xf32, #tpu.memory_space<hbm>>
      %dma_wait3A_40 = arith.constant 0 : i32
      %dma_wait3A_41 = tpu.memref_slice %arg3[%mul3A_28, %dma_wait3A_40] : memref<10496x64xf32, #tpu.memory_space<hbm>> -> memref<328x64xf32, #tpu.memory_space<hbm>>
      tpu.wait_dma2 semaphore(%run_scoped3A_35 : memref<!tpu.dma_semaphore, #tpu.memory_space<semaphore_mem>>) src(%dma_wait3A_41 : memref<328x64xf32, #tpu.memory_space<hbm>>) dst(%arg11 : memref<328x64xf32, #tpu.memory_space<vmem>>)
      tpu.yield
    }) : () -> ()
    %scan3A_29 = arith.constant 0 : i32
    %scan3A_30 = arith.constant 328 : i32
    %scan3A_31 = arith.addi %scan3A_29, %scan3A_30 : i32
    %scan3A_32 = arith.constant 1 : i32
    scf.for %scan3A_35 = %scan3A_29 to %scan3A_31 step %scan3A_32  : i32 {
      %mul3A_36 = arith.constant 1 : i32
      %mul3A_37 = arith.muli %scan3A_35, %mul3A_36 : i32
      %add3A_38 = arith.constant 0 : i32
      %add3A_39 = arith.addi %add3A_38, %mul3A_37 : i32
      %get3A = arith.index_cast %add3A_39 : i32 to index
      %get3A_40 = arith.constant 0 : index
      %get3A_41 = tpu.vector_load %arg10[%get3A, %get3A_40] {strides = array<i32>} : memref<328x16xf32, #tpu.memory_space<vmem>>, vector<16xf32>,
      %add3A_42 = arith.constant 1.000000e+00 : f32
      %add3A_43 = vector.broadcast %add3A_42 : f32 to vector<16xf32>
      %add3A_44 = arith.addf %get3A_41, %add3A_43 : vector<16xf32>
      %broadcast_in_dim3A_45 = arith.constant 1 : i32
      %broadcast_in_dim3A_46 = vector.broadcast %broadcast_in_dim3A_45 : i32 to vector<16xi32>
      %broadcast_in_dim3A_47 = arith.constant 1597463007 : i32
      %broadcast_in_dim3A_48 = vector.broadcast %broadcast_in_dim3A_47 : i32 to vector<16xi32>
      %bitcast3A = vector.bitcast %add3A_44 : vector<16xf32> to vector<16xi32>
      %shift_right_logical3A = arith.shrui %bitcast3A, %broadcast_in_dim3A_46 : vector<16xi32>
      %sub3A = arith.subi %broadcast_in_dim3A_48, %shift_right_logical3A : vector<16xi32>
      %bitcast3A_49 = vector.bitcast %sub3A : vector<16xi32> to vector<16xf32>
      %mul3A_50 = arith.constant 5.000000e-01 : f32
      %mul3A_51 = vector.broadcast %mul3A_50 : f32 to vector<16xf32>
      %mul3A_52 = arith.mulf %mul3A_51, %add3A_44 : vector<16xf32>
      %mul3A_53 = arith.mulf %mul3A_52, %bitcast3A_49 : vector<16xf32>
      %mul3A_54 = arith.mulf %mul3A_53, %bitcast3A_49 : vector<16xf32>
      %sub3A_55 = arith.constant 1.500000e+00 : f32
      %sub3A_56 = vector.broadcast %sub3A_55 : f32 to vector<16xf32>
      %sub3A_57 = arith.subf %sub3A_56, %mul3A_54 : vector<16xf32>
      %mul3A_58 = arith.mulf %bitcast3A_49, %sub3A_57 : vector<16xf32>
      %mul3A_59 = arith.constant 5.000000e-01 : f32
      %mul3A_60 = vector.broadcast %mul3A_59 : f32 to vector<16xf32>
      %mul3A_61 = arith.mulf %mul3A_60, %add3A_44 : vector<16xf32>
      %mul3A_62 = arith.mulf %mul3A_61, %mul3A_58 : vector<16xf32>
      %mul3A_63 = arith.mulf %mul3A_62, %mul3A_58 : vector<16xf32>
      %sub3A_64 = arith.constant 1.500000e+00 : f32
      %sub3A_65 = vector.broadcast %sub3A_64 : f32 to vector<16xf32>
      %sub3A_66 = arith.subf %sub3A_65, %mul3A_63 : vector<16xf32>
      %mul3A_67 = arith.mulf %mul3A_58, %sub3A_66 : vector<16xf32>
      %mul3A_68 = arith.constant 5.000000e-01 : f32
      %mul3A_69 = vector.broadcast %mul3A_68 : f32 to vector<16xf32>
      %mul3A_70 = arith.mulf %mul3A_69, %add3A_44 : vector<16xf32>
      %mul3A_71 = arith.mulf %mul3A_70, %mul3A_67 : vector<16xf32>
      %mul3A_72 = arith.mulf %mul3A_71, %mul3A_67 : vector<16xf32>
      %sub3A_73 = arith.constant 1.500000e+00 : f32
      %sub3A_74 = vector.broadcast %sub3A_73 : f32 to vector<16xf32>
      %sub3A_75 = arith.subf %sub3A_74, %mul3A_72 : vector<16xf32>
      %mul3A_76 = arith.mulf %mul3A_67, %sub3A_75 : vector<16xf32>
      %mul3A_77 = arith.mulf %mul3A_76, %mul3A_76 : vector<16xf32>
      %mul3A_78 = arith.constant 0.899999976 : f32
      %mul3A_79 = vector.broadcast %mul3A_78 : f32 to vector<16xf32>
      %mul3A_80 = arith.mulf %mul3A_79, %mul3A_77 : vector<16xf32>
      %swap3A = arith.index_cast %add3A_39 : i32 to index
      %swap3A_81 = arith.constant 0 : index
      %swap3A_82 = tpu.vector_load %arg14[%swap3A, %swap3A_81] {strides = array<i32>} : memref<328x16xf32, #tpu.memory_space<vmem>>, vector<16xf32>,
      tpu.vector_store %arg14[%swap3A, %swap3A_81], %mul3A_80 {strides = array<i32>} : memref<328x16xf32, #tpu.memory_space<vmem>>, vector<16xf32>,
      %mul3A_83 = arith.mulf %add3A_44, %mul3A_76 : vector<16xf32>
      %swap3A_84 = arith.index_cast %add3A_39 : i32 to index
      %swap3A_85 = arith.constant 0 : index
      %swap3A_86 = tpu.vector_load %arg15[%swap3A_84, %swap3A_85] {strides = array<i32>} : memref<328x16xf32, #tpu.memory_space<vmem>>, vector<16xf32>,
      tpu.vector_store %arg15[%swap3A_84, %swap3A_85], %mul3A_83 {strides = array<i32>} : memref<328x16xf32, #tpu.memory_space<vmem>>, vector<16xf32>,
      %get3A_87 = arith.index_cast %add3A_39 : i32 to index
      %get3A_88 = arith.constant 0 : index
      %get3A_89 = tpu.vector_load %arg11[%get3A_87, %get3A_88] {strides = array<i32>} : memref<328x64xf32, #tpu.memory_space<vmem>>, vector<16xf32>,
      %mul3A_90 = arith.mulf %get3A_89, %mul3A_76 : vector<16xf32>
      %swap3A_91 = arith.index_cast %add3A_39 : i32 to index
      %swap3A_92 = arith.constant 0 : index
      %swap3A_93 = tpu.vector_load %arg12[%swap3A_91, %swap3A_92] {strides = array<i32>} : memref<328x32xf32, #tpu.memory_space<vmem>>, vector<16xf32>,
      tpu.vector_store %arg12[%swap3A_91, %swap3A_92], %mul3A_90 {strides = array<i32>} : memref<328x32xf32, #tpu.memory_space<vmem>>, vector<16xf32>,
      %get3A_94 = arith.index_cast %add3A_39 : i32 to index
      %get3A_95 = arith.constant 32 : index
      %get3A_96 = tpu.vector_load %arg11[%get3A_94, %get3A_95] {strides = array<i32>} : memref<328x64xf32, #tpu.memory_space<vmem>>, vector<16xf32>,
      %mul3A_97 = arith.mulf %get3A_96, %mul3A_76 : vector<16xf32>
      %swap3A_98 = arith.index_cast %add3A_39 : i32 to index
      %swap3A_99 = arith.constant 0 : index
      %swap3A_100 = tpu.vector_load %arg13[%swap3A_98, %swap3A_99] {strides = array<i32>} : memref<328x32xf32, #tpu.memory_space<vmem>>, vector<16xf32>,
      tpu.vector_store %arg13[%swap3A_98, %swap3A_99], %mul3A_97 {strides = array<i32>} : memref<328x32xf32, #tpu.memory_space<vmem>>, vector<16xf32>,
      %get3A_101 = arith.index_cast %add3A_39 : i32 to index
      %get3A_102 = arith.constant 16 : index
      %get3A_103 = tpu.vector_load %arg11[%get3A_101, %get3A_102] {strides = array<i32>} : memref<328x64xf32, #tpu.memory_space<vmem>>, vector<16xf32>,
      %mul3A_104 = arith.mulf %get3A_103, %mul3A_76 : vector<16xf32>
      %swap3A_105 = arith.index_cast %add3A_39 : i32 to index
      %swap3A_106 = arith.constant 16 : index
      %swap3A_107 = tpu.vector_load %arg12[%swap3A_105, %swap3A_106] {strides = array<i32>} : memref<328x32xf32, #tpu.memory_space<vmem>>, vector<16xf32>,
      tpu.vector_store %arg12[%swap3A_105, %swap3A_106], %mul3A_104 {strides = array<i32>} : memref<328x32xf32, #tpu.memory_space<vmem>>, vector<16xf32>,
      %get3A_108 = arith.index_cast %add3A_39 : i32 to index
      %get3A_109 = arith.constant 48 : index
      %get3A_110 = tpu.vector_load %arg11[%get3A_108, %get3A_109] {strides = array<i32>} : memref<328x64xf32, #tpu.memory_space<vmem>>, vector<16xf32>,
      %mul3A_111 = arith.mulf %get3A_110, %mul3A_76 : vector<16xf32>
      %swap3A_112 = arith.index_cast %add3A_39 : i32 to index
      %swap3A_113 = arith.constant 16 : index
      %swap3A_114 = tpu.vector_load %arg13[%swap3A_112, %swap3A_113] {strides = array<i32>} : memref<328x32xf32, #tpu.memory_space<vmem>>, vector<16xf32>,
      tpu.vector_store %arg13[%swap3A_112, %swap3A_113], %mul3A_111 {strides = array<i32>} : memref<328x32xf32, #tpu.memory_space<vmem>>, vector<16xf32>,
    }
    %scan3A_33 = arith.constant 328 : i32
    "tpu.region"() ({
      %run_scoped3A_35 = tpu.sem_alloc : memref<!tpu.dma_semaphore, #tpu.memory_space<semaphore_mem>>
      %dma_start3A = arith.constant 0 : i32
      %dma_start3A_36 = tpu.memref_slice %arg5[%mul3A_28, %dma_start3A] : memref<10496x16xf32, #tpu.memory_space<hbm>> -> memref<328x16xf32, #tpu.memory_space<hbm>>
      %dma_start3A_37 = arith.constant 0 : i32
      %dma_start3A_38 = tpu.memref_slice %arg5[%mul3A_28, %dma_start3A_37] : memref<10496x16xf32, #tpu.memory_space<hbm>> -> memref<328x16xf32, #tpu.memory_space<hbm>>
      tpu.enqueue_dma source(%arg14 : memref<328x16xf32, #tpu.memory_space<vmem>>) target(%dma_start3A_38 : memref<328x16xf32, #tpu.memory_space<hbm>>) target_semaphore(%run_scoped3A_35 : memref<!tpu.dma_semaphore, #tpu.memory_space<semaphore_mem>>)
      %dma_wait3A = arith.constant 0 : i32
      %dma_wait3A_39 = tpu.memref_slice %arg5[%mul3A_28, %dma_wait3A] : memref<10496x16xf32, #tpu.memory_space<hbm>> -> memref<328x16xf32, #tpu.memory_space<hbm>>
      %dma_wait3A_40 = arith.constant 0 : i32
      %dma_wait3A_41 = tpu.memref_slice %arg5[%mul3A_28, %dma_wait3A_40] : memref<10496x16xf32, #tpu.memory_space<hbm>> -> memref<328x16xf32, #tpu.memory_space<hbm>>
      tpu.wait_dma2 semaphore(%run_scoped3A_35 : memref<!tpu.dma_semaphore, #tpu.memory_space<semaphore_mem>>) src(%arg14 : memref<328x16xf32, #tpu.memory_space<vmem>>) dst(%dma_wait3A_41 : memref<328x16xf32, #tpu.memory_space<hbm>>)
      tpu.yield
    }) : () -> ()
    "tpu.region"() ({
      %run_scoped3A_35 = tpu.sem_alloc : memref<!tpu.dma_semaphore, #tpu.memory_space<semaphore_mem>>
      %dma_start3A = arith.constant 0 : i32
      %dma_start3A_36 = tpu.memref_slice %arg6[%mul3A_28, %dma_start3A] : memref<10496x16xf32, #tpu.memory_space<hbm>> -> memref<328x16xf32, #tpu.memory_space<hbm>>
      %dma_start3A_37 = arith.constant 0 : i32
      %dma_start3A_38 = tpu.memref_slice %arg6[%mul3A_28, %dma_start3A_37] : memref<10496x16xf32, #tpu.memory_space<hbm>> -> memref<328x16xf32, #tpu.memory_space<hbm>>
      tpu.enqueue_dma source(%arg15 : memref<328x16xf32, #tpu.memory_space<vmem>>) target(%dma_start3A_38 : memref<328x16xf32, #tpu.memory_space<hbm>>) target_semaphore(%run_scoped3A_35 : memref<!tpu.dma_semaphore, #tpu.memory_space<semaphore_mem>>)
      %dma_wait3A = arith.constant 0 : i32
      %dma_wait3A_39 = tpu.memref_slice %arg6[%mul3A_28, %dma_wait3A] : memref<10496x16xf32, #tpu.memory_space<hbm>> -> memref<328x16xf32, #tpu.memory_space<hbm>>
      %dma_wait3A_40 = arith.constant 0 : i32
      %dma_wait3A_41 = tpu.memref_slice %arg6[%mul3A_28, %dma_wait3A_40] : memref<10496x16xf32, #tpu.memory_space<hbm>> -> memref<328x16xf32, #tpu.memory_space<hbm>>
      tpu.wait_dma2 semaphore(%run_scoped3A_35 : memref<!tpu.dma_semaphore, #tpu.memory_space<semaphore_mem>>) src(%arg15 : memref<328x16xf32, #tpu.memory_space<vmem>>) dst(%dma_wait3A_41 : memref<328x16xf32, #tpu.memory_space<hbm>>)
      tpu.yield
    }) : () -> ()
    %run_scoped3A = arith.constant 0 : i32
    "tpu.region"() ({
      %run_scoped3A_35 = tpu.sem_alloc : memref<!tpu.dma_semaphore, #tpu.memory_space<semaphore_mem>>
      %dma_start3A = arith.constant 0 : i32
      %dma_start3A_36 = tpu.memref_slice %arg4[%run_scoped3A, %mul3A_28, %dma_start3A] : memref<2x10496x32xf32, #tpu.memory_space<hbm>> -> memref<1x328x32xf32, #tpu.memory_space<hbm>>
      %dma_start3A_37 = tpu.memref_squeeze %dma_start3A_36 : memref<1x328x32xf32, #tpu.memory_space<hbm>> -> memref<328x32xf32, #tpu.memory_space<hbm>>
      %dma_start3A_38 = arith.constant 0 : i32
      %dma_start3A_39 = tpu.memref_slice %arg4[%run_scoped3A, %mul3A_28, %dma_start3A_38] : memref<2x10496x32xf32, #tpu.memory_space<hbm>> -> memref<1x328x32xf32, #tpu.memory_space<hbm>>
      %dma_start3A_40 = tpu.memref_squeeze %dma_start3A_39 : memref<1x328x32xf32, #tpu.memory_space<hbm>> -> memref<328x32xf32, #tpu.memory_space<hbm>>
      tpu.enqueue_dma source(%arg12 : memref<328x32xf32, #tpu.memory_space<vmem>>) target(%dma_start3A_40 : memref<328x32xf32, #tpu.memory_space<hbm>>) target_semaphore(%run_scoped3A_35 : memref<!tpu.dma_semaphore, #tpu.memory_space<semaphore_mem>>)
      %dma_wait3A = arith.constant 0 : i32
      %dma_wait3A_41 = tpu.memref_slice %arg4[%run_scoped3A, %mul3A_28, %dma_wait3A] : memref<2x10496x32xf32, #tpu.memory_space<hbm>> -> memref<1x328x32xf32, #tpu.memory_space<hbm>>
      %dma_wait3A_42 = tpu.memref_squeeze %dma_wait3A_41 : memref<1x328x32xf32, #tpu.memory_space<hbm>> -> memref<328x32xf32, #tpu.memory_space<hbm>>
      %dma_wait3A_43 = arith.constant 0 : i32
      %dma_wait3A_44 = tpu.memref_slice %arg4[%run_scoped3A, %mul3A_28, %dma_wait3A_43] : memref<2x10496x32xf32, #tpu.memory_space<hbm>> -> memref<1x328x32xf32, #tpu.memory_space<hbm>>
      %dma_wait3A_45 = tpu.memref_squeeze %dma_wait3A_44 : memref<1x328x32xf32, #tpu.memory_space<hbm>> -> memref<328x32xf32, #tpu.memory_space<hbm>>
      tpu.wait_dma2 semaphore(%run_scoped3A_35 : memref<!tpu.dma_semaphore, #tpu.memory_space<semaphore_mem>>) src(%arg12 : memref<328x32xf32, #tpu.memory_space<vmem>>) dst(%dma_wait3A_45 : memref<328x32xf32, #tpu.memory_space<hbm>>)
      tpu.yield
    }) : () -> ()
    %run_scoped3A_34 = arith.constant 1 : i32
    "tpu.region"() ({
      %run_scoped3A_35 = tpu.sem_alloc : memref<!tpu.dma_semaphore, #tpu.memory_space<semaphore_mem>>
      %dma_start3A = arith.constant 0 : i32
      %dma_start3A_36 = tpu.memref_slice %arg4[%run_scoped3A_34, %mul3A_28, %dma_start3A] : memref<2x10496x32xf32, #tpu.memory_space<hbm>> -> memref<1x328x32xf32, #tpu.memory_space<hbm>>
      %dma_start3A_37 = tpu.memref_squeeze %dma_start3A_36 : memref<1x328x32xf32, #tpu.memory_space<hbm>> -> memref<328x32xf32, #tpu.memory_space<hbm>>
      %dma_start3A_38 = arith.constant 0 : i32
      %dma_start3A_39 = tpu.memref_slice %arg4[%run_scoped3A_34, %mul3A_28, %dma_start3A_38] : memref<2x10496x32xf32, #tpu.memory_space<hbm>> -> memref<1x328x32xf32, #tpu.memory_space<hbm>>
      %dma_start3A_40 = tpu.memref_squeeze %dma_start3A_39 : memref<1x328x32xf32, #tpu.memory_space<hbm>> -> memref<328x32xf32, #tpu.memory_space<hbm>>
      tpu.enqueue_dma source(%arg13 : memref<328x32xf32, #tpu.memory_space<vmem>>) target(%dma_start3A_40 : memref<328x32xf32, #tpu.memory_space<hbm>>) target_semaphore(%run_scoped3A_35 : memref<!tpu.dma_semaphore, #tpu.memory_space<semaphore_mem>>)
      %dma_wait3A = arith.constant 0 : i32
      %dma_wait3A_41 = tpu.memref_slice %arg4[%run_scoped3A_34, %mul3A_28, %dma_wait3A] : memref<2x10496x32xf32, #tpu.memory_space<hbm>> -> memref<1x328x32xf32, #tpu.memory_space<hbm>>
      %dma_wait3A_42 = tpu.memref_squeeze %dma_wait3A_41 : memref<1x328x32xf32, #tpu.memory_space<hbm>> -> memref<328x32xf32, #tpu.memory_space<hbm>>
      %dma_wait3A_43 = arith.constant 0 : i32
      %dma_wait3A_44 = tpu.memref_slice %arg4[%run_scoped3A_34, %mul3A_28, %dma_wait3A_43] : memref<2x10496x32xf32, #tpu.memory_space<hbm>> -> memref<1x328x32xf32, #tpu.memory_space<hbm>>
      %dma_wait3A_45 = tpu.memref_squeeze %dma_wait3A_44 : memref<1x328x32xf32, #tpu.memory_space<hbm>> -> memref<328x32xf32, #tpu.memory_space<hbm>>
      tpu.wait_dma2 semaphore(%run_scoped3A_35 : memref<!tpu.dma_semaphore, #tpu.memory_space<semaphore_mem>>) src(%arg13 : memref<328x32xf32, #tpu.memory_space<vmem>>) dst(%dma_wait3A_45 : memref<328x32xf32, #tpu.memory_space<hbm>>)
      tpu.yield
    }) : () -> ()
    return
  }
}

module attributes {stable_mosaic.version = 14 : i64} {
  func.func @_linin_body(%arg0: memref<10000x128xf32, #tpu.memory_space<vmem>>, %arg1: memref<128x64xf32, #tpu.memory_space<vmem>>, %arg2: memref<1x64xf32, #tpu.memory_space<vmem>>, %arg3: memref<10496x64xf32, #tpu.memory_space<vmem>>) attributes {dimension_semantics = [], scalar_prefetch = 0 : i64, scratch_operands = 0 : i64, tpu.core_type = #tpu.core_type<tc>} {
    %get3A = arith.constant 0 : index
    %get3A_0 = arith.constant 0 : index
    %get3A_1 = vector.load %arg2[%get3A, %get3A_0] : memref<1x64xf32, #tpu.memory_space<vmem>>, vector<1x64xf32>
    %broadcast_in_dim3A = vector.shape_cast %get3A_1 : vector<1x64xf32> to vector<1x64xf32>
    %broadcast_in_dim3A_2 = vector.broadcast %broadcast_in_dim3A : vector<1x64xf32> to vector<10496x64xf32>
    %swap3A = arith.constant 0 : index
    %swap3A_3 = arith.constant 0 : index
    %swap3A_4 = vector.load %arg3[%swap3A, %swap3A_3] : memref<10496x64xf32, #tpu.memory_space<vmem>>, vector<10496x64xf32>
    tpu.vector_store %arg3[%swap3A, %swap3A_3], %broadcast_in_dim3A_2 {strides = array<i32>} : memref<10496x64xf32, #tpu.memory_space<vmem>>, vector<10496x64xf32>,
    %get3A_5 = arith.constant 0 : index
    %get3A_6 = arith.constant 0 : index
    %get3A_7 = vector.load %arg0[%get3A_5, %get3A_6] : memref<10000x128xf32, #tpu.memory_space<vmem>>, vector<10000x128xf32>
    %get3A_8 = arith.constant 0 : index
    %get3A_9 = arith.constant 0 : index
    %get3A_10 = vector.load %arg1[%get3A_8, %get3A_9] : memref<128x64xf32, #tpu.memory_space<vmem>>, vector<128x64xf32>
    %dot_general3A = arith.constant dense<0.000000e+00> : vector<10000x64xf32>
    %dot_general3A_11 = tpu.matmul %get3A_7, %get3A_10, %dot_general3A {dimension_numbers = #tpu.dot_dimension_numbers<[1], [0], [0], [1], [0, 0, 1, 1], [], []>, transpose_lhs_hint = false} : vector<10000x128xf32>, vector<128x64xf32>, vector<10000x64xf32> -> vector<10000x64xf32>
    %get3A_12 = arith.constant 0 : index
    %get3A_13 = arith.constant 0 : index
    %get3A_14 = vector.load %arg2[%get3A_12, %get3A_13] : memref<1x64xf32, #tpu.memory_space<vmem>>, vector<1x64xf32>
    %add3A = vector.broadcast %get3A_14 : vector<1x64xf32> to vector<10000x64xf32>
    %add3A_15 = arith.addf %dot_general3A_11, %add3A : vector<10000x64xf32>
    %swap3A_16 = arith.constant 0 : index
    %swap3A_17 = arith.constant 0 : index
    %swap3A_18 = vector.load %arg3[%swap3A_16, %swap3A_17] : memref<10496x64xf32, #tpu.memory_space<vmem>>, vector<10000x64xf32>
    tpu.vector_store %arg3[%swap3A_16, %swap3A_17], %add3A_15 {strides = array<i32>} : memref<10496x64xf32, #tpu.memory_space<vmem>>, vector<10000x64xf32>,
    return
  }
}

module attributes {stable_mosaic.version = 14 : i64} {
  func.func @_fin_body(%arg0: memref<2x10496x32xf32, #tpu.memory_space<vmem>>, %arg1: memref<10496x16xf32, #tpu.memory_space<vmem>>, %arg2: memref<64x40xf32, #tpu.memory_space<vmem>>, %arg3: memref<1x40xf32, #tpu.memory_space<vmem>>, %arg4: memref<10496x40xf32, #tpu.memory_space<vmem>>) attributes {dimension_semantics = [], scalar_prefetch = 0 : i64, scratch_operands = 0 : i64, tpu.core_type = #tpu.core_type<tc>} {
    %get3A = arith.constant 0 : index
    %get3A_0 = arith.constant 0 : index
    %get3A_1 = arith.constant 0 : index
    %get3A_2 = vector.load %arg0[%get3A, %get3A_0, %get3A_1] : memref<2x10496x32xf32, #tpu.memory_space<vmem>>, vector<1x10496x32xf32>
    %get3A_3 = vector.shape_cast %get3A_2 : vector<1x10496x32xf32> to vector<10496x32xf32>
    %get3A_4 = arith.constant 1 : index
    %get3A_5 = arith.constant 0 : index
    %get3A_6 = arith.constant 0 : index
    %get3A_7 = vector.load %arg0[%get3A_4, %get3A_5, %get3A_6] : memref<2x10496x32xf32, #tpu.memory_space<vmem>>, vector<1x10496x32xf32>
    %get3A_8 = vector.shape_cast %get3A_7 : vector<1x10496x32xf32> to vector<10496x32xf32>
    %concatenate3A = tpu.concatenate %get3A_3, %get3A_8 in 1 : vector<10496x32xf32>, vector<10496x32xf32> -> vector<10496x64xf32>
    %get3A_9 = arith.constant 0 : index
    %get3A_10 = arith.constant 0 : index
    %get3A_11 = vector.load %arg1[%get3A_9, %get3A_10] : memref<10496x16xf32, #tpu.memory_space<vmem>>, vector<10496x1xf32>
    %mul3A = vector.broadcast %get3A_11 : vector<10496x1xf32> to vector<10496x64xf32>
    %mul3A_12 = arith.mulf %concatenate3A, %mul3A : vector<10496x64xf32>
    %max3A = arith.constant 0.000000e+00 : f32
    %max3A_13 = vector.broadcast %max3A : f32 to vector<10496x64xf32>
    %max3A_14 = arith.maximumf %mul3A_12, %max3A_13 : vector<10496x64xf32>
    %get3A_15 = arith.constant 0 : index
    %get3A_16 = arith.constant 0 : index
    %get3A_17 = vector.load %arg2[%get3A_15, %get3A_16] : memref<64x40xf32, #tpu.memory_space<vmem>>, vector<64x40xf32>
    %dot_general3A = arith.constant dense<0.000000e+00> : vector<10496x40xf32>
    %dot_general3A_18 = tpu.matmul %max3A_14, %get3A_17, %dot_general3A {dimension_numbers = #tpu.dot_dimension_numbers<[1], [0], [0], [1], [0, 0, 1, 1], [], []>, transpose_lhs_hint = false} : vector<10496x64xf32>, vector<64x40xf32>, vector<10496x40xf32> -> vector<10496x40xf32>
    %get3A_19 = arith.constant 0 : index
    %get3A_20 = arith.constant 0 : index
    %get3A_21 = vector.load %arg3[%get3A_19, %get3A_20] : memref<1x40xf32, #tpu.memory_space<vmem>>, vector<1x40xf32>
    %add3A = vector.broadcast %get3A_21 : vector<1x40xf32> to vector<10496x40xf32>
    %add3A_22 = arith.addf %dot_general3A_18, %add3A : vector<10496x40xf32>
    %swap3A = arith.constant 0 : index
    %swap3A_23 = arith.constant 0 : index
    %swap3A_24 = vector.load %arg4[%swap3A, %swap3A_23] : memref<10496x40xf32, #tpu.memory_space<vmem>>, vector<10496x40xf32>
    tpu.vector_store %arg4[%swap3A, %swap3A_23], %add3A_22 {strides = array<i32>} : memref<10496x40xf32, #tpu.memory_space<vmem>>, vector<10496x40xf32>,
    return
  }
}

</mosaic_0001>

<sc_bundles>
// kernel: kernel.6.cloned.1.call-start
scs
__scs_entry_jumppad:
0x0: {  	(pc) =	sbr.rel $0x88, $3  }
0x1: {  	(tag) =	ssettag $0x0;
	lr =	simm.s32 $0x1  }
0x2: {  	[smem:$0x3F9B] =	sst lr;
	_ =	strace $0xD0000000  }
0x3: {  	_ = 	snop  }
0x4: {  	_ = 	snop  }
0x5: {  	_ = 	snop  }
0x6: {  	_ = 	snop  }
0x7: {  	_ = 	snop  }
__scs_overlays_trampoline_lowered:
0x8: {  	[smem:$0x3FAA] =	sst s0  }
0x9: {  	[smem:$0x3FAB] =	sst s1  }
0xa: {  	[smem:$0x3FAC] =	sst s2  }
0xb: {  	[smem:$0x3FAD] =	sst s3  }
0xc: {  	[smem:$0x3FAE] =	sst s4  }
0xd: {  	[smem:$0x3FAF] =	sst s5  }
0xe: {  	[smem:$0x3FB0] =	sst s6  }
0xf: {  	[smem:$0x3FB1] =	sst s7  }
0x10: {  	[smem:$0x3FB2] =	sst s8  }
0x11: {  	[smem:$0x3FB3] =	sst s9;
	s0 =	simm.s32 @!p0 $0x0  }
0x12: {  	s1 =	sld [smem:$0x3F99];
	s0 =	simm.s32 @p0 $0x1  }
0x13: {  	[smem:$0x3FB4] =	sst s0;
	s0 =	simm.s32 @!p1 $0x0  }
0x14: {  	s2 =	sld [smem:$0x3F98];
	s0 =	simm.s32 @p1 $0x1  }
0x15: {  	[smem:$0x3FB5] =	sst s0;
	s0 =	simm.s32 @!p2 $0x0  }
0x16: {  	s3 =	sld [smem:$0x3FDB];
	s0 =	simm.s32 @p2 $0x1  }
0x17: {  	s4 =	simm.s32 $0x1BF5;
	[smem:$0x3FB7] =	sst s0  }
0x18: {  	s0 =	sld [smem:$0x3F9A];
	_ =	swait.ge [sflag:s4], $0x0  }
0x19: {  	s7 =	sld [smem:$0x3F9B]  }
0x1a: {  	s8 =	sadd.s32 $0xFFFFE003, lr  }
0x1b: {  	s9 =	sadd.s32 $0xFFFFFEF7, lr;
	s5 =	simm.s32 $0xFFFFFFFF;
	p2 =	slt.u32 s8, $0xFFFFF086  }
0x1c: {  	p1 =	slt.u32 s9, $0xF7A;
	s5 =	simm.s32 @!p2 $0x0  }
0x1d: {  	s5 =	simm.s32 @p1 $0x1;
	p0 =	seq.s32 s7, s2  }
0x1e: {  	s7 =	smul.u32 @!p0 $0xF7A, s2;
	p2 =	seq.s32 @!p0 s5, $0x0  }
0x1f: {  	s9 =	smul.u32 $0xF7A, s1;
	s8 =	simm.s32 @!p0 $0x1BF5;
	p2 =	por !p2, p0  }
0x20: {  	[sflag:s8] =	ssyncset.s32 @!p0 $0xFFFFF086;
	s6 =	sadd.s32 @!p0 s3, s7;
	s7 =	simm.s32 @!p0 $0x108  }
0x21: {  	s3 =	sadd.s32 s3, s9;
	s6 =	sadd.s32 @!p0 $0x88, s6;
	s7 =	simm.s32 @p2 $0x1082  }
0x22: {  	[simem:s7], [sflag:s8] =	dma.local @!p0 [hbm:s6], $0xF7A  }
0x23: {  	s9 =	sor.u32 $0xD0000000, s2;
	s6 =	simm.s32 $0x108;
	_ =	swait.ge @!p0 [sflag:s8], $0x0  }
0x24: {  	s3 =	sadd.s32 $0x88, s3;
	s6 =	simm.s32 @!p1 $0x1082;
	[sflag:s4] =	ssyncset.s32 $0xFFFFF086  }
0x25: {  	[simem:s6], [sflag:s4] =	dma.local [hbm:s3], $0xF7A  }
0x26: {  	[smem:$0x3F9B] =	sst s1;
	(tag) =	ssettag s2;
	_ =	strace s9  }
0x27: {  	s1 =	sld [smem:$0x3FAB]  }
0x28: {  	s2 =	sld [smem:$0x3FAC]  }
0x29: {  	s4 =	sld [smem:$0x3FAE]  }
0x2a: {  	p0 =	seq.s32 s5, $0x0;
	s5 =	sld [smem:$0x3FAF]  }
0x2b: {  	s6 =	sld [smem:$0x3FB0]  }
0x2c: {  	s7 =	sld [smem:$0x3FB1]  }
0x2d: {  	s3 =	simm.s32 $0x108;
	s8 =	sld [smem:$0x3FB2]  }
0x2e: {  	s3 =	simm.s32 @!p0 $0x1082;
	s9 =	sld [smem:$0x3FB3]  }
0x2f: {  	lr =	sadd.s32 s0, s3;
	s0 =	sld [smem:$0x3FAA]  }
0x30: {  	s3 =	sld [smem:$0x3FAD]  }
0x31: {  	[smem:$0x3FB6] =	sst s10  }
0x32: {  	s10 =	sld [smem:$0x3FB4];
	_ =	sdelay $0x3  }
0x33: {  	p0 =	seq.s32 s10, $0x1;
	s10 =	sld [smem:$0x3FB6];
	_ =	sdelay $0x3  }
0x34: {  	[smem:$0x3FB6] =	sst s10  }
0x35: {  	s10 =	sld [smem:$0x3FB5];
	_ =	sdelay $0x3  }
0x36: {  	p1 =	seq.s32 s10, $0x1;
	s10 =	sld [smem:$0x3FB6];
	_ =	sdelay $0x3  }
0x37: {  	[smem:$0x3FB6] =	sst s10  }
0x38: {  	s10 =	sld [smem:$0x3FB7]  }
0x39: {  	_ = 	snop;
	(pc) =	sbr.ind lr, $3  }
0x3a: {  	_ = 	snop  }
0x3b: {  	_ = 	snop  }
0x3c: {  	p2 =	seq.s32 s10, $0x1;
	s10 =	sld [smem:$0x3FB6]  }
0x3d: {  	_ =	shalt  }
0x3e: {  	_ =	shalt  }
0x3f: {  	_ =	shalt  }
0x40: {  	_ =	shalt  }
0x41: {  	_ =	shalt  }
0x42: {  	_ =	shalt  }
0x43: {  	_ =	shalt  }
0x44: {  	_ =	shalt  }
0x45: {  	_ =	shalt  }
0x46: {  	_ =	shalt  }
0x47: {  	_ =	shalt  }
0x48: {  	_ =	shalt  }
0x49: {  	_ =	shalt  }
0x4a: {  	_ =	shalt  }
0x4b: {  	_ =	shalt  }
0x4c: {  	_ =	shalt  }
0x4d: {  	_ =	shalt  }
0x4e: {  	_ =	shalt  }
0x4f: {  	_ =	shalt  }
0x50: {  	_ =	shalt  }
0x51: {  	_ =	shalt  }
0x52: {  	_ =	shalt  }
0x53: {  	_ =	shalt  }
0x54: {  	_ =	shalt  }
0x55: {  	_ =	shalt  }
0x56: {  	_ =	shalt  }
0x57: {  	_ =	shalt  }
0x58: {  	_ =	shalt  }
0x59: {  	_ =	shalt  }
0x5a: {  	_ =	shalt  }
0x5b: {  	_ =	shalt  }
0x5c: {  	_ =	shalt  }
0x5d: {  	_ =	shalt  }
0x5e: {  	_ =	shalt  }
0x5f: {  	_ =	shalt  }
0x60: {  	_ =	shalt  }
0x61: {  	_ =	shalt  }
0x62: {  	_ =	shalt  }
0x63: {  	_ =	shalt  }
0x64: {  	_ =	shalt  }
0x65: {  	_ =	shalt  }
0x66: {  	_ =	shalt  }
0x67: {  	_ =	shalt  }
0x68: {  	_ =	shalt  }
0x69: {  	_ =	shalt  }
0x6a: {  	_ =	shalt  }
0x6b: {  	_ =	shalt  }
0x6c: {  	_ =	shalt  }
0x6d: {  	_ =	shalt  }
0x6e: {  	_ =	shalt  }
0x6f: {  	_ =	shalt  }
0x70: {  	_ =	shalt  }
0x71: {  	_ =	shalt  }
0x72: {  	_ =	shalt  }
0x73: {  	_ =	shalt  }
0x74: {  	_ =	shalt  }
0x75: {  	_ =	shalt  }
0x76: {  	_ =	shalt  }
0x77: {  	_ =	shalt  }
0x78: {  	_ =	shalt  }
0x79: {  	_ =	shalt  }
0x7a: {  	_ =	shalt  }
0x7b: {  	_ =	shalt  }
0x7c: {  	_ =	shalt  }
0x7d: {  	_ =	shalt  }
0x7e: {  	_ =	shalt  }
0x7f: {  	_ =	shalt  }
0x80: {  	_ =	shalt  }
0x81: {  	_ =	shalt  }
0x82: {  	_ =	shalt  }
0x83: {  	_ =	shalt  }
0x84: {  	_ =	shalt  }
0x85: {  	_ =	shalt  }
0x86: {  	_ =	shalt  }
0x87: {  	_ =	shalt  }
.Lfunc_end0:
.L_simem_size_0:
called_computation_lowered:
.L_overlay_start_0:
0x88: {  	s2 =	sld [smem:$0x3FD9]  }
0x89: {  	s3 =	sld [smem:$0x3FFE];
	_ =	sdelay $0x1  }
0x8a: {  	s1 =	srdreg.scid  }
0x8b: {  	s0 =	sand.u32 $0x1, s1  }
0x8c: {  	s17 =	sshll.u32 s0, $0xA;
	s2 =	sadd.s32 s3, s2  }
0x8d: {  	s2 =	sadd.s32 s2, s17  }
0x8e: {  	[smem:$0x3FC2] =	sst s2  }
0x8f: {  	_ = 	snop  }
0x90: {  	s2 =	sld [smem:$0x3FD0];
	(tm) =	ssettm $0x1  }
0x91: {  	s18 =	sld [smem:$0x3FFB];
	_ =	sdelay $0x3  }
0x92: {  	_ =	strace s18  }
0x93: {  	s3 =	sld [smem:$0x3FFC];
	_ =	sdelay $0x3  }
0x94: {  	_ =	strace s3  }
0x95: {  	s3 =	sld [smem:$0x3FFD];
	_ =	sdelay $0x3  }
0x96: {  	_ =	strace s3  }
0x97: {  	_ =	strace $0x8FFFFFFF  }
0x98: {  	s19 =	sld [smem:$0x3FDB];
	_ =	sdelay $0x1  }
0x99: {  	s4 =	simm.s32 $_scs_section_size  }
0x9a: {  	s5 =	simm.s32 $_size__tile_overlayer_lowered;
	s6 =	simm.s32 $_tile_overlayer_lowered  }
0x9b: {  	s22 =	simm.s32 $0x1BFF;
	s21 =	sshll.u32 s6, $0x1;
	s3 =	sadd.s32 s4, s19  }
0x9c: {  	s7 =	simm.s32 $0x0;
	s20 =	sshll.u32 s5, $0x1;
	s5 =	sadd.s32 s21, s3  }
0x9d: {  	[timem:s7], [sflag:s22] =	dma.local [hbm:s5], s20  }
0x9e: {  	_ =	swait.ge [sflag:s22], s20  }
0x9f: {  	s4 =	ssub.s32 $0x0, s20;
	[sflag:s22] =	ssyncset.done $0x0  }
0xa0: {  	[sflag:s22] =	ssyncadd.s32 s4;
	_ =	sdelay $0x1  }
0xa1: {  	s23 =	simm.s32 $0x1B8B  }
0xa2: {  	_ =	swait.ge [sflag:s23], $0x1  }
0xa3: {  	[sflag:s23] =	ssyncset.done $0x0  }
0xa4: {  	s25 =	simm.s32 $0x1B8E;
	s24 =	sld [smem:$0x3FFE];
	[sflag:s23] =	ssyncadd.s32 $0xFFFFFFFF  }
0xa5: {  	s26 =	simm.s32 $execute0_lowered;
	[smem:$0x3FD2] =	sst s25  }
0xa6: {  	s5 =	sshll.u32 s26, $0x1;
	_ =	strace $0x80000046;
	[dreg:$0x1] =	wrdreg $0xFFFFFFFF  }
0xa7: {  	s28 =	simm.s32 $_size_execute0_lowered;
	s3 =	sadd.s32 s3, s5;
	[dreg:$0x0] =	wrdreg $0x0  }
0xa8: {  	s5 =	sshll.u32 s28, $0x1;
	[dreg:$0x2] =	wrdreg s3  }
0xa9: {  	[dreg:$0x3] =	wrdreg s5  }
0xaa: {  	[dreg:$0x4] =	wrdreg $0xC0  }
0xab: {  	_ =	task [dreg:s7], $0x5FFFF  }
0xac: {  	[dreg:$0x1] =	wrdreg $0xFFFFFFFF  }
0xad: {  	[dreg:$0x0] =	wrdreg $0x60  }
0xae: {  	[dreg:$0x2] =	wrdreg s2  }
0xaf: {  	[dreg:$0x3] =	wrdreg s24  }
0xb0: {  	[dreg:$0x4] =	wrdreg $0x0  }
0xb1: {  	[dreg:$0x5] =	wrdreg $0x9  }
0xb2: {  	_ =	task.clear_ibuf [dreg:s7], $0x6FFFF;
	_ =	strace $0x90000046  }
0xb3: {  	s29 =	simm.s32 $0x9;
	_ =	strace $0x80000048  }
0xb4: {  	_ =	swait.ge [sflag:s29], $0x1  }
0xb5: {  	[sflag:s29] =	ssyncadd.s32 $0xFFFFFFFF  }
0xb6: {  	_ =	strace $0x90000048  }
0xb7: {  	_ =	sfence  }
0xb8: {  	s30 =	sld [smem:$0x0];
	_ =	sdelay $0x2  }
0xb9: {  	s31 =	sshll.u32 s1, $0xD;
	s1 =	sshrl.u32 s1, $0x2  }
0xba: {  	s3 =	sand.u32 $0x4000, s31;
	s1 =	sadd.s32 s1, s30  }
0xbb: {  	s0 =	sor.u32 s3, s0;
	s1 =	sshll.u32 s1, $0x11  }
0xbc: {  	s0 =	sor.u32 s1, s0  }
0xbd: {  	s0 =	sadd.s32 $0x8F2B, s0  }
0xbe: {  	[sflag:s0] =	ssyncadd.remote.s32 $0x1  }
0xbf: {  	_ =	sfence.sel $0xFFFF  }
0xc0: {  	[dreg:$0x0] =	wrdreg $0xFFFFFFFF;
	(pc) =	sbr.abs _section_cstart, $3  }
0xc1: {  	[dreg:$0x1] =	wrdreg $0xFFFFFFFF  }
0xc2: {  	_ =	task.clear_ibuf [dreg:s7], $0x2FFFF;
	_ =	strace $0x9FFFFFFF  }
0xc3: {  	(tm) =	ssettm $0x7FFFFFFF  }
tec
execute0_lowered:
.L_overlay_start_1:
0x0: {  	(tag) =	ssettag $0x1  }
0x1: {  	s0 =	rddreg [dreg:$0x0];
	s1 =	srdreg.scid  }
0x2: {  	s10 =	stileid.u32;
	s4 =	rddreg [dreg:$0x1]  }
0x3: {  	s2 =	rddreg [dreg:$0x2];
	s14 =	simm.s32 $0x9900;
	s15 =	simm.s32 $0x2  }
0x4: {  	s16 =	simm.s32 $0x2900;
	s17 =	simm.s32 $0x200;
	s18 =	simm.s32 $0x7900  }
0x5: {  	s26 =	simm.s32 $0x1;
	s20 =	simm.s32 $0x15180;
	s21 =	simm.s32 $0x16600  }
0x6: {  	s1 =	sand.u32 $0x1, s1;
	s3 =	sshll.u32 s10, $0x1;
	s29 =	smul.u32 $0xA400, s10  }
0x7: {  	s22 =	simm.s32 $0xFF80;
	s10 =	smul.u32 $0xA00, s10;
	s5 =	sor.u32 s1, s3  }
0x8: {  	s23 =	simm.s32 $0x12880;
	s24 =	simm.s32 $0x0;
	s6 =	smul.u32 $0xA40, s5  }
0x9: {  	s3 =	simm.s32 $0x0;
	s1 =	ssub.s32 $0x2, s1;
	s7 =	smul.u32 $0x2900, s5  }
0xa: {  	[smem:$0x7FF] =	sst s3;
	s8 =	smul.u32 $0x1480, s5;
	s31 =	sshrl.u32 s1, $0x1  }
0xb: {  	_ =	strace $0x80000047;
	s1 =	ssub.s32 s1, s31;
	s9 =	sadd.s32 s6, s4  }
0xc: {  	s28 =	sshrl.u32 s7, $0x3;
	s30 =	sshrl.u32 s8, $0x3;
	s6 =	sshrl.u32 s29, $0x2  }
0xd: {  	s7 =	sadd.s32 s8, s2;
	s13 =	smax.u32 s1, $0x1;
	s12 =	sadd.s32 s28, s4  }
0xe: {  	s11 =	sadd.s32 s30, s4;
	s4 =	sadd.s32 s6, s2;
	s6 =	sadd.s32 s0, s10  }
0xf: {  	s8 =	sadd.s32 $0x1000, s9;
	s5 =	sadd.s32 $0x1480, s4;
	s9 =	sadd.s32 $0x39200, s11  }
0x10: {  	v0 =	vimm.f32 $1.000000000e+00;
	v1 =	vimm.f32 $0.0e+00;
	s10 =	sadd.s32 $0x1F800, s11;
	s11 =	sadd.s32 $0x24A00, s12;
	s12 =	sadd.s32 $0x2EE00, s12  }
.LBB2_1:
0x11: {  	s0 =	simm.s32 $0x0  }
.LBB2_2:
0x12: {  	p0 =	sne.s32 s0, $0x7FC0  }
.Ltmp0:
0x13: {  	_ = 	snop;
	(pc) =	sbr.rel @p0 .LBB2_2-.Ltmp0, $3  }
0x14: {  	_ =	sdelay $0x1  }
0x15: {  	s1 =	sshra.s32 s0, $0x2  }
0x16: {  	s0 =	sadd.s32 $0x40, s0;
	[tilespmem:s1+$0x7900] =	vst v0  }
0x17: {  	s0 =	simm.s32 $0x40;
	s1 =	simm.s32 $0x0  }
.LBB2_4:
0x18: {  	p0 =	sne.s32 s0, $0x51C0;
	[tilespmem:s1+$0x9900] =	vst v1;
	s1 =	smov.u32 s0;
	s0 =	sadd.s32 $0x40, s0  }
.Ltmp1:
0x19: {  	(pc) =	sbr.rel @p0 .LBB2_4-.Ltmp1, $2  }
0x1a: {  	_ =	sdelay $0x2  }
0x1b: {  	s1 =	sshra.s32 s1, $0x2  }
0x1c: {  	[tilespmem:s1+$0x9900] =	vst v1  }
0x1d: {  	[spmem:s4] =	stream.linear.scatter [tilespmem:s14], [sflag:$0x2], $0x1480, $0x38;
	[tilespmem:$0x17A80] =	vst v63  }
0x1e: {  	_ =	swait.ge [sflag:s15], $0x1480  }
0x1f: {  	[sflag:s15] =	ssyncset.done $0x0  }
0x20: {  	[sflag:s15] =	ssyncadd.s32 $0xFFFFEB80  }
0x21: {  	[spmem:s5] =	stream.linear.scatter [tilespmem:s14], [sflag:$0x2], $0x1480, $0x38;
	[tilespmem:$0x17A80] =	vst v63  }
0x22: {  	_ =	swait.ge [sflag:s15], $0x1480  }
0x23: {  	[sflag:s15] =	ssyncset.done $0x0  }
0x24: {  	[sflag:s15] =	ssyncadd.s32 $0xFFFFEB80  }
0x25: {  	s25 =	simm.s32 $0x0;
	[bflag:$0x0] =	sbarrier.arrive $0xFFFF  }
0x26: {  	[tilespmem:s16], [sflag:$0x2] =	stream.linear.gather [hbm4b:s6+s25], $0x5000, $0x38;
	[tilespmem:$0x17A80] =	vst v63  }
0x27: {  	_ =	swait.ge [sflag:s15], $0x5000  }
0x28: {  	[sflag:s15] =	ssyncset.done $0x0  }
0x29: {  	[sflag:s15] =	ssyncadd.s32 $0xFFFFB000  }
0x2a: {  	[spmem:s2] =	stream.indirect.scatter.add.f32 [tilespmem:s18], [sflag:$0x1], $0x10, s16, s17, $0xb8;
	[tilespmem:$0x17A80] =	vst v63  }
0x2b: {  	s0 =	simm.s32 $0x2B00  }
0x2c: {  	[spmem:s2] =	stream.indirect.scatter.add.f32 [tilespmem:s18], [sflag:$0x1], $0x10, s0, s17, $0xb8;
	[tilespmem:$0x17A80] =	vst v63  }
0x2d: {  	s19 =	simm.s32 $0x2D00  }
0x2e: {  	[spmem:s2] =	stream.indirect.scatter.add.f32 [tilespmem:s18], [sflag:$0x1], $0x10, s19, s17, $0xb8;
	[tilespmem:$0x17A80] =	vst v63  }
0x2f: {  	s1 =	simm.s32 $0x2F00  }
0x30: {  	[spmem:s2] =	stream.indirect.scatter.add.f32 [tilespmem:s18], [sflag:$0x1], $0x10, s1, s17, $0xb8;
	[tilespmem:$0x17A80] =	vst v63  }
0x31: {  	s19 =	simm.s32 $0x3100  }
0x32: {  	[spmem:s2] =	stream.indirect.scatter.add.f32 [tilespmem:s18], [sflag:$0x1], $0x10, s19, s17, $0xb8;
	[tilespmem:$0x17A80] =	vst v63  }
0x33: {  	s1 =	simm.s32 $0x3300  }
0x34: {  	[spmem:s2] =	stream.indirect.scatter.add.f32 [tilespmem:s18], [sflag:$0x1], $0x10, s1, s17, $0xb8;
	[tilespmem:$0x17A80] =	vst v63  }
0x35: {  	s19 =	simm.s32 $0x3500  }
0x36: {  	[spmem:s2] =	stream.indirect.scatter.add.f32 [tilespmem:s18], [sflag:$0x1], $0x10, s19, s17, $0xb8;
	[tilespmem:$0x17A80] =	vst v63  }
0x37: {  	s1 =	simm.s32 $0x3700  }
0x38: {  	[spmem:s2] =	stream.indirect.scatter.add.f32 [tilespmem:s18], [sflag:$0x1], $0x10, s1, s17, $0xb8;
	[tilespmem:$0x17A80] =	vst v63  }
0x39: {  	_ =	swait.ge [sflag:s26], $0x2000  }
0x3a: {  	[sflag:s26] =	ssyncset.done $0x0  }
0x3b: {  	[sflag:s26] =	ssyncadd.s32 $0xFFFFE000  }
0x3c: {  	_ =	swait.ge [sflag:s26], $0x2000  }
0x3d: {  	[sflag:s26] =	ssyncset.done $0x0  }
0x3e: {  	[sflag:s26] =	ssyncadd.s32 $0xFFFFE000  }
0x3f: {  	_ =	swait.ge [sflag:s26], $0x2000  }
0x40: {  	[sflag:s26] =	ssyncset.done $0x0  }
0x41: {  	[sflag:s26] =	ssyncadd.s32 $0xFFFFE000  }
0x42: {  	_ =	swait.ge [sflag:s26], $0x2000  }
0x43: {  	[sflag:s26] =	ssyncset.done $0x0  }
0x44: {  	[sflag:s26] =	ssyncadd.s32 $0xFFFFE000  }
0x45: {  	_ =	swait.ge [sflag:s26], $0x2000  }
0x46: {  	[sflag:s26] =	ssyncset.done $0x0  }
0x47: {  	[sflag:s26] =	ssyncadd.s32 $0xFFFFE000  }
0x48: {  	_ =	swait.ge [sflag:s26], $0x2000  }
0x49: {  	[sflag:s26] =	ssyncset.done $0x0  }
0x4a: {  	[sflag:s26] =	ssyncadd.s32 $0xFFFFE000  }
0x4b: {  	_ =	swait.ge [sflag:s26], $0x2000  }
0x4c: {  	[sflag:s26] =	ssyncset.done $0x0  }
0x4d: {  	[sflag:s26] =	ssyncadd.s32 $0xFFFFE000  }
0x4e: {  	_ =	swait.ge [sflag:s26], $0x2000  }
0x4f: {  	[sflag:s26] =	ssyncset.done $0x0  }
0x50: {  	s19 =	simm.s32 $0x3900;
	[sflag:s26] =	ssyncadd.s32 $0xFFFFE000  }
0x51: {  	[spmem:s2] =	stream.indirect.scatter.add.f32 [tilespmem:s18], [sflag:$0x1], $0x10, s19, s17, $0xb8;
	[tilespmem:$0x17A80] =	vst v63  }
0x52: {  	s1 =	simm.s32 $0x3B00  }
0x53: {  	[spmem:s2] =	stream.indirect.scatter.add.f32 [tilespmem:s18], [sflag:$0x1], $0x10, s1, s17, $0xb8;
	[tilespmem:$0x17A80] =	vst v63  }
0x54: {  	s19 =	simm.s32 $0x3D00  }
0x55: {  	[spmem:s2] =	stream.indirect.scatter.add.f32 [tilespmem:s18], [sflag:$0x1], $0x10, s19, s17, $0xb8;
	[tilespmem:$0x17A80] =	vst v63  }
0x56: {  	s1 =	simm.s32 $0x3F00  }
0x57: {  	[spmem:s2] =	stream.indirect.scatter.add.f32 [tilespmem:s18], [sflag:$0x1], $0x10, s1, s17, $0xb8;
	[tilespmem:$0x17A80] =	vst v63  }
0x58: {  	s19 =	simm.s32 $0x4100  }
0x59: {  	[spmem:s2] =	stream.indirect.scatter.add.f32 [tilespmem:s18], [sflag:$0x1], $0x10, s19, s17, $0xb8;
	[tilespmem:$0x17A80] =	vst v63  }
0x5a: {  	s1 =	simm.s32 $0x4300  }
0x5b: {  	[spmem:s2] =	stream.indirect.scatter.add.f32 [tilespmem:s18], [sflag:$0x1], $0x10, s1, s17, $0xb8;
	[tilespmem:$0x17A80] =	vst v63  }
0x5c: {  	s19 =	simm.s32 $0x4500  }
0x5d: {  	[spmem:s2] =	stream.indirect.scatter.add.f32 [tilespmem:s18], [sflag:$0x1], $0x10, s19, s17, $0xb8;
	[tilespmem:$0x17A80] =	vst v63  }
0x5e: {  	s1 =	simm.s32 $0x4700  }
0x5f: {  	[spmem:s2] =	stream.indirect.scatter.add.f32 [tilespmem:s18], [sflag:$0x1], $0x10, s1, s17, $0xb8;
	[tilespmem:$0x17A80] =	vst v63  }
0x60: {  	_ =	swait.ge [sflag:s26], $0x2000  }
0x61: {  	[sflag:s26] =	ssyncset.done $0x0  }
0x62: {  	[sflag:s26] =	ssyncadd.s32 $0xFFFFE000  }
0x63: {  	_ =	swait.ge [sflag:s26], $0x2000  }
0x64: {  	[sflag:s26] =	ssyncset.done $0x0  }
0x65: {  	[sflag:s26] =	ssyncadd.s32 $0xFFFFE000  }
0x66: {  	_ =	swait.ge [sflag:s26], $0x2000  }
0x67: {  	[sflag:s26] =	ssyncset.done $0x0  }
0x68: {  	[sflag:s26] =	ssyncadd.s32 $0xFFFFE000  }
0x69: {  	_ =	swait.ge [sflag:s26], $0x2000  }
0x6a: {  	[sflag:s26] =	ssyncset.done $0x0  }
0x6b: {  	[sflag:s26] =	ssyncadd.s32 $0xFFFFE000  }
0x6c: {  	_ =	swait.ge [sflag:s26], $0x2000  }
0x6d: {  	[sflag:s26] =	ssyncset.done $0x0  }
0x6e: {  	[sflag:s26] =	ssyncadd.s32 $0xFFFFE000  }
0x6f: {  	_ =	swait.ge [sflag:s26], $0x2000  }
0x70: {  	[sflag:s26] =	ssyncset.done $0x0  }
0x71: {  	[sflag:s26] =	ssyncadd.s32 $0xFFFFE000  }
0x72: {  	_ =	swait.ge [sflag:s26], $0x2000  }
0x73: {  	[sflag:s26] =	ssyncset.done $0x0  }
0x74: {  	[sflag:s26] =	ssyncadd.s32 $0xFFFFE000  }
0x75: {  	_ =	swait.ge [sflag:s26], $0x2000  }
0x76: {  	[sflag:s26] =	ssyncset.done $0x0  }
0x77: {  	s19 =	simm.s32 $0x4900;
	[sflag:s26] =	ssyncadd.s32 $0xFFFFE000  }
0x78: {  	[spmem:s2] =	stream.indirect.scatter.add.f32 [tilespmem:s18], [sflag:$0x1], $0x10, s19, s17, $0xb8;
	[tilespmem:$0x17A80] =	vst v63  }
0x79: {  	s1 =	simm.s32 $0x4B00  }
0x7a: {  	[spmem:s2] =	stream.indirect.scatter.add.f32 [tilespmem:s18], [sflag:$0x1], $0x10, s1, s17, $0xb8;
	[tilespmem:$0x17A80] =	vst v63  }
0x7b: {  	s19 =	simm.s32 $0x4D00  }
0x7c: {  	[spmem:s2] =	stream.indirect.scatter.add.f32 [tilespmem:s18], [sflag:$0x1], $0x10, s19, s17, $0xb8;
	[tilespmem:$0x17A80] =	vst v63  }
0x7d: {  	s1 =	simm.s32 $0x4F00  }
0x7e: {  	[spmem:s2] =	stream.indirect.scatter.add.f32 [tilespmem:s18], [sflag:$0x1], $0x10, s1, s17, $0xb8;
	[tilespmem:$0x17A80] =	vst v63  }
0x7f: {  	s19 =	simm.s32 $0x5100  }
0x80: {  	[spmem:s2] =	stream.indirect.scatter.add.f32 [tilespmem:s18], [sflag:$0x1], $0x10, s19, s17, $0xb8;
	[tilespmem:$0x17A80] =	vst v63  }
0x81: {  	s1 =	simm.s32 $0x5300  }
0x82: {  	[spmem:s2] =	stream.indirect.scatter.add.f32 [tilespmem:s18], [sflag:$0x1], $0x10, s1, s17, $0xb8;
	[tilespmem:$0x17A80] =	vst v63  }
0x83: {  	s19 =	simm.s32 $0x5500  }
0x84: {  	[spmem:s2] =	stream.indirect.scatter.add.f32 [tilespmem:s18], [sflag:$0x1], $0x10, s19, s17, $0xb8;
	[tilespmem:$0x17A80] =	vst v63  }
0x85: {  	s1 =	simm.s32 $0x5700  }
0x86: {  	[spmem:s2] =	stream.indirect.scatter.add.f32 [tilespmem:s18], [sflag:$0x1], $0x10, s1, s17, $0xb8;
	[tilespmem:$0x17A80] =	vst v63  }
0x87: {  	_ =	swait.ge [sflag:s26], $0x2000  }
0x88: {  	[sflag:s26] =	ssyncset.done $0x0  }
0x89: {  	[sflag:s26] =	ssyncadd.s32 $0xFFFFE000  }
0x8a: {  	_ =	swait.ge [sflag:s26], $0x2000  }
0x8b: {  	[sflag:s26] =	ssyncset.done $0x0  }
0x8c: {  	[sflag:s26] =	ssyncadd.s32 $0xFFFFE000  }
0x8d: {  	_ =	swait.ge [sflag:s26], $0x2000  }
0x8e: {  	[sflag:s26] =	ssyncset.done $0x0  }
0x8f: {  	[sflag:s26] =	ssyncadd.s32 $0xFFFFE000  }
0x90: {  	_ =	swait.ge [sflag:s26], $0x2000  }
0x91: {  	[sflag:s26] =	ssyncset.done $0x0  }
0x92: {  	[sflag:s26] =	ssyncadd.s32 $0xFFFFE000  }
0x93: {  	_ =	swait.ge [sflag:s26], $0x2000  }
0x94: {  	[sflag:s26] =	ssyncset.done $0x0  }
0x95: {  	[sflag:s26] =	ssyncadd.s32 $0xFFFFE000  }
0x96: {  	_ =	swait.ge [sflag:s26], $0x2000  }
0x97: {  	[sflag:s26] =	ssyncset.done $0x0  }
0x98: {  	[sflag:s26] =	ssyncadd.s32 $0xFFFFE000  }
0x99: {  	_ =	swait.ge [sflag:s26], $0x2000  }
0x9a: {  	[sflag:s26] =	ssyncset.done $0x0  }
0x9b: {  	[sflag:s26] =	ssyncadd.s32 $0xFFFFE000  }
0x9c: {  	_ =	swait.ge [sflag:s26], $0x2000  }
0x9d: {  	[sflag:s26] =	ssyncset.done $0x0  }
0x9e: {  	s19 =	simm.s32 $0x5900;
	[sflag:s26] =	ssyncadd.s32 $0xFFFFE000  }
0x9f: {  	[spmem:s2] =	stream.indirect.scatter.add.f32 [tilespmem:s18], [sflag:$0x1], $0x10, s19, s17, $0xb8;
	[tilespmem:$0x17A80] =	vst v63  }
0xa0: {  	s1 =	simm.s32 $0x5B00  }
0xa1: {  	[spmem:s2] =	stream.indirect.scatter.add.f32 [tilespmem:s18], [sflag:$0x1], $0x10, s1, s17, $0xb8;
	[tilespmem:$0x17A80] =	vst v63  }
0xa2: {  	s19 =	simm.s32 $0x5D00  }
0xa3: {  	[spmem:s2] =	stream.indirect.scatter.add.f32 [tilespmem:s18], [sflag:$0x1], $0x10, s19, s17, $0xb8;
	[tilespmem:$0x17A80] =	vst v63  }
0xa4: {  	s1 =	simm.s32 $0x5F00  }
0xa5: {  	[spmem:s2] =	stream.indirect.scatter.add.f32 [tilespmem:s18], [sflag:$0x1], $0x10, s1, s17, $0xb8;
	[tilespmem:$0x17A80] =	vst v63  }
0xa6: {  	s19 =	simm.s32 $0x6100  }
0xa7: {  	[spmem:s2] =	stream.indirect.scatter.add.f32 [tilespmem:s18], [sflag:$0x1], $0x10, s19, s17, $0xb8;
	[tilespmem:$0x17A80] =	vst v63  }
0xa8: {  	s1 =	simm.s32 $0x6300  }
0xa9: {  	[spmem:s2] =	stream.indirect.scatter.add.f32 [tilespmem:s18], [sflag:$0x1], $0x10, s1, s17, $0xb8;
	[tilespmem:$0x17A80] =	vst v63  }
0xaa: {  	s19 =	simm.s32 $0x6500  }
0xab: {  	[spmem:s2] =	stream.indirect.scatter.add.f32 [tilespmem:s18], [sflag:$0x1], $0x10, s19, s17, $0xb8;
	[tilespmem:$0x17A80] =	vst v63  }
0xac: {  	s1 =	simm.s32 $0x6700  }
0xad: {  	[spmem:s2] =	stream.indirect.scatter.add.f32 [tilespmem:s18], [sflag:$0x1], $0x10, s1, s17, $0xb8;
	[tilespmem:$0x17A80] =	vst v63  }
0xae: {  	_ =	swait.ge [sflag:s26], $0x2000  }
0xaf: {  	[sflag:s26] =	ssyncset.done $0x0  }
0xb0: {  	[sflag:s26] =	ssyncadd.s32 $0xFFFFE000  }
0xb1: {  	_ =	swait.ge [sflag:s26], $0x2000  }
0xb2: {  	[sflag:s26] =	ssyncset.done $0x0  }
0xb3: {  	[sflag:s26] =	ssyncadd.s32 $0xFFFFE000  }
0xb4: {  	_ =	swait.ge [sflag:s26], $0x2000  }
0xb5: {  	[sflag:s26] =	ssyncset.done $0x0  }
0xb6: {  	[sflag:s26] =	ssyncadd.s32 $0xFFFFE000  }
0xb7: {  	_ =	swait.ge [sflag:s26], $0x2000  }
0xb8: {  	[sflag:s26] =	ssyncset.done $0x0  }
0xb9: {  	[sflag:s26] =	ssyncadd.s32 $0xFFFFE000  }
0xba: {  	_ =	swait.ge [sflag:s26], $0x2000  }
0xbb: {  	[sflag:s26] =	ssyncset.done $0x0  }
0xbc: {  	[sflag:s26] =	ssyncadd.s32 $0xFFFFE000  }
0xbd: {  	_ =	swait.ge [sflag:s26], $0x2000  }
0xbe: {  	[sflag:s26] =	ssyncset.done $0x0  }
0xbf: {  	[sflag:s26] =	ssyncadd.s32 $0xFFFFE000  }
0xc0: {  	_ =	swait.ge [sflag:s26], $0x2000  }
0xc1: {  	[sflag:s26] =	ssyncset.done $0x0  }
0xc2: {  	[sflag:s26] =	ssyncadd.s32 $0xFFFFE000  }
0xc3: {  	_ =	swait.ge [sflag:s26], $0x2000  }
0xc4: {  	[sflag:s26] =	ssyncset.done $0x0  }
0xc5: {  	s19 =	simm.s32 $0x6900;
	[sflag:s26] =	ssyncadd.s32 $0xFFFFE000  }
0xc6: {  	[spmem:s2] =	stream.indirect.scatter.add.f32 [tilespmem:s18], [sflag:$0x1], $0x10, s19, s17, $0xb8;
	[tilespmem:$0x17A80] =	vst v63  }
0xc7: {  	s1 =	simm.s32 $0x6B00  }
0xc8: {  	[spmem:s2] =	stream.indirect.scatter.add.f32 [tilespmem:s18], [sflag:$0x1], $0x10, s1, s17, $0xb8;
	[tilespmem:$0x17A80] =	vst v63  }
0xc9: {  	s19 =	simm.s32 $0x6D00  }
0xca: {  	[spmem:s2] =	stream.indirect.scatter.add.f32 [tilespmem:s18], [sflag:$0x1], $0x10, s19, s17, $0xb8;
	[tilespmem:$0x17A80] =	vst v63  }
0xcb: {  	s1 =	simm.s32 $0x6F00  }
0xcc: {  	[spmem:s2] =	stream.indirect.scatter.add.f32 [tilespmem:s18], [sflag:$0x1], $0x10, s1, s17, $0xb8;
	[tilespmem:$0x17A80] =	vst v63  }
0xcd: {  	s19 =	simm.s32 $0x7100  }
0xce: {  	[spmem:s2] =	stream.indirect.scatter.add.f32 [tilespmem:s18], [sflag:$0x1], $0x10, s19, s17, $0xb8;
	[tilespmem:$0x17A80] =	vst v63  }
0xcf: {  	s1 =	simm.s32 $0x7300  }
0xd0: {  	[spmem:s2] =	stream.indirect.scatter.add.f32 [tilespmem:s18], [sflag:$0x1], $0x10, s1, s17, $0xb8;
	[tilespmem:$0x17A80] =	vst v63  }
0xd1: {  	s19 =	simm.s32 $0x7500  }
0xd2: {  	[spmem:s2] =	stream.indirect.scatter.add.f32 [tilespmem:s18], [sflag:$0x1], $0x10, s19, s17, $0xb8;
	[tilespmem:$0x17A80] =	vst v63  }
0xd3: {  	s1 =	simm.s32 $0x7700  }
0xd4: {  	[spmem:s2] =	stream.indirect.scatter.add.f32 [tilespmem:s18], [sflag:$0x1], $0x10, s1, s17, $0xb8;
	[tilespmem:$0x17A80] =	vst v63  }
0xd5: {  	_ =	swait.ge [sflag:s26], $0x2000  }
0xd6: {  	[sflag:s26] =	ssyncset.done $0x0  }
0xd7: {  	[sflag:s26] =	ssyncadd.s32 $0xFFFFE000  }
0xd8: {  	_ =	swait.ge [sflag:s26], $0x2000  }
0xd9: {  	[sflag:s26] =	ssyncset.done $0x0  }
0xda: {  	[sflag:s26] =	ssyncadd.s32 $0xFFFFE000  }
0xdb: {  	_ =	swait.ge [sflag:s26], $0x2000  }
0xdc: {  	[sflag:s26] =	ssyncset.done $0x0  }
0xdd: {  	[sflag:s26] =	ssyncadd.s32 $0xFFFFE000  }
0xde: {  	_ =	swait.ge [sflag:s26], $0x2000  }
0xdf: {  	[sflag:s26] =	ssyncset.done $0x0  }
0xe0: {  	[sflag:s26] =	ssyncadd.s32 $0xFFFFE000  }
0xe1: {  	_ =	swait.ge [sflag:s26], $0x2000  }
0xe2: {  	[sflag:s26] =	ssyncset.done $0x0  }
0xe3: {  	[sflag:s26] =	ssyncadd.s32 $0xFFFFE000  }
0xe4: {  	_ =	swait.ge [sflag:s26], $0x2000  }
0xe5: {  	[sflag:s26] =	ssyncset.done $0x0  }
0xe6: {  	[sflag:s26] =	ssyncadd.s32 $0xFFFFE000  }
0xe7: {  	_ =	swait.ge [sflag:s26], $0x2000  }
0xe8: {  	[sflag:s26] =	ssyncset.done $0x0  }
0xe9: {  	[sflag:s26] =	ssyncadd.s32 $0xFFFFE000  }
0xea: {  	_ =	swait.ge [sflag:s26], $0x2000  }
0xeb: {  	[sflag:s26] =	ssyncset.done $0x0  }
0xec: {  	[sflag:s26] =	ssyncadd.s32 $0xFFFFE000  }
0xed: {  	[bflag:$0x0] =	sbarrier.arrive $0xFFFF  }
0xee: {  	[tilespmem:s14], [sflag:$0x2] =	stream.linear.gather [spmem:s7], $0x1480, $0x38;
	[tilespmem:$0x17A80] =	vst v63  }
0xef: {  	_ =	swait.ge [sflag:s15], $0x1480  }
0xf0: {  	[sflag:s15] =	ssyncset.done $0x0  }
0xf1: {  	s19 =	simm.s32 $0xAD80;
	[sflag:s15] =	ssyncadd.s32 $0xFFFFEB80  }
0xf2: {  	[tilespmem:s19], [sflag:$0x2] =	stream.linear.gather [hbm4b:s8+s25], $0x5200, $0x38;
	[tilespmem:$0x17A80] =	vst v63  }
0xf3: {  	_ =	swait.ge [sflag:s15], $0x5200  }
0xf4: {  	[sflag:s15] =	ssyncset.done $0x0  }
0xf5: {  	s1 =	simm.s32 $0x0;
	[sflag:s15] =	ssyncadd.s32 $0xFFFFAE00  }
0xf6: {  	v2 =	vld [tilespmem:s1+$0x9900];
	_ =	sdelay $0x4  }
0xf7: {  	v2 =	vadd.f32 $1.000000000e+00, v2;
	_ =	sdelay $0x1  }
0xf8: {  	v3 =	vshrl.u32 v2, $0x1;
	v4 =	vmul.f32 $5.000000000e-01, v2  }
0xf9: {  	v3 =	vsub.s32 $0x5F3759DF, v3  }
0xfa: {  	v5 =	vmul.f32 v3, v4;
	_ =	sdelay $0x1  }
0xfb: {  	v5 =	vmul.f32 v3, v5;
	_ =	sdelay $0x1  }
0xfc: {  	v5 =	vsub.f32 $1.500000000e+00, v5;
	_ =	sdelay $0x1  }
0xfd: {  	v3 =	vmul.f32 v3, v5;
	_ =	sdelay $0x1  }
0xfe: {  	v5 =	vmul.f32 v3, v4;
	_ =	sdelay $0x1  }
0xff: {  	v5 =	vmul.f32 v5, v3;
	_ =	sdelay $0x1  }
0x100: {  	v5 =	vsub.f32 $1.500000000e+00, v5;
	_ =	sdelay $0x1  }
0x101: {  	v3 =	vmul.f32 v5, v3;
	_ =	sdelay $0x1  }
0x102: {  	v4 =	vmul.f32 v3, v4;
	_ =	sdelay $0x1  }
0x103: {  	v4 =	vmul.f32 v4, v3;
	_ =	sdelay $0x1  }
0x104: {  	v4 =	vsub.f32 $1.500000000e+00, v4;
	_ =	sdelay $0x1  }
0x105: {  	v3 =	vmul.f32 v4, v3;
	_ =	sdelay $0x1  }
0x106: {  	v4 =	vmul.f32 v3, v3  }
0x107: {  	v2 =	vmul.f32 v3, v2  }
0x108: {  	v4 =	vmul.f32 $8.999999760e-01, v4  }
0x109: {  	[tilespmem:s1+$0x16600] =	vst v2  }
0x10a: {  	s25 =	simm.s32 $0xADA0;
	[tilespmem:s1+$0x15180] =	vst v4  }
0x10b: {  	v2 =	vld [tilespmem:s25+$0xFFFFFFE0];
	_ =	sdelay $0x4  }
0x10c: {  	v2 =	vmul.f32 v3, v2  }
0x10d: {  	s19 =	simm.s32 $0xFF90  }
0x10e: {  	[tilespmem:s19+$0xFFFFFFF0] =	vst v2  }
0x10f: {  	v2 =	vld [tilespmem:s25+$0x0];
	_ =	sdelay $0x4  }
0x110: {  	v2 =	vmul.f32 v3, v2  }
0x111: {  	s30 =	simm.s32 $0x12890  }
0x112: {  	[tilespmem:s30+$0xFFFFFFF0] =	vst v2  }
0x113: {  	v2 =	vld [tilespmem:s25+$0xFFFFFFF0];
	_ =	sdelay $0x4  }
0x114: {  	v2 =	vmul.f32 v3, v2;
	_ =	sdelay $0x1  }
0x115: {  	[tilespmem:s19+$0x0] =	vst v2  }
0x116: {  	v2 =	vld [tilespmem:s25+$0x10];
	_ =	sdelay $0x3  }
0x117: {  	s31 =	simm.s32 $0x40  }
0x118: {  	s29 =	simm.s32 $0xFFB0;
	s28 =	simm.s32 $0x128B0;
	s1 =	simm.s32 $0x80;
	v2 =	vmul.f32 v3, v2  }
.LBB2_6:
0x119: {  	s0 =	sshra.s32 s31, $0x2;
	s25 =	sadd.s32 $0x40, s25  }
0x11a: {  	[tilespmem:s30+$0x0] =	vst v2;
	s31 =	smov.u32 s1;
	s19 =	sadd.s32 $0x40, s1;
	s30 =	smov.u32 s28  }
0x11b: {  	p0 =	sne.s32 s1, $0x51C0;
	v2 =	vld [tilespmem:s0+$0x9900];
	_ =	sdelay $0x4  }
0x11c: {  	v2 =	vadd.f32 $1.000000000e+00, v2;
	_ =	sdelay $0x1  }
0x11d: {  	v3 =	vshrl.u32 v2, $0x1;
	v4 =	vmul.f32 $5.000000000e-01, v2  }
0x11e: {  	v3 =	vsub.s32 $0x5F3759DF, v3  }
0x11f: {  	v5 =	vmul.f32 v3, v4;
	_ =	sdelay $0x1  }
0x120: {  	v5 =	vmul.f32 v3, v5;
	_ =	sdelay $0x1  }
0x121: {  	v5 =	vsub.f32 $1.500000000e+00, v5;
	_ =	sdelay $0x1  }
0x122: {  	v3 =	vmul.f32 v3, v5;
	_ =	sdelay $0x1  }
0x123: {  	v5 =	vmul.f32 v3, v4;
	_ =	sdelay $0x1  }
0x124: {  	v5 =	vmul.f32 v5, v3;
	_ =	sdelay $0x1  }
0x125: {  	v5 =	vsub.f32 $1.500000000e+00, v5;
	_ =	sdelay $0x1  }
0x126: {  	v3 =	vmul.f32 v5, v3;
	_ =	sdelay $0x1  }
0x127: {  	v4 =	vmul.f32 v3, v4;
	_ =	sdelay $0x1  }
0x128: {  	v4 =	vmul.f32 v4, v3;
	_ =	sdelay $0x1  }
0x129: {  	v4 =	vsub.f32 $1.500000000e+00, v4;
	_ =	sdelay $0x1  }
0x12a: {  	v3 =	vmul.f32 v4, v3;
	_ =	sdelay $0x1  }
0x12b: {  	v4 =	vmul.f32 v3, v3;
	v2 =	vmul.f32 v3, v2;
	_ =	sdelay $0x1  }
0x12c: {  	v4 =	vmul.f32 $8.999999760e-01, v4  }
0x12d: {  	[tilespmem:s0+$0x16600] =	vst v2  }
0x12e: {  	[tilespmem:s0+$0x15180] =	vst v4  }
0x12f: {  	v2 =	vld [tilespmem:s25+$0xFFFFFFE0];
	_ =	sdelay $0x4  }
0x130: {  	v2 =	vmul.f32 v3, v2;
	_ =	sdelay $0x1  }
0x131: {  	[tilespmem:s29+$0xFFFFFFF0] =	vst v2  }
0x132: {  	v2 =	vld [tilespmem:s25+$0x0];
	_ =	sdelay $0x4  }
0x133: {  	v2 =	vmul.f32 v3, v2;
	_ =	sdelay $0x1  }
0x134: {  	[tilespmem:s28+$0xFFFFFFF0] =	vst v2  }
0x135: {  	v2 =	vld [tilespmem:s25+$0xFFFFFFF0];
	_ =	sdelay $0x4  }
0x136: {  	v2 =	vmul.f32 v3, v2;
	_ =	sdelay $0x1  }
0x137: {  	[tilespmem:s29+$0x0] =	vst v2  }
0x138: {  	v2 =	vld [tilespmem:s25+$0x10];
	_ =	sdelay $0x1  }
.Ltmp2:
0x139: {  	(pc) =	sbr.rel @p0 .LBB2_6-.Ltmp2, $3  }
0x13a: {  	_ =	sdelay $0x1  }
0x13b: {  	v2 =	vmul.f32 v3, v2  }
0x13c: {  	s1 =	smov.u32 s19;
	s28 =	sadd.s32 $0x20, s28;
	s29 =	sadd.s32 $0x20, s29  }
0x13d: {  	s0 =	sshra.s32 s31, $0x2;
	[tilespmem:s30+$0x0] =	vst v2  }
0x13e: {  	v2 =	vld [tilespmem:s0+$0x9900];
	_ =	sdelay $0x4  }
0x13f: {  	v2 =	vadd.f32 $1.000000000e+00, v2;
	_ =	sdelay $0x1  }
0x140: {  	v3 =	vshrl.u32 v2, $0x1;
	v4 =	vmul.f32 $5.000000000e-01, v2  }
0x141: {  	v3 =	vsub.s32 $0x5F3759DF, v3  }
0x142: {  	v5 =	vmul.f32 v3, v4;
	_ =	sdelay $0x1  }
0x143: {  	v5 =	vmul.f32 v3, v5;
	_ =	sdelay $0x1  }
0x144: {  	v5 =	vsub.f32 $1.500000000e+00, v5;
	_ =	sdelay $0x1  }
0x145: {  	v3 =	vmul.f32 v3, v5;
	_ =	sdelay $0x1  }
0x146: {  	v5 =	vmul.f32 v3, v4;
	_ =	sdelay $0x1  }
0x147: {  	v5 =	vmul.f32 v5, v3;
	_ =	sdelay $0x1  }
0x148: {  	v5 =	vsub.f32 $1.500000000e+00, v5;
	_ =	sdelay $0x1  }
0x149: {  	v3 =	vmul.f32 v5, v3;
	_ =	sdelay $0x1  }
0x14a: {  	v4 =	vmul.f32 v3, v4;
	_ =	sdelay $0x1  }
0x14b: {  	v4 =	vmul.f32 v4, v3;
	_ =	sdelay $0x1  }
0x14c: {  	v4 =	vsub.f32 $1.500000000e+00, v4;
	_ =	sdelay $0x1  }
0x14d: {  	v3 =	vmul.f32 v4, v3;
	_ =	sdelay $0x1  }
0x14e: {  	v4 =	vmul.f32 v3, v3  }
0x14f: {  	v2 =	vmul.f32 v3, v2  }
0x150: {  	v4 =	vmul.f32 $8.999999760e-01, v4  }
0x151: {  	[tilespmem:s0+$0x16600] =	vst v2  }
0x152: {  	s1 =	sadd.s32 $0x40, s25;
	[tilespmem:s0+$0x15180] =	vst v4  }
0x153: {  	v2 =	vld [tilespmem:s1+$0xFFFFFFE0];
	_ =	sdelay $0x4  }
0x154: {  	v2 =	vmul.f32 v3, v2;
	_ =	sdelay $0x1  }
0x155: {  	[tilespmem:s29+$0xFFFFFFF0] =	vst v2  }
0x156: {  	v2 =	vld [tilespmem:s1+$0x0];
	_ =	sdelay $0x4  }
0x157: {  	v2 =	vmul.f32 v3, v2;
	_ =	sdelay $0x1  }
0x158: {  	[tilespmem:s28+$0xFFFFFFF0] =	vst v2  }
0x159: {  	v2 =	vld [tilespmem:s1+$0xFFFFFFF0];
	_ =	sdelay $0x4  }
0x15a: {  	v2 =	vmul.f32 v3, v2;
	_ =	sdelay $0x1  }
0x15b: {  	[tilespmem:s29+$0x0] =	vst v2  }
0x15c: {  	v2 =	vld [tilespmem:s1+$0x10];
	_ =	sdelay $0x4  }
0x15d: {  	v2 =	vmul.f32 v3, v2;
	_ =	sdelay $0x1  }
0x15e: {  	[tilespmem:s28+$0x0] =	vst v2  }
0x15f: {  	[hbm4b:s9+s3] =	stream.linear.scatter [tilespmem:s20], [sflag:$0x2], $0x1480, $0x38;
	[tilespmem:$0x17A80] =	vst v63  }
0x160: {  	_ =	swait.ge [sflag:s15], $0x1480  }
0x161: {  	[sflag:s15] =	ssyncset.done $0x0  }
0x162: {  	[sflag:s15] =	ssyncadd.s32 $0xFFFFEB80  }
0x163: {  	[hbm4b:s10+s3] =	stream.linear.scatter [tilespmem:s21], [sflag:$0x2], $0x1480, $0x38;
	[tilespmem:$0x17A80] =	vst v63  }
0x164: {  	_ =	swait.ge [sflag:s15], $0x1480  }
0x165: {  	[sflag:s15] =	ssyncset.done $0x0  }
0x166: {  	[sflag:s15] =	ssyncadd.s32 $0xFFFFEB80  }
0x167: {  	[hbm4b:s11+s3] =	stream.linear.scatter [tilespmem:s22], [sflag:$0x2], $0x2900, $0x38;
	[tilespmem:$0x17A80] =	vst v63  }
0x168: {  	s24 =	sadd.s32 $0x1, s24;
	_ =	swait.ge [sflag:s15], $0x2900  }
0x169: {  	p0 =	sne.s32 s24, s13;
	[sflag:s15] =	ssyncset.done $0x0  }
.Ltmp3:
0x16a: {  	[sflag:s15] =	ssyncadd.s32 $0xFFFFD700;
	(pc) =	sbr.rel @p0 .LBB2_1-.Ltmp3, $4  }
0x16b: {  	[hbm4b:s12+s3] =	stream.linear.scatter [tilespmem:s23], [sflag:$0x2], $0x2900, $0x38;
	[tilespmem:$0x17A80] =	vst v63  }
0x16c: {  	_ =	swait.ge [sflag:s15], $0x2900  }
0x16d: {  	[sflag:s15] =	ssyncset.done $0x0  }
0x16e: {  	[sflag:s15] =	ssyncadd.s32 $0xFFFFD700  }
0x16f: {  	_ =	sfence.sel $0x180000  }
0x170: {  	[bflag:$0x0] =	sbarrier.arrive $0xFFFF  }
0x171: {  	_ =	strace $0x90000047  }
0x172: {  	s0 =	stileid.u32;
	[bflag:$0x2] =	sbarrier.arrive $0xFFFF  }
0x173: {  	p0 =	sne.s32 s0, $0x0;
	s0 =	rddreg [dreg:$0x3]  }
0x174: {  	s0 =	sadd.s32 @!p0 $0x100000, s0  }
0x175: {  	[sflag:s0] =	ssyncadd.tile.s32 @!p0 $0x1;
	_ =	shalt  }
.Lfunc_end2:
_tile_overlayer_lowered:
.L_overlay_start_2:
0x176: {  	(tag) =	ssettag $0x2  }
0x177: {  	s0 =	rddreg [dreg:$0x0];
	s2 =	stileid.u32  }
0x178: {  	s1 =	rddreg [dreg:$0x1];
	p0 =	sne.s32 s2, $0x0  }
0x179: {  	s3 =	rddreg [dreg:$0x2];
	[bflag:$0x3] =	sbarrier.arrive $0xFFFF;
	s2 =	simm.s32 @!p0 $0x1C02  }
0x17a: {  	[timem:s3], [sflag:s2] =	dma.local @!p0 [hbm:s0], s1  }
0x17b: {  	s0 =	simm.s32 @!p0 $0x2  }
0x17c: {  	_ =	swait.ge @!p0 [sflag:s0], s1  }
0x17d: {  	s1 =	ssub.s32 @!p0 $0x0, s1;
	[sflag:s0] =	ssyncset.done @!p0 $0x0  }
0x17e: {  	[sflag:s0] =	ssyncadd.s32 @!p0 s1  }
0x17f: {  	[bflag:$0x3] =	sbarrier.arrive $0xFFFF  }
0x180: {  	_ =	shalt  }

// kernel: kernel.9.cloned.1.call-start
scs
__scs_entry_jumppad:
0x0: {  	(pc) =	sbr.rel $0x88, $3  }
0x1: {  	(tag) =	ssettag $0x0;
	lr =	simm.s32 $0x1  }
0x2: {  	[smem:$0x3F9B] =	sst lr;
	_ =	strace $0xD0000000  }
0x3: {  	_ = 	snop  }
0x4: {  	_ = 	snop  }
0x5: {  	_ = 	snop  }
0x6: {  	_ = 	snop  }
0x7: {  	_ = 	snop  }
__scs_overlays_trampoline_lowered:
0x8: {  	[smem:$0x3FAA] =	sst s0  }
0x9: {  	[smem:$0x3FAB] =	sst s1  }
0xa: {  	[smem:$0x3FAC] =	sst s2  }
0xb: {  	[smem:$0x3FAD] =	sst s3  }
0xc: {  	[smem:$0x3FAE] =	sst s4  }
0xd: {  	[smem:$0x3FAF] =	sst s5  }
0xe: {  	[smem:$0x3FB0] =	sst s6  }
0xf: {  	[smem:$0x3FB1] =	sst s7  }
0x10: {  	[smem:$0x3FB2] =	sst s8  }
0x11: {  	[smem:$0x3FB3] =	sst s9;
	s0 =	simm.s32 @!p0 $0x0  }
0x12: {  	s1 =	sld [smem:$0x3F99];
	s0 =	simm.s32 @p0 $0x1  }
0x13: {  	[smem:$0x3FB4] =	sst s0;
	s0 =	simm.s32 @!p1 $0x0  }
0x14: {  	s2 =	sld [smem:$0x3F98];
	s0 =	simm.s32 @p1 $0x1  }
0x15: {  	[smem:$0x3FB5] =	sst s0;
	s0 =	simm.s32 @!p2 $0x0  }
0x16: {  	s3 =	sld [smem:$0x3FDB];
	s0 =	simm.s32 @p2 $0x1  }
0x17: {  	s4 =	simm.s32 $0x1BF5;
	[smem:$0x3FB7] =	sst s0  }
0x18: {  	s0 =	sld [smem:$0x3F9A];
	_ =	swait.ge [sflag:s4], $0x0  }
0x19: {  	s7 =	sld [smem:$0x3F9B]  }
0x1a: {  	s8 =	sadd.s32 $0xFFFFE003, lr  }
0x1b: {  	s9 =	sadd.s32 $0xFFFFFEF7, lr;
	s5 =	simm.s32 $0xFFFFFFFF;
	p2 =	slt.u32 s8, $0xFFFFF086  }
0x1c: {  	p1 =	slt.u32 s9, $0xF7A;
	s5 =	simm.s32 @!p2 $0x0  }
0x1d: {  	s5 =	simm.s32 @p1 $0x1;
	p0 =	seq.s32 s7, s2  }
0x1e: {  	s7 =	smul.u32 @!p0 $0xF7A, s2;
	p2 =	seq.s32 @!p0 s5, $0x0  }
0x1f: {  	s9 =	smul.u32 $0xF7A, s1;
	s8 =	simm.s32 @!p0 $0x1BF5;
	p2 =	por !p2, p0  }
0x20: {  	[sflag:s8] =	ssyncset.s32 @!p0 $0xFFFFF086;
	s6 =	sadd.s32 @!p0 s3, s7;
	s7 =	simm.s32 @!p0 $0x108  }
0x21: {  	s3 =	sadd.s32 s3, s9;
	s6 =	sadd.s32 @!p0 $0x88, s6;
	s7 =	simm.s32 @p2 $0x1082  }
0x22: {  	[simem:s7], [sflag:s8] =	dma.local @!p0 [hbm:s6], $0xF7A  }
0x23: {  	s9 =	sor.u32 $0xD0000000, s2;
	s6 =	simm.s32 $0x108;
	_ =	swait.ge @!p0 [sflag:s8], $0x0  }
0x24: {  	s3 =	sadd.s32 $0x88, s3;
	s6 =	simm.s32 @!p1 $0x1082;
	[sflag:s4] =	ssyncset.s32 $0xFFFFF086  }
0x25: {  	[simem:s6], [sflag:s4] =	dma.local [hbm:s3], $0xF7A  }
0x26: {  	[smem:$0x3F9B] =	sst s1;
	(tag) =	ssettag s2;
	_ =	strace s9  }
0x27: {  	s1 =	sld [smem:$0x3FAB]  }
0x28: {  	s2 =	sld [smem:$0x3FAC]  }
0x29: {  	s4 =	sld [smem:$0x3FAE]  }
0x2a: {  	p0 =	seq.s32 s5, $0x0;
	s5 =	sld [smem:$0x3FAF]  }
0x2b: {  	s6 =	sld [smem:$0x3FB0]  }
0x2c: {  	s7 =	sld [smem:$0x3FB1]  }
0x2d: {  	s3 =	simm.s32 $0x108;
	s8 =	sld [smem:$0x3FB2]  }
0x2e: {  	s3 =	simm.s32 @!p0 $0x1082;
	s9 =	sld [smem:$0x3FB3]  }
0x2f: {  	lr =	sadd.s32 s0, s3;
	s0 =	sld [smem:$0x3FAA]  }
0x30: {  	s3 =	sld [smem:$0x3FAD]  }
0x31: {  	[smem:$0x3FB6] =	sst s10  }
0x32: {  	s10 =	sld [smem:$0x3FB4];
	_ =	sdelay $0x3  }
0x33: {  	p0 =	seq.s32 s10, $0x1;
	s10 =	sld [smem:$0x3FB6];
	_ =	sdelay $0x3  }
0x34: {  	[smem:$0x3FB6] =	sst s10  }
0x35: {  	s10 =	sld [smem:$0x3FB5];
	_ =	sdelay $0x3  }
0x36: {  	p1 =	seq.s32 s10, $0x1;
	s10 =	sld [smem:$0x3FB6];
	_ =	sdelay $0x3  }
0x37: {  	[smem:$0x3FB6] =	sst s10  }
0x38: {  	s10 =	sld [smem:$0x3FB7]  }
0x39: {  	_ = 	snop;
	(pc) =	sbr.ind lr, $3  }
0x3a: {  	_ = 	snop  }
0x3b: {  	_ = 	snop  }
0x3c: {  	p2 =	seq.s32 s10, $0x1;
	s10 =	sld [smem:$0x3FB6]  }
0x3d: {  	_ =	shalt  }
0x3e: {  	_ =	shalt  }
0x3f: {  	_ =	shalt  }
0x40: {  	_ =	shalt  }
0x41: {  	_ =	shalt  }
0x42: {  	_ =	shalt  }
0x43: {  	_ =	shalt  }
0x44: {  	_ =	shalt  }
0x45: {  	_ =	shalt  }
0x46: {  	_ =	shalt  }
0x47: {  	_ =	shalt  }
0x48: {  	_ =	shalt  }
0x49: {  	_ =	shalt  }
0x4a: {  	_ =	shalt  }
0x4b: {  	_ =	shalt  }
0x4c: {  	_ =	shalt  }
0x4d: {  	_ =	shalt  }
0x4e: {  	_ =	shalt  }
0x4f: {  	_ =	shalt  }
0x50: {  	_ =	shalt  }
0x51: {  	_ =	shalt  }
0x52: {  	_ =	shalt  }
0x53: {  	_ =	shalt  }
0x54: {  	_ =	shalt  }
0x55: {  	_ =	shalt  }
0x56: {  	_ =	shalt  }
0x57: {  	_ =	shalt  }
0x58: {  	_ =	shalt  }
0x59: {  	_ =	shalt  }
0x5a: {  	_ =	shalt  }
0x5b: {  	_ =	shalt  }
0x5c: {  	_ =	shalt  }
0x5d: {  	_ =	shalt  }
0x5e: {  	_ =	shalt  }
0x5f: {  	_ =	shalt  }
0x60: {  	_ =	shalt  }
0x61: {  	_ =	shalt  }
0x62: {  	_ =	shalt  }
0x63: {  	_ =	shalt  }
0x64: {  	_ =	shalt  }
0x65: {  	_ =	shalt  }
0x66: {  	_ =	shalt  }
0x67: {  	_ =	shalt  }
0x68: {  	_ =	shalt  }
0x69: {  	_ =	shalt  }
0x6a: {  	_ =	shalt  }
0x6b: {  	_ =	shalt  }
0x6c: {  	_ =	shalt  }
0x6d: {  	_ =	shalt  }
0x6e: {  	_ =	shalt  }
0x6f: {  	_ =	shalt  }
0x70: {  	_ =	shalt  }
0x71: {  	_ =	shalt  }
0x72: {  	_ =	shalt  }
0x73: {  	_ =	shalt  }
0x74: {  	_ =	shalt  }
0x75: {  	_ =	shalt  }
0x76: {  	_ =	shalt  }
0x77: {  	_ =	shalt  }
0x78: {  	_ =	shalt  }
0x79: {  	_ =	shalt  }
0x7a: {  	_ =	shalt  }
0x7b: {  	_ =	shalt  }
0x7c: {  	_ =	shalt  }
0x7d: {  	_ =	shalt  }
0x7e: {  	_ =	shalt  }
0x7f: {  	_ =	shalt  }
0x80: {  	_ =	shalt  }
0x81: {  	_ =	shalt  }
0x82: {  	_ =	shalt  }
0x83: {  	_ =	shalt  }
0x84: {  	_ =	shalt  }
0x85: {  	_ =	shalt  }
0x86: {  	_ =	shalt  }
0x87: {  	_ =	shalt  }
.Lfunc_end0:
.L_simem_size_0:
called_computation.1_lowered:
.L_overlay_start_0:
0x88: {  	s2 =	sld [smem:$0x3FD9]  }
0x89: {  	s3 =	sld [smem:$0x3FFE];
	_ =	sdelay $0x1  }
0x8a: {  	s1 =	srdreg.scid  }
0x8b: {  	s0 =	sand.u32 $0x1, s1  }
0x8c: {  	s17 =	sshll.u32 s0, $0xA;
	s2 =	sadd.s32 s3, s2  }
0x8d: {  	s2 =	sadd.s32 s2, s17  }
0x8e: {  	[smem:$0x3FC2] =	sst s2  }
0x8f: {  	_ = 	snop  }
0x90: {  	s2 =	sld [smem:$0x3FD0];
	(tm) =	ssettm $0x1  }
0x91: {  	s18 =	sld [smem:$0x3FFB];
	_ =	sdelay $0x3  }
0x92: {  	_ =	strace s18  }
0x93: {  	s3 =	sld [smem:$0x3FFC];
	_ =	sdelay $0x3  }
0x94: {  	_ =	strace s3  }
0x95: {  	s3 =	sld [smem:$0x3FFD];
	_ =	sdelay $0x3  }
0x96: {  	_ =	strace s3  }
0x97: {  	_ =	strace $0x8FFFFFFF  }
0x98: {  	s19 =	sld [smem:$0x3FDB];
	_ =	sdelay $0x1  }
0x99: {  	s4 =	simm.s32 $_scs_section_size  }
0x9a: {  	s5 =	simm.s32 $_size__tile_overlayer_lowered;
	s6 =	simm.s32 $_tile_overlayer_lowered  }
0x9b: {  	s22 =	simm.s32 $0x1BFF;
	s21 =	sshll.u32 s6, $0x1;
	s3 =	sadd.s32 s4, s19  }
0x9c: {  	s7 =	simm.s32 $0x0;
	s20 =	sshll.u32 s5, $0x1;
	s5 =	sadd.s32 s21, s3  }
0x9d: {  	[timem:s7], [sflag:s22] =	dma.local [hbm:s5], s20  }
0x9e: {  	_ =	swait.ge [sflag:s22], s20  }
0x9f: {  	s4 =	ssub.s32 $0x0, s20;
	[sflag:s22] =	ssyncset.done $0x0  }
0xa0: {  	[sflag:s22] =	ssyncadd.s32 s4;
	_ =	sdelay $0x1  }
0xa1: {  	s23 =	simm.s32 $0x1B8B  }
0xa2: {  	_ =	swait.ge [sflag:s23], $0x1  }
0xa3: {  	[sflag:s23] =	ssyncset.done $0x0  }
0xa4: {  	s25 =	simm.s32 $0x1B8E;
	s24 =	sld [smem:$0x3FFE];
	[sflag:s23] =	ssyncadd.s32 $0xFFFFFFFF  }
0xa5: {  	s26 =	simm.s32 $execute0_lowered;
	[smem:$0x3FD2] =	sst s25  }
0xa6: {  	s5 =	sshll.u32 s26, $0x1;
	_ =	strace $0x80000049;
	[dreg:$0x1] =	wrdreg $0xFFFFFFFF  }
0xa7: {  	s28 =	simm.s32 $_size_execute0_lowered;
	s3 =	sadd.s32 s3, s5;
	[dreg:$0x0] =	wrdreg $0x0  }
0xa8: {  	s5 =	sshll.u32 s28, $0x1;
	[dreg:$0x2] =	wrdreg s3  }
0xa9: {  	[dreg:$0x3] =	wrdreg s5  }
0xaa: {  	[dreg:$0x4] =	wrdreg $0xC0  }
0xab: {  	_ =	task [dreg:s7], $0x5FFFF  }
0xac: {  	[dreg:$0x1] =	wrdreg $0xFFFFFFFF  }
0xad: {  	[dreg:$0x0] =	wrdreg $0x60  }
0xae: {  	[dreg:$0x2] =	wrdreg s24  }
0xaf: {  	[dreg:$0x3] =	wrdreg s2  }
0xb0: {  	[dreg:$0x4] =	wrdreg $0x0  }
0xb1: {  	[dreg:$0x5] =	wrdreg $0x9  }
0xb2: {  	_ =	task.clear_ibuf [dreg:s7], $0x6FFFF;
	_ =	strace $0x90000049  }
0xb3: {  	s29 =	simm.s32 $0x9;
	_ =	strace $0x8000004B  }
0xb4: {  	_ =	swait.ge [sflag:s29], $0x1  }
0xb5: {  	[sflag:s29] =	ssyncadd.s32 $0xFFFFFFFF  }
0xb6: {  	_ =	strace $0x9000004B  }
0xb7: {  	_ =	sfence  }
0xb8: {  	s30 =	sld [smem:$0x0];
	_ =	sdelay $0x2  }
0xb9: {  	s31 =	sshll.u32 s1, $0xD;
	s1 =	sshrl.u32 s1, $0x2  }
0xba: {  	s3 =	sand.u32 $0x4000, s31;
	s1 =	sadd.s32 s1, s30  }
0xbb: {  	s0 =	sor.u32 s3, s0;
	s1 =	sshll.u32 s1, $0x11  }
0xbc: {  	s0 =	sor.u32 s1, s0  }
0xbd: {  	s0 =	sadd.s32 $0x8F2B, s0  }
0xbe: {  	[sflag:s0] =	ssyncadd.remote.s32 $0x1  }
0xbf: {  	_ =	sfence.sel $0xFFFF  }
0xc0: {  	[dreg:$0x0] =	wrdreg $0xFFFFFFFF;
	(pc) =	sbr.abs _section_cstart, $3  }
0xc1: {  	[dreg:$0x1] =	wrdreg $0xFFFFFFFF  }
0xc2: {  	_ =	task.clear_ibuf [dreg:s7], $0x2FFFF;
	_ =	strace $0x9FFFFFFF  }
0xc3: {  	(tm) =	ssettm $0x7FFFFFFF  }
tec
execute0_lowered:
.L_overlay_start_1:
0x0: {  	(tag) =	ssettag $0x1  }
0x1: {  	s0 =	srdreg.scid;
	s2 =	rddreg [dreg:$0x0]  }
0x2: {  	s19 =	stileid.u32;
	s4 =	rddreg [dreg:$0x1]  }
0x3: {  	s1 =	rddreg [dreg:$0x2];
	s3 =	smul.u32 $0x290, s19  }
0x4: {  	s28 =	simm.s32 $0x9;
	s0 =	sand.u32 $0x1, s0;
	s6 =	smul.u32 $0x5200, s19  }
0x5: {  	s7 =	sadd.s32 $0x24A00, s2;
	s8 =	sadd.s32 $0x15800, s2;
	s17 =	smul.u32 $0xA00, s19  }
0x6: {  	s9 =	sadd.s32 $0x1000, s2;
	s31 =	smul.u32 $0x5000, s19;
	s2 =	sadd.s32 $0x39200, s2  }
0x7: {  	s5 =	smul.u32 $0x52000, s0;
	s0 =	ssub.s32 $0x2, s0;
	s11 =	sadd.s32 $0xA4, s3  }
0x8: {  	s12 =	sshrl.u32 s0, $0x1;
	s14 =	sadd.s32 $0x148, s3;
	s3 =	sadd.s32 $0x1EC, s3  }
0x9: {  	s21 =	sadd.s32 s8, s17;
	s22 =	sshrl.u32 s31, $0x3;
	s23 =	sadd.s32 s4, s17  }
0xa: {  	s17 =	simm.s32 $0x2;
	s10 =	sadd.s32 s6, s5;
	s13 =	sshll.u32 s11, $0x5  }
0xb: {  	s0 =	ssub.s32 s0, s12;
	s15 =	sshll.u32 s14, $0x5;
	[dreg:$0xc] =	wrdreg s21  }
0xc: {  	s16 =	sshll.u32 s3, $0x5;
	[dreg:$0xd] =	wrdreg s23;
	s31 =	sshll.u32 s14, $0x1  }
0xd: {  	s3 =	sshll.u32 s3, $0x1;
	s21 =	sadd.s32 s6, s1;
	s14 =	simm.s32 $0x16200  }
0xe: {  	s10 =	sshrl.u32 s10, $0x3;
	s25 =	sadd.s32 s5, s13;
	s29 =	sadd.s32 s5, s15  }
0xf: {  	s30 =	sadd.s32 s5, s16;
	s5 =	sshrl.u32 s5, $0x3;
	s23 =	sadd.s32 s15, s1  }
0x10: {  	s6 =	sadd.s32 s16, s1;
	s0 =	smax.u32 s0, $0x1;
	s24 =	sadd.s32 s7, s10  }
0x11: {  	s10 =	sadd.s32 s9, s10;
	s26 =	sshrl.u32 s25, $0x3;
	[dreg:$0x4] =	wrdreg s24  }
0x12: {  	s16 =	simm.s32 $0x200;
	[dreg:$0x5] =	wrdreg s10;
	s12 =	sadd.s32 s7, s26  }
0x13: {  	s15 =	simm.s32 $0xE200;
	s10 =	sadd.s32 s9, s26;
	[dreg:$0x6] =	wrdreg s12  }
0x14: {  	s24 =	sadd.s32 $0x500, s22;
	s26 =	simm.s32 $0x0;
	[dreg:$0x7] =	wrdreg s10  }
0x15: {  	s10 =	sshrl.u32 s29, $0x3;
	s4 =	sadd.s32 s4, s24;
	[smem:$0x7FF] =	sst s26  }
0x16: {  	s25 =	smul.u32 $0x520, s19;
	s18 =	sadd.s32 s7, s10;
	[dreg:$0xf] =	wrdreg s4  }
0x17: {  	s12 =	sshrl.u32 s30, $0x3;
	s10 =	sadd.s32 s9, s10;
	[dreg:$0x8] =	wrdreg s18  }
0x18: {  	s19 =	simm.s32 $0x6;
	s7 =	sadd.s32 s7, s12;
	[dreg:$0x9] =	wrdreg s10  }
0x19: {  	s22 =	sadd.s32 s13, s1;
	s20 =	sadd.s32 s9, s12;
	[dreg:$0xa] =	wrdreg s7  }
0x1a: {  	s29 =	sshll.u32 s11, $0x1;
	s4 =	sadd.s32 s2, s25;
	[dreg:$0xb] =	wrdreg s20  }
0x1b: {  	s13 =	simm.s32 $0x0;
	s30 =	sadd.s32 s2, s29;
	[dreg:$0x10] =	wrdreg s4  }
0x1c: {  	s11 =	simm.s32 $0x12200;
	s7 =	sadd.s32 s8, s24;
	[dreg:$0x11] =	wrdreg s30  }
0x1d: {  	s12 =	sadd.s32 s9, s5;
	s4 =	sadd.s32 s2, s31;
	[dreg:$0xe] =	wrdreg s7  }
0x1e: {  	s25 =	simm.s32 $0x1B680;
	s2 =	sadd.s32 s2, s3;
	[dreg:$0x12] =	wrdreg s4  }
0x1f: {  	s5 =	simm.s32 $0x0;
	s24 =	simm.s32 $0x1A200;
	[dreg:$0x13] =	wrdreg s2  }
0x20: {  	s8 =	simm.s32 $0x3;
	_ =	strace $0x8000004A;
	[dreg:$0x14] =	wrdreg s0  }
0x21: {  	s10 =	simm.s32 $0x4;
	s18 =	simm.s32 $0x7;
	[dreg:$0x15] =	wrdreg s6  }
0x22: {  	s20 =	simm.s32 $0x8;
	s2 =	simm.s32 $0x1;
	[dreg:$0x16] =	wrdreg s23  }
0x23: {  	v0 =	vimm.f32 $0.0e+00;
	s4 =	simm.s32 $0x5;
	s0 =	simm.s32 $0xA200;
	[dreg:$0x17] =	wrdreg s22  }
.LBB2_1:
0x24: {  	[dreg:$0x18] =	wrdreg s5;
	s3 =	simm.s32 $0x80;
	s5 =	simm.s32 $0x0  }
.LBB2_2:
0x25: {  	p0 =	sne.s32 s3, $0x5180;
	[tilespmem:s5+$0x1A200] =	vst v0;
	s7 =	smov.u32 s3;
	s3 =	sadd.s32 $0x80, s3  }
.Ltmp0:
0x26: {  	[tilespmem:s5+$0x1A210] =	vst v0;
	(pc) =	sbr.rel @p0 .LBB2_2-.Ltmp0, $2  }
0x27: {  	_ =	sdelay $0x2  }
0x28: {  	s5 =	sshra.s32 s7, $0x2  }
0x29: {  	[tilespmem:s5+$0x1A200] =	vst v0  }
0x2a: {  	[tilespmem:s5+$0x1A210] =	vst v0;
	s5 =	simm.s32 $0x0;
	s3 =	rddreg [dreg:$0x4]  }
0x2b: {  	[tilespmem:s25], [sflag:$0x9] =	stream.linear.gather [hbm4b:s3+s5], $0x1480, $0x38;
	[tilespmem:$0x1E9C0] =	vst v63  }
0x2c: {  	_ =	swait.ge [sflag:s28], $0x1480  }
0x2d: {  	[sflag:s28] =	ssyncset.done $0x0  }
0x2e: {  	s31 =	rddreg [dreg:$0x5];
	[sflag:s28] =	ssyncadd.s32 $0xFFFFEB80  }
0x2f: {  	[hbm4b:s31+s5] =	stream.linear.scatter [tilespmem:s25], [sflag:$0x9], $0x1480, $0x38;
	[tilespmem:$0x1E9C0] =	vst v63  }
0x30: {  	_ =	swait.ge [sflag:s28], $0x1480  }
0x31: {  	[sflag:s28] =	ssyncset.done $0x0  }
0x32: {  	[sflag:s28] =	ssyncadd.s32 $0xFFFFEB80  }
0x33: {  	[spmem:s21] =	stream.linear.scatter [tilespmem:s24], [sflag:$0x9], $0x1480, $0x38;
	[tilespmem:$0x1E9C0] =	vst v63  }
0x34: {  	_ =	swait.ge [sflag:s28], $0x1480  }
0x35: {  	[sflag:s28] =	ssyncset.done $0x0  }
0x36: {  	s7 =	rddreg [dreg:$0x6];
	[sflag:s28] =	ssyncadd.s32 $0xFFFFEB80  }
0x37: {  	[tilespmem:s25], [sflag:$0x9] =	stream.linear.gather [hbm4b:s7+s5], $0x1480, $0x38;
	[tilespmem:$0x1E9C0] =	vst v63  }
0x38: {  	_ =	swait.ge [sflag:s28], $0x1480  }
0x39: {  	[sflag:s28] =	ssyncset.done $0x0  }
0x3a: {  	s9 =	rddreg [dreg:$0x7];
	[sflag:s28] =	ssyncadd.s32 $0xFFFFEB80  }
0x3b: {  	[hbm4b:s9+s5] =	stream.linear.scatter [tilespmem:s25], [sflag:$0x9], $0x1480, $0x38;
	[tilespmem:$0x1E9C0] =	vst v63  }
0x3c: {  	_ =	swait.ge [sflag:s28], $0x1480  }
0x3d: {  	[sflag:s28] =	ssyncset.done $0x0  }
0x3e: {  	[sflag:s28] =	ssyncadd.s32 $0xFFFFEB80  }
0x3f: {  	[spmem:s22] =	stream.linear.scatter [tilespmem:s24], [sflag:$0x9], $0x1480, $0x38;
	[tilespmem:$0x1E9C0] =	vst v63  }
0x40: {  	_ =	swait.ge [sflag:s28], $0x1480  }
0x41: {  	[sflag:s28] =	ssyncset.done $0x0  }
0x42: {  	s26 =	rddreg [dreg:$0x8];
	[sflag:s28] =	ssyncadd.s32 $0xFFFFEB80  }
0x43: {  	[tilespmem:s25], [sflag:$0x9] =	stream.linear.gather [hbm4b:s26+s5], $0x1480, $0x38;
	[tilespmem:$0x1E9C0] =	vst v63  }
0x44: {  	_ =	swait.ge [sflag:s28], $0x1480  }
0x45: {  	[sflag:s28] =	ssyncset.done $0x0  }
0x46: {  	s29 =	rddreg [dreg:$0x9];
	[sflag:s28] =	ssyncadd.s32 $0xFFFFEB80  }
0x47: {  	[hbm4b:s29+s5] =	stream.linear.scatter [tilespmem:s25], [sflag:$0x9], $0x1480, $0x38;
	[tilespmem:$0x1E9C0] =	vst v63  }
0x48: {  	_ =	swait.ge [sflag:s28], $0x1480  }
0x49: {  	[sflag:s28] =	ssyncset.done $0x0  }
0x4a: {  	[sflag:s28] =	ssyncadd.s32 $0xFFFFEB80  }
0x4b: {  	[spmem:s23] =	stream.linear.scatter [tilespmem:s24], [sflag:$0x9], $0x1480, $0x38;
	[tilespmem:$0x1E9C0] =	vst v63  }
0x4c: {  	_ =	swait.ge [sflag:s28], $0x1480  }
0x4d: {  	[sflag:s28] =	ssyncset.done $0x0  }
0x4e: {  	s30 =	rddreg [dreg:$0xa];
	[sflag:s28] =	ssyncadd.s32 $0xFFFFEB80  }
0x4f: {  	[tilespmem:s25], [sflag:$0x9] =	stream.linear.gather [hbm4b:s30+s5], $0x1480, $0x38;
	[tilespmem:$0x1E9C0] =	vst v63  }
0x50: {  	_ =	swait.ge [sflag:s28], $0x1480  }
0x51: {  	[sflag:s28] =	ssyncset.done $0x0  }
0x52: {  	s31 =	rddreg [dreg:$0xb];
	[sflag:s28] =	ssyncadd.s32 $0xFFFFEB80  }
0x53: {  	[hbm4b:s31+s5] =	stream.linear.scatter [tilespmem:s25], [sflag:$0x9], $0x1480, $0x38;
	[tilespmem:$0x1E9C0] =	vst v63  }
0x54: {  	_ =	swait.ge [sflag:s28], $0x1480  }
0x55: {  	[sflag:s28] =	ssyncset.done $0x0  }
0x56: {  	[sflag:s28] =	ssyncadd.s32 $0xFFFFEB80  }
0x57: {  	[spmem:s6] =	stream.linear.scatter [tilespmem:s24], [sflag:$0x9], $0x1480, $0x38;
	[tilespmem:$0x1E9C0] =	vst v63  }
0x58: {  	_ =	swait.ge [sflag:s28], $0x1480  }
0x59: {  	[sflag:s28] =	ssyncset.done $0x0  }
0x5a: {  	[sflag:s28] =	ssyncadd.s32 $0xFFFFEB80  }
0x5b: {  	s26 =	simm.s32 $0x0;
	[bflag:$0x0] =	sbarrier.arrive $0xFFFF  }
.LBB2_4:
0x5c: {  	s3 =	rddreg [dreg:$0xc];
	s5 =	simm.s32 $0x5200  }
0x5d: {  	[tilespmem:s5], [sflag:$0x9] =	stream.linear.gather [hbm4b:s3+s13], $0x2800, $0x38;
	[tilespmem:$0x1E9C0] =	vst v63  }
0x5e: {  	_ =	swait.ge [sflag:s28], $0x2800  }
0x5f: {  	[sflag:s28] =	ssyncset.done $0x0  }
0x60: {  	s7 =	simm.s32 $0x7A00;
	s31 =	rddreg [dreg:$0xd];
	[sflag:s28] =	ssyncadd.s32 $0xFFFFD800  }
0x61: {  	[tilespmem:s7], [sflag:$0x9] =	stream.linear.gather [hbm4b:s31+s13], $0x2800, $0x38;
	[tilespmem:$0x1E9C0] =	vst v63  }
0x62: {  	_ =	swait.ge [sflag:s28], $0x2800  }
0x63: {  	[sflag:s28] =	ssyncset.done $0x0  }
0x64: {  	[sflag:s28] =	ssyncadd.s32 $0xFFFFD800  }
0x65: {  	[tilespmem:s0], [sflag:$0x1] =	stream.indirect.gather [hbm4b:s12+s16], $0x20, s5, s16, $0xb8;
	[tilespmem:$0x1E9C0] =	vst v63  }
0x66: {  	s9 =	simm.s32 $0x5400  }
0x67: {  	[tilespmem:s15], [sflag:$0x2] =	stream.indirect.gather [hbm4b:s12+s16], $0x20, s9, s16, $0xb8;
	[tilespmem:$0x1E9C0] =	vst v63  }
0x68: {  	s30 =	simm.s32 $0x5600  }
0x69: {  	[tilespmem:s11], [sflag:$0x3] =	stream.indirect.gather [hbm4b:s12+s16], $0x20, s30, s16, $0xb8;
	[tilespmem:$0x1E9C0] =	vst v63  }
0x6a: {  	s31 =	simm.s32 $0x5800  }
0x6b: {  	[tilespmem:s14], [sflag:$0x4] =	stream.indirect.gather [hbm4b:s12+s16], $0x20, s31, s16, $0xb8;
	[tilespmem:$0x1E9C0] =	vst v63  }
0x6c: {  	_ =	swait.ge [sflag:s2], $0x4000  }
0x6d: {  	[sflag:s2] =	ssyncset.done $0x0  }
0x6e: {  	[sflag:s2] =	ssyncadd.s32 $0xFFFFC000  }
0x6f: {  	[spmem:s1] =	stream.indirect.scatter.add.f32 [tilespmem:s0], [sflag:$0x5], $0x20, s7, s16, $0xb8;
	[tilespmem:$0x1E9C0] =	vst v63  }
0x70: {  	_ =	swait.ge [sflag:s17], $0x4000  }
0x71: {  	[sflag:s17] =	ssyncset.done $0x0  }
0x72: {  	s22 =	simm.s32 $0x7C00;
	[sflag:s17] =	ssyncadd.s32 $0xFFFFC000  }
0x73: {  	[spmem:s1] =	stream.indirect.scatter.add.f32 [tilespmem:s15], [sflag:$0x6], $0x20, s22, s16, $0xb8;
	[tilespmem:$0x1E9C0] =	vst v63  }
0x74: {  	_ =	swait.ge [sflag:s4], $0x4000  }
0x75: {  	[sflag:s4] =	ssyncset.done $0x0  }
0x76: {  	[sflag:s4] =	ssyncadd.s32 $0xFFFFC000  }
0x77: {  	_ =	swait.ge [sflag:s19], $0x4000  }
0x78: {  	[sflag:s19] =	ssyncset.done $0x0  }
0x79: {  	s25 =	simm.s32 $0x5A00;
	[sflag:s19] =	ssyncadd.s32 $0xFFFFC000  }
0x7a: {  	[tilespmem:s0], [sflag:$0x1] =	stream.indirect.gather [hbm4b:s12+s16], $0x20, s25, s16, $0xb8;
	[tilespmem:$0x1E9C0] =	vst v63  }
0x7b: {  	s23 =	simm.s32 $0x5C00  }
0x7c: {  	[tilespmem:s15], [sflag:$0x2] =	stream.indirect.gather [hbm4b:s12+s16], $0x20, s23, s16, $0xb8;
	[tilespmem:$0x1E9C0] =	vst v63  }
0x7d: {  	_ =	swait.ge [sflag:s8], $0x4000  }
0x7e: {  	[sflag:s8] =	ssyncset.done $0x0  }
0x7f: {  	s6 =	simm.s32 $0x7E00;
	[sflag:s8] =	ssyncadd.s32 $0xFFFFC000  }
0x80: {  	[spmem:s1] =	stream.indirect.scatter.add.f32 [tilespmem:s11], [sflag:$0x7], $0x20, s6, s16, $0xb8;
	[tilespmem:$0x1E9C0] =	vst v63  }
0x81: {  	_ =	swait.ge [sflag:s10], $0x4000  }
0x82: {  	[sflag:s10] =	ssyncset.done $0x0  }
0x83: {  	s24 =	simm.s32 $0x8000;
	[sflag:s10] =	ssyncadd.s32 $0xFFFFC000  }
0x84: {  	[spmem:s1] =	stream.indirect.scatter.add.f32 [tilespmem:s14], [sflag:$0x8], $0x20, s24, s16, $0xb8;
	[tilespmem:$0x1E9C0] =	vst v63  }
0x85: {  	_ =	swait.ge [sflag:s18], $0x4000  }
0x86: {  	[sflag:s18] =	ssyncset.done $0x0  }
0x87: {  	[sflag:s18] =	ssyncadd.s32 $0xFFFFC000  }
0x88: {  	_ =	swait.ge [sflag:s20], $0x4000  }
0x89: {  	[sflag:s20] =	ssyncset.done $0x0  }
0x8a: {  	s29 =	simm.s32 $0x5E00;
	[sflag:s20] =	ssyncadd.s32 $0xFFFFC000  }
0x8b: {  	[tilespmem:s11], [sflag:$0x3] =	stream.indirect.gather [hbm4b:s12+s16], $0x20, s29, s16, $0xb8;
	[tilespmem:$0x1E9C0] =	vst v63  }
0x8c: {  	s3 =	simm.s32 $0x6000  }
0x8d: {  	[tilespmem:s14], [sflag:$0x4] =	stream.indirect.gather [hbm4b:s12+s16], $0x20, s3, s16, $0xb8;
	[tilespmem:$0x1E9C0] =	vst v63  }
0x8e: {  	_ =	swait.ge [sflag:s2], $0x4000  }
0x8f: {  	[sflag:s2] =	ssyncset.done $0x0  }
0x90: {  	s3 =	simm.s32 $0x8200;
	[sflag:s2] =	ssyncadd.s32 $0xFFFFC000  }
0x91: {  	[spmem:s1] =	stream.indirect.scatter.add.f32 [tilespmem:s0], [sflag:$0x5], $0x20, s3, s16, $0xb8;
	[tilespmem:$0x1E9C0] =	vst v63  }
0x92: {  	_ =	swait.ge [sflag:s17], $0x4000  }
0x93: {  	[sflag:s17] =	ssyncset.done $0x0  }
0x94: {  	s3 =	simm.s32 $0x8400;
	[sflag:s17] =	ssyncadd.s32 $0xFFFFC000  }
0x95: {  	[spmem:s1] =	stream.indirect.scatter.add.f32 [tilespmem:s15], [sflag:$0x6], $0x20, s3, s16, $0xb8;
	[tilespmem:$0x1E9C0] =	vst v63  }
0x96: {  	_ =	swait.ge [sflag:s4], $0x4000  }
0x97: {  	[sflag:s4] =	ssyncset.done $0x0  }
0x98: {  	[sflag:s4] =	ssyncadd.s32 $0xFFFFC000  }
0x99: {  	_ =	swait.ge [sflag:s19], $0x4000  }
0x9a: {  	[sflag:s19] =	ssyncset.done $0x0  }
0x9b: {  	s3 =	simm.s32 $0x6200;
	[sflag:s19] =	ssyncadd.s32 $0xFFFFC000  }
0x9c: {  	[tilespmem:s0], [sflag:$0x1] =	stream.indirect.gather [hbm4b:s12+s16], $0x20, s3, s16, $0xb8;
	[tilespmem:$0x1E9C0] =	vst v63  }
0x9d: {  	s3 =	simm.s32 $0x6400  }
0x9e: {  	[tilespmem:s15], [sflag:$0x2] =	stream.indirect.gather [hbm4b:s12+s16], $0x20, s3, s16, $0xb8;
	[tilespmem:$0x1E9C0] =	vst v63  }
0x9f: {  	_ =	swait.ge [sflag:s8], $0x4000  }
0xa0: {  	[sflag:s8] =	ssyncset.done $0x0  }
0xa1: {  	s3 =	simm.s32 $0x8600;
	[sflag:s8] =	ssyncadd.s32 $0xFFFFC000  }
0xa2: {  	[spmem:s1] =	stream.indirect.scatter.add.f32 [tilespmem:s11], [sflag:$0x7], $0x20, s3, s16, $0xb8;
	[tilespmem:$0x1E9C0] =	vst v63  }
0xa3: {  	_ =	swait.ge [sflag:s10], $0x4000  }
0xa4: {  	[sflag:s10] =	ssyncset.done $0x0  }
0xa5: {  	s3 =	simm.s32 $0x8800;
	[sflag:s10] =	ssyncadd.s32 $0xFFFFC000  }
0xa6: {  	[spmem:s1] =	stream.indirect.scatter.add.f32 [tilespmem:s14], [sflag:$0x8], $0x20, s3, s16, $0xb8;
	[tilespmem:$0x1E9C0] =	vst v63  }
0xa7: {  	_ =	swait.ge [sflag:s18], $0x4000  }
0xa8: {  	[sflag:s18] =	ssyncset.done $0x0  }
0xa9: {  	[sflag:s18] =	ssyncadd.s32 $0xFFFFC000  }
0xaa: {  	_ =	swait.ge [sflag:s20], $0x4000  }
0xab: {  	[sflag:s20] =	ssyncset.done $0x0  }
0xac: {  	s3 =	simm.s32 $0x6600;
	[sflag:s20] =	ssyncadd.s32 $0xFFFFC000  }
0xad: {  	[tilespmem:s11], [sflag:$0x3] =	stream.indirect.gather [hbm4b:s12+s16], $0x20, s3, s16, $0xb8;
	[tilespmem:$0x1E9C0] =	vst v63  }
0xae: {  	s3 =	simm.s32 $0x6800  }
0xaf: {  	[tilespmem:s14], [sflag:$0x4] =	stream.indirect.gather [hbm4b:s12+s16], $0x20, s3, s16, $0xb8;
	[tilespmem:$0x1E9C0] =	vst v63  }
0xb0: {  	_ =	swait.ge [sflag:s2], $0x4000  }
0xb1: {  	[sflag:s2] =	ssyncset.done $0x0  }
0xb2: {  	s3 =	simm.s32 $0x8A00;
	[sflag:s2] =	ssyncadd.s32 $0xFFFFC000  }
0xb3: {  	[spmem:s1] =	stream.indirect.scatter.add.f32 [tilespmem:s0], [sflag:$0x5], $0x20, s3, s16, $0xb8;
	[tilespmem:$0x1E9C0] =	vst v63  }
0xb4: {  	_ =	swait.ge [sflag:s17], $0x4000  }
0xb5: {  	[sflag:s17] =	ssyncset.done $0x0  }
0xb6: {  	s3 =	simm.s32 $0x8C00;
	[sflag:s17] =	ssyncadd.s32 $0xFFFFC000  }
0xb7: {  	[spmem:s1] =	stream.indirect.scatter.add.f32 [tilespmem:s15], [sflag:$0x6], $0x20, s3, s16, $0xb8;
	[tilespmem:$0x1E9C0] =	vst v63  }
0xb8: {  	_ =	swait.ge [sflag:s4], $0x4000  }
0xb9: {  	[sflag:s4] =	ssyncset.done $0x0  }
0xba: {  	[sflag:s4] =	ssyncadd.s32 $0xFFFFC000  }
0xbb: {  	_ =	swait.ge [sflag:s19], $0x4000  }
0xbc: {  	[sflag:s19] =	ssyncset.done $0x0  }
0xbd: {  	s3 =	simm.s32 $0x6A00;
	[sflag:s19] =	ssyncadd.s32 $0xFFFFC000  }
0xbe: {  	[tilespmem:s0], [sflag:$0x1] =	stream.indirect.gather [hbm4b:s12+s16], $0x20, s3, s16, $0xb8;
	[tilespmem:$0x1E9C0] =	vst v63  }
0xbf: {  	s3 =	simm.s32 $0x6C00  }
0xc0: {  	[tilespmem:s15], [sflag:$0x2] =	stream.indirect.gather [hbm4b:s12+s16], $0x20, s3, s16, $0xb8;
	[tilespmem:$0x1E9C0] =	vst v63  }
0xc1: {  	_ =	swait.ge [sflag:s8], $0x4000  }
0xc2: {  	[sflag:s8] =	ssyncset.done $0x0  }
0xc3: {  	s3 =	simm.s32 $0x8E00;
	[sflag:s8] =	ssyncadd.s32 $0xFFFFC000  }
0xc4: {  	[spmem:s1] =	stream.indirect.scatter.add.f32 [tilespmem:s11], [sflag:$0x7], $0x20, s3, s16, $0xb8;
	[tilespmem:$0x1E9C0] =	vst v63  }
0xc5: {  	_ =	swait.ge [sflag:s10], $0x4000  }
0xc6: {  	[sflag:s10] =	ssyncset.done $0x0  }
0xc7: {  	s3 =	simm.s32 $0x9000;
	[sflag:s10] =	ssyncadd.s32 $0xFFFFC000  }
0xc8: {  	[spmem:s1] =	stream.indirect.scatter.add.f32 [tilespmem:s14], [sflag:$0x8], $0x20, s3, s16, $0xb8;
	[tilespmem:$0x1E9C0] =	vst v63  }
0xc9: {  	_ =	swait.ge [sflag:s18], $0x4000  }
0xca: {  	[sflag:s18] =	ssyncset.done $0x0  }
0xcb: {  	[sflag:s18] =	ssyncadd.s32 $0xFFFFC000  }
0xcc: {  	_ =	swait.ge [sflag:s20], $0x4000  }
0xcd: {  	[sflag:s20] =	ssyncset.done $0x0  }
0xce: {  	s3 =	simm.s32 $0x6E00;
	[sflag:s20] =	ssyncadd.s32 $0xFFFFC000  }
0xcf: {  	[tilespmem:s11], [sflag:$0x3] =	stream.indirect.gather [hbm4b:s12+s16], $0x20, s3, s16, $0xb8;
	[tilespmem:$0x1E9C0] =	vst v63  }
0xd0: {  	s3 =	simm.s32 $0x7000  }
0xd1: {  	[tilespmem:s14], [sflag:$0x4] =	stream.indirect.gather [hbm4b:s12+s16], $0x20, s3, s16, $0xb8;
	[tilespmem:$0x1E9C0] =	vst v63  }
0xd2: {  	_ =	swait.ge [sflag:s2], $0x4000  }
0xd3: {  	[sflag:s2] =	ssyncset.done $0x0  }
0xd4: {  	s3 =	simm.s32 $0x9200;
	[sflag:s2] =	ssyncadd.s32 $0xFFFFC000  }
0xd5: {  	[spmem:s1] =	stream.indirect.scatter.add.f32 [tilespmem:s0], [sflag:$0x5], $0x20, s3, s16, $0xb8;
	[tilespmem:$0x1E9C0] =	vst v63  }
0xd6: {  	_ =	swait.ge [sflag:s17], $0x4000  }
0xd7: {  	[sflag:s17] =	ssyncset.done $0x0  }
0xd8: {  	s3 =	simm.s32 $0x9400;
	[sflag:s17] =	ssyncadd.s32 $0xFFFFC000  }
0xd9: {  	[spmem:s1] =	stream.indirect.scatter.add.f32 [tilespmem:s15], [sflag:$0x6], $0x20, s3, s16, $0xb8;
	[tilespmem:$0x1E9C0] =	vst v63  }
0xda: {  	_ =	swait.ge [sflag:s4], $0x4000  }
0xdb: {  	[sflag:s4] =	ssyncset.done $0x0  }
0xdc: {  	[sflag:s4] =	ssyncadd.s32 $0xFFFFC000  }
0xdd: {  	_ =	swait.ge [sflag:s19], $0x4000  }
0xde: {  	[sflag:s19] =	ssyncset.done $0x0  }
0xdf: {  	s3 =	simm.s32 $0x7200;
	[sflag:s19] =	ssyncadd.s32 $0xFFFFC000  }
0xe0: {  	[tilespmem:s0], [sflag:$0x1] =	stream.indirect.gather [hbm4b:s12+s16], $0x20, s3, s16, $0xb8;
	[tilespmem:$0x1E9C0] =	vst v63  }
0xe1: {  	s3 =	simm.s32 $0x7400  }
0xe2: {  	[tilespmem:s15], [sflag:$0x2] =	stream.indirect.gather [hbm4b:s12+s16], $0x20, s3, s16, $0xb8;
	[tilespmem:$0x1E9C0] =	vst v63  }
0xe3: {  	_ =	swait.ge [sflag:s8], $0x4000  }
0xe4: {  	[sflag:s8] =	ssyncset.done $0x0  }
0xe5: {  	s3 =	simm.s32 $0x9600;
	[sflag:s8] =	ssyncadd.s32 $0xFFFFC000  }
0xe6: {  	[spmem:s1] =	stream.indirect.scatter.add.f32 [tilespmem:s11], [sflag:$0x7], $0x20, s3, s16, $0xb8;
	[tilespmem:$0x1E9C0] =	vst v63  }
0xe7: {  	_ =	swait.ge [sflag:s10], $0x4000  }
0xe8: {  	[sflag:s10] =	ssyncset.done $0x0  }
0xe9: {  	s3 =	simm.s32 $0x9800;
	[sflag:s10] =	ssyncadd.s32 $0xFFFFC000  }
0xea: {  	[spmem:s1] =	stream.indirect.scatter.add.f32 [tilespmem:s14], [sflag:$0x8], $0x20, s3, s16, $0xb8;
	[tilespmem:$0x1E9C0] =	vst v63  }
0xeb: {  	_ =	swait.ge [sflag:s18], $0x4000  }
0xec: {  	[sflag:s18] =	ssyncset.done $0x0  }
0xed: {  	[sflag:s18] =	ssyncadd.s32 $0xFFFFC000  }
0xee: {  	_ =	swait.ge [sflag:s20], $0x4000  }
0xef: {  	[sflag:s20] =	ssyncset.done $0x0  }
0xf0: {  	s3 =	simm.s32 $0x7600;
	[sflag:s20] =	ssyncadd.s32 $0xFFFFC000  }
0xf1: {  	[tilespmem:s11], [sflag:$0x3] =	stream.indirect.gather [hbm4b:s12+s16], $0x20, s3, s16, $0xb8;
	[tilespmem:$0x1E9C0] =	vst v63  }
0xf2: {  	s3 =	simm.s32 $0x7800  }
0xf3: {  	[tilespmem:s14], [sflag:$0x4] =	stream.indirect.gather [hbm4b:s12+s16], $0x20, s3, s16, $0xb8;
	[tilespmem:$0x1E9C0] =	vst v63  }
0xf4: {  	_ =	swait.ge [sflag:s2], $0x4000  }
0xf5: {  	[sflag:s2] =	ssyncset.done $0x0  }
0xf6: {  	s3 =	simm.s32 $0x9A00;
	[sflag:s2] =	ssyncadd.s32 $0xFFFFC000  }
0xf7: {  	[spmem:s1] =	stream.indirect.scatter.add.f32 [tilespmem:s0], [sflag:$0x5], $0x20, s3, s16, $0xb8;
	[tilespmem:$0x1E9C0] =	vst v63  }
0xf8: {  	_ =	swait.ge [sflag:s17], $0x4000  }
0xf9: {  	[sflag:s17] =	ssyncset.done $0x0  }
0xfa: {  	s3 =	simm.s32 $0x9C00;
	[sflag:s17] =	ssyncadd.s32 $0xFFFFC000  }
0xfb: {  	[spmem:s1] =	stream.indirect.scatter.add.f32 [tilespmem:s15], [sflag:$0x6], $0x20, s3, s16, $0xb8;
	[tilespmem:$0x1E9C0] =	vst v63  }
0xfc: {  	_ =	swait.ge [sflag:s8], $0x4000  }
0xfd: {  	[sflag:s8] =	ssyncset.done $0x0  }
0xfe: {  	s3 =	simm.s32 $0x9E00;
	[sflag:s8] =	ssyncadd.s32 $0xFFFFC000  }
0xff: {  	[spmem:s1] =	stream.indirect.scatter.add.f32 [tilespmem:s11], [sflag:$0x7], $0x20, s3, s16, $0xb8;
	[tilespmem:$0x1E9C0] =	vst v63  }
0x100: {  	_ =	swait.ge [sflag:s10], $0x4000  }
0x101: {  	[sflag:s10] =	ssyncset.done $0x0  }
0x102: {  	s3 =	simm.s32 $0xA000;
	[sflag:s10] =	ssyncadd.s32 $0xFFFFC000  }
0x103: {  	[spmem:s1] =	stream.indirect.scatter.add.f32 [tilespmem:s14], [sflag:$0x8], $0x20, s3, s16, $0xb8;
	[tilespmem:$0x1E9C0] =	vst v63  }
0x104: {  	_ =	swait.ge [sflag:s4], $0x4000  }
0x105: {  	[sflag:s4] =	ssyncset.done $0x0  }
0x106: {  	[sflag:s4] =	ssyncadd.s32 $0xFFFFC000  }
0x107: {  	_ =	swait.ge [sflag:s19], $0x4000  }
0x108: {  	[sflag:s19] =	ssyncset.done $0x0  }
0x109: {  	[sflag:s19] =	ssyncadd.s32 $0xFFFFC000  }
0x10a: {  	_ =	swait.ge [sflag:s18], $0x4000  }
0x10b: {  	[sflag:s18] =	ssyncset.done $0x0  }
0x10c: {  	[sflag:s18] =	ssyncadd.s32 $0xFFFFC000  }
0x10d: {  	_ =	swait.ge [sflag:s20], $0x4000  }
0x10e: {  	[sflag:s20] =	ssyncset.done $0x0  }
0x10f: {  	s3 =	rddreg [dreg:$0xe];
	[sflag:s20] =	ssyncadd.s32 $0xFFFFC000  }
0x110: {  	[tilespmem:s5], [sflag:$0x9] =	stream.linear.gather [hbm4b:s3+s13], $0x2800, $0x38;
	[tilespmem:$0x1E9C0] =	vst v63  }
0x111: {  	_ =	swait.ge [sflag:s28], $0x2800  }
0x112: {  	[sflag:s28] =	ssyncset.done $0x0  }
0x113: {  	s3 =	rddreg [dreg:$0xf];
	[sflag:s28] =	ssyncadd.s32 $0xFFFFD800  }
0x114: {  	[tilespmem:s7], [sflag:$0x9] =	stream.linear.gather [hbm4b:s3+s13], $0x2800, $0x38;
	[tilespmem:$0x1E9C0] =	vst v63  }
0x115: {  	_ =	swait.ge [sflag:s28], $0x2800  }
0x116: {  	[sflag:s28] =	ssyncset.done $0x0  }
0x117: {  	[sflag:s28] =	ssyncadd.s32 $0xFFFFD800  }
0x118: {  	[tilespmem:s0], [sflag:$0x1] =	stream.indirect.gather [hbm4b:s12+s16], $0x20, s5, s16, $0xb8;
	[tilespmem:$0x1E9C0] =	vst v63  }
0x119: {  	_ = 	snop  }
0x11a: {  	[tilespmem:s15], [sflag:$0x2] =	stream.indirect.gather [hbm4b:s12+s16], $0x20, s9, s16, $0xb8;
	[tilespmem:$0x1E9C0] =	vst v63  }
0x11b: {  	_ = 	snop  }
0x11c: {  	[tilespmem:s11], [sflag:$0x3] =	stream.indirect.gather [hbm4b:s12+s16], $0x20, s30, s16, $0xb8;
	[tilespmem:$0x1E9C0] =	vst v63  }
0x11d: {  	_ = 	snop  }
0x11e: {  	[tilespmem:s14], [sflag:$0x4] =	stream.indirect.gather [hbm4b:s12+s16], $0x20, s31, s16, $0xb8;
	[tilespmem:$0x1E9C0] =	vst v63  }
0x11f: {  	_ =	swait.ge [sflag:s2], $0x4000  }
0x120: {  	[sflag:s2] =	ssyncset.done $0x0  }
0x121: {  	[sflag:s2] =	ssyncadd.s32 $0xFFFFC000  }
0x122: {  	[spmem:s1] =	stream.indirect.scatter.add.f32 [tilespmem:s0], [sflag:$0x5], $0x20, s7, s16, $0xb8;
	[tilespmem:$0x1E9C0] =	vst v63  }
0x123: {  	_ =	swait.ge [sflag:s17], $0x4000  }
0x124: {  	[sflag:s17] =	ssyncset.done $0x0  }
0x125: {  	[sflag:s17] =	ssyncadd.s32 $0xFFFFC000  }
0x126: {  	[spmem:s1] =	stream.indirect.scatter.add.f32 [tilespmem:s15], [sflag:$0x6], $0x20, s22, s16, $0xb8;
	[tilespmem:$0x1E9C0] =	vst v63  }
0x127: {  	_ =	swait.ge [sflag:s4], $0x4000  }
0x128: {  	[sflag:s4] =	ssyncset.done $0x0  }
0x129: {  	[sflag:s4] =	ssyncadd.s32 $0xFFFFC000  }
0x12a: {  	_ =	swait.ge [sflag:s19], $0x4000  }
0x12b: {  	[sflag:s19] =	ssyncset.done $0x0  }
0x12c: {  	[sflag:s19] =	ssyncadd.s32 $0xFFFFC000  }
0x12d: {  	[tilespmem:s0], [sflag:$0x1] =	stream.indirect.gather [hbm4b:s12+s16], $0x20, s25, s16, $0xb8;
	[tilespmem:$0x1E9C0] =	vst v63  }
0x12e: {  	_ = 	snop  }
0x12f: {  	[tilespmem:s15], [sflag:$0x2] =	stream.indirect.gather [hbm4b:s12+s16], $0x20, s23, s16, $0xb8;
	[tilespmem:$0x1E9C0] =	vst v63  }
0x130: {  	_ =	swait.ge [sflag:s8], $0x4000  }
0x131: {  	[sflag:s8] =	ssyncset.done $0x0  }
0x132: {  	[sflag:s8] =	ssyncadd.s32 $0xFFFFC000  }
0x133: {  	[spmem:s1] =	stream.indirect.scatter.add.f32 [tilespmem:s11], [sflag:$0x7], $0x20, s6, s16, $0xb8;
	[tilespmem:$0x1E9C0] =	vst v63  }
0x134: {  	_ =	swait.ge [sflag:s10], $0x4000  }
0x135: {  	[sflag:s10] =	ssyncset.done $0x0  }
0x136: {  	[sflag:s10] =	ssyncadd.s32 $0xFFFFC000  }
0x137: {  	[spmem:s1] =	stream.indirect.scatter.add.f32 [tilespmem:s14], [sflag:$0x8], $0x20, s24, s16, $0xb8;
	[tilespmem:$0x1E9C0] =	vst v63  }
0x138: {  	_ =	swait.ge [sflag:s18], $0x4000  }
0x139: {  	[sflag:s18] =	ssyncset.done $0x0  }
0x13a: {  	[sflag:s18] =	ssyncadd.s32 $0xFFFFC000  }
0x13b: {  	_ =	swait.ge [sflag:s20], $0x4000  }
0x13c: {  	[sflag:s20] =	ssyncset.done $0x0  }
0x13d: {  	[sflag:s20] =	ssyncadd.s32 $0xFFFFC000  }
0x13e: {  	[tilespmem:s11], [sflag:$0x3] =	stream.indirect.gather [hbm4b:s12+s16], $0x20, s29, s16, $0xb8;
	[tilespmem:$0x1E9C0] =	vst v63  }
0x13f: {  	s5 =	simm.s32 $0x6000  }
0x140: {  	[tilespmem:s14], [sflag:$0x4] =	stream.indirect.gather [hbm4b:s12+s16], $0x20, s5, s16, $0xb8;
	[tilespmem:$0x1E9C0] =	vst v63  }
0x141: {  	_ =	swait.ge [sflag:s2], $0x4000  }
0x142: {  	[sflag:s2] =	ssyncset.done $0x0  }
0x143: {  	s6 =	simm.s32 $0x8200;
	[sflag:s2] =	ssyncadd.s32 $0xFFFFC000  }
0x144: {  	[spmem:s1] =	stream.indirect.scatter.add.f32 [tilespmem:s0], [sflag:$0x5], $0x20, s6, s16, $0xb8;
	[tilespmem:$0x1E9C0] =	vst v63  }
0x145: {  	_ =	swait.ge [sflag:s17], $0x4000  }
0x146: {  	[sflag:s17] =	ssyncset.done $0x0  }
0x147: {  	s7 =	simm.s32 $0x8400;
	[sflag:s17] =	ssyncadd.s32 $0xFFFFC000  }
0x148: {  	[spmem:s1] =	stream.indirect.scatter.add.f32 [tilespmem:s15], [sflag:$0x6], $0x20, s7, s16, $0xb8;
	[tilespmem:$0x1E9C0] =	vst v63  }
0x149: {  	_ =	swait.ge [sflag:s4], $0x4000  }
0x14a: {  	[sflag:s4] =	ssyncset.done $0x0  }
0x14b: {  	[sflag:s4] =	ssyncadd.s32 $0xFFFFC000  }
0x14c: {  	_ =	swait.ge [sflag:s19], $0x4000  }
0x14d: {  	[sflag:s19] =	ssyncset.done $0x0  }
0x14e: {  	s9 =	simm.s32 $0x6200;
	[sflag:s19] =	ssyncadd.s32 $0xFFFFC000  }
0x14f: {  	[tilespmem:s0], [sflag:$0x1] =	stream.indirect.gather [hbm4b:s12+s16], $0x20, s9, s16, $0xb8;
	[tilespmem:$0x1E9C0] =	vst v63  }
0x150: {  	s22 =	simm.s32 $0x6400  }
0x151: {  	[tilespmem:s15], [sflag:$0x2] =	stream.indirect.gather [hbm4b:s12+s16], $0x20, s22, s16, $0xb8;
	[tilespmem:$0x1E9C0] =	vst v63  }
0x152: {  	_ =	swait.ge [sflag:s8], $0x4000  }
0x153: {  	[sflag:s8] =	ssyncset.done $0x0  }
0x154: {  	s23 =	simm.s32 $0x8600;
	[sflag:s8] =	ssyncadd.s32 $0xFFFFC000  }
0x155: {  	[spmem:s1] =	stream.indirect.scatter.add.f32 [tilespmem:s11], [sflag:$0x7], $0x20, s23, s16, $0xb8;
	[tilespmem:$0x1E9C0] =	vst v63  }
0x156: {  	_ =	swait.ge [sflag:s10], $0x4000  }
0x157: {  	[sflag:s10] =	ssyncset.done $0x0  }
0x158: {  	s30 =	simm.s32 $0x8800;
	[sflag:s10] =	ssyncadd.s32 $0xFFFFC000  }
0x159: {  	[spmem:s1] =	stream.indirect.scatter.add.f32 [tilespmem:s14], [sflag:$0x8], $0x20, s30, s16, $0xb8;
	[tilespmem:$0x1E9C0] =	vst v63  }
0x15a: {  	_ =	swait.ge [sflag:s18], $0x4000  }
0x15b: {  	[sflag:s18] =	ssyncset.done $0x0  }
0x15c: {  	[sflag:s18] =	ssyncadd.s32 $0xFFFFC000  }
0x15d: {  	_ =	swait.ge [sflag:s20], $0x4000  }
0x15e: {  	[sflag:s20] =	ssyncset.done $0x0  }
0x15f: {  	s31 =	simm.s32 $0x6600;
	[sflag:s20] =	ssyncadd.s32 $0xFFFFC000  }
0x160: {  	[tilespmem:s11], [sflag:$0x3] =	stream.indirect.gather [hbm4b:s12+s16], $0x20, s31, s16, $0xb8;
	[tilespmem:$0x1E9C0] =	vst v63  }
0x161: {  	s5 =	simm.s32 $0x6800  }
0x162: {  	[tilespmem:s14], [sflag:$0x4] =	stream.indirect.gather [hbm4b:s12+s16], $0x20, s5, s16, $0xb8;
	[tilespmem:$0x1E9C0] =	vst v63  }
0x163: {  	_ =	swait.ge [sflag:s2], $0x4000  }
0x164: {  	[sflag:s2] =	ssyncset.done $0x0  }
0x165: {  	s6 =	simm.s32 $0x8A00;
	[sflag:s2] =	ssyncadd.s32 $0xFFFFC000  }
0x166: {  	[spmem:s1] =	stream.indirect.scatter.add.f32 [tilespmem:s0], [sflag:$0x5], $0x20, s6, s16, $0xb8;
	[tilespmem:$0x1E9C0] =	vst v63  }
0x167: {  	_ =	swait.ge [sflag:s17], $0x4000  }
0x168: {  	[sflag:s17] =	ssyncset.done $0x0  }
0x169: {  	s7 =	simm.s32 $0x8C00;
	[sflag:s17] =	ssyncadd.s32 $0xFFFFC000  }
0x16a: {  	[spmem:s1] =	stream.indirect.scatter.add.f32 [tilespmem:s15], [sflag:$0x6], $0x20, s7, s16, $0xb8;
	[tilespmem:$0x1E9C0] =	vst v63  }
0x16b: {  	_ =	swait.ge [sflag:s4], $0x4000  }
0x16c: {  	[sflag:s4] =	ssyncset.done $0x0  }
0x16d: {  	[sflag:s4] =	ssyncadd.s32 $0xFFFFC000  }
0x16e: {  	_ =	swait.ge [sflag:s19], $0x4000  }
0x16f: {  	[sflag:s19] =	ssyncset.done $0x0  }
0x170: {  	s9 =	simm.s32 $0x6A00;
	[sflag:s19] =	ssyncadd.s32 $0xFFFFC000  }
0x171: {  	[tilespmem:s0], [sflag:$0x1] =	stream.indirect.gather [hbm4b:s12+s16], $0x20, s9, s16, $0xb8;
	[tilespmem:$0x1E9C0] =	vst v63  }
0x172: {  	s22 =	simm.s32 $0x6C00  }
0x173: {  	[tilespmem:s15], [sflag:$0x2] =	stream.indirect.gather [hbm4b:s12+s16], $0x20, s22, s16, $0xb8;
	[tilespmem:$0x1E9C0] =	vst v63  }
0x174: {  	_ =	swait.ge [sflag:s8], $0x4000  }
0x175: {  	[sflag:s8] =	ssyncset.done $0x0  }
0x176: {  	s23 =	simm.s32 $0x8E00;
	[sflag:s8] =	ssyncadd.s32 $0xFFFFC000  }
0x177: {  	[spmem:s1] =	stream.indirect.scatter.add.f32 [tilespmem:s11], [sflag:$0x7], $0x20, s23, s16, $0xb8;
	[tilespmem:$0x1E9C0] =	vst v63  }
0x178: {  	_ =	swait.ge [sflag:s10], $0x4000  }
0x179: {  	[sflag:s10] =	ssyncset.done $0x0  }
0x17a: {  	s30 =	simm.s32 $0x9000;
	[sflag:s10] =	ssyncadd.s32 $0xFFFFC000  }
0x17b: {  	[spmem:s1] =	stream.indirect.scatter.add.f32 [tilespmem:s14], [sflag:$0x8], $0x20, s30, s16, $0xb8;
	[tilespmem:$0x1E9C0] =	vst v63  }
0x17c: {  	_ =	swait.ge [sflag:s18], $0x4000  }
0x17d: {  	[sflag:s18] =	ssyncset.done $0x0  }
0x17e: {  	[sflag:s18] =	ssyncadd.s32 $0xFFFFC000  }
0x17f: {  	_ =	swait.ge [sflag:s20], $0x4000  }
0x180: {  	[sflag:s20] =	ssyncset.done $0x0  }
0x181: {  	s31 =	simm.s32 $0x6E00;
	[sflag:s20] =	ssyncadd.s32 $0xFFFFC000  }
0x182: {  	[tilespmem:s11], [sflag:$0x3] =	stream.indirect.gather [hbm4b:s12+s16], $0x20, s31, s16, $0xb8;
	[tilespmem:$0x1E9C0] =	vst v63  }
0x183: {  	s5 =	simm.s32 $0x7000  }
0x184: {  	[tilespmem:s14], [sflag:$0x4] =	stream.indirect.gather [hbm4b:s12+s16], $0x20, s5, s16, $0xb8;
	[tilespmem:$0x1E9C0] =	vst v63  }
0x185: {  	_ =	swait.ge [sflag:s2], $0x4000  }
0x186: {  	[sflag:s2] =	ssyncset.done $0x0  }
0x187: {  	s6 =	simm.s32 $0x9200;
	[sflag:s2] =	ssyncadd.s32 $0xFFFFC000  }
0x188: {  	[spmem:s1] =	stream.indirect.scatter.add.f32 [tilespmem:s0], [sflag:$0x5], $0x20, s6, s16, $0xb8;
	[tilespmem:$0x1E9C0] =	vst v63  }
0x189: {  	_ =	swait.ge [sflag:s17], $0x4000  }
0x18a: {  	[sflag:s17] =	ssyncset.done $0x0  }
0x18b: {  	s7 =	simm.s32 $0x9400;
	[sflag:s17] =	ssyncadd.s32 $0xFFFFC000  }
0x18c: {  	[spmem:s1] =	stream.indirect.scatter.add.f32 [tilespmem:s15], [sflag:$0x6], $0x20, s7, s16, $0xb8;
	[tilespmem:$0x1E9C0] =	vst v63  }
0x18d: {  	_ =	swait.ge [sflag:s4], $0x4000  }
0x18e: {  	[sflag:s4] =	ssyncset.done $0x0  }
0x18f: {  	[sflag:s4] =	ssyncadd.s32 $0xFFFFC000  }
0x190: {  	_ =	swait.ge [sflag:s19], $0x4000  }
0x191: {  	[sflag:s19] =	ssyncset.done $0x0  }
0x192: {  	s9 =	simm.s32 $0x7200;
	[sflag:s19] =	ssyncadd.s32 $0xFFFFC000  }
0x193: {  	[tilespmem:s0], [sflag:$0x1] =	stream.indirect.gather [hbm4b:s12+s16], $0x20, s9, s16, $0xb8;
	[tilespmem:$0x1E9C0] =	vst v63  }
0x194: {  	s22 =	simm.s32 $0x7400  }
0x195: {  	[tilespmem:s15], [sflag:$0x2] =	stream.indirect.gather [hbm4b:s12+s16], $0x20, s22, s16, $0xb8;
	[tilespmem:$0x1E9C0] =	vst v63  }
0x196: {  	_ =	swait.ge [sflag:s8], $0x4000  }
0x197: {  	[sflag:s8] =	ssyncset.done $0x0  }
0x198: {  	s23 =	simm.s32 $0x9600;
	[sflag:s8] =	ssyncadd.s32 $0xFFFFC000  }
0x199: {  	[spmem:s1] =	stream.indirect.scatter.add.f32 [tilespmem:s11], [sflag:$0x7], $0x20, s23, s16, $0xb8;
	[tilespmem:$0x1E9C0] =	vst v63  }
0x19a: {  	_ =	swait.ge [sflag:s10], $0x4000  }
0x19b: {  	[sflag:s10] =	ssyncset.done $0x0  }
0x19c: {  	s30 =	simm.s32 $0x9800;
	[sflag:s10] =	ssyncadd.s32 $0xFFFFC000  }
0x19d: {  	[spmem:s1] =	stream.indirect.scatter.add.f32 [tilespmem:s14], [sflag:$0x8], $0x20, s30, s16, $0xb8;
	[tilespmem:$0x1E9C0] =	vst v63  }
0x19e: {  	_ =	swait.ge [sflag:s18], $0x4000  }
0x19f: {  	[sflag:s18] =	ssyncset.done $0x0  }
0x1a0: {  	[sflag:s18] =	ssyncadd.s32 $0xFFFFC000  }
0x1a1: {  	_ =	swait.ge [sflag:s20], $0x4000  }
0x1a2: {  	[sflag:s20] =	ssyncset.done $0x0  }
0x1a3: {  	s31 =	simm.s32 $0x7600;
	[sflag:s20] =	ssyncadd.s32 $0xFFFFC000  }
0x1a4: {  	[tilespmem:s11], [sflag:$0x3] =	stream.indirect.gather [hbm4b:s12+s16], $0x20, s31, s16, $0xb8;
	[tilespmem:$0x1E9C0] =	vst v63  }
0x1a5: {  	s5 =	simm.s32 $0x7800  }
0x1a6: {  	[tilespmem:s14], [sflag:$0x4] =	stream.indirect.gather [hbm4b:s12+s16], $0x20, s5, s16, $0xb8;
	[tilespmem:$0x1E9C0] =	vst v63  }
0x1a7: {  	_ =	swait.ge [sflag:s2], $0x4000  }
0x1a8: {  	[sflag:s2] =	ssyncset.done $0x0  }
0x1a9: {  	s6 =	simm.s32 $0x9A00;
	[sflag:s2] =	ssyncadd.s32 $0xFFFFC000  }
0x1aa: {  	[spmem:s1] =	stream.indirect.scatter.add.f32 [tilespmem:s0], [sflag:$0x5], $0x20, s6, s16, $0xb8;
	[tilespmem:$0x1E9C0] =	vst v63  }
0x1ab: {  	_ =	swait.ge [sflag:s17], $0x4000  }
0x1ac: {  	[sflag:s17] =	ssyncset.done $0x0  }
0x1ad: {  	s7 =	simm.s32 $0x9C00;
	[sflag:s17] =	ssyncadd.s32 $0xFFFFC000  }
0x1ae: {  	[spmem:s1] =	stream.indirect.scatter.add.f32 [tilespmem:s15], [sflag:$0x6], $0x20, s7, s16, $0xb8;
	[tilespmem:$0x1E9C0] =	vst v63  }
0x1af: {  	_ =	swait.ge [sflag:s8], $0x4000  }
0x1b0: {  	[sflag:s8] =	ssyncset.done $0x0  }
0x1b1: {  	s9 =	simm.s32 $0x9E00;
	[sflag:s8] =	ssyncadd.s32 $0xFFFFC000  }
0x1b2: {  	[spmem:s1] =	stream.indirect.scatter.add.f32 [tilespmem:s11], [sflag:$0x7], $0x20, s9, s16, $0xb8;
	[tilespmem:$0x1E9C0] =	vst v63  }
0x1b3: {  	_ =	swait.ge [sflag:s10], $0x4000  }
0x1b4: {  	[sflag:s10] =	ssyncset.done $0x0  }
0x1b5: {  	s22 =	simm.s32 $0xA000;
	[sflag:s10] =	ssyncadd.s32 $0xFFFFC000  }
0x1b6: {  	[spmem:s1] =	stream.indirect.scatter.add.f32 [tilespmem:s14], [sflag:$0x8], $0x20, s22, s16, $0xb8;
	[tilespmem:$0x1E9C0] =	vst v63  }
0x1b7: {  	_ =	swait.ge [sflag:s4], $0x4000  }
0x1b8: {  	[sflag:s4] =	ssyncset.done $0x0  }
0x1b9: {  	[sflag:s4] =	ssyncadd.s32 $0xFFFFC000  }
0x1ba: {  	_ =	swait.ge [sflag:s19], $0x4000  }
0x1bb: {  	[sflag:s19] =	ssyncset.done $0x0  }
0x1bc: {  	[sflag:s19] =	ssyncadd.s32 $0xFFFFC000  }
0x1bd: {  	_ =	swait.ge [sflag:s18], $0x4000  }
0x1be: {  	[sflag:s18] =	ssyncset.done $0x0  }
0x1bf: {  	[sflag:s18] =	ssyncadd.s32 $0xFFFFC000  }
0x1c0: {  	_ =	swait.ge [sflag:s20], $0x4000  }
0x1c1: {  	[sflag:s20] =	ssyncset.done $0x0  }
0x1c2: {  	[sflag:s20] =	ssyncadd.s32 $0xFFFFC000  }
0x1c3: {  	s24 =	simm.s32 $0x1A200;
	[bflag:$0x0] =	sbarrier.arrive $0xFFFF  }
0x1c4: {  	[tilespmem:s24], [sflag:$0x9] =	stream.linear.gather [spmem:s21], $0x1480, $0x38;
	[tilespmem:$0x1E9C0] =	vst v63  }
0x1c5: {  	_ =	swait.ge [sflag:s28], $0x1480  }
0x1c6: {  	[sflag:s28] =	ssyncset.done $0x0  }
0x1c7: {  	s25 =	simm.s32 $0x1B680;
	s23 =	rddreg [dreg:$0x5];
	[sflag:s28] =	ssyncadd.s32 $0xFFFFEB80  }
0x1c8: {  	[tilespmem:s25], [sflag:$0x9] =	stream.linear.gather [hbm4b:s23+s13], $0x1480, $0x38;
	[tilespmem:$0x1E9C0] =	vst v63  }
0x1c9: {  	_ =	swait.ge [sflag:s28], $0x1480  }
0x1ca: {  	[sflag:s28] =	ssyncset.done $0x0  }
0x1cb: {  	s29 =	simm.s32 $0x1CB00;
	s30 =	rddreg [dreg:$0x4];
	[sflag:s28] =	ssyncadd.s32 $0xFFFFEB80  }
0x1cc: {  	[tilespmem:s29], [sflag:$0x9] =	stream.linear.gather [hbm4b:s30+s13], $0x1480, $0x38;
	[tilespmem:$0x1E9C0] =	vst v63  }
0x1cd: {  	_ =	swait.ge [sflag:s28], $0x1480  }
0x1ce: {  	[sflag:s28] =	ssyncset.done $0x0  }
0x1cf: {  	s3 =	simm.s32 $0x1DF80;
	s31 =	rddreg [dreg:$0x10];
	[sflag:s28] =	ssyncadd.s32 $0xFFFFEB80  }
0x1d0: {  	[tilespmem:s3], [sflag:$0x9] =	stream.linear.gather [hbm4b:s31+s13], $0xA40, $0x38;
	[tilespmem:$0x1E9C0] =	vst v63  }
0x1d1: {  	_ =	swait.ge [sflag:s28], $0xA40  }
0x1d2: {  	[sflag:s28] =	ssyncset.done $0x0  }
0x1d3: {  	s5 =	simm.s32 $0x0;
	[sflag:s28] =	ssyncadd.s32 $0xFFFFF5C0  }
0x1d4: {  	v2 =	vld [tilespmem:s5+$0x1A200]  }
0x1d5: {  	v3 =	vld [tilespmem:s5+$0x1CB00]  }
0x1d6: {  	v5 =	vld [tilespmem:s5+$0x1B680]  }
0x1d7: {  	v4 =	vld [tilespmem:s5+$0x1A210]  }
0x1d8: {  	v6 =	vld [tilespmem:s5+$0x1B690]  }
0x1d9: {  	v1 =	vld [tilespmem:s3+$0x0];
	_ =	sdelay $0x1  }
0x1da: {  	v7 =	vadd.f32 v5, v2;
	v2 =	vld [tilespmem:s5+$0x1CB10];
	_ =	sdelay $0x1  }
0x1db: {  	[tilespmem:s5+$0x1A200] =	vst v0  }
0x1dc: {  	s7 =	simm.s32 $0x80;
	s9 =	simm.s32 $0x100;
	[tilespmem:s5+$0x1A210] =	vst v0;
	v3 =	vmul.f32 $1.000000010e-01, v3;
	v5 =	vadd.f32 v6, v4;
	v4 =	vmul.f32 v7, v1  }
.LBB2_5:
0x1dd: {  	s30 =	sshra.s32 s7, $0x2  }
0x1de: {  	v1 =	vmul.f32 v5, v1;
	v2 =	vmul.f32 $1.000000010e-01, v2;
	s3 =	sadd.s32 $0x10, s3;
	s7 =	smov.u32 s9;
	s31 =	sadd.s32 $0x80, s9  }
0x1df: {  	p0 =	sne.s32 s9, $0x5180;
	v5 =	vld [tilespmem:s30+$0x1A200];
	v3 =	vadd.f32 v3, v4  }
0x1e0: {  	v4 =	vld [tilespmem:s30+$0x1CB00];
	v1 =	vadd.f32 v2, v1  }
0x1e1: {  	v6 =	vld [tilespmem:s30+$0x1A210];
	[tilespmem:s5+$0x1B680] =	vst v3  }
0x1e2: {  	v3 =	vld [tilespmem:s30+$0x1B680];
	[tilespmem:s5+$0x1B690] =	vst v1;
	s5 =	smov.u32 s30  }
0x1e3: {  	v7 =	vld [tilespmem:s5+$0x1B690]  }
0x1e4: {  	v1 =	vld [tilespmem:s3+$0x0]  }
.Ltmp1:
0x1e5: {  	[tilespmem:s5+$0x1A200] =	vst v0;
	v2 =	vld [tilespmem:s5+$0x1CB10];
	(pc) =	sbr.rel @p0 .LBB2_5-.Ltmp1, $4  }
0x1e6: {  	[tilespmem:s5+$0x1A210] =	vst v0  }
0x1e7: {  	v8 =	vadd.f32 v3, v5  }
0x1e8: {  	v3 =	vmul.f32 $1.000000010e-01, v4;
	v5 =	vadd.f32 v7, v6  }
0x1e9: {  	s9 =	smov.u32 s31;
	v4 =	vmul.f32 v8, v1  }
0x1ea: {  	s7 =	sshra.s32 s7, $0x2;
	v1 =	vmul.f32 v5, v1;
	v2 =	vmul.f32 $1.000000010e-01, v2  }
0x1eb: {  	v6 =	vld [tilespmem:s7+$0x1A200];
	v3 =	vadd.f32 v3, v4  }
0x1ec: {  	v4 =	vld [tilespmem:s7+$0x1CB00];
	v1 =	vadd.f32 v2, v1  }
0x1ed: {  	v5 =	vld [tilespmem:s7+$0x1A210];
	[tilespmem:s5+$0x1B680] =	vst v3  }
0x1ee: {  	v2 =	vld [tilespmem:s7+$0x1B680];
	[tilespmem:s5+$0x1B690] =	vst v1  }
0x1ef: {  	s3 =	sadd.s32 $0x10, s3;
	v1 =	vld [tilespmem:s7+$0x1B690]  }
0x1f0: {  	v3 =	vld [tilespmem:s3+$0x0]  }
0x1f1: {  	v7 =	vld [tilespmem:s7+$0x1CB10];
	_ =	sdelay $0x1  }
0x1f2: {  	v2 =	vadd.f32 v2, v6  }
0x1f3: {  	v1 =	vadd.f32 v1, v5  }
0x1f4: {  	v4 =	vmul.f32 $1.000000010e-01, v4;
	v2 =	vmul.f32 v2, v3  }
0x1f5: {  	v1 =	vmul.f32 v1, v3;
	v3 =	vmul.f32 $1.000000010e-01, v7  }
0x1f6: {  	[tilespmem:s7+$0x1A200] =	vst v0;
	v2 =	vadd.f32 v4, v2  }
0x1f7: {  	[tilespmem:s7+$0x1A210] =	vst v0;
	v1 =	vadd.f32 v3, v1  }
0x1f8: {  	[tilespmem:s7+$0x1B680] =	vst v2  }
0x1f9: {  	s9 =	simm.s32 $0x0;
	s22 =	rddreg [dreg:$0x5];
	[tilespmem:s7+$0x1B690] =	vst v1  }
0x1fa: {  	[hbm4b:s22+s9] =	stream.linear.scatter [tilespmem:s25], [sflag:$0x9], $0x1480, $0x38;
	[tilespmem:$0x1E9C0] =	vst v63  }
0x1fb: {  	_ =	swait.ge [sflag:s28], $0x1480  }
0x1fc: {  	[sflag:s28] =	ssyncset.done $0x0  }
0x1fd: {  	[sflag:s28] =	ssyncadd.s32 $0xFFFFEB80  }
0x1fe: {  	[spmem:s21] =	stream.linear.scatter [tilespmem:s24], [sflag:$0x9], $0x1480, $0x38;
	[tilespmem:$0x1E9C0] =	vst v63  }
0x1ff: {  	_ =	swait.ge [sflag:s28], $0x1480  }
0x200: {  	[sflag:s28] =	ssyncset.done $0x0  }
0x201: {  	s22 =	rddreg [dreg:$0x17];
	[sflag:s28] =	ssyncadd.s32 $0xFFFFEB80  }
0x202: {  	[tilespmem:s24], [sflag:$0x9] =	stream.linear.gather [spmem:s22], $0x1480, $0x38;
	[tilespmem:$0x1E9C0] =	vst v63  }
0x203: {  	_ =	swait.ge [sflag:s28], $0x1480  }
0x204: {  	[sflag:s28] =	ssyncset.done $0x0  }
0x205: {  	s23 =	rddreg [dreg:$0x7];
	[sflag:s28] =	ssyncadd.s32 $0xFFFFEB80  }
0x206: {  	[tilespmem:s25], [sflag:$0x9] =	stream.linear.gather [hbm4b:s23+s9], $0x1480, $0x38;
	[tilespmem:$0x1E9C0] =	vst v63  }
0x207: {  	_ =	swait.ge [sflag:s28], $0x1480  }
0x208: {  	[sflag:s28] =	ssyncset.done $0x0  }
0x209: {  	s30 =	rddreg [dreg:$0x6];
	[sflag:s28] =	ssyncadd.s32 $0xFFFFEB80  }
0x20a: {  	[tilespmem:s29], [sflag:$0x9] =	stream.linear.gather [hbm4b:s30+s9], $0x1480, $0x38;
	[tilespmem:$0x1E9C0] =	vst v63  }
0x20b: {  	_ =	swait.ge [sflag:s28], $0x1480  }
0x20c: {  	[sflag:s28] =	ssyncset.done $0x0  }
0x20d: {  	s3 =	simm.s32 $0x1DF80;
	s31 =	rddreg [dreg:$0x11];
	[sflag:s28] =	ssyncadd.s32 $0xFFFFEB80  }
0x20e: {  	[tilespmem:s3], [sflag:$0x9] =	stream.linear.gather [hbm4b:s31+s9], $0xA40, $0x38;
	[tilespmem:$0x1E9C0] =	vst v63  }
0x20f: {  	_ =	swait.ge [sflag:s28], $0xA40  }
0x210: {  	[sflag:s28] =	ssyncset.done $0x0  }
0x211: {  	s5 =	simm.s32 $0x0;
	[sflag:s28] =	ssyncadd.s32 $0xFFFFF5C0  }
0x212: {  	v2 =	vld [tilespmem:s5+$0x1A200]  }
0x213: {  	v3 =	vld [tilespmem:s5+$0x1CB00]  }
0x214: {  	v5 =	vld [tilespmem:s5+$0x1B680]  }
0x215: {  	v4 =	vld [tilespmem:s5+$0x1A210]  }
0x216: {  	v6 =	vld [tilespmem:s5+$0x1B690]  }
0x217: {  	v1 =	vld [tilespmem:s3+$0x0];
	_ =	sdelay $0x1  }
0x218: {  	v7 =	vadd.f32 v5, v2;
	v2 =	vld [tilespmem:s5+$0x1CB10];
	_ =	sdelay $0x1  }
0x219: {  	[tilespmem:s5+$0x1A200] =	vst v0  }
0x21a: {  	s7 =	simm.s32 $0x80;
	s9 =	simm.s32 $0x100;
	[tilespmem:s5+$0x1A210] =	vst v0;
	v3 =	vmul.f32 $1.000000010e-01, v3;
	v5 =	vadd.f32 v6, v4;
	v4 =	vmul.f32 v7, v1  }
.LBB2_7:
0x21b: {  	s30 =	sshra.s32 s7, $0x2  }
0x21c: {  	v1 =	vmul.f32 v5, v1;
	v2 =	vmul.f32 $1.000000010e-01, v2;
	s3 =	sadd.s32 $0x10, s3;
	s7 =	smov.u32 s9;
	s31 =	sadd.s32 $0x80, s9  }
0x21d: {  	p0 =	sne.s32 s9, $0x5180;
	v5 =	vld [tilespmem:s30+$0x1A200];
	v3 =	vadd.f32 v3, v4  }
0x21e: {  	v4 =	vld [tilespmem:s30+$0x1CB00];
	v1 =	vadd.f32 v2, v1  }
0x21f: {  	v6 =	vld [tilespmem:s30+$0x1A210];
	[tilespmem:s5+$0x1B680] =	vst v3  }
0x220: {  	v3 =	vld [tilespmem:s30+$0x1B680];
	[tilespmem:s5+$0x1B690] =	vst v1;
	s5 =	smov.u32 s30  }
0x221: {  	v7 =	vld [tilespmem:s5+$0x1B690]  }
0x222: {  	v1 =	vld [tilespmem:s3+$0x0]  }
.Ltmp2:
0x223: {  	[tilespmem:s5+$0x1A200] =	vst v0;
	v2 =	vld [tilespmem:s5+$0x1CB10];
	(pc) =	sbr.rel @p0 .LBB2_7-.Ltmp2, $4  }
0x224: {  	[tilespmem:s5+$0x1A210] =	vst v0  }
0x225: {  	v8 =	vadd.f32 v3, v5  }
0x226: {  	v3 =	vmul.f32 $1.000000010e-01, v4;
	v5 =	vadd.f32 v7, v6  }
0x227: {  	s9 =	smov.u32 s31;
	v4 =	vmul.f32 v8, v1  }
0x228: {  	s7 =	sshra.s32 s7, $0x2;
	v1 =	vmul.f32 v5, v1;
	v2 =	vmul.f32 $1.000000010e-01, v2  }
0x229: {  	v6 =	vld [tilespmem:s7+$0x1A200];
	v3 =	vadd.f32 v3, v4  }
0x22a: {  	v4 =	vld [tilespmem:s7+$0x1CB00];
	v1 =	vadd.f32 v2, v1  }
0x22b: {  	v5 =	vld [tilespmem:s7+$0x1A210];
	[tilespmem:s5+$0x1B680] =	vst v3  }
0x22c: {  	v2 =	vld [tilespmem:s7+$0x1B680];
	[tilespmem:s5+$0x1B690] =	vst v1  }
0x22d: {  	s3 =	sadd.s32 $0x10, s3;
	v1 =	vld [tilespmem:s7+$0x1B690]  }
0x22e: {  	v3 =	vld [tilespmem:s3+$0x0]  }
0x22f: {  	v7 =	vld [tilespmem:s7+$0x1CB10];
	_ =	sdelay $0x1  }
0x230: {  	v2 =	vadd.f32 v2, v6  }
0x231: {  	v1 =	vadd.f32 v1, v5  }
0x232: {  	v4 =	vmul.f32 $1.000000010e-01, v4;
	v2 =	vmul.f32 v2, v3  }
0x233: {  	v1 =	vmul.f32 v1, v3;
	v3 =	vmul.f32 $1.000000010e-01, v7  }
0x234: {  	[tilespmem:s7+$0x1A200] =	vst v0;
	v2 =	vadd.f32 v4, v2  }
0x235: {  	[tilespmem:s7+$0x1A210] =	vst v0;
	v1 =	vadd.f32 v3, v1  }
0x236: {  	[tilespmem:s7+$0x1B680] =	vst v2  }
0x237: {  	s6 =	simm.s32 $0x0;
	[tilespmem:s7+$0x1B690] =	vst v1;
	s7 =	rddreg [dreg:$0x7]  }
0x238: {  	[hbm4b:s7+s6] =	stream.linear.scatter [tilespmem:s25], [sflag:$0x9], $0x1480, $0x38;
	[tilespmem:$0x1E9C0] =	vst v63  }
0x239: {  	_ =	swait.ge [sflag:s28], $0x1480  }
0x23a: {  	[sflag:s28] =	ssyncset.done $0x0  }
0x23b: {  	[sflag:s28] =	ssyncadd.s32 $0xFFFFEB80  }
0x23c: {  	[spmem:s22] =	stream.linear.scatter [tilespmem:s24], [sflag:$0x9], $0x1480, $0x38;
	[tilespmem:$0x1E9C0] =	vst v63  }
0x23d: {  	_ =	swait.ge [sflag:s28], $0x1480  }
0x23e: {  	[sflag:s28] =	ssyncset.done $0x0  }
0x23f: {  	s23 =	rddreg [dreg:$0x16];
	[sflag:s28] =	ssyncadd.s32 $0xFFFFEB80  }
0x240: {  	[tilespmem:s24], [sflag:$0x9] =	stream.linear.gather [spmem:s23], $0x1480, $0x38;
	[tilespmem:$0x1E9C0] =	vst v63  }
0x241: {  	_ =	swait.ge [sflag:s28], $0x1480  }
0x242: {  	[sflag:s28] =	ssyncset.done $0x0  }
0x243: {  	s9 =	rddreg [dreg:$0x9];
	[sflag:s28] =	ssyncadd.s32 $0xFFFFEB80  }
0x244: {  	[tilespmem:s25], [sflag:$0x9] =	stream.linear.gather [hbm4b:s9+s6], $0x1480, $0x38;
	[tilespmem:$0x1E9C0] =	vst v63  }
0x245: {  	_ =	swait.ge [sflag:s28], $0x1480  }
0x246: {  	[sflag:s28] =	ssyncset.done $0x0  }
0x247: {  	s30 =	rddreg [dreg:$0x8];
	[sflag:s28] =	ssyncadd.s32 $0xFFFFEB80  }
0x248: {  	[tilespmem:s29], [sflag:$0x9] =	stream.linear.gather [hbm4b:s30+s6], $0x1480, $0x38;
	[tilespmem:$0x1E9C0] =	vst v63  }
0x249: {  	_ =	swait.ge [sflag:s28], $0x1480  }
0x24a: {  	[sflag:s28] =	ssyncset.done $0x0  }
0x24b: {  	s3 =	simm.s32 $0x1DF80;
	s31 =	rddreg [dreg:$0x12];
	[sflag:s28] =	ssyncadd.s32 $0xFFFFEB80  }
0x24c: {  	[tilespmem:s3], [sflag:$0x9] =	stream.linear.gather [hbm4b:s31+s6], $0xA40, $0x38;
	[tilespmem:$0x1E9C0] =	vst v63  }
0x24d: {  	_ =	swait.ge [sflag:s28], $0xA40  }
0x24e: {  	[sflag:s28] =	ssyncset.done $0x0  }
0x24f: {  	s5 =	simm.s32 $0x0;
	[sflag:s28] =	ssyncadd.s32 $0xFFFFF5C0  }
0x250: {  	v2 =	vld [tilespmem:s5+$0x1A200]  }
0x251: {  	v3 =	vld [tilespmem:s5+$0x1CB00]  }
0x252: {  	v5 =	vld [tilespmem:s5+$0x1B680]  }
0x253: {  	v4 =	vld [tilespmem:s5+$0x1A210]  }
0x254: {  	v6 =	vld [tilespmem:s5+$0x1B690]  }
0x255: {  	v1 =	vld [tilespmem:s3+$0x0];
	_ =	sdelay $0x1  }
0x256: {  	v7 =	vadd.f32 v5, v2;
	v2 =	vld [tilespmem:s5+$0x1CB10];
	_ =	sdelay $0x1  }
0x257: {  	[tilespmem:s5+$0x1A200] =	vst v0  }
0x258: {  	s7 =	simm.s32 $0x80;
	s9 =	simm.s32 $0x100;
	s6 =	rddreg [dreg:$0x15];
	[tilespmem:s5+$0x1A210] =	vst v0;
	v3 =	vmul.f32 $1.000000010e-01, v3;
	v5 =	vadd.f32 v6, v4;
	v4 =	vmul.f32 v7, v1  }
.LBB2_9:
0x259: {  	s30 =	sshra.s32 s7, $0x2  }
0x25a: {  	v1 =	vmul.f32 v5, v1;
	v2 =	vmul.f32 $1.000000010e-01, v2;
	s3 =	sadd.s32 $0x10, s3;
	s7 =	smov.u32 s9;
	s31 =	sadd.s32 $0x80, s9  }
0x25b: {  	p0 =	sne.s32 s9, $0x5180;
	v5 =	vld [tilespmem:s30+$0x1A200];
	v3 =	vadd.f32 v3, v4  }
0x25c: {  	v4 =	vld [tilespmem:s30+$0x1CB00];
	v1 =	vadd.f32 v2, v1  }
0x25d: {  	v6 =	vld [tilespmem:s30+$0x1A210];
	[tilespmem:s5+$0x1B680] =	vst v3  }
0x25e: {  	v3 =	vld [tilespmem:s30+$0x1B680];
	[tilespmem:s5+$0x1B690] =	vst v1;
	s5 =	smov.u32 s30  }
0x25f: {  	v7 =	vld [tilespmem:s5+$0x1B690]  }
0x260: {  	v1 =	vld [tilespmem:s3+$0x0]  }
.Ltmp3:
0x261: {  	[tilespmem:s5+$0x1A200] =	vst v0;
	v2 =	vld [tilespmem:s5+$0x1CB10];
	(pc) =	sbr.rel @p0 .LBB2_9-.Ltmp3, $4  }
0x262: {  	[tilespmem:s5+$0x1A210] =	vst v0  }
0x263: {  	v8 =	vadd.f32 v3, v5  }
0x264: {  	v3 =	vmul.f32 $1.000000010e-01, v4;
	v5 =	vadd.f32 v7, v6  }
0x265: {  	s9 =	smov.u32 s31;
	v4 =	vmul.f32 v8, v1  }
0x266: {  	s7 =	sshra.s32 s7, $0x2;
	v1 =	vmul.f32 v5, v1;
	v2 =	vmul.f32 $1.000000010e-01, v2  }
0x267: {  	v6 =	vld [tilespmem:s7+$0x1A200];
	v3 =	vadd.f32 v3, v4  }
0x268: {  	v4 =	vld [tilespmem:s7+$0x1CB00];
	v1 =	vadd.f32 v2, v1  }
0x269: {  	v5 =	vld [tilespmem:s7+$0x1A210];
	[tilespmem:s5+$0x1B680] =	vst v3  }
0x26a: {  	v2 =	vld [tilespmem:s7+$0x1B680];
	[tilespmem:s5+$0x1B690] =	vst v1  }
0x26b: {  	s3 =	sadd.s32 $0x10, s3;
	v1 =	vld [tilespmem:s7+$0x1B690]  }
0x26c: {  	v3 =	vld [tilespmem:s3+$0x0]  }
0x26d: {  	v7 =	vld [tilespmem:s7+$0x1CB10];
	_ =	sdelay $0x1  }
0x26e: {  	v2 =	vadd.f32 v2, v6  }
0x26f: {  	v1 =	vadd.f32 v1, v5  }
0x270: {  	v4 =	vmul.f32 $1.000000010e-01, v4;
	v2 =	vmul.f32 v2, v3  }
0x271: {  	v1 =	vmul.f32 v1, v3;
	v3 =	vmul.f32 $1.000000010e-01, v7  }
0x272: {  	[tilespmem:s7+$0x1A200] =	vst v0;
	v2 =	vadd.f32 v4, v2  }
0x273: {  	[tilespmem:s7+$0x1A210] =	vst v0;
	v1 =	vadd.f32 v3, v1  }
0x274: {  	[tilespmem:s7+$0x1B680] =	vst v2  }
0x275: {  	s5 =	simm.s32 $0x0;
	[tilespmem:s7+$0x1B690] =	vst v1;
	s7 =	rddreg [dreg:$0x9]  }
0x276: {  	[hbm4b:s7+s5] =	stream.linear.scatter [tilespmem:s25], [sflag:$0x9], $0x1480, $0x38;
	[tilespmem:$0x1E9C0] =	vst v63  }
0x277: {  	_ =	swait.ge [sflag:s28], $0x1480  }
0x278: {  	[sflag:s28] =	ssyncset.done $0x0  }
0x279: {  	[sflag:s28] =	ssyncadd.s32 $0xFFFFEB80  }
0x27a: {  	[spmem:s23] =	stream.linear.scatter [tilespmem:s24], [sflag:$0x9], $0x1480, $0x38;
	[tilespmem:$0x1E9C0] =	vst v63  }
0x27b: {  	_ =	swait.ge [sflag:s28], $0x1480  }
0x27c: {  	[sflag:s28] =	ssyncset.done $0x0  }
0x27d: {  	[sflag:s28] =	ssyncadd.s32 $0xFFFFEB80  }
0x27e: {  	[tilespmem:s24], [sflag:$0x9] =	stream.linear.gather [spmem:s6], $0x1480, $0x38;
	[tilespmem:$0x1E9C0] =	vst v63  }
0x27f: {  	_ =	swait.ge [sflag:s28], $0x1480  }
0x280: {  	[sflag:s28] =	ssyncset.done $0x0  }
0x281: {  	s9 =	rddreg [dreg:$0xb];
	[sflag:s28] =	ssyncadd.s32 $0xFFFFEB80  }
0x282: {  	[tilespmem:s25], [sflag:$0x9] =	stream.linear.gather [hbm4b:s9+s5], $0x1480, $0x38;
	[tilespmem:$0x1E9C0] =	vst v63  }
0x283: {  	_ =	swait.ge [sflag:s28], $0x1480  }
0x284: {  	[sflag:s28] =	ssyncset.done $0x0  }
0x285: {  	s30 =	rddreg [dreg:$0xa];
	[sflag:s28] =	ssyncadd.s32 $0xFFFFEB80  }
0x286: {  	[tilespmem:s29], [sflag:$0x9] =	stream.linear.gather [hbm4b:s30+s5], $0x1480, $0x38;
	[tilespmem:$0x1E9C0] =	vst v63  }
0x287: {  	_ =	swait.ge [sflag:s28], $0x1480  }
0x288: {  	[sflag:s28] =	ssyncset.done $0x0  }
0x289: {  	s3 =	simm.s32 $0x1DF80;
	s31 =	rddreg [dreg:$0x13];
	[sflag:s28] =	ssyncadd.s32 $0xFFFFEB80  }
0x28a: {  	[tilespmem:s3], [sflag:$0x9] =	stream.linear.gather [hbm4b:s31+s5], $0xA40, $0x38;
	[tilespmem:$0x1E9C0] =	vst v63  }
0x28b: {  	_ =	swait.ge [sflag:s28], $0xA40  }
0x28c: {  	[sflag:s28] =	ssyncset.done $0x0  }
0x28d: {  	s5 =	simm.s32 $0x0;
	[sflag:s28] =	ssyncadd.s32 $0xFFFFF5C0  }
0x28e: {  	v2 =	vld [tilespmem:s5+$0x1A200]  }
0x28f: {  	v3 =	vld [tilespmem:s5+$0x1CB00]  }
0x290: {  	v5 =	vld [tilespmem:s5+$0x1B680]  }
0x291: {  	v4 =	vld [tilespmem:s5+$0x1A210]  }
0x292: {  	v6 =	vld [tilespmem:s5+$0x1B690]  }
0x293: {  	v1 =	vld [tilespmem:s3+$0x0];
	_ =	sdelay $0x1  }
0x294: {  	v7 =	vadd.f32 v5, v2;
	v2 =	vld [tilespmem:s5+$0x1CB10];
	_ =	sdelay $0x1  }
0x295: {  	[tilespmem:s5+$0x1A200] =	vst v0  }
0x296: {  	s7 =	simm.s32 $0x80;
	s9 =	simm.s32 $0x100;
	[tilespmem:s5+$0x1A210] =	vst v0;
	v3 =	vmul.f32 $1.000000010e-01, v3;
	v5 =	vadd.f32 v6, v4;
	v4 =	vmul.f32 v7, v1  }
.LBB2_11:
0x297: {  	s30 =	sshra.s32 s7, $0x2  }
0x298: {  	v1 =	vmul.f32 v5, v1;
	v2 =	vmul.f32 $1.000000010e-01, v2;
	s3 =	sadd.s32 $0x10, s3;
	s7 =	smov.u32 s9;
	s31 =	sadd.s32 $0x80, s9  }
0x299: {  	p0 =	sne.s32 s9, $0x5180;
	v5 =	vld [tilespmem:s30+$0x1A200];
	v3 =	vadd.f32 v3, v4  }
0x29a: {  	v4 =	vld [tilespmem:s30+$0x1CB00];
	v1 =	vadd.f32 v2, v1  }
0x29b: {  	v6 =	vld [tilespmem:s30+$0x1A210];
	[tilespmem:s5+$0x1B680] =	vst v3  }
0x29c: {  	v3 =	vld [tilespmem:s30+$0x1B680];
	[tilespmem:s5+$0x1B690] =	vst v1;
	s5 =	smov.u32 s30  }
0x29d: {  	v7 =	vld [tilespmem:s5+$0x1B690]  }
0x29e: {  	v1 =	vld [tilespmem:s3+$0x0]  }
.Ltmp4:
0x29f: {  	[tilespmem:s5+$0x1A200] =	vst v0;
	v2 =	vld [tilespmem:s5+$0x1CB10];
	(pc) =	sbr.rel @p0 .LBB2_11-.Ltmp4, $4  }
0x2a0: {  	[tilespmem:s5+$0x1A210] =	vst v0  }
0x2a1: {  	v8 =	vadd.f32 v3, v5  }
0x2a2: {  	v3 =	vmul.f32 $1.000000010e-01, v4;
	v5 =	vadd.f32 v7, v6  }
0x2a3: {  	s9 =	smov.u32 s31;
	v4 =	vmul.f32 v8, v1  }
0x2a4: {  	s7 =	sshra.s32 s7, $0x2;
	v1 =	vmul.f32 v5, v1;
	v2 =	vmul.f32 $1.000000010e-01, v2  }
0x2a5: {  	v6 =	vld [tilespmem:s7+$0x1A200];
	v3 =	vadd.f32 v3, v4  }
0x2a6: {  	v62 =	vld [tilespmem:s7+$0x1CB00];
	v1 =	vadd.f32 v2, v1  }
0x2a7: {  	v63 =	vld [tilespmem:s7+$0x1A210];
	[tilespmem:s5+$0x1B680] =	vst v3  }
0x2a8: {  	v2 =	vld [tilespmem:s7+$0x1B680];
	[tilespmem:s5+$0x1B690] =	vst v1  }
0x2a9: {  	s3 =	sadd.s32 $0x10, s3;
	v1 =	vld [tilespmem:s7+$0x1B690]  }
0x2aa: {  	v3 =	vld [tilespmem:s3+$0x0]  }
0x2ab: {  	v7 =	vld [tilespmem:s7+$0x1CB10];
	_ =	sdelay $0x1  }
0x2ac: {  	v2 =	vadd.f32 v2, v6  }
0x2ad: {  	v1 =	vadd.f32 v1, v63  }
0x2ae: {  	v4 =	vmul.f32 $1.000000010e-01, v62;
	v2 =	vmul.f32 v2, v3  }
0x2af: {  	v1 =	vmul.f32 v1, v3;
	v3 =	vmul.f32 $1.000000010e-01, v7  }
0x2b0: {  	[tilespmem:s7+$0x1A200] =	vst v0;
	v2 =	vadd.f32 v4, v2  }
0x2b1: {  	[tilespmem:s7+$0x1A210] =	vst v0;
	v1 =	vadd.f32 v3, v1  }
0x2b2: {  	[tilespmem:s7+$0x1B680] =	vst v2  }
0x2b3: {  	s30 =	rddreg [dreg:$0xb];
	s31 =	simm.s32 $0x0;
	[tilespmem:s7+$0x1B690] =	vst v1  }
0x2b4: {  	[hbm4b:s30+s31] =	stream.linear.scatter [tilespmem:s25], [sflag:$0x9], $0x1480, $0x38;
	[tilespmem:$0x1E9C0] =	vst v63  }
0x2b5: {  	_ =	swait.ge [sflag:s28], $0x1480  }
0x2b6: {  	s26 =	sadd.s32 $0x1, s26;
	[sflag:s28] =	ssyncset.done $0x0  }
0x2b7: {  	p0 =	sne.s32 s26, $0x4;
	[sflag:s28] =	ssyncadd.s32 $0xFFFFEB80  }
0x2b8: {  	[spmem:s6] =	stream.linear.scatter [tilespmem:s24], [sflag:$0x9], $0x1480, $0x38;
	[tilespmem:$0x1E9C0] =	vst v63  }
.Ltmp5:
0x2b9: {  	_ =	swait.ge [sflag:s28], $0x1480;
	(pc) =	sbr.rel @p0 .LBB2_4-.Ltmp5, $3  }
0x2ba: {  	[sflag:s28] =	ssyncset.done $0x0  }
0x2bb: {  	[sflag:s28] =	ssyncadd.s32 $0xFFFFEB80  }
0x2bc: {  	[bflag:$0x0] =	sbarrier.arrive $0xFFFF;
	_ =	sdelay $0x1  }
0x2bd: {  	s5 =	rddreg [dreg:$0x18]  }
0x2be: {  	s3 =	rddreg [dreg:$0x14];
	s5 =	sadd.s32 $0x1, s5  }
0x2bf: {  	p0 =	sne.s32 s5, s3  }
.Ltmp6:
0x2c0: {  	_ = 	snop;
	(pc) =	sbr.rel @p0 .LBB2_1-.Ltmp6, $1  }
0x2c1: {  	_ =	sdelay $0x3  }
0x2c2: {  	_ =	sfence.sel $0x180000  }
0x2c3: {  	[bflag:$0x0] =	sbarrier.arrive $0xFFFF  }
0x2c4: {  	_ =	strace $0x9000004A  }
0x2c5: {  	s0 =	stileid.u32;
	[bflag:$0x2] =	sbarrier.arrive $0xFFFF  }
0x2c6: {  	p0 =	sne.s32 s0, $0x0;
	s0 =	rddreg [dreg:$0x3]  }
0x2c7: {  	s0 =	sadd.s32 @!p0 $0x100000, s0  }
0x2c8: {  	[sflag:s0] =	ssyncadd.tile.s32 @!p0 $0x1;
	_ =	shalt  }
.Lfunc_end2:
_tile_overlayer_lowered:
.L_overlay_start_2:
0x2c9: {  	(tag) =	ssettag $0x2  }
0x2ca: {  	s0 =	rddreg [dreg:$0x0];
	s2 =	stileid.u32  }
0x2cb: {  	s1 =	rddreg [dreg:$0x1];
	p0 =	sne.s32 s2, $0x0  }
0x2cc: {  	s3 =	rddreg [dreg:$0x2];
	[bflag:$0x3] =	sbarrier.arrive $0xFFFF;
	s2 =	simm.s32 @!p0 $0x1C09  }
0x2cd: {  	[timem:s3], [sflag:s2] =	dma.local @!p0 [hbm:s0], s1  }
0x2ce: {  	s0 =	simm.s32 @!p0 $0x9  }
0x2cf: {  	_ =	swait.ge @!p0 [sflag:s0], s1  }
0x2d0: {  	s1 =	ssub.s32 @!p0 $0x0, s1;
	[sflag:s0] =	ssyncset.done @!p0 $0x0  }
0x2d1: {  	[sflag:s0] =	ssyncadd.s32 @!p0 s1  }
0x2d2: {  	[bflag:$0x3] =	sbarrier.arrive $0xFFFF  }
0x2d3: {  	_ =	shalt  }

</sc_bundles>
